<compile_context>
chip_gen: v7x
topology: tpu7x:2x2x1
jax: 0.10.2.dev20260603
libtpu: 0.0.44.dev20260713+nightly
codegen_flags: <defaults>
</compile_context>

<pallas_src>
import functools

import jax
import jax.numpy as jnp
from jax import lax
from jax.experimental import pallas as pl
from jax.experimental.pallas import tpu as pltpu
from jax.experimental.pallas import tpu_sc as plsc

N = 10000
NP = 10240
E = 320000
H = 128
G = 64
NCORES = 2
NSUB = 16
NTILES = NCORES * NSUB
CH = 80
K = 128
EP = NTILES * CH * K
RPT = NP // NSUB
DUMMY = N
R = 1024

_mesh = plsc.VectorSubcoreMesh(core_axis_name="c", subcore_axis_name="s",
                               num_cores=NCORES, num_subcores=NSUB)



@functools.partial(
    pl.kernel,
    out_type=jax.ShapeDtypeStruct((NCORES, NP), jnp.float32),
    mesh=_mesh,
    scratch_types=[
        pltpu.VMEM_SHARED((NP,), jnp.float32),
        pltpu.VMEM((CH, K), jnp.int32),
        pltpu.VMEM((K,), jnp.float32),
        pltpu.VMEM((RPT,), jnp.float32),
    ],
)
def _deg_pass(dstp, dparts, dacc, didx, ones, zeros):
    c = lax.axis_index("c")
    s = lax.axis_index("s")
    tid = c * NSUB + s
    for k in range(K // 16):
        ones[pl.ds(k * 16, 16)] = jnp.ones((16,), jnp.float32)
    for k in range(RPT // 16):
        zeros[pl.ds(k * 16, 16)] = jnp.zeros((16,), jnp.float32)
    pltpu.sync_copy(zeros, dacc.at[pl.ds(s * RPT, RPT)])
    pltpu.sync_copy(dstp.at[tid], didx)
    plsc.subcore_barrier()

    def chunk(i, carry):
        pltpu.sync_copy(ones, dacc.at[didx.at[i]], add=True)
        return carry

    lax.fori_loop(0, CH, chunk, 0)
    plsc.subcore_barrier()
    pltpu.sync_copy(dacc.at[pl.ds(s * RPT, RPT)], dparts.at[c, pl.ds(s * RPT, RPT)])


CHF = 160
NCHUNK = NSUB * CHF
SLABF = 40
ACCR = NP // NSUB


@functools.partial(
    pl.kernel,
    out_type=jax.ShapeDtypeStruct((NP, H), jnp.float32),
    mesh=_mesh,
    scratch_types=[
        pltpu.VMEM_SHARED((NP, H), jnp.float32),
        pltpu.VMEM((SLABF, 2, K), jnp.int32),
        pltpu.VMEM((K, H), jnp.float32),
        pltpu.VMEM((K, H), jnp.float32),
        pltpu.SemaphoreType.DMA,
        pltpu.SemaphoreType.DMA,
    ],
)
def _edge_pass(y, idxp, parts, acc, idxb, rows0, rows1, sg, ss):
    c = lax.axis_index("c")
    s = lax.axis_index("s")

    @pl.when(c == 0)
    def _():
        pltpu.sync_copy(y.at[pl.ds(s * ACCR, ACCR)],
                        acc.at[pl.ds(s * ACCR, ACCR)])

    plsc.subcore_barrier()

    def run(base0, nch, slab):
        for h in range(nch // slab):
            base = base0 + h * slab
            pltpu.sync_copy(idxp.at[pl.ds(base, slab)],
                            idxb.at[pl.ds(0, slab)])
            pltpu.async_copy(y.at[idxb.at[0, 0]], rows0, sg)

            def pair(g, carry):
                i0 = 2 * g
                pltpu.make_async_copy(y.at[idxb.at[i0, 0]], rows0, sg).wait()

                @pl.when(g > 0)
                def _():
                    pltpu.make_async_copy(rows1, acc.at[idxb.at[0, 1]], ss).wait()

                pltpu.async_copy(y.at[idxb.at[i0 + 1, 0]], rows1, sg)
                pltpu.async_copy(rows0, acc.at[idxb.at[i0, 1]], ss, add=True)
                pltpu.make_async_copy(y.at[idxb.at[i0 + 1, 0]], rows1, sg).wait()
                pltpu.make_async_copy(rows0, acc.at[idxb.at[0, 1]], ss).wait()

                @pl.when(i0 + 2 < slab)
                def _():
                    pltpu.async_copy(y.at[idxb.at[i0 + 2, 0]], rows0, sg)

                pltpu.async_copy(rows1, acc.at[idxb.at[i0 + 1, 1]], ss, add=True)
                return carry

            lax.fori_loop(0, slab // 2, pair, 0)
            pltpu.make_async_copy(rows1, acc.at[idxb.at[0, 1]], ss).wait()

    @pl.when(c == 0)
    def _():
        run(s * CHF, CHF, SLABF)

    plsc.subcore_barrier()

    @pl.when(c == 0)
    def _():
        pltpu.sync_copy(acc.at[pl.ds(s * ACCR, ACCR)],
                        parts.at[pl.ds(s * ACCR, ACCR)])



def _prologue_body(x_ref, dp_ref, w_ref, y_ref, dinv_ref):
    deg = dp_ref[0] + dp_ref[1] + 1.0
    dinv = lax.rsqrt(deg)
    dinv_ref[...] = dinv
    y_ref[...] = dinv * jnp.dot(x_ref[...], w_ref[...],
                                preferred_element_type=jnp.float32)


_prologue = pl.pallas_call(
    _prologue_body,
    grid=(NP // R,),
    in_specs=[
        pl.BlockSpec((R, H), lambda i: (i, 0)),
        pl.BlockSpec((NCORES, R, 1), lambda i: (0, i, 0)),
        pl.BlockSpec((H, H), lambda i: (0, 0)),
    ],
    out_specs=[
        pl.BlockSpec((R, H), lambda i: (i, 0)),
        pl.BlockSpec((R, 1), lambda i: (i, 0)),
    ],
    out_shape=[
        jax.ShapeDtypeStruct((NP, H), jnp.float32),
        jax.ShapeDtypeStruct((NP, 1), jnp.float32),
    ],
)


def _combine_mm_body(p_ref, dinv_ref, b_ref, w_ref, yn_ref):
    dinv = dinv_ref[...]
    h = jnp.maximum(dinv * p_ref[...] + b_ref[...], 0.0)
    yn_ref[...] = dinv * jnp.dot(h, w_ref[...],
                                 preferred_element_type=jnp.float32)


_combine_mm = pl.pallas_call(
    _combine_mm_body,
    grid=(NP // R,),
    in_specs=[
        pl.BlockSpec((R, H), lambda i: (i, 0)),
        pl.BlockSpec((R, 1), lambda i: (i, 0)),
        pl.BlockSpec((1, H), lambda i: (0, 0)),
        pl.BlockSpec((H, H), lambda i: (0, 0)),
    ],
    out_specs=pl.BlockSpec((R, H), lambda i: (i, 0)),
    out_shape=jax.ShapeDtypeStruct((NP, H), jnp.float32),
)


def _combine_last_body(p_ref, dinv_ref, b_ref, h_ref):
    i = pl.program_id(0)
    row = lax.broadcasted_iota(jnp.int32, (R, 1), 0) + i * R
    h = jnp.maximum(dinv_ref[...] * p_ref[...] + b_ref[...], 0.0)
    h_ref[...] = jnp.where(row < N, h, 0.0)


_combine_last = pl.pallas_call(
    _combine_last_body,
    grid=(NP // R,),
    in_specs=[
        pl.BlockSpec((R, H), lambda i: (i, 0)),
        pl.BlockSpec((R, 1), lambda i: (i, 0)),
        pl.BlockSpec((1, H), lambda i: (0, 0)),
    ],
    out_specs=pl.BlockSpec((R, H), lambda i: (i, 0)),
    out_shape=jax.ShapeDtypeStruct((NP, H), jnp.float32),
)


GB = 128
NBLK = NP // GB


def _head_body(h_ref, bt_ref, wf_ref, bf_ref, out_ref, mx_ref, sm_ref, ct_ref):
    i = pl.program_id(0)

    @pl.when(i == 0)
    def _():
        mx_ref[...] = jnp.full((G, H), -jnp.inf, jnp.float32)
        sm_ref[...] = jnp.zeros((G, H), jnp.float32)
        ct_ref[...] = jnp.zeros((G, 1), jnp.float32)

    hblk = h_ref[...]
    bt = bt_ref[...]
    g0 = bt[0, 0]
    g1 = jnp.minimum(bt[GB - 1, 0], G - 1)

    def gbody(g, carry):
        mask = bt == g
        mg = jnp.max(jnp.where(mask, hblk, -jnp.inf), axis=0, keepdims=True)
        sg = jnp.sum(jnp.where(mask, hblk, 0.0), axis=0, keepdims=True)
        cg = jnp.sum(mask.astype(jnp.float32), axis=0, keepdims=True)
        mx_ref[pl.ds(g, 1), :] = jnp.maximum(mx_ref[pl.ds(g, 1), :], mg)
        sm_ref[pl.ds(g, 1), :] = sm_ref[pl.ds(g, 1), :] + sg
        ct_ref[pl.ds(g, 1), :] = ct_ref[pl.ds(g, 1), :] + cg
        return carry

    lax.fori_loop(g0, g1 + 1, gbody, 0)

    @pl.when(i == NBLK - 1)
    def _():
        mean = sm_ref[...] / jnp.maximum(ct_ref[...], 1.0)
        pooled = jnp.concatenate([mean, mx_ref[...]], axis=1)
        logits = jnp.dot(pooled, wf_ref[...],
                         preferred_element_type=jnp.float32) + bf_ref[...]
        zmax = jnp.max(logits, axis=1, keepdims=True)
        zs = logits - zmax
        out_ref[...] = zs - jnp.log(jnp.sum(jnp.exp(zs), axis=1, keepdims=True))


_head = pl.pallas_call(
    _head_body,
    grid=(NBLK,),
    in_specs=[
        pl.BlockSpec((GB, H), lambda i: (i, 0)),
        pl.BlockSpec((GB, 1), lambda i: (i, 0)),
        pl.BlockSpec((2 * H, 6), lambda i: (0, 0)),
        pl.BlockSpec((1, 6), lambda i: (0, 0)),
    ],
    out_specs=pl.BlockSpec((G, 6), lambda i: (0, 0)),
    out_shape=jax.ShapeDtypeStruct((G, 6), jnp.float32),
    scratch_shapes=[
        pltpu.VMEM((G, H), jnp.float32),
        pltpu.VMEM((G, H), jnp.float32),
        pltpu.VMEM((G, 1), jnp.float32),
    ],
)



def kernel(x, edge_index, batch, W1, b1, W2, b2, W3, b3, W4, b4, Wf, bf):
    f32 = jnp.float32
    i32 = jnp.int32
    pad_e = EP - E
    pad_i = jnp.arange(pad_e, dtype=i32)
    src = jnp.concatenate(
        [edge_index[0], pad_i % N]).reshape(NCHUNK, 1, K)
    dst = jnp.concatenate(
        [edge_index[1], DUMMY + pad_i % (NP - N)]).reshape(NCHUNK, 1, K)
    idxp = jnp.concatenate([src, dst], axis=1)
    dstt = dst.reshape(NTILES, CH, K)
    x_pad = jnp.concatenate([x, jnp.zeros((NP - N, H), f32)], axis=0)
    batch2d = jnp.concatenate(
        [batch, jnp.full((NP - N,), G, i32)]).reshape(NP, 1)

    dparts = _deg_pass(dstt).reshape(NCORES, NP, 1)
    y, dinv = _prologue(x_pad, dparts, W1)
    for b_l, W_next in ((b1, W2), (b2, W3), (b3, W4)):
        p = _edge_pass(y, idxp)
        y = _combine_mm(p, dinv, b_l.reshape(1, H), W_next)
    p = _edge_pass(y, idxp)
    h4 = _combine_last(p, dinv, b4.reshape(1, H))
    return _head(h4, batch2d, Wf, bf.reshape(1, 6))

# --- scband reference (transcript-rebuilt; emitter-appended) ---
"""Pipeline reference for scband-gcn-net-64991445123382 (READ-ONLY COPY).

The authoritative reference and input builder live on the scoring server;
editing this copy changes nothing except your own understanding.
"""

import jax, jax.numpy as jnp
import numpy as np

N = 10000
E = 320000
F_IN = 128
H = 128
G = 64


def gcn_conv(x, edge_index, W, b):
    n = x.shape[0]
    x = x @ W
    src = jnp.concatenate([edge_index[0], jnp.arange(n, dtype=edge_index.dtype)])
    dst = jnp.concatenate([edge_index[1], jnp.arange(n, dtype=edge_index.dtype)])
    ones = jnp.ones(src.shape[0], dtype=x.dtype)
    deg = jax.ops.segment_sum(ones, dst, num_segments=n)
    dinv = jnp.where(deg > 0, deg ** -0.5, 0.0)
    norm = dinv[src] * dinv[dst]
    out = jax.ops.segment_sum(x[src] * norm[:, None], dst, num_segments=n)
    return out + b


def setup_inputs(seed: int = 0):
    key = jax.random.key(seed)
    ks = jax.random.split(key, 16)
    x = jax.random.normal(ks[0], (N, F_IN), dtype=jnp.float32)
    edge_index = jax.random.randint(ks[1], (2, E), 0, N, dtype=jnp.int32)
    batch = jnp.sort(jax.random.randint(ks[2], (N,), 0, G, dtype=jnp.int32))
    s = 1.0 / np.sqrt(H)
    W1 = jax.random.normal(ks[3], (F_IN, H), dtype=jnp.float32) * s
    b1 = jnp.zeros((H,), dtype=jnp.float32)
    W2 = jax.random.normal(ks[4], (H, H), dtype=jnp.float32) * s
    b2 = jnp.zeros((H,), dtype=jnp.float32)
    W3 = jax.random.normal(ks[5], (H, H), dtype=jnp.float32) * s
    b3 = jnp.zeros((H,), dtype=jnp.float32)
    W4 = jax.random.normal(ks[6], (H, H), dtype=jnp.float32) * s
    b4 = jnp.zeros((H,), dtype=jnp.float32)
    Wf = jax.random.normal(ks[7], (2 * H, 6), dtype=jnp.float32) * (1.0 / np.sqrt(2 * H))
    bf = jnp.zeros((6,), dtype=jnp.float32)
    return {"x": x, "edge_index": edge_index, "batch": batch,
            "W1": W1, "b1": b1, "W2": W2, "b2": b2,
            "W3": W3, "b3": b3, "W4": W4, "b4": b4,
            "Wf": Wf, "bf": bf}


def reference(x, edge_index, batch, W1, b1, W2, b2, W3, b3, W4, b4, Wf, bf):
    h = jax.nn.relu(gcn_conv(x, edge_index, W1, b1))
    h = jax.nn.relu(gcn_conv(h, edge_index, W2, b2))
    h = jax.nn.relu(gcn_conv(h, edge_index, W3, b3))
    h = jax.nn.relu(gcn_conv(h, edge_index, W4, b4))
    sums = jax.ops.segment_sum(h, batch, num_segments=G)
    counts = jax.ops.segment_sum(jnp.ones((h.shape[0],), dtype=h.dtype), batch, num_segments=G)
    mean = sums / jnp.maximum(counts, 1.0)[:, None]
    mx = jax.ops.segment_max(h, batch, num_segments=G)
    pooled = jnp.concatenate([mean, mx], axis=1)
    logits = pooled @ Wf + bf
    return jax.nn.log_softmax(logits, axis=1)

if __name__ == "__main__":
    import jax
    _d = setup_inputs()
    print(jax.jit(kernel)(*tuple(_d.values())))

</pallas_src>

<mosaic_0001>
#map = affine_map<(d0, d1) -> (0, 0, 0)>
#map1 = affine_map<(d0, d1) -> (0, 0)>
module attributes {stable_mosaic.version = 14 : i64} {
  func.func @_deg_pass(%arg0: i32, %arg1: i32, %arg2: memref<32x80x128xi32, #tpu.memory_space<hbm>>, %arg3: memref<2x10240xf32, #tpu.memory_space<hbm>>, %arg4: memref<10240xf32, #tpu.memory_space<vmem_shared>>, %arg5: memref<80x128xi32, #tpu.memory_space<vmem>>, %arg6: memref<128xf32, #tpu.memory_space<vmem>>, %arg7: memref<640xf32, #tpu.memory_space<vmem>>) attributes {dimension_semantics = [#tpu.dimension_semantics<core_parallel>, #tpu.dimension_semantics<subcore_parallel>], iteration_bounds = array<i64: 2, 16>, scalar_prefetch = 0 : i64, scratch_operands = 4 : i64, tpu.core_type = #tpu.core_type<sc_vector_subcore>, window_params = [{transform_indices = #map}, {transform_indices = #map1}]} {
    %mul3A = arith.constant 16 : i32
    %mul3A_0 = arith.muli %arg0, %mul3A : i32
    %add3A = arith.addi %mul3A_0, %arg1 : i32
    %broadcast_in_dim3A = arith.constant 1.000000e+00 : f32
    %broadcast_in_dim3A_1 = vector.broadcast %broadcast_in_dim3A : f32 to vector<16xf32>
    %swap3A = arith.constant 0 : index
    %swap3A_2 = tpu.vector_load %arg6[%swap3A] {strides = array<i32>} : memref<128xf32, #tpu.memory_space<vmem>>, vector<16xf32>,
    %swap3A_3 = vector.shape_cast %swap3A_2 : vector<16xf32> to vector<16xf32>
    %swap3A_4 = vector.shape_cast %broadcast_in_dim3A_1 : vector<16xf32> to vector<16xf32>
    tpu.vector_store %arg6[%swap3A], %swap3A_4 {strides = array<i32>} : memref<128xf32, #tpu.memory_space<vmem>>, vector<16xf32>,
    %broadcast_in_dim3A_5 = arith.constant 1.000000e+00 : f32
    %broadcast_in_dim3A_6 = vector.broadcast %broadcast_in_dim3A_5 : f32 to vector<16xf32>
    %swap3A_7 = arith.constant 16 : index
    %swap3A_8 = tpu.vector_load %arg6[%swap3A_7] {strides = array<i32>} : memref<128xf32, #tpu.memory_space<vmem>>, vector<16xf32>,
    %swap3A_9 = vector.shape_cast %swap3A_8 : vector<16xf32> to vector<16xf32>
    %swap3A_10 = vector.shape_cast %broadcast_in_dim3A_6 : vector<16xf32> to vector<16xf32>
    tpu.vector_store %arg6[%swap3A_7], %swap3A_10 {strides = array<i32>} : memref<128xf32, #tpu.memory_space<vmem>>, vector<16xf32>,
    %broadcast_in_dim3A_11 = arith.constant 1.000000e+00 : f32
    %broadcast_in_dim3A_12 = vector.broadcast %broadcast_in_dim3A_11 : f32 to vector<16xf32>
    %swap3A_13 = arith.constant 32 : index
    %swap3A_14 = tpu.vector_load %arg6[%swap3A_13] {strides = array<i32>} : memref<128xf32, #tpu.memory_space<vmem>>, vector<16xf32>,
    %swap3A_15 = vector.shape_cast %swap3A_14 : vector<16xf32> to vector<16xf32>
    %swap3A_16 = vector.shape_cast %broadcast_in_dim3A_12 : vector<16xf32> to vector<16xf32>
    tpu.vector_store %arg6[%swap3A_13], %swap3A_16 {strides = array<i32>} : memref<128xf32, #tpu.memory_space<vmem>>, vector<16xf32>,
    %broadcast_in_dim3A_17 = arith.constant 1.000000e+00 : f32
    %broadcast_in_dim3A_18 = vector.broadcast %broadcast_in_dim3A_17 : f32 to vector<16xf32>
    %swap3A_19 = arith.constant 48 : index
    %swap3A_20 = tpu.vector_load %arg6[%swap3A_19] {strides = array<i32>} : memref<128xf32, #tpu.memory_space<vmem>>, vector<16xf32>,
    %swap3A_21 = vector.shape_cast %swap3A_20 : vector<16xf32> to vector<16xf32>
    %swap3A_22 = vector.shape_cast %broadcast_in_dim3A_18 : vector<16xf32> to vector<16xf32>
    tpu.vector_store %arg6[%swap3A_19], %swap3A_22 {strides = array<i32>} : memref<128xf32, #tpu.memory_space<vmem>>, vector<16xf32>,
    %broadcast_in_dim3A_23 = arith.constant 1.000000e+00 : f32
    %broadcast_in_dim3A_24 = vector.broadcast %broadcast_in_dim3A_23 : f32 to vector<16xf32>
    %swap3A_25 = arith.constant 64 : index
    %swap3A_26 = tpu.vector_load %arg6[%swap3A_25] {strides = array<i32>} : memref<128xf32, #tpu.memory_space<vmem>>, vector<16xf32>,
    %swap3A_27 = vector.shape_cast %swap3A_26 : vector<16xf32> to vector<16xf32>
    %swap3A_28 = vector.shape_cast %broadcast_in_dim3A_24 : vector<16xf32> to vector<16xf32>
    tpu.vector_store %arg6[%swap3A_25], %swap3A_28 {strides = array<i32>} : memref<128xf32, #tpu.memory_space<vmem>>, vector<16xf32>,
    %broadcast_in_dim3A_29 = arith.constant 1.000000e+00 : f32
    %broadcast_in_dim3A_30 = vector.broadcast %broadcast_in_dim3A_29 : f32 to vector<16xf32>
    %swap3A_31 = arith.constant 80 : index
    %swap3A_32 = tpu.vector_load %arg6[%swap3A_31] {strides = array<i32>} : memref<128xf32, #tpu.memory_space<vmem>>, vector<16xf32>,
    %swap3A_33 = vector.shape_cast %swap3A_32 : vector<16xf32> to vector<16xf32>
    %swap3A_34 = vector.shape_cast %broadcast_in_dim3A_30 : vector<16xf32> to vector<16xf32>
    tpu.vector_store %arg6[%swap3A_31], %swap3A_34 {strides = array<i32>} : memref<128xf32, #tpu.memory_space<vmem>>, vector<16xf32>,
    %broadcast_in_dim3A_35 = arith.constant 1.000000e+00 : f32
    %broadcast_in_dim3A_36 = vector.broadcast %broadcast_in_dim3A_35 : f32 to vector<16xf32>
    %swap3A_37 = arith.constant 96 : index
    %swap3A_38 = tpu.vector_load %arg6[%swap3A_37] {strides = array<i32>} : memref<128xf32, #tpu.memory_space<vmem>>, vector<16xf32>,
    %swap3A_39 = vector.shape_cast %swap3A_38 : vector<16xf32> to vector<16xf32>
    %swap3A_40 = vector.shape_cast %broadcast_in_dim3A_36 : vector<16xf32> to vector<16xf32>
    tpu.vector_store %arg6[%swap3A_37], %swap3A_40 {strides = array<i32>} : memref<128xf32, #tpu.memory_space<vmem>>, vector<16xf32>,
    %broadcast_in_dim3A_41 = arith.constant 1.000000e+00 : f32
    %broadcast_in_dim3A_42 = vector.broadcast %broadcast_in_dim3A_41 : f32 to vector<16xf32>
    %swap3A_43 = arith.constant 112 : index
    %swap3A_44 = tpu.vector_load %arg6[%swap3A_43] {strides = array<i32>} : memref<128xf32, #tpu.memory_space<vmem>>, vector<16xf32>,
    %swap3A_45 = vector.shape_cast %swap3A_44 : vector<16xf32> to vector<16xf32>
    %swap3A_46 = vector.shape_cast %broadcast_in_dim3A_42 : vector<16xf32> to vector<16xf32>
    tpu.vector_store %arg6[%swap3A_43], %swap3A_46 {strides = array<i32>} : memref<128xf32, #tpu.memory_space<vmem>>, vector<16xf32>,
    %broadcast_in_dim3A_47 = arith.constant 0.000000e+00 : f32
    %broadcast_in_dim3A_48 = vector.broadcast %broadcast_in_dim3A_47 : f32 to vector<16xf32>
    %swap3A_49 = arith.constant 0 : index
    %swap3A_50 = tpu.vector_load %arg7[%swap3A_49] {strides = array<i32>} : memref<640xf32, #tpu.memory_space<vmem>>, vector<16xf32>,
    %swap3A_51 = vector.shape_cast %swap3A_50 : vector<16xf32> to vector<16xf32>
    %swap3A_52 = vector.shape_cast %broadcast_in_dim3A_48 : vector<16xf32> to vector<16xf32>
    tpu.vector_store %arg7[%swap3A_49], %swap3A_52 {strides = array<i32>} : memref<640xf32, #tpu.memory_space<vmem>>, vector<16xf32>,
    %broadcast_in_dim3A_53 = arith.constant 0.000000e+00 : f32
    %broadcast_in_dim3A_54 = vector.broadcast %broadcast_in_dim3A_53 : f32 to vector<16xf32>
    %swap3A_55 = arith.constant 16 : index
    %swap3A_56 = tpu.vector_load %arg7[%swap3A_55] {strides = array<i32>} : memref<640xf32, #tpu.memory_space<vmem>>, vector<16xf32>,
    %swap3A_57 = vector.shape_cast %swap3A_56 : vector<16xf32> to vector<16xf32>
    %swap3A_58 = vector.shape_cast %broadcast_in_dim3A_54 : vector<16xf32> to vector<16xf32>
    tpu.vector_store %arg7[%swap3A_55], %swap3A_58 {strides = array<i32>} : memref<640xf32, #tpu.memory_space<vmem>>, vector<16xf32>,
    %broadcast_in_dim3A_59 = arith.constant 0.000000e+00 : f32
    %broadcast_in_dim3A_60 = vector.broadcast %broadcast_in_dim3A_59 : f32 to vector<16xf32>
    %swap3A_61 = arith.constant 32 : index
    %swap3A_62 = tpu.vector_load %arg7[%swap3A_61] {strides = array<i32>} : memref<640xf32, #tpu.memory_space<vmem>>, vector<16xf32>,
    %swap3A_63 = vector.shape_cast %swap3A_62 : vector<16xf32> to vector<16xf32>
    %swap3A_64 = vector.shape_cast %broadcast_in_dim3A_60 : vector<16xf32> to vector<16xf32>
    tpu.vector_store %arg7[%swap3A_61], %swap3A_64 {strides = array<i32>} : memref<640xf32, #tpu.memory_space<vmem>>, vector<16xf32>,
    %broadcast_in_dim3A_65 = arith.constant 0.000000e+00 : f32
    %broadcast_in_dim3A_66 = vector.broadcast %broadcast_in_dim3A_65 : f32 to vector<16xf32>
    %swap3A_67 = arith.constant 48 : index
    %swap3A_68 = tpu.vector_load %arg7[%swap3A_67] {strides = array<i32>} : memref<640xf32, #tpu.memory_space<vmem>>, vector<16xf32>,
    %swap3A_69 = vector.shape_cast %swap3A_68 : vector<16xf32> to vector<16xf32>
    %swap3A_70 = vector.shape_cast %broadcast_in_dim3A_66 : vector<16xf32> to vector<16xf32>
    tpu.vector_store %arg7[%swap3A_67], %swap3A_70 {strides = array<i32>} : memref<640xf32, #tpu.memory_space<vmem>>, vector<16xf32>,
    %broadcast_in_dim3A_71 = arith.constant 0.000000e+00 : f32
    %broadcast_in_dim3A_72 = vector.broadcast %broadcast_in_dim3A_71 : f32 to vector<16xf32>
    %swap3A_73 = arith.constant 64 : index
    %swap3A_74 = tpu.vector_load %arg7[%swap3A_73] {strides = array<i32>} : memref<640xf32, #tpu.memory_space<vmem>>, vector<16xf32>,
    %swap3A_75 = vector.shape_cast %swap3A_74 : vector<16xf32> to vector<16xf32>
    %swap3A_76 = vector.shape_cast %broadcast_in_dim3A_72 : vector<16xf32> to vector<16xf32>
    tpu.vector_store %arg7[%swap3A_73], %swap3A_76 {strides = array<i32>} : memref<640xf32, #tpu.memory_space<vmem>>, vector<16xf32>,
    %broadcast_in_dim3A_77 = arith.constant 0.000000e+00 : f32
    %broadcast_in_dim3A_78 = vector.broadcast %broadcast_in_dim3A_77 : f32 to vector<16xf32>
    %swap3A_79 = arith.constant 80 : index
    %swap3A_80 = tpu.vector_load %arg7[%swap3A_79] {strides = array<i32>} : memref<640xf32, #tpu.memory_space<vmem>>, vector<16xf32>,
    %swap3A_81 = vector.shape_cast %swap3A_80 : vector<16xf32> to vector<16xf32>
    %swap3A_82 = vector.shape_cast %broadcast_in_dim3A_78 : vector<16xf32> to vector<16xf32>
    tpu.vector_store %arg7[%swap3A_79], %swap3A_82 {strides = array<i32>} : memref<640xf32, #tpu.memory_space<vmem>>, vector<16xf32>,
    %broadcast_in_dim3A_83 = arith.constant 0.000000e+00 : f32
    %broadcast_in_dim3A_84 = vector.broadcast %broadcast_in_dim3A_83 : f32 to vector<16xf32>
    %swap3A_85 = arith.constant 96 : index
    %swap3A_86 = tpu.vector_load %arg7[%swap3A_85] {strides = array<i32>} : memref<640xf32, #tpu.memory_space<vmem>>, vector<16xf32>,
    %swap3A_87 = vector.shape_cast %swap3A_86 : vector<16xf32> to vector<16xf32>
    %swap3A_88 = vector.shape_cast %broadcast_in_dim3A_84 : vector<16xf32> to vector<16xf32>
    tpu.vector_store %arg7[%swap3A_85], %swap3A_88 {strides = array<i32>} : memref<640xf32, #tpu.memory_space<vmem>>, vector<16xf32>,
    %broadcast_in_dim3A_89 = arith.constant 0.000000e+00 : f32
    %broadcast_in_dim3A_90 = vector.broadcast %broadcast_in_dim3A_89 : f32 to vector<16xf32>
    %swap3A_91 = arith.constant 112 : index
    %swap3A_92 = tpu.vector_load %arg7[%swap3A_91] {strides = array<i32>} : memref<640xf32, #tpu.memory_space<vmem>>, vector<16xf32>,
    %swap3A_93 = vector.shape_cast %swap3A_92 : vector<16xf32> to vector<16xf32>
    %swap3A_94 = vector.shape_cast %broadcast_in_dim3A_90 : vector<16xf32> to vector<16xf32>
    tpu.vector_store %arg7[%swap3A_91], %swap3A_94 {strides = array<i32>} : memref<640xf32, #tpu.memory_space<vmem>>, vector<16xf32>,
    %broadcast_in_dim3A_95 = arith.constant 0.000000e+00 : f32
    %broadcast_in_dim3A_96 = vector.broadcast %broadcast_in_dim3A_95 : f32 to vector<16xf32>
    %swap3A_97 = arith.constant 128 : index
    %swap3A_98 = tpu.vector_load %arg7[%swap3A_97] {strides = array<i32>} : memref<640xf32, #tpu.memory_space<vmem>>, vector<16xf32>,
    %swap3A_99 = vector.shape_cast %swap3A_98 : vector<16xf32> to vector<16xf32>
    %swap3A_100 = vector.shape_cast %broadcast_in_dim3A_96 : vector<16xf32> to vector<16xf32>
    tpu.vector_store %arg7[%swap3A_97], %swap3A_100 {strides = array<i32>} : memref<640xf32, #tpu.memory_space<vmem>>, vector<16xf32>,
    %broadcast_in_dim3A_101 = arith.constant 0.000000e+00 : f32
    %broadcast_in_dim3A_102 = vector.broadcast %broadcast_in_dim3A_101 : f32 to vector<16xf32>
    %swap3A_103 = arith.constant 144 : index
    %swap3A_104 = tpu.vector_load %arg7[%swap3A_103] {strides = array<i32>} : memref<640xf32, #tpu.memory_space<vmem>>, vector<16xf32>,
    %swap3A_105 = vector.shape_cast %swap3A_104 : vector<16xf32> to vector<16xf32>
    %swap3A_106 = vector.shape_cast %broadcast_in_dim3A_102 : vector<16xf32> to vector<16xf32>
    tpu.vector_store %arg7[%swap3A_103], %swap3A_106 {strides = array<i32>} : memref<640xf32, #tpu.memory_space<vmem>>, vector<16xf32>,
    %broadcast_in_dim3A_107 = arith.constant 0.000000e+00 : f32
    %broadcast_in_dim3A_108 = vector.broadcast %broadcast_in_dim3A_107 : f32 to vector<16xf32>
    %swap3A_109 = arith.constant 160 : index
    %swap3A_110 = tpu.vector_load %arg7[%swap3A_109] {strides = array<i32>} : memref<640xf32, #tpu.memory_space<vmem>>, vector<16xf32>,
    %swap3A_111 = vector.shape_cast %swap3A_110 : vector<16xf32> to vector<16xf32>
    %swap3A_112 = vector.shape_cast %broadcast_in_dim3A_108 : vector<16xf32> to vector<16xf32>
    tpu.vector_store %arg7[%swap3A_109], %swap3A_112 {strides = array<i32>} : memref<640xf32, #tpu.memory_space<vmem>>, vector<16xf32>,
    %broadcast_in_dim3A_113 = arith.constant 0.000000e+00 : f32
    %broadcast_in_dim3A_114 = vector.broadcast %broadcast_in_dim3A_113 : f32 to vector<16xf32>
    %swap3A_115 = arith.constant 176 : index
    %swap3A_116 = tpu.vector_load %arg7[%swap3A_115] {strides = array<i32>} : memref<640xf32, #tpu.memory_space<vmem>>, vector<16xf32>,
    %swap3A_117 = vector.shape_cast %swap3A_116 : vector<16xf32> to vector<16xf32>
    %swap3A_118 = vector.shape_cast %broadcast_in_dim3A_114 : vector<16xf32> to vector<16xf32>
    tpu.vector_store %arg7[%swap3A_115], %swap3A_118 {strides = array<i32>} : memref<640xf32, #tpu.memory_space<vmem>>, vector<16xf32>,
    %broadcast_in_dim3A_119 = arith.constant 0.000000e+00 : f32
    %broadcast_in_dim3A_120 = vector.broadcast %broadcast_in_dim3A_119 : f32 to vector<16xf32>
    %swap3A_121 = arith.constant 192 : index
    %swap3A_122 = tpu.vector_load %arg7[%swap3A_121] {strides = array<i32>} : memref<640xf32, #tpu.memory_space<vmem>>, vector<16xf32>,
    %swap3A_123 = vector.shape_cast %swap3A_122 : vector<16xf32> to vector<16xf32>
    %swap3A_124 = vector.shape_cast %broadcast_in_dim3A_120 : vector<16xf32> to vector<16xf32>
    tpu.vector_store %arg7[%swap3A_121], %swap3A_124 {strides = array<i32>} : memref<640xf32, #tpu.memory_space<vmem>>, vector<16xf32>,
    %broadcast_in_dim3A_125 = arith.constant 0.000000e+00 : f32
    %broadcast_in_dim3A_126 = vector.broadcast %broadcast_in_dim3A_125 : f32 to vector<16xf32>
    %swap3A_127 = arith.constant 208 : index
    %swap3A_128 = tpu.vector_load %arg7[%swap3A_127] {strides = array<i32>} : memref<640xf32, #tpu.memory_space<vmem>>, vector<16xf32>,
    %swap3A_129 = vector.shape_cast %swap3A_128 : vector<16xf32> to vector<16xf32>
    %swap3A_130 = vector.shape_cast %broadcast_in_dim3A_126 : vector<16xf32> to vector<16xf32>
    tpu.vector_store %arg7[%swap3A_127], %swap3A_130 {strides = array<i32>} : memref<640xf32, #tpu.memory_space<vmem>>, vector<16xf32>,
    %broadcast_in_dim3A_131 = arith.constant 0.000000e+00 : f32
    %broadcast_in_dim3A_132 = vector.broadcast %broadcast_in_dim3A_131 : f32 to vector<16xf32>
    %swap3A_133 = arith.constant 224 : index
    %swap3A_134 = tpu.vector_load %arg7[%swap3A_133] {strides = array<i32>} : memref<640xf32, #tpu.memory_space<vmem>>, vector<16xf32>,
    %swap3A_135 = vector.shape_cast %swap3A_134 : vector<16xf32> to vector<16xf32>
    %swap3A_136 = vector.shape_cast %broadcast_in_dim3A_132 : vector<16xf32> to vector<16xf32>
    tpu.vector_store %arg7[%swap3A_133], %swap3A_136 {strides = array<i32>} : memref<640xf32, #tpu.memory_space<vmem>>, vector<16xf32>,
    %broadcast_in_dim3A_137 = arith.constant 0.000000e+00 : f32
    %broadcast_in_dim3A_138 = vector.broadcast %broadcast_in_dim3A_137 : f32 to vector<16xf32>
    %swap3A_139 = arith.constant 240 : index
    %swap3A_140 = tpu.vector_load %arg7[%swap3A_139] {strides = array<i32>} : memref<640xf32, #tpu.memory_space<vmem>>, vector<16xf32>,
    %swap3A_141 = vector.shape_cast %swap3A_140 : vector<16xf32> to vector<16xf32>
    %swap3A_142 = vector.shape_cast %broadcast_in_dim3A_138 : vector<16xf32> to vector<16xf32>
    tpu.vector_store %arg7[%swap3A_139], %swap3A_142 {strides = array<i32>} : memref<640xf32, #tpu.memory_space<vmem>>, vector<16xf32>,
    %broadcast_in_dim3A_143 = arith.constant 0.000000e+00 : f32
    %broadcast_in_dim3A_144 = vector.broadcast %broadcast_in_dim3A_143 : f32 to vector<16xf32>
    %swap3A_145 = arith.constant 256 : index
    %swap3A_146 = tpu.vector_load %arg7[%swap3A_145] {strides = array<i32>} : memref<640xf32, #tpu.memory_space<vmem>>, vector<16xf32>,
    %swap3A_147 = vector.shape_cast %swap3A_146 : vector<16xf32> to vector<16xf32>
    %swap3A_148 = vector.shape_cast %broadcast_in_dim3A_144 : vector<16xf32> to vector<16xf32>
    tpu.vector_store %arg7[%swap3A_145], %swap3A_148 {strides = array<i32>} : memref<640xf32, #tpu.memory_space<vmem>>, vector<16xf32>,
    %broadcast_in_dim3A_149 = arith.constant 0.000000e+00 : f32
    %broadcast_in_dim3A_150 = vector.broadcast %broadcast_in_dim3A_149 : f32 to vector<16xf32>
    %swap3A_151 = arith.constant 272 : index
    %swap3A_152 = tpu.vector_load %arg7[%swap3A_151] {strides = array<i32>} : memref<640xf32, #tpu.memory_space<vmem>>, vector<16xf32>,
    %swap3A_153 = vector.shape_cast %swap3A_152 : vector<16xf32> to vector<16xf32>
    %swap3A_154 = vector.shape_cast %broadcast_in_dim3A_150 : vector<16xf32> to vector<16xf32>
    tpu.vector_store %arg7[%swap3A_151], %swap3A_154 {strides = array<i32>} : memref<640xf32, #tpu.memory_space<vmem>>, vector<16xf32>,
    %broadcast_in_dim3A_155 = arith.constant 0.000000e+00 : f32
    %broadcast_in_dim3A_156 = vector.broadcast %broadcast_in_dim3A_155 : f32 to vector<16xf32>
    %swap3A_157 = arith.constant 288 : index
    %swap3A_158 = tpu.vector_load %arg7[%swap3A_157] {strides = array<i32>} : memref<640xf32, #tpu.memory_space<vmem>>, vector<16xf32>,
    %swap3A_159 = vector.shape_cast %swap3A_158 : vector<16xf32> to vector<16xf32>
    %swap3A_160 = vector.shape_cast %broadcast_in_dim3A_156 : vector<16xf32> to vector<16xf32>
    tpu.vector_store %arg7[%swap3A_157], %swap3A_160 {strides = array<i32>} : memref<640xf32, #tpu.memory_space<vmem>>, vector<16xf32>,
    %broadcast_in_dim3A_161 = arith.constant 0.000000e+00 : f32
    %broadcast_in_dim3A_162 = vector.broadcast %broadcast_in_dim3A_161 : f32 to vector<16xf32>
    %swap3A_163 = arith.constant 304 : index
    %swap3A_164 = tpu.vector_load %arg7[%swap3A_163] {strides = array<i32>} : memref<640xf32, #tpu.memory_space<vmem>>, vector<16xf32>,
    %swap3A_165 = vector.shape_cast %swap3A_164 : vector<16xf32> to vector<16xf32>
    %swap3A_166 = vector.shape_cast %broadcast_in_dim3A_162 : vector<16xf32> to vector<16xf32>
    tpu.vector_store %arg7[%swap3A_163], %swap3A_166 {strides = array<i32>} : memref<640xf32, #tpu.memory_space<vmem>>, vector<16xf32>,
    %broadcast_in_dim3A_167 = arith.constant 0.000000e+00 : f32
    %broadcast_in_dim3A_168 = vector.broadcast %broadcast_in_dim3A_167 : f32 to vector<16xf32>
    %swap3A_169 = arith.constant 320 : index
    %swap3A_170 = tpu.vector_load %arg7[%swap3A_169] {strides = array<i32>} : memref<640xf32, #tpu.memory_space<vmem>>, vector<16xf32>,
    %swap3A_171 = vector.shape_cast %swap3A_170 : vector<16xf32> to vector<16xf32>
    %swap3A_172 = vector.shape_cast %broadcast_in_dim3A_168 : vector<16xf32> to vector<16xf32>
    tpu.vector_store %arg7[%swap3A_169], %swap3A_172 {strides = array<i32>} : memref<640xf32, #tpu.memory_space<vmem>>, vector<16xf32>,
    %broadcast_in_dim3A_173 = arith.constant 0.000000e+00 : f32
    %broadcast_in_dim3A_174 = vector.broadcast %broadcast_in_dim3A_173 : f32 to vector<16xf32>
    %swap3A_175 = arith.constant 336 : index
    %swap3A_176 = tpu.vector_load %arg7[%swap3A_175] {strides = array<i32>} : memref<640xf32, #tpu.memory_space<vmem>>, vector<16xf32>,
    %swap3A_177 = vector.shape_cast %swap3A_176 : vector<16xf32> to vector<16xf32>
    %swap3A_178 = vector.shape_cast %broadcast_in_dim3A_174 : vector<16xf32> to vector<16xf32>
    tpu.vector_store %arg7[%swap3A_175], %swap3A_178 {strides = array<i32>} : memref<640xf32, #tpu.memory_space<vmem>>, vector<16xf32>,
    %broadcast_in_dim3A_179 = arith.constant 0.000000e+00 : f32
    %broadcast_in_dim3A_180 = vector.broadcast %broadcast_in_dim3A_179 : f32 to vector<16xf32>
    %swap3A_181 = arith.constant 352 : index
    %swap3A_182 = tpu.vector_load %arg7[%swap3A_181] {strides = array<i32>} : memref<640xf32, #tpu.memory_space<vmem>>, vector<16xf32>,
    %swap3A_183 = vector.shape_cast %swap3A_182 : vector<16xf32> to vector<16xf32>
    %swap3A_184 = vector.shape_cast %broadcast_in_dim3A_180 : vector<16xf32> to vector<16xf32>
    tpu.vector_store %arg7[%swap3A_181], %swap3A_184 {strides = array<i32>} : memref<640xf32, #tpu.memory_space<vmem>>, vector<16xf32>,
    %broadcast_in_dim3A_185 = arith.constant 0.000000e+00 : f32
    %broadcast_in_dim3A_186 = vector.broadcast %broadcast_in_dim3A_185 : f32 to vector<16xf32>
    %swap3A_187 = arith.constant 368 : index
    %swap3A_188 = tpu.vector_load %arg7[%swap3A_187] {strides = array<i32>} : memref<640xf32, #tpu.memory_space<vmem>>, vector<16xf32>,
    %swap3A_189 = vector.shape_cast %swap3A_188 : vector<16xf32> to vector<16xf32>
    %swap3A_190 = vector.shape_cast %broadcast_in_dim3A_186 : vector<16xf32> to vector<16xf32>
    tpu.vector_store %arg7[%swap3A_187], %swap3A_190 {strides = array<i32>} : memref<640xf32, #tpu.memory_space<vmem>>, vector<16xf32>,
    %broadcast_in_dim3A_191 = arith.constant 0.000000e+00 : f32
    %broadcast_in_dim3A_192 = vector.broadcast %broadcast_in_dim3A_191 : f32 to vector<16xf32>
    %swap3A_193 = arith.constant 384 : index
    %swap3A_194 = tpu.vector_load %arg7[%swap3A_193] {strides = array<i32>} : memref<640xf32, #tpu.memory_space<vmem>>, vector<16xf32>,
    %swap3A_195 = vector.shape_cast %swap3A_194 : vector<16xf32> to vector<16xf32>
    %swap3A_196 = vector.shape_cast %broadcast_in_dim3A_192 : vector<16xf32> to vector<16xf32>
    tpu.vector_store %arg7[%swap3A_193], %swap3A_196 {strides = array<i32>} : memref<640xf32, #tpu.memory_space<vmem>>, vector<16xf32>,
    %broadcast_in_dim3A_197 = arith.constant 0.000000e+00 : f32
    %broadcast_in_dim3A_198 = vector.broadcast %broadcast_in_dim3A_197 : f32 to vector<16xf32>
    %swap3A_199 = arith.constant 400 : index
    %swap3A_200 = tpu.vector_load %arg7[%swap3A_199] {strides = array<i32>} : memref<640xf32, #tpu.memory_space<vmem>>, vector<16xf32>,
    %swap3A_201 = vector.shape_cast %swap3A_200 : vector<16xf32> to vector<16xf32>
    %swap3A_202 = vector.shape_cast %broadcast_in_dim3A_198 : vector<16xf32> to vector<16xf32>
    tpu.vector_store %arg7[%swap3A_199], %swap3A_202 {strides = array<i32>} : memref<640xf32, #tpu.memory_space<vmem>>, vector<16xf32>,
    %broadcast_in_dim3A_203 = arith.constant 0.000000e+00 : f32
    %broadcast_in_dim3A_204 = vector.broadcast %broadcast_in_dim3A_203 : f32 to vector<16xf32>
    %swap3A_205 = arith.constant 416 : index
    %swap3A_206 = tpu.vector_load %arg7[%swap3A_205] {strides = array<i32>} : memref<640xf32, #tpu.memory_space<vmem>>, vector<16xf32>,
    %swap3A_207 = vector.shape_cast %swap3A_206 : vector<16xf32> to vector<16xf32>
    %swap3A_208 = vector.shape_cast %broadcast_in_dim3A_204 : vector<16xf32> to vector<16xf32>
    tpu.vector_store %arg7[%swap3A_205], %swap3A_208 {strides = array<i32>} : memref<640xf32, #tpu.memory_space<vmem>>, vector<16xf32>,
    %broadcast_in_dim3A_209 = arith.constant 0.000000e+00 : f32
    %broadcast_in_dim3A_210 = vector.broadcast %broadcast_in_dim3A_209 : f32 to vector<16xf32>
    %swap3A_211 = arith.constant 432 : index
    %swap3A_212 = tpu.vector_load %arg7[%swap3A_211] {strides = array<i32>} : memref<640xf32, #tpu.memory_space<vmem>>, vector<16xf32>,
    %swap3A_213 = vector.shape_cast %swap3A_212 : vector<16xf32> to vector<16xf32>
    %swap3A_214 = vector.shape_cast %broadcast_in_dim3A_210 : vector<16xf32> to vector<16xf32>
    tpu.vector_store %arg7[%swap3A_211], %swap3A_214 {strides = array<i32>} : memref<640xf32, #tpu.memory_space<vmem>>, vector<16xf32>,
    %broadcast_in_dim3A_215 = arith.constant 0.000000e+00 : f32
    %broadcast_in_dim3A_216 = vector.broadcast %broadcast_in_dim3A_215 : f32 to vector<16xf32>
    %swap3A_217 = arith.constant 448 : index
    %swap3A_218 = tpu.vector_load %arg7[%swap3A_217] {strides = array<i32>} : memref<640xf32, #tpu.memory_space<vmem>>, vector<16xf32>,
    %swap3A_219 = vector.shape_cast %swap3A_218 : vector<16xf32> to vector<16xf32>
    %swap3A_220 = vector.shape_cast %broadcast_in_dim3A_216 : vector<16xf32> to vector<16xf32>
    tpu.vector_store %arg7[%swap3A_217], %swap3A_220 {strides = array<i32>} : memref<640xf32, #tpu.memory_space<vmem>>, vector<16xf32>,
    %broadcast_in_dim3A_221 = arith.constant 0.000000e+00 : f32
    %broadcast_in_dim3A_222 = vector.broadcast %broadcast_in_dim3A_221 : f32 to vector<16xf32>
    %swap3A_223 = arith.constant 464 : index
    %swap3A_224 = tpu.vector_load %arg7[%swap3A_223] {strides = array<i32>} : memref<640xf32, #tpu.memory_space<vmem>>, vector<16xf32>,
    %swap3A_225 = vector.shape_cast %swap3A_224 : vector<16xf32> to vector<16xf32>
    %swap3A_226 = vector.shape_cast %broadcast_in_dim3A_222 : vector<16xf32> to vector<16xf32>
    tpu.vector_store %arg7[%swap3A_223], %swap3A_226 {strides = array<i32>} : memref<640xf32, #tpu.memory_space<vmem>>, vector<16xf32>,
    %broadcast_in_dim3A_227 = arith.constant 0.000000e+00 : f32
    %broadcast_in_dim3A_228 = vector.broadcast %broadcast_in_dim3A_227 : f32 to vector<16xf32>
    %swap3A_229 = arith.constant 480 : index
    %swap3A_230 = tpu.vector_load %arg7[%swap3A_229] {strides = array<i32>} : memref<640xf32, #tpu.memory_space<vmem>>, vector<16xf32>,
    %swap3A_231 = vector.shape_cast %swap3A_230 : vector<16xf32> to vector<16xf32>
    %swap3A_232 = vector.shape_cast %broadcast_in_dim3A_228 : vector<16xf32> to vector<16xf32>
    tpu.vector_store %arg7[%swap3A_229], %swap3A_232 {strides = array<i32>} : memref<640xf32, #tpu.memory_space<vmem>>, vector<16xf32>,
    %broadcast_in_dim3A_233 = arith.constant 0.000000e+00 : f32
    %broadcast_in_dim3A_234 = vector.broadcast %broadcast_in_dim3A_233 : f32 to vector<16xf32>
    %swap3A_235 = arith.constant 496 : index
    %swap3A_236 = tpu.vector_load %arg7[%swap3A_235] {strides = array<i32>} : memref<640xf32, #tpu.memory_space<vmem>>, vector<16xf32>,
    %swap3A_237 = vector.shape_cast %swap3A_236 : vector<16xf32> to vector<16xf32>
    %swap3A_238 = vector.shape_cast %broadcast_in_dim3A_234 : vector<16xf32> to vector<16xf32>
    tpu.vector_store %arg7[%swap3A_235], %swap3A_238 {strides = array<i32>} : memref<640xf32, #tpu.memory_space<vmem>>, vector<16xf32>,
    %broadcast_in_dim3A_239 = arith.constant 0.000000e+00 : f32
    %broadcast_in_dim3A_240 = vector.broadcast %broadcast_in_dim3A_239 : f32 to vector<16xf32>
    %swap3A_241 = arith.constant 512 : index
    %swap3A_242 = tpu.vector_load %arg7[%swap3A_241] {strides = array<i32>} : memref<640xf32, #tpu.memory_space<vmem>>, vector<16xf32>,
    %swap3A_243 = vector.shape_cast %swap3A_242 : vector<16xf32> to vector<16xf32>
    %swap3A_244 = vector.shape_cast %broadcast_in_dim3A_240 : vector<16xf32> to vector<16xf32>
    tpu.vector_store %arg7[%swap3A_241], %swap3A_244 {strides = array<i32>} : memref<640xf32, #tpu.memory_space<vmem>>, vector<16xf32>,
    %broadcast_in_dim3A_245 = arith.constant 0.000000e+00 : f32
    %broadcast_in_dim3A_246 = vector.broadcast %broadcast_in_dim3A_245 : f32 to vector<16xf32>
    %swap3A_247 = arith.constant 528 : index
    %swap3A_248 = tpu.vector_load %arg7[%swap3A_247] {strides = array<i32>} : memref<640xf32, #tpu.memory_space<vmem>>, vector<16xf32>,
    %swap3A_249 = vector.shape_cast %swap3A_248 : vector<16xf32> to vector<16xf32>
    %swap3A_250 = vector.shape_cast %broadcast_in_dim3A_246 : vector<16xf32> to vector<16xf32>
    tpu.vector_store %arg7[%swap3A_247], %swap3A_250 {strides = array<i32>} : memref<640xf32, #tpu.memory_space<vmem>>, vector<16xf32>,
    %broadcast_in_dim3A_251 = arith.constant 0.000000e+00 : f32
    %broadcast_in_dim3A_252 = vector.broadcast %broadcast_in_dim3A_251 : f32 to vector<16xf32>
    %swap3A_253 = arith.constant 544 : index
    %swap3A_254 = tpu.vector_load %arg7[%swap3A_253] {strides = array<i32>} : memref<640xf32, #tpu.memory_space<vmem>>, vector<16xf32>,
    %swap3A_255 = vector.shape_cast %swap3A_254 : vector<16xf32> to vector<16xf32>
    %swap3A_256 = vector.shape_cast %broadcast_in_dim3A_252 : vector<16xf32> to vector<16xf32>
    tpu.vector_store %arg7[%swap3A_253], %swap3A_256 {strides = array<i32>} : memref<640xf32, #tpu.memory_space<vmem>>, vector<16xf32>,
    %broadcast_in_dim3A_257 = arith.constant 0.000000e+00 : f32
    %broadcast_in_dim3A_258 = vector.broadcast %broadcast_in_dim3A_257 : f32 to vector<16xf32>
    %swap3A_259 = arith.constant 560 : index
    %swap3A_260 = tpu.vector_load %arg7[%swap3A_259] {strides = array<i32>} : memref<640xf32, #tpu.memory_space<vmem>>, vector<16xf32>,
    %swap3A_261 = vector.shape_cast %swap3A_260 : vector<16xf32> to vector<16xf32>
    %swap3A_262 = vector.shape_cast %broadcast_in_dim3A_258 : vector<16xf32> to vector<16xf32>
    tpu.vector_store %arg7[%swap3A_259], %swap3A_262 {strides = array<i32>} : memref<640xf32, #tpu.memory_space<vmem>>, vector<16xf32>,
    %broadcast_in_dim3A_263 = arith.constant 0.000000e+00 : f32
    %broadcast_in_dim3A_264 = vector.broadcast %broadcast_in_dim3A_263 : f32 to vector<16xf32>
    %swap3A_265 = arith.constant 576 : index
    %swap3A_266 = tpu.vector_load %arg7[%swap3A_265] {strides = array<i32>} : memref<640xf32, #tpu.memory_space<vmem>>, vector<16xf32>,
    %swap3A_267 = vector.shape_cast %swap3A_266 : vector<16xf32> to vector<16xf32>
    %swap3A_268 = vector.shape_cast %broadcast_in_dim3A_264 : vector<16xf32> to vector<16xf32>
    tpu.vector_store %arg7[%swap3A_265], %swap3A_268 {strides = array<i32>} : memref<640xf32, #tpu.memory_space<vmem>>, vector<16xf32>,
    %broadcast_in_dim3A_269 = arith.constant 0.000000e+00 : f32
    %broadcast_in_dim3A_270 = vector.broadcast %broadcast_in_dim3A_269 : f32 to vector<16xf32>
    %swap3A_271 = arith.constant 592 : index
    %swap3A_272 = tpu.vector_load %arg7[%swap3A_271] {strides = array<i32>} : memref<640xf32, #tpu.memory_space<vmem>>, vector<16xf32>,
    %swap3A_273 = vector.shape_cast %swap3A_272 : vector<16xf32> to vector<16xf32>
    %swap3A_274 = vector.shape_cast %broadcast_in_dim3A_270 : vector<16xf32> to vector<16xf32>
    tpu.vector_store %arg7[%swap3A_271], %swap3A_274 {strides = array<i32>} : memref<640xf32, #tpu.memory_space<vmem>>, vector<16xf32>,
    %broadcast_in_dim3A_275 = arith.constant 0.000000e+00 : f32
    %broadcast_in_dim3A_276 = vector.broadcast %broadcast_in_dim3A_275 : f32 to vector<16xf32>
    %swap3A_277 = arith.constant 608 : index
    %swap3A_278 = tpu.vector_load %arg7[%swap3A_277] {strides = array<i32>} : memref<640xf32, #tpu.memory_space<vmem>>, vector<16xf32>,
    %swap3A_279 = vector.shape_cast %swap3A_278 : vector<16xf32> to vector<16xf32>
    %swap3A_280 = vector.shape_cast %broadcast_in_dim3A_276 : vector<16xf32> to vector<16xf32>
    tpu.vector_store %arg7[%swap3A_277], %swap3A_280 {strides = array<i32>} : memref<640xf32, #tpu.memory_space<vmem>>, vector<16xf32>,
    %broadcast_in_dim3A_281 = arith.constant 0.000000e+00 : f32
    %broadcast_in_dim3A_282 = vector.broadcast %broadcast_in_dim3A_281 : f32 to vector<16xf32>
    %swap3A_283 = arith.constant 624 : index
    %swap3A_284 = tpu.vector_load %arg7[%swap3A_283] {strides = array<i32>} : memref<640xf32, #tpu.memory_space<vmem>>, vector<16xf32>,
    %swap3A_285 = vector.shape_cast %swap3A_284 : vector<16xf32> to vector<16xf32>
    %swap3A_286 = vector.shape_cast %broadcast_in_dim3A_282 : vector<16xf32> to vector<16xf32>
    tpu.vector_store %arg7[%swap3A_283], %swap3A_286 {strides = array<i32>} : memref<640xf32, #tpu.memory_space<vmem>>, vector<16xf32>,
    %mul3A_287 = arith.constant 640 : i32
    %mul3A_288 = arith.muli %arg1, %mul3A_287 : i32
    "tpu.region"() ({
      %run_scoped3A = tpu.sem_alloc : memref<!tpu.dma_semaphore, #tpu.memory_space<semaphore_mem>>
      %dma_start3A = tpu.memref_slice %arg4[%mul3A_288] : memref<10240xf32, #tpu.memory_space<vmem_shared>> -> memref<640xf32, #tpu.memory_space<vmem_shared>>
      %dma_start3A_299 = tpu.memref_slice %arg4[%mul3A_288] : memref<10240xf32, #tpu.memory_space<vmem_shared>> -> memref<640xf32, #tpu.memory_space<vmem_shared>>
      tpu.enqueue_dma source(%arg7 : memref<640xf32, #tpu.memory_space<vmem>>) target(%dma_start3A_299 : memref<640xf32, #tpu.memory_space<vmem_shared>>) target_semaphore(%run_scoped3A : memref<!tpu.dma_semaphore, #tpu.memory_space<semaphore_mem>>)
      %dma_wait3A = tpu.memref_slice %arg4[%mul3A_288] : memref<10240xf32, #tpu.memory_space<vmem_shared>> -> memref<640xf32, #tpu.memory_space<vmem_shared>>
      %dma_wait3A_300 = tpu.memref_slice %arg4[%mul3A_288] : memref<10240xf32, #tpu.memory_space<vmem_shared>> -> memref<640xf32, #tpu.memory_space<vmem_shared>>
      tpu.wait_dma2 semaphore(%run_scoped3A : memref<!tpu.dma_semaphore, #tpu.memory_space<semaphore_mem>>) src(%arg7 : memref<640xf32, #tpu.memory_space<vmem>>) dst(%dma_wait3A_300 : memref<640xf32, #tpu.memory_space<vmem_shared>>)
      tpu.yield
    }) : () -> ()
    "tpu.region"() ({
      %run_scoped3A = tpu.sem_alloc : memref<!tpu.dma_semaphore, #tpu.memory_space<semaphore_mem>>
      %dma_start3A = arith.constant 0 : i32
      %dma_start3A_299 = arith.constant 0 : i32
      %dma_start3A_300 = tpu.memref_slice %arg2[%add3A, %dma_start3A, %dma_start3A_299] : memref<32x80x128xi32, #tpu.memory_space<hbm>> -> memref<1x80x128xi32, #tpu.memory_space<hbm>>
      %dma_start3A_301 = tpu.memref_squeeze %dma_start3A_300 : memref<1x80x128xi32, #tpu.memory_space<hbm>> -> memref<80x128xi32, #tpu.memory_space<hbm>>
      %dma_start3A_302 = arith.constant 0 : i32
      %dma_start3A_303 = arith.constant 0 : i32
      %dma_start3A_304 = tpu.memref_slice %arg2[%add3A, %dma_start3A_302, %dma_start3A_303] : memref<32x80x128xi32, #tpu.memory_space<hbm>> -> memref<1x80x128xi32, #tpu.memory_space<hbm>>
      %dma_start3A_305 = tpu.memref_squeeze %dma_start3A_304 : memref<1x80x128xi32, #tpu.memory_space<hbm>> -> memref<80x128xi32, #tpu.memory_space<hbm>>
      tpu.enqueue_dma source(%dma_start3A_305 : memref<80x128xi32, #tpu.memory_space<hbm>>) target(%arg5 : memref<80x128xi32, #tpu.memory_space<vmem>>) target_semaphore(%run_scoped3A : memref<!tpu.dma_semaphore, #tpu.memory_space<semaphore_mem>>)
      %dma_wait3A = arith.constant 0 : i32
      %dma_wait3A_306 = arith.constant 0 : i32
      %dma_wait3A_307 = tpu.memref_slice %arg2[%add3A, %dma_wait3A, %dma_wait3A_306] : memref<32x80x128xi32, #tpu.memory_space<hbm>> -> memref<1x80x128xi32, #tpu.memory_space<hbm>>
      %dma_wait3A_308 = tpu.memref_squeeze %dma_wait3A_307 : memref<1x80x128xi32, #tpu.memory_space<hbm>> -> memref<80x128xi32, #tpu.memory_space<hbm>>
      %dma_wait3A_309 = arith.constant 0 : i32
      %dma_wait3A_310 = arith.constant 0 : i32
      %dma_wait3A_311 = tpu.memref_slice %arg2[%add3A, %dma_wait3A_309, %dma_wait3A_310] : memref<32x80x128xi32, #tpu.memory_space<hbm>> -> memref<1x80x128xi32, #tpu.memory_space<hbm>>
      %dma_wait3A_312 = tpu.memref_squeeze %dma_wait3A_311 : memref<1x80x128xi32, #tpu.memory_space<hbm>> -> memref<80x128xi32, #tpu.memory_space<hbm>>
      tpu.wait_dma2 semaphore(%run_scoped3A : memref<!tpu.dma_semaphore, #tpu.memory_space<semaphore_mem>>) src(%dma_wait3A_312 : memref<80x128xi32, #tpu.memory_space<hbm>>) dst(%arg5 : memref<80x128xi32, #tpu.memory_space<vmem>>)
      tpu.yield
    }) : () -> ()
    %barrier3A = arith.constant 0 : index
    tpu.barrier barrier_id(%barrier3A)
    %scan3A = arith.constant 0 : i32
    %scan3A_289 = arith.constant 0 : i32
    %scan3A_290 = arith.constant 80 : i32
    %scan3A_291 = arith.addi %scan3A_289, %scan3A_290 : i32
    %scan3A_292 = arith.constant 1 : i32
    scf.for %scan3A_299 = %scan3A_289 to %scan3A_291 step %scan3A_292  : i32 {
      "tpu.region"() ({
        %run_scoped3A = tpu.sem_alloc : memref<!tpu.dma_semaphore, #tpu.memory_space<semaphore_mem>>
        %dma_start3A = arith.constant 0 : i32
        %dma_start3A_300 = tpu.memref_slice %arg5[%scan3A_299, %dma_start3A] : memref<80x128xi32, #tpu.memory_space<vmem>> -> memref<1x128xi32, #tpu.memory_space<vmem>>
        %dma_start3A_301 = tpu.memref_squeeze %dma_start3A_300 : memref<1x128xi32, #tpu.memory_space<vmem>> -> memref<128xi32, #tpu.memory_space<vmem>>
        %dma_start3A_302 = arith.constant 0 : i32
        %dma_start3A_303 = tpu.memref_slice %arg4[%dma_start3A_302] : memref<10240xf32, #tpu.memory_space<vmem_shared>> -> memref<10240xf32, #tpu.memory_space<vmem_shared>>
        tpu.enqueue_indirect_dma source(%arg6 : memref<128xf32, #tpu.memory_space<vmem>>) target(%dma_start3A_303 : memref<10240xf32, #tpu.memory_space<vmem_shared>>) offsets(%dma_start3A_301 : memref<128xi32, #tpu.memory_space<vmem>>) semaphore(%run_scoped3A : memref<!tpu.dma_semaphore, #tpu.memory_space<semaphore_mem>>) {add = true}
        %dma_wait3A = arith.constant 0 : i32
        %dma_wait3A_304 = tpu.memref_slice %arg5[%scan3A_299, %dma_wait3A] : memref<80x128xi32, #tpu.memory_space<vmem>> -> memref<1x128xi32, #tpu.memory_space<vmem>>
        %dma_wait3A_305 = tpu.memref_squeeze %dma_wait3A_304 : memref<1x128xi32, #tpu.memory_space<vmem>> -> memref<128xi32, #tpu.memory_space<vmem>>
        %dma_wait3A_306 = arith.constant 0 : i32
        %dma_wait3A_307 = tpu.memref_slice %arg4[%dma_wait3A_306] : memref<10240xf32, #tpu.memory_space<vmem_shared>> -> memref<10240xf32, #tpu.memory_space<vmem_shared>>
        tpu.wait_indirect_dma semaphore(%run_scoped3A : memref<!tpu.dma_semaphore, #tpu.memory_space<semaphore_mem>>) src(%arg6 : memref<128xf32, #tpu.memory_space<vmem>>) dst(%dma_wait3A_307 : memref<10240xf32, #tpu.memory_space<vmem_shared>>)
        tpu.yield
      }) : () -> ()
    }
    %scan3A_293 = arith.constant 80 : i32
    %barrier3A_294 = arith.constant 0 : index
    tpu.barrier barrier_id(%barrier3A_294)
    %mul3A_295 = arith.constant 640 : i32
    %mul3A_296 = arith.muli %arg1, %mul3A_295 : i32
    %mul3A_297 = arith.constant 640 : i32
    %mul3A_298 = arith.muli %arg1, %mul3A_297 : i32
    "tpu.region"() ({
      %run_scoped3A = tpu.sem_alloc : memref<!tpu.dma_semaphore, #tpu.memory_space<semaphore_mem>>
      %dma_start3A = tpu.memref_slice %arg3[%arg0, %mul3A_298] : memref<2x10240xf32, #tpu.memory_space<hbm>> -> memref<1x640xf32, #tpu.memory_space<hbm>>
      %dma_start3A_299 = tpu.memref_squeeze %dma_start3A : memref<1x640xf32, #tpu.memory_space<hbm>> -> memref<640xf32, #tpu.memory_space<hbm>>
      %dma_start3A_300 = tpu.memref_slice %arg4[%mul3A_296] : memref<10240xf32, #tpu.memory_space<vmem_shared>> -> memref<640xf32, #tpu.memory_space<vmem_shared>>
      tpu.enqueue_dma source(%dma_start3A_300 : memref<640xf32, #tpu.memory_space<vmem_shared>>) target(%dma_start3A_299 : memref<640xf32, #tpu.memory_space<hbm>>) target_semaphore(%run_scoped3A : memref<!tpu.dma_semaphore, #tpu.memory_space<semaphore_mem>>)
      %dma_wait3A = tpu.memref_slice %arg3[%arg0, %mul3A_298] : memref<2x10240xf32, #tpu.memory_space<hbm>> -> memref<1x640xf32, #tpu.memory_space<hbm>>
      %dma_wait3A_301 = tpu.memref_squeeze %dma_wait3A : memref<1x640xf32, #tpu.memory_space<hbm>> -> memref<640xf32, #tpu.memory_space<hbm>>
      %dma_wait3A_302 = tpu.memref_slice %arg4[%mul3A_296] : memref<10240xf32, #tpu.memory_space<vmem_shared>> -> memref<640xf32, #tpu.memory_space<vmem_shared>>
      tpu.wait_dma2 semaphore(%run_scoped3A : memref<!tpu.dma_semaphore, #tpu.memory_space<semaphore_mem>>) src(%dma_wait3A_302 : memref<640xf32, #tpu.memory_space<vmem_shared>>) dst(%dma_wait3A_301 : memref<640xf32, #tpu.memory_space<hbm>>)
      tpu.yield
    }) : () -> ()
    return
  }
}

#map = affine_map<(d0, d1) -> (0, 0)>
#map1 = affine_map<(d0, d1) -> (0, 0, 0)>
module attributes {stable_mosaic.version = 14 : i64} {
  func.func @_edge_pass(%arg0: i32, %arg1: i32, %arg2: memref<10240x128xf32, #tpu.memory_space<hbm>>, %arg3: memref<2560x2x128xi32, #tpu.memory_space<hbm>>, %arg4: memref<10240x128xf32, #tpu.memory_space<hbm>>, %arg5: memref<10240x128xf32, #tpu.memory_space<vmem_shared>>, %arg6: memref<40x2x128xi32, #tpu.memory_space<vmem>>, %arg7: memref<128x128xf32, #tpu.memory_space<vmem>>, %arg8: memref<128x128xf32, #tpu.memory_space<vmem>>, %arg9: memref<!tpu.dma_semaphore, #tpu.memory_space<semaphore_mem>>, %arg10: memref<!tpu.dma_semaphore, #tpu.memory_space<semaphore_mem>>) attributes {dimension_semantics = [#tpu.dimension_semantics<core_parallel>, #tpu.dimension_semantics<subcore_parallel>], iteration_bounds = array<i64: 2, 16>, scalar_prefetch = 0 : i64, scratch_operands = 6 : i64, tpu.core_type = #tpu.core_type<sc_vector_subcore>, window_params = [{transform_indices = #map}, {transform_indices = #map1}, {transform_indices = #map}]} {
    %eq3A = arith.constant 0 : i32
    %eq3A_0 = arith.cmpi eq, %arg0, %eq3A : i32
    %convert_element_type3A = arith.extui %eq3A_0 : i1 to i32
    %cond3A = arith.constant 0 : i32
    %cond3A_1 = arith.cmpi ne, %convert_element_type3A, %cond3A : i32
    scf.if %cond3A_1 {
      %mul3A = arith.constant 640 : i32
      %mul3A_13 = arith.muli %arg1, %mul3A : i32
      %mul3A_14 = arith.constant 640 : i32
      %mul3A_15 = arith.muli %arg1, %mul3A_14 : i32
      "tpu.region"() ({
        %run_scoped3A = tpu.sem_alloc : memref<!tpu.dma_semaphore, #tpu.memory_space<semaphore_mem>>
        %dma_start3A = arith.constant 0 : i32
        %dma_start3A_16 = tpu.memref_slice %arg5[%mul3A_15, %dma_start3A] : memref<10240x128xf32, #tpu.memory_space<vmem_shared>> -> memref<640x128xf32, #tpu.memory_space<vmem_shared>>
        %dma_start3A_17 = arith.constant 0 : i32
        %dma_start3A_18 = tpu.memref_slice %arg2[%mul3A_13, %dma_start3A_17] : memref<10240x128xf32, #tpu.memory_space<hbm>> -> memref<640x128xf32, #tpu.memory_space<hbm>>
        tpu.enqueue_dma source(%dma_start3A_18 : memref<640x128xf32, #tpu.memory_space<hbm>>) target(%dma_start3A_16 : memref<640x128xf32, #tpu.memory_space<vmem_shared>>) target_semaphore(%run_scoped3A : memref<!tpu.dma_semaphore, #tpu.memory_space<semaphore_mem>>)
        %dma_wait3A = arith.constant 0 : i32
        %dma_wait3A_19 = tpu.memref_slice %arg5[%mul3A_15, %dma_wait3A] : memref<10240x128xf32, #tpu.memory_space<vmem_shared>> -> memref<640x128xf32, #tpu.memory_space<vmem_shared>>
        %dma_wait3A_20 = arith.constant 0 : i32
        %dma_wait3A_21 = tpu.memref_slice %arg2[%mul3A_13, %dma_wait3A_20] : memref<10240x128xf32, #tpu.memory_space<hbm>> -> memref<640x128xf32, #tpu.memory_space<hbm>>
        tpu.wait_dma2 semaphore(%run_scoped3A : memref<!tpu.dma_semaphore, #tpu.memory_space<semaphore_mem>>) src(%dma_wait3A_21 : memref<640x128xf32, #tpu.memory_space<hbm>>) dst(%dma_wait3A_19 : memref<640x128xf32, #tpu.memory_space<vmem_shared>>)
        tpu.yield
      }) : () -> ()
    } else {
    }
    %barrier3A = arith.constant 0 : index
    tpu.barrier barrier_id(%barrier3A)
    %eq3A_2 = arith.constant 0 : i32
    %eq3A_3 = arith.cmpi eq, %arg0, %eq3A_2 : i32
    %convert_element_type3A_4 = arith.extui %eq3A_3 : i1 to i32
    %cond3A_5 = arith.constant 0 : i32
    %cond3A_6 = arith.cmpi ne, %convert_element_type3A_4, %cond3A_5 : i32
    scf.if %cond3A_6 {
      %mul3A = arith.constant 160 : i32
      %mul3A_13 = arith.muli %arg1, %mul3A : i32
      %add3A = arith.constant 0 : i32
      %add3A_14 = arith.addi %mul3A_13, %add3A : i32
      "tpu.region"() ({
        %run_scoped3A = tpu.sem_alloc : memref<!tpu.dma_semaphore, #tpu.memory_space<semaphore_mem>>
        %dma_start3A_106 = arith.constant 0 : i32
        %dma_start3A_107 = arith.constant 0 : i32
        %dma_start3A_108 = arith.constant 0 : i32
        %dma_start3A_109 = tpu.memref_slice %arg6[%dma_start3A_106, %dma_start3A_107, %dma_start3A_108] : memref<40x2x128xi32, #tpu.memory_space<vmem>> -> memref<40x2x128xi32, #tpu.memory_space<vmem>>
        %dma_start3A_110 = arith.constant 0 : i32
        %dma_start3A_111 = arith.constant 0 : i32
        %dma_start3A_112 = tpu.memref_slice %arg3[%add3A_14, %dma_start3A_110, %dma_start3A_111] : memref<2560x2x128xi32, #tpu.memory_space<hbm>> -> memref<40x2x128xi32, #tpu.memory_space<hbm>>
        %dma_start3A_113 = arith.constant 0 : i32
        %dma_start3A_114 = arith.constant 0 : i32
        %dma_start3A_115 = arith.constant 0 : i32
        %dma_start3A_116 = tpu.memref_slice %arg6[%dma_start3A_113, %dma_start3A_114, %dma_start3A_115] : memref<40x2x128xi32, #tpu.memory_space<vmem>> -> memref<40x2x128xi32, #tpu.memory_space<vmem>>
        %dma_start3A_117 = arith.constant 0 : i32
        %dma_start3A_118 = arith.constant 0 : i32
        %dma_start3A_119 = tpu.memref_slice %arg3[%add3A_14, %dma_start3A_117, %dma_start3A_118] : memref<2560x2x128xi32, #tpu.memory_space<hbm>> -> memref<40x2x128xi32, #tpu.memory_space<hbm>>
        tpu.enqueue_dma source(%dma_start3A_119 : memref<40x2x128xi32, #tpu.memory_space<hbm>>) target(%dma_start3A_116 : memref<40x2x128xi32, #tpu.memory_space<vmem>>) target_semaphore(%run_scoped3A : memref<!tpu.dma_semaphore, #tpu.memory_space<semaphore_mem>>)
        %dma_wait3A_120 = arith.constant 0 : i32
        %dma_wait3A_121 = arith.constant 0 : i32
        %dma_wait3A_122 = arith.constant 0 : i32
        %dma_wait3A_123 = tpu.memref_slice %arg6[%dma_wait3A_120, %dma_wait3A_121, %dma_wait3A_122] : memref<40x2x128xi32, #tpu.memory_space<vmem>> -> memref<40x2x128xi32, #tpu.memory_space<vmem>>
        %dma_wait3A_124 = arith.constant 0 : i32
        %dma_wait3A_125 = arith.constant 0 : i32
        %dma_wait3A_126 = tpu.memref_slice %arg3[%add3A_14, %dma_wait3A_124, %dma_wait3A_125] : memref<2560x2x128xi32, #tpu.memory_space<hbm>> -> memref<40x2x128xi32, #tpu.memory_space<hbm>>
        %dma_wait3A_127 = arith.constant 0 : i32
        %dma_wait3A_128 = arith.constant 0 : i32
        %dma_wait3A_129 = arith.constant 0 : i32
        %dma_wait3A_130 = tpu.memref_slice %arg6[%dma_wait3A_127, %dma_wait3A_128, %dma_wait3A_129] : memref<40x2x128xi32, #tpu.memory_space<vmem>> -> memref<40x2x128xi32, #tpu.memory_space<vmem>>
        %dma_wait3A_131 = arith.constant 0 : i32
        %dma_wait3A_132 = arith.constant 0 : i32
        %dma_wait3A_133 = tpu.memref_slice %arg3[%add3A_14, %dma_wait3A_131, %dma_wait3A_132] : memref<2560x2x128xi32, #tpu.memory_space<hbm>> -> memref<40x2x128xi32, #tpu.memory_space<hbm>>
        tpu.wait_dma2 semaphore(%run_scoped3A : memref<!tpu.dma_semaphore, #tpu.memory_space<semaphore_mem>>) src(%dma_wait3A_133 : memref<40x2x128xi32, #tpu.memory_space<hbm>>) dst(%dma_wait3A_130 : memref<40x2x128xi32, #tpu.memory_space<vmem>>)
        tpu.yield
      }) : () -> ()
      %dma_start3A = arith.constant 0 : i32
      %dma_start3A_15 = arith.constant 0 : i32
      %dma_start3A_16 = arith.constant 0 : i32
      %dma_start3A_17 = tpu.memref_slice %arg6[%dma_start3A, %dma_start3A_15, %dma_start3A_16] : memref<40x2x128xi32, #tpu.memory_space<vmem>> -> memref<1x1x128xi32, #tpu.memory_space<vmem>>
      %dma_start3A_18 = tpu.memref_squeeze %dma_start3A_17 : memref<1x1x128xi32, #tpu.memory_space<vmem>> -> memref<128xi32, #tpu.memory_space<vmem>>
      %dma_start3A_19 = arith.constant 0 : i32
      %dma_start3A_20 = arith.constant 0 : i32
      %dma_start3A_21 = tpu.memref_slice %arg2[%dma_start3A_19, %dma_start3A_20] : memref<10240x128xf32, #tpu.memory_space<hbm>> -> memref<10240x128xf32, #tpu.memory_space<hbm>>
      tpu.enqueue_indirect_dma source(%dma_start3A_21 : memref<10240x128xf32, #tpu.memory_space<hbm>>) target(%arg7 : memref<128x128xf32, #tpu.memory_space<vmem>>) offsets(%dma_start3A_18 : memref<128xi32, #tpu.memory_space<vmem>>) semaphore(%arg9 : memref<!tpu.dma_semaphore, #tpu.memory_space<semaphore_mem>>)
      %scan3A = arith.constant 0 : i32
      %scan3A_22 = arith.constant 0 : i32
      %scan3A_23 = arith.constant 20 : i32
      %scan3A_24 = arith.addi %scan3A_22, %scan3A_23 : i32
      %scan3A_25 = arith.constant 1 : i32
      scf.for %scan3A_106 = %scan3A_22 to %scan3A_24 step %scan3A_25  : i32 {
        %mul3A_107 = arith.constant 2 : i32
        %mul3A_108 = arith.muli %mul3A_107, %scan3A_106 : i32
        %dma_wait3A_109 = arith.constant 0 : i32
        %dma_wait3A_110 = arith.constant 0 : i32
        %dma_wait3A_111 = tpu.memref_slice %arg6[%mul3A_108, %dma_wait3A_109, %dma_wait3A_110] : memref<40x2x128xi32, #tpu.memory_space<vmem>> -> memref<1x1x128xi32, #tpu.memory_space<vmem>>
        %dma_wait3A_112 = tpu.memref_squeeze %dma_wait3A_111 : memref<1x1x128xi32, #tpu.memory_space<vmem>> -> memref<128xi32, #tpu.memory_space<vmem>>
        %dma_wait3A_113 = arith.constant 0 : i32
        %dma_wait3A_114 = arith.constant 0 : i32
        %dma_wait3A_115 = tpu.memref_slice %arg2[%dma_wait3A_113, %dma_wait3A_114] : memref<10240x128xf32, #tpu.memory_space<hbm>> -> memref<10240x128xf32, #tpu.memory_space<hbm>>
        tpu.wait_indirect_dma semaphore(%arg9 : memref<!tpu.dma_semaphore, #tpu.memory_space<semaphore_mem>>) src(%dma_wait3A_115 : memref<10240x128xf32, #tpu.memory_space<hbm>>) dst(%arg7 : memref<128x128xf32, #tpu.memory_space<vmem>>)
        %gt3A = arith.constant 0 : i32
        %gt3A_116 = arith.cmpi sgt, %scan3A_106, %gt3A : i32
        %convert_element_type3A_117 = arith.extui %gt3A_116 : i1 to i32
        %cond3A_118 = arith.constant 0 : i32
        %cond3A_119 = arith.cmpi ne, %convert_element_type3A_117, %cond3A_118 : i32
        scf.if %cond3A_119 {
          %dma_wait3A_168 = arith.constant 0 : i32
          %dma_wait3A_169 = arith.constant 1 : i32
          %dma_wait3A_170 = arith.constant 0 : i32
          %dma_wait3A_171 = tpu.memref_slice %arg6[%dma_wait3A_168, %dma_wait3A_169, %dma_wait3A_170] : memref<40x2x128xi32, #tpu.memory_space<vmem>> -> memref<1x1x128xi32, #tpu.memory_space<vmem>>
          %dma_wait3A_172 = tpu.memref_squeeze %dma_wait3A_171 : memref<1x1x128xi32, #tpu.memory_space<vmem>> -> memref<128xi32, #tpu.memory_space<vmem>>
          %dma_wait3A_173 = arith.constant 0 : i32
          %dma_wait3A_174 = arith.constant 0 : i32
          %dma_wait3A_175 = tpu.memref_slice %arg5[%dma_wait3A_173, %dma_wait3A_174] : memref<10240x128xf32, #tpu.memory_space<vmem_shared>> -> memref<10240x128xf32, #tpu.memory_space<vmem_shared>>
          tpu.wait_indirect_dma semaphore(%arg10 : memref<!tpu.dma_semaphore, #tpu.memory_space<semaphore_mem>>) src(%arg8 : memref<128x128xf32, #tpu.memory_space<vmem>>) dst(%dma_wait3A_175 : memref<10240x128xf32, #tpu.memory_space<vmem_shared>>)
        } else {
        }
        %add3A_120 = arith.constant 1 : i32
        %add3A_121 = arith.addi %mul3A_108, %add3A_120 : i32
        %dma_start3A_122 = arith.constant 0 : i32
        %dma_start3A_123 = arith.constant 0 : i32
        %dma_start3A_124 = tpu.memref_slice %arg6[%add3A_121, %dma_start3A_122, %dma_start3A_123] : memref<40x2x128xi32, #tpu.memory_space<vmem>> -> memref<1x1x128xi32, #tpu.memory_space<vmem>>
        %dma_start3A_125 = tpu.memref_squeeze %dma_start3A_124 : memref<1x1x128xi32, #tpu.memory_space<vmem>> -> memref<128xi32, #tpu.memory_space<vmem>>
        %dma_start3A_126 = arith.constant 0 : i32
        %dma_start3A_127 = arith.constant 0 : i32
        %dma_start3A_128 = tpu.memref_slice %arg2[%dma_start3A_126, %dma_start3A_127] : memref<10240x128xf32, #tpu.memory_space<hbm>> -> memref<10240x128xf32, #tpu.memory_space<hbm>>
        tpu.enqueue_indirect_dma source(%dma_start3A_128 : memref<10240x128xf32, #tpu.memory_space<hbm>>) target(%arg8 : memref<128x128xf32, #tpu.memory_space<vmem>>) offsets(%dma_start3A_125 : memref<128xi32, #tpu.memory_space<vmem>>) semaphore(%arg9 : memref<!tpu.dma_semaphore, #tpu.memory_space<semaphore_mem>>)
        %dma_start3A_129 = arith.constant 1 : i32
        %dma_start3A_130 = arith.constant 0 : i32
        %dma_start3A_131 = tpu.memref_slice %arg6[%mul3A_108, %dma_start3A_129, %dma_start3A_130] : memref<40x2x128xi32, #tpu.memory_space<vmem>> -> memref<1x1x128xi32, #tpu.memory_space<vmem>>
        %dma_start3A_132 = tpu.memref_squeeze %dma_start3A_131 : memref<1x1x128xi32, #tpu.memory_space<vmem>> -> memref<128xi32, #tpu.memory_space<vmem>>
        %dma_start3A_133 = arith.constant 0 : i32
        %dma_start3A_134 = arith.constant 0 : i32
        %dma_start3A_135 = tpu.memref_slice %arg5[%dma_start3A_133, %dma_start3A_134] : memref<10240x128xf32, #tpu.memory_space<vmem_shared>> -> memref<10240x128xf32, #tpu.memory_space<vmem_shared>>
        tpu.enqueue_indirect_dma source(%arg7 : memref<128x128xf32, #tpu.memory_space<vmem>>) target(%dma_start3A_135 : memref<10240x128xf32, #tpu.memory_space<vmem_shared>>) offsets(%dma_start3A_132 : memref<128xi32, #tpu.memory_space<vmem>>) semaphore(%arg10 : memref<!tpu.dma_semaphore, #tpu.memory_space<semaphore_mem>>) {add = true}
        %add3A_136 = arith.constant 1 : i32
        %add3A_137 = arith.addi %mul3A_108, %add3A_136 : i32
        %dma_wait3A_138 = arith.constant 0 : i32
        %dma_wait3A_139 = arith.constant 0 : i32
        %dma_wait3A_140 = tpu.memref_slice %arg6[%add3A_137, %dma_wait3A_138, %dma_wait3A_139] : memref<40x2x128xi32, #tpu.memory_space<vmem>> -> memref<1x1x128xi32, #tpu.memory_space<vmem>>
        %dma_wait3A_141 = tpu.memref_squeeze %dma_wait3A_140 : memref<1x1x128xi32, #tpu.memory_space<vmem>> -> memref<128xi32, #tpu.memory_space<vmem>>
        %dma_wait3A_142 = arith.constant 0 : i32
        %dma_wait3A_143 = arith.constant 0 : i32
        %dma_wait3A_144 = tpu.memref_slice %arg2[%dma_wait3A_142, %dma_wait3A_143] : memref<10240x128xf32, #tpu.memory_space<hbm>> -> memref<10240x128xf32, #tpu.memory_space<hbm>>
        tpu.wait_indirect_dma semaphore(%arg9 : memref<!tpu.dma_semaphore, #tpu.memory_space<semaphore_mem>>) src(%dma_wait3A_144 : memref<10240x128xf32, #tpu.memory_space<hbm>>) dst(%arg8 : memref<128x128xf32, #tpu.memory_space<vmem>>)
        %dma_wait3A_145 = arith.constant 0 : i32
        %dma_wait3A_146 = arith.constant 1 : i32
        %dma_wait3A_147 = arith.constant 0 : i32
        %dma_wait3A_148 = tpu.memref_slice %arg6[%dma_wait3A_145, %dma_wait3A_146, %dma_wait3A_147] : memref<40x2x128xi32, #tpu.memory_space<vmem>> -> memref<1x1x128xi32, #tpu.memory_space<vmem>>
        %dma_wait3A_149 = tpu.memref_squeeze %dma_wait3A_148 : memref<1x1x128xi32, #tpu.memory_space<vmem>> -> memref<128xi32, #tpu.memory_space<vmem>>
        %dma_wait3A_150 = arith.constant 0 : i32
        %dma_wait3A_151 = arith.constant 0 : i32
        %dma_wait3A_152 = tpu.memref_slice %arg5[%dma_wait3A_150, %dma_wait3A_151] : memref<10240x128xf32, #tpu.memory_space<vmem_shared>> -> memref<10240x128xf32, #tpu.memory_space<vmem_shared>>
        tpu.wait_indirect_dma semaphore(%arg10 : memref<!tpu.dma_semaphore, #tpu.memory_space<semaphore_mem>>) src(%arg7 : memref<128x128xf32, #tpu.memory_space<vmem>>) dst(%dma_wait3A_152 : memref<10240x128xf32, #tpu.memory_space<vmem_shared>>)
        %add3A_153 = arith.constant 2 : i32
        %add3A_154 = arith.addi %mul3A_108, %add3A_153 : i32
        %lt3A = arith.constant 40 : i32
        %lt3A_155 = arith.cmpi slt, %add3A_154, %lt3A : i32
        %convert_element_type3A_156 = arith.extui %lt3A_155 : i1 to i32
        %cond3A_157 = arith.constant 0 : i32
        %cond3A_158 = arith.cmpi ne, %convert_element_type3A_156, %cond3A_157 : i32
        scf.if %cond3A_158 {
          %add3A_168 = arith.constant 2 : i32
          %add3A_169 = arith.addi %mul3A_108, %add3A_168 : i32
          %dma_start3A_170 = arith.constant 0 : i32
          %dma_start3A_171 = arith.constant 0 : i32
          %dma_start3A_172 = tpu.memref_slice %arg6[%add3A_169, %dma_start3A_170, %dma_start3A_171] : memref<40x2x128xi32, #tpu.memory_space<vmem>> -> memref<1x1x128xi32, #tpu.memory_space<vmem>>
          %dma_start3A_173 = tpu.memref_squeeze %dma_start3A_172 : memref<1x1x128xi32, #tpu.memory_space<vmem>> -> memref<128xi32, #tpu.memory_space<vmem>>
          %dma_start3A_174 = arith.constant 0 : i32
          %dma_start3A_175 = arith.constant 0 : i32
          %dma_start3A_176 = tpu.memref_slice %arg2[%dma_start3A_174, %dma_start3A_175] : memref<10240x128xf32, #tpu.memory_space<hbm>> -> memref<10240x128xf32, #tpu.memory_space<hbm>>
          tpu.enqueue_indirect_dma source(%dma_start3A_176 : memref<10240x128xf32, #tpu.memory_space<hbm>>) target(%arg7 : memref<128x128xf32, #tpu.memory_space<vmem>>) offsets(%dma_start3A_173 : memref<128xi32, #tpu.memory_space<vmem>>) semaphore(%arg9 : memref<!tpu.dma_semaphore, #tpu.memory_space<semaphore_mem>>)
        } else {
        }
        %add3A_159 = arith.constant 1 : i32
        %add3A_160 = arith.addi %mul3A_108, %add3A_159 : i32
        %dma_start3A_161 = arith.constant 1 : i32
        %dma_start3A_162 = arith.constant 0 : i32
        %dma_start3A_163 = tpu.memref_slice %arg6[%add3A_160, %dma_start3A_161, %dma_start3A_162] : memref<40x2x128xi32, #tpu.memory_space<vmem>> -> memref<1x1x128xi32, #tpu.memory_space<vmem>>
        %dma_start3A_164 = tpu.memref_squeeze %dma_start3A_163 : memref<1x1x128xi32, #tpu.memory_space<vmem>> -> memref<128xi32, #tpu.memory_space<vmem>>
        %dma_start3A_165 = arith.constant 0 : i32
        %dma_start3A_166 = arith.constant 0 : i32
        %dma_start3A_167 = tpu.memref_slice %arg5[%dma_start3A_165, %dma_start3A_166] : memref<10240x128xf32, #tpu.memory_space<vmem_shared>> -> memref<10240x128xf32, #tpu.memory_space<vmem_shared>>
        tpu.enqueue_indirect_dma source(%arg8 : memref<128x128xf32, #tpu.memory_space<vmem>>) target(%dma_start3A_167 : memref<10240x128xf32, #tpu.memory_space<vmem_shared>>) offsets(%dma_start3A_164 : memref<128xi32, #tpu.memory_space<vmem>>) semaphore(%arg10 : memref<!tpu.dma_semaphore, #tpu.memory_space<semaphore_mem>>) {add = true}
      }
      %scan3A_26 = arith.constant 20 : i32
      %dma_wait3A = arith.constant 0 : i32
      %dma_wait3A_27 = arith.constant 1 : i32
      %dma_wait3A_28 = arith.constant 0 : i32
      %dma_wait3A_29 = tpu.memref_slice %arg6[%dma_wait3A, %dma_wait3A_27, %dma_wait3A_28] : memref<40x2x128xi32, #tpu.memory_space<vmem>> -> memref<1x1x128xi32, #tpu.memory_space<vmem>>
      %dma_wait3A_30 = tpu.memref_squeeze %dma_wait3A_29 : memref<1x1x128xi32, #tpu.memory_space<vmem>> -> memref<128xi32, #tpu.memory_space<vmem>>
      %dma_wait3A_31 = arith.constant 0 : i32
      %dma_wait3A_32 = arith.constant 0 : i32
      %dma_wait3A_33 = tpu.memref_slice %arg5[%dma_wait3A_31, %dma_wait3A_32] : memref<10240x128xf32, #tpu.memory_space<vmem_shared>> -> memref<10240x128xf32, #tpu.memory_space<vmem_shared>>
      tpu.wait_indirect_dma semaphore(%arg10 : memref<!tpu.dma_semaphore, #tpu.memory_space<semaphore_mem>>) src(%arg8 : memref<128x128xf32, #tpu.memory_space<vmem>>) dst(%dma_wait3A_33 : memref<10240x128xf32, #tpu.memory_space<vmem_shared>>)
      %add3A_34 = arith.constant 40 : i32
      %add3A_35 = arith.addi %mul3A_13, %add3A_34 : i32
      "tpu.region"() ({
        %run_scoped3A = tpu.sem_alloc : memref<!tpu.dma_semaphore, #tpu.memory_space<semaphore_mem>>
        %dma_start3A_106 = arith.constant 0 : i32
        %dma_start3A_107 = arith.constant 0 : i32
        %dma_start3A_108 = arith.constant 0 : i32
        %dma_start3A_109 = tpu.memref_slice %arg6[%dma_start3A_106, %dma_start3A_107, %dma_start3A_108] : memref<40x2x128xi32, #tpu.memory_space<vmem>> -> memref<40x2x128xi32, #tpu.memory_space<vmem>>
        %dma_start3A_110 = arith.constant 0 : i32
        %dma_start3A_111 = arith.constant 0 : i32
        %dma_start3A_112 = tpu.memref_slice %arg3[%add3A_35, %dma_start3A_110, %dma_start3A_111] : memref<2560x2x128xi32, #tpu.memory_space<hbm>> -> memref<40x2x128xi32, #tpu.memory_space<hbm>>
        %dma_start3A_113 = arith.constant 0 : i32
        %dma_start3A_114 = arith.constant 0 : i32
        %dma_start3A_115 = arith.constant 0 : i32
        %dma_start3A_116 = tpu.memref_slice %arg6[%dma_start3A_113, %dma_start3A_114, %dma_start3A_115] : memref<40x2x128xi32, #tpu.memory_space<vmem>> -> memref<40x2x128xi32, #tpu.memory_space<vmem>>
        %dma_start3A_117 = arith.constant 0 : i32
        %dma_start3A_118 = arith.constant 0 : i32
        %dma_start3A_119 = tpu.memref_slice %arg3[%add3A_35, %dma_start3A_117, %dma_start3A_118] : memref<2560x2x128xi32, #tpu.memory_space<hbm>> -> memref<40x2x128xi32, #tpu.memory_space<hbm>>
        tpu.enqueue_dma source(%dma_start3A_119 : memref<40x2x128xi32, #tpu.memory_space<hbm>>) target(%dma_start3A_116 : memref<40x2x128xi32, #tpu.memory_space<vmem>>) target_semaphore(%run_scoped3A : memref<!tpu.dma_semaphore, #tpu.memory_space<semaphore_mem>>)
        %dma_wait3A_120 = arith.constant 0 : i32
        %dma_wait3A_121 = arith.constant 0 : i32
        %dma_wait3A_122 = arith.constant 0 : i32
        %dma_wait3A_123 = tpu.memref_slice %arg6[%dma_wait3A_120, %dma_wait3A_121, %dma_wait3A_122] : memref<40x2x128xi32, #tpu.memory_space<vmem>> -> memref<40x2x128xi32, #tpu.memory_space<vmem>>
        %dma_wait3A_124 = arith.constant 0 : i32
        %dma_wait3A_125 = arith.constant 0 : i32
        %dma_wait3A_126 = tpu.memref_slice %arg3[%add3A_35, %dma_wait3A_124, %dma_wait3A_125] : memref<2560x2x128xi32, #tpu.memory_space<hbm>> -> memref<40x2x128xi32, #tpu.memory_space<hbm>>
        %dma_wait3A_127 = arith.constant 0 : i32
        %dma_wait3A_128 = arith.constant 0 : i32
        %dma_wait3A_129 = arith.constant 0 : i32
        %dma_wait3A_130 = tpu.memref_slice %arg6[%dma_wait3A_127, %dma_wait3A_128, %dma_wait3A_129] : memref<40x2x128xi32, #tpu.memory_space<vmem>> -> memref<40x2x128xi32, #tpu.memory_space<vmem>>
        %dma_wait3A_131 = arith.constant 0 : i32
        %dma_wait3A_132 = arith.constant 0 : i32
        %dma_wait3A_133 = tpu.memref_slice %arg3[%add3A_35, %dma_wait3A_131, %dma_wait3A_132] : memref<2560x2x128xi32, #tpu.memory_space<hbm>> -> memref<40x2x128xi32, #tpu.memory_space<hbm>>
        tpu.wait_dma2 semaphore(%run_scoped3A : memref<!tpu.dma_semaphore, #tpu.memory_space<semaphore_mem>>) src(%dma_wait3A_133 : memref<40x2x128xi32, #tpu.memory_space<hbm>>) dst(%dma_wait3A_130 : memref<40x2x128xi32, #tpu.memory_space<vmem>>)
        tpu.yield
      }) : () -> ()
      %dma_start3A_36 = arith.constant 0 : i32
      %dma_start3A_37 = arith.constant 0 : i32
      %dma_start3A_38 = arith.constant 0 : i32
      %dma_start3A_39 = tpu.memref_slice %arg6[%dma_start3A_36, %dma_start3A_37, %dma_start3A_38] : memref<40x2x128xi32, #tpu.memory_space<vmem>> -> memref<1x1x128xi32, #tpu.memory_space<vmem>>
      %dma_start3A_40 = tpu.memref_squeeze %dma_start3A_39 : memref<1x1x128xi32, #tpu.memory_space<vmem>> -> memref<128xi32, #tpu.memory_space<vmem>>
      %dma_start3A_41 = arith.constant 0 : i32
      %dma_start3A_42 = arith.constant 0 : i32
      %dma_start3A_43 = tpu.memref_slice %arg2[%dma_start3A_41, %dma_start3A_42] : memref<10240x128xf32, #tpu.memory_space<hbm>> -> memref<10240x128xf32, #tpu.memory_space<hbm>>
      tpu.enqueue_indirect_dma source(%dma_start3A_43 : memref<10240x128xf32, #tpu.memory_space<hbm>>) target(%arg7 : memref<128x128xf32, #tpu.memory_space<vmem>>) offsets(%dma_start3A_40 : memref<128xi32, #tpu.memory_space<vmem>>) semaphore(%arg9 : memref<!tpu.dma_semaphore, #tpu.memory_space<semaphore_mem>>)
      %scan3A_44 = arith.constant 0 : i32
      %scan3A_45 = arith.constant 0 : i32
      %scan3A_46 = arith.constant 20 : i32
      %scan3A_47 = arith.addi %scan3A_45, %scan3A_46 : i32
      %scan3A_48 = arith.constant 1 : i32
      scf.for %scan3A_106 = %scan3A_45 to %scan3A_47 step %scan3A_48  : i32 {
        %mul3A_107 = arith.constant 2 : i32
        %mul3A_108 = arith.muli %mul3A_107, %scan3A_106 : i32
        %dma_wait3A_109 = arith.constant 0 : i32
        %dma_wait3A_110 = arith.constant 0 : i32
        %dma_wait3A_111 = tpu.memref_slice %arg6[%mul3A_108, %dma_wait3A_109, %dma_wait3A_110] : memref<40x2x128xi32, #tpu.memory_space<vmem>> -> memref<1x1x128xi32, #tpu.memory_space<vmem>>
        %dma_wait3A_112 = tpu.memref_squeeze %dma_wait3A_111 : memref<1x1x128xi32, #tpu.memory_space<vmem>> -> memref<128xi32, #tpu.memory_space<vmem>>
        %dma_wait3A_113 = arith.constant 0 : i32
        %dma_wait3A_114 = arith.constant 0 : i32
        %dma_wait3A_115 = tpu.memref_slice %arg2[%dma_wait3A_113, %dma_wait3A_114] : memref<10240x128xf32, #tpu.memory_space<hbm>> -> memref<10240x128xf32, #tpu.memory_space<hbm>>
        tpu.wait_indirect_dma semaphore(%arg9 : memref<!tpu.dma_semaphore, #tpu.memory_space<semaphore_mem>>) src(%dma_wait3A_115 : memref<10240x128xf32, #tpu.memory_space<hbm>>) dst(%arg7 : memref<128x128xf32, #tpu.memory_space<vmem>>)
        %gt3A = arith.constant 0 : i32
        %gt3A_116 = arith.cmpi sgt, %scan3A_106, %gt3A : i32
        %convert_element_type3A_117 = arith.extui %gt3A_116 : i1 to i32
        %cond3A_118 = arith.constant 0 : i32
        %cond3A_119 = arith.cmpi ne, %convert_element_type3A_117, %cond3A_118 : i32
        scf.if %cond3A_119 {
          %dma_wait3A_168 = arith.constant 0 : i32
          %dma_wait3A_169 = arith.constant 1 : i32
          %dma_wait3A_170 = arith.constant 0 : i32
          %dma_wait3A_171 = tpu.memref_slice %arg6[%dma_wait3A_168, %dma_wait3A_169, %dma_wait3A_170] : memref<40x2x128xi32, #tpu.memory_space<vmem>> -> memref<1x1x128xi32, #tpu.memory_space<vmem>>
          %dma_wait3A_172 = tpu.memref_squeeze %dma_wait3A_171 : memref<1x1x128xi32, #tpu.memory_space<vmem>> -> memref<128xi32, #tpu.memory_space<vmem>>
          %dma_wait3A_173 = arith.constant 0 : i32
          %dma_wait3A_174 = arith.constant 0 : i32
          %dma_wait3A_175 = tpu.memref_slice %arg5[%dma_wait3A_173, %dma_wait3A_174] : memref<10240x128xf32, #tpu.memory_space<vmem_shared>> -> memref<10240x128xf32, #tpu.memory_space<vmem_shared>>
          tpu.wait_indirect_dma semaphore(%arg10 : memref<!tpu.dma_semaphore, #tpu.memory_space<semaphore_mem>>) src(%arg8 : memref<128x128xf32, #tpu.memory_space<vmem>>) dst(%dma_wait3A_175 : memref<10240x128xf32, #tpu.memory_space<vmem_shared>>)
        } else {
        }
        %add3A_120 = arith.constant 1 : i32
        %add3A_121 = arith.addi %mul3A_108, %add3A_120 : i32
        %dma_start3A_122 = arith.constant 0 : i32
        %dma_start3A_123 = arith.constant 0 : i32
        %dma_start3A_124 = tpu.memref_slice %arg6[%add3A_121, %dma_start3A_122, %dma_start3A_123] : memref<40x2x128xi32, #tpu.memory_space<vmem>> -> memref<1x1x128xi32, #tpu.memory_space<vmem>>
        %dma_start3A_125 = tpu.memref_squeeze %dma_start3A_124 : memref<1x1x128xi32, #tpu.memory_space<vmem>> -> memref<128xi32, #tpu.memory_space<vmem>>
        %dma_start3A_126 = arith.constant 0 : i32
        %dma_start3A_127 = arith.constant 0 : i32
        %dma_start3A_128 = tpu.memref_slice %arg2[%dma_start3A_126, %dma_start3A_127] : memref<10240x128xf32, #tpu.memory_space<hbm>> -> memref<10240x128xf32, #tpu.memory_space<hbm>>
        tpu.enqueue_indirect_dma source(%dma_start3A_128 : memref<10240x128xf32, #tpu.memory_space<hbm>>) target(%arg8 : memref<128x128xf32, #tpu.memory_space<vmem>>) offsets(%dma_start3A_125 : memref<128xi32, #tpu.memory_space<vmem>>) semaphore(%arg9 : memref<!tpu.dma_semaphore, #tpu.memory_space<semaphore_mem>>)
        %dma_start3A_129 = arith.constant 1 : i32
        %dma_start3A_130 = arith.constant 0 : i32
        %dma_start3A_131 = tpu.memref_slice %arg6[%mul3A_108, %dma_start3A_129, %dma_start3A_130] : memref<40x2x128xi32, #tpu.memory_space<vmem>> -> memref<1x1x128xi32, #tpu.memory_space<vmem>>
        %dma_start3A_132 = tpu.memref_squeeze %dma_start3A_131 : memref<1x1x128xi32, #tpu.memory_space<vmem>> -> memref<128xi32, #tpu.memory_space<vmem>>
        %dma_start3A_133 = arith.constant 0 : i32
        %dma_start3A_134 = arith.constant 0 : i32
        %dma_start3A_135 = tpu.memref_slice %arg5[%dma_start3A_133, %dma_start3A_134] : memref<10240x128xf32, #tpu.memory_space<vmem_shared>> -> memref<10240x128xf32, #tpu.memory_space<vmem_shared>>
        tpu.enqueue_indirect_dma source(%arg7 : memref<128x128xf32, #tpu.memory_space<vmem>>) target(%dma_start3A_135 : memref<10240x128xf32, #tpu.memory_space<vmem_shared>>) offsets(%dma_start3A_132 : memref<128xi32, #tpu.memory_space<vmem>>) semaphore(%arg10 : memref<!tpu.dma_semaphore, #tpu.memory_space<semaphore_mem>>) {add = true}
        %add3A_136 = arith.constant 1 : i32
        %add3A_137 = arith.addi %mul3A_108, %add3A_136 : i32
        %dma_wait3A_138 = arith.constant 0 : i32
        %dma_wait3A_139 = arith.constant 0 : i32
        %dma_wait3A_140 = tpu.memref_slice %arg6[%add3A_137, %dma_wait3A_138, %dma_wait3A_139] : memref<40x2x128xi32, #tpu.memory_space<vmem>> -> memref<1x1x128xi32, #tpu.memory_space<vmem>>
        %dma_wait3A_141 = tpu.memref_squeeze %dma_wait3A_140 : memref<1x1x128xi32, #tpu.memory_space<vmem>> -> memref<128xi32, #tpu.memory_space<vmem>>
        %dma_wait3A_142 = arith.constant 0 : i32
        %dma_wait3A_143 = arith.constant 0 : i32
        %dma_wait3A_144 = tpu.memref_slice %arg2[%dma_wait3A_142, %dma_wait3A_143] : memref<10240x128xf32, #tpu.memory_space<hbm>> -> memref<10240x128xf32, #tpu.memory_space<hbm>>
        tpu.wait_indirect_dma semaphore(%arg9 : memref<!tpu.dma_semaphore, #tpu.memory_space<semaphore_mem>>) src(%dma_wait3A_144 : memref<10240x128xf32, #tpu.memory_space<hbm>>) dst(%arg8 : memref<128x128xf32, #tpu.memory_space<vmem>>)
        %dma_wait3A_145 = arith.constant 0 : i32
        %dma_wait3A_146 = arith.constant 1 : i32
        %dma_wait3A_147 = arith.constant 0 : i32
        %dma_wait3A_148 = tpu.memref_slice %arg6[%dma_wait3A_145, %dma_wait3A_146, %dma_wait3A_147] : memref<40x2x128xi32, #tpu.memory_space<vmem>> -> memref<1x1x128xi32, #tpu.memory_space<vmem>>
        %dma_wait3A_149 = tpu.memref_squeeze %dma_wait3A_148 : memref<1x1x128xi32, #tpu.memory_space<vmem>> -> memref<128xi32, #tpu.memory_space<vmem>>
        %dma_wait3A_150 = arith.constant 0 : i32
        %dma_wait3A_151 = arith.constant 0 : i32
        %dma_wait3A_152 = tpu.memref_slice %arg5[%dma_wait3A_150, %dma_wait3A_151] : memref<10240x128xf32, #tpu.memory_space<vmem_shared>> -> memref<10240x128xf32, #tpu.memory_space<vmem_shared>>
        tpu.wait_indirect_dma semaphore(%arg10 : memref<!tpu.dma_semaphore, #tpu.memory_space<semaphore_mem>>) src(%arg7 : memref<128x128xf32, #tpu.memory_space<vmem>>) dst(%dma_wait3A_152 : memref<10240x128xf32, #tpu.memory_space<vmem_shared>>)
        %add3A_153 = arith.constant 2 : i32
        %add3A_154 = arith.addi %mul3A_108, %add3A_153 : i32
        %lt3A = arith.constant 40 : i32
        %lt3A_155 = arith.cmpi slt, %add3A_154, %lt3A : i32
        %convert_element_type3A_156 = arith.extui %lt3A_155 : i1 to i32
        %cond3A_157 = arith.constant 0 : i32
        %cond3A_158 = arith.cmpi ne, %convert_element_type3A_156, %cond3A_157 : i32
        scf.if %cond3A_158 {
          %add3A_168 = arith.constant 2 : i32
          %add3A_169 = arith.addi %mul3A_108, %add3A_168 : i32
          %dma_start3A_170 = arith.constant 0 : i32
          %dma_start3A_171 = arith.constant 0 : i32
          %dma_start3A_172 = tpu.memref_slice %arg6[%add3A_169, %dma_start3A_170, %dma_start3A_171] : memref<40x2x128xi32, #tpu.memory_space<vmem>> -> memref<1x1x128xi32, #tpu.memory_space<vmem>>
          %dma_start3A_173 = tpu.memref_squeeze %dma_start3A_172 : memref<1x1x128xi32, #tpu.memory_space<vmem>> -> memref<128xi32, #tpu.memory_space<vmem>>
          %dma_start3A_174 = arith.constant 0 : i32
          %dma_start3A_175 = arith.constant 0 : i32
          %dma_start3A_176 = tpu.memref_slice %arg2[%dma_start3A_174, %dma_start3A_175] : memref<10240x128xf32, #tpu.memory_space<hbm>> -> memref<10240x128xf32, #tpu.memory_space<hbm>>
          tpu.enqueue_indirect_dma source(%dma_start3A_176 : memref<10240x128xf32, #tpu.memory_space<hbm>>) target(%arg7 : memref<128x128xf32, #tpu.memory_space<vmem>>) offsets(%dma_start3A_173 : memref<128xi32, #tpu.memory_space<vmem>>) semaphore(%arg9 : memref<!tpu.dma_semaphore, #tpu.memory_space<semaphore_mem>>)
        } else {
        }
        %add3A_159 = arith.constant 1 : i32
        %add3A_160 = arith.addi %mul3A_108, %add3A_159 : i32
        %dma_start3A_161 = arith.constant 1 : i32
        %dma_start3A_162 = arith.constant 0 : i32
        %dma_start3A_163 = tpu.memref_slice %arg6[%add3A_160, %dma_start3A_161, %dma_start3A_162] : memref<40x2x128xi32, #tpu.memory_space<vmem>> -> memref<1x1x128xi32, #tpu.memory_space<vmem>>
        %dma_start3A_164 = tpu.memref_squeeze %dma_start3A_163 : memref<1x1x128xi32, #tpu.memory_space<vmem>> -> memref<128xi32, #tpu.memory_space<vmem>>
        %dma_start3A_165 = arith.constant 0 : i32
        %dma_start3A_166 = arith.constant 0 : i32
        %dma_start3A_167 = tpu.memref_slice %arg5[%dma_start3A_165, %dma_start3A_166] : memref<10240x128xf32, #tpu.memory_space<vmem_shared>> -> memref<10240x128xf32, #tpu.memory_space<vmem_shared>>
        tpu.enqueue_indirect_dma source(%arg8 : memref<128x128xf32, #tpu.memory_space<vmem>>) target(%dma_start3A_167 : memref<10240x128xf32, #tpu.memory_space<vmem_shared>>) offsets(%dma_start3A_164 : memref<128xi32, #tpu.memory_space<vmem>>) semaphore(%arg10 : memref<!tpu.dma_semaphore, #tpu.memory_space<semaphore_mem>>) {add = true}
      }
      %scan3A_49 = arith.constant 20 : i32
      %dma_wait3A_50 = arith.constant 0 : i32
      %dma_wait3A_51 = arith.constant 1 : i32
      %dma_wait3A_52 = arith.constant 0 : i32
      %dma_wait3A_53 = tpu.memref_slice %arg6[%dma_wait3A_50, %dma_wait3A_51, %dma_wait3A_52] : memref<40x2x128xi32, #tpu.memory_space<vmem>> -> memref<1x1x128xi32, #tpu.memory_space<vmem>>
      %dma_wait3A_54 = tpu.memref_squeeze %dma_wait3A_53 : memref<1x1x128xi32, #tpu.memory_space<vmem>> -> memref<128xi32, #tpu.memory_space<vmem>>
      %dma_wait3A_55 = arith.constant 0 : i32
      %dma_wait3A_56 = arith.constant 0 : i32
      %dma_wait3A_57 = tpu.memref_slice %arg5[%dma_wait3A_55, %dma_wait3A_56] : memref<10240x128xf32, #tpu.memory_space<vmem_shared>> -> memref<10240x128xf32, #tpu.memory_space<vmem_shared>>
      tpu.wait_indirect_dma semaphore(%arg10 : memref<!tpu.dma_semaphore, #tpu.memory_space<semaphore_mem>>) src(%arg8 : memref<128x128xf32, #tpu.memory_space<vmem>>) dst(%dma_wait3A_57 : memref<10240x128xf32, #tpu.memory_space<vmem_shared>>)
      %add3A_58 = arith.constant 80 : i32
      %add3A_59 = arith.addi %mul3A_13, %add3A_58 : i32
      "tpu.region"() ({
        %run_scoped3A = tpu.sem_alloc : memref<!tpu.dma_semaphore, #tpu.memory_space<semaphore_mem>>
        %dma_start3A_106 = arith.constant 0 : i32
        %dma_start3A_107 = arith.constant 0 : i32
        %dma_start3A_108 = arith.constant 0 : i32
        %dma_start3A_109 = tpu.memref_slice %arg6[%dma_start3A_106, %dma_start3A_107, %dma_start3A_108] : memref<40x2x128xi32, #tpu.memory_space<vmem>> -> memref<40x2x128xi32, #tpu.memory_space<vmem>>
        %dma_start3A_110 = arith.constant 0 : i32
        %dma_start3A_111 = arith.constant 0 : i32
        %dma_start3A_112 = tpu.memref_slice %arg3[%add3A_59, %dma_start3A_110, %dma_start3A_111] : memref<2560x2x128xi32, #tpu.memory_space<hbm>> -> memref<40x2x128xi32, #tpu.memory_space<hbm>>
        %dma_start3A_113 = arith.constant 0 : i32
        %dma_start3A_114 = arith.constant 0 : i32
        %dma_start3A_115 = arith.constant 0 : i32
        %dma_start3A_116 = tpu.memref_slice %arg6[%dma_start3A_113, %dma_start3A_114, %dma_start3A_115] : memref<40x2x128xi32, #tpu.memory_space<vmem>> -> memref<40x2x128xi32, #tpu.memory_space<vmem>>
        %dma_start3A_117 = arith.constant 0 : i32
        %dma_start3A_118 = arith.constant 0 : i32
        %dma_start3A_119 = tpu.memref_slice %arg3[%add3A_59, %dma_start3A_117, %dma_start3A_118] : memref<2560x2x128xi32, #tpu.memory_space<hbm>> -> memref<40x2x128xi32, #tpu.memory_space<hbm>>
        tpu.enqueue_dma source(%dma_start3A_119 : memref<40x2x128xi32, #tpu.memory_space<hbm>>) target(%dma_start3A_116 : memref<40x2x128xi32, #tpu.memory_space<vmem>>) target_semaphore(%run_scoped3A : memref<!tpu.dma_semaphore, #tpu.memory_space<semaphore_mem>>)
        %dma_wait3A_120 = arith.constant 0 : i32
        %dma_wait3A_121 = arith.constant 0 : i32
        %dma_wait3A_122 = arith.constant 0 : i32
        %dma_wait3A_123 = tpu.memref_slice %arg6[%dma_wait3A_120, %dma_wait3A_121, %dma_wait3A_122] : memref<40x2x128xi32, #tpu.memory_space<vmem>> -> memref<40x2x128xi32, #tpu.memory_space<vmem>>
        %dma_wait3A_124 = arith.constant 0 : i32
        %dma_wait3A_125 = arith.constant 0 : i32
        %dma_wait3A_126 = tpu.memref_slice %arg3[%add3A_59, %dma_wait3A_124, %dma_wait3A_125] : memref<2560x2x128xi32, #tpu.memory_space<hbm>> -> memref<40x2x128xi32, #tpu.memory_space<hbm>>
        %dma_wait3A_127 = arith.constant 0 : i32
        %dma_wait3A_128 = arith.constant 0 : i32
        %dma_wait3A_129 = arith.constant 0 : i32
        %dma_wait3A_130 = tpu.memref_slice %arg6[%dma_wait3A_127, %dma_wait3A_128, %dma_wait3A_129] : memref<40x2x128xi32, #tpu.memory_space<vmem>> -> memref<40x2x128xi32, #tpu.memory_space<vmem>>
        %dma_wait3A_131 = arith.constant 0 : i32
        %dma_wait3A_132 = arith.constant 0 : i32
        %dma_wait3A_133 = tpu.memref_slice %arg3[%add3A_59, %dma_wait3A_131, %dma_wait3A_132] : memref<2560x2x128xi32, #tpu.memory_space<hbm>> -> memref<40x2x128xi32, #tpu.memory_space<hbm>>
        tpu.wait_dma2 semaphore(%run_scoped3A : memref<!tpu.dma_semaphore, #tpu.memory_space<semaphore_mem>>) src(%dma_wait3A_133 : memref<40x2x128xi32, #tpu.memory_space<hbm>>) dst(%dma_wait3A_130 : memref<40x2x128xi32, #tpu.memory_space<vmem>>)
        tpu.yield
      }) : () -> ()
      %dma_start3A_60 = arith.constant 0 : i32
      %dma_start3A_61 = arith.constant 0 : i32
      %dma_start3A_62 = arith.constant 0 : i32
      %dma_start3A_63 = tpu.memref_slice %arg6[%dma_start3A_60, %dma_start3A_61, %dma_start3A_62] : memref<40x2x128xi32, #tpu.memory_space<vmem>> -> memref<1x1x128xi32, #tpu.memory_space<vmem>>
      %dma_start3A_64 = tpu.memref_squeeze %dma_start3A_63 : memref<1x1x128xi32, #tpu.memory_space<vmem>> -> memref<128xi32, #tpu.memory_space<vmem>>
      %dma_start3A_65 = arith.constant 0 : i32
      %dma_start3A_66 = arith.constant 0 : i32
      %dma_start3A_67 = tpu.memref_slice %arg2[%dma_start3A_65, %dma_start3A_66] : memref<10240x128xf32, #tpu.memory_space<hbm>> -> memref<10240x128xf32, #tpu.memory_space<hbm>>
      tpu.enqueue_indirect_dma source(%dma_start3A_67 : memref<10240x128xf32, #tpu.memory_space<hbm>>) target(%arg7 : memref<128x128xf32, #tpu.memory_space<vmem>>) offsets(%dma_start3A_64 : memref<128xi32, #tpu.memory_space<vmem>>) semaphore(%arg9 : memref<!tpu.dma_semaphore, #tpu.memory_space<semaphore_mem>>)
      %scan3A_68 = arith.constant 0 : i32
      %scan3A_69 = arith.constant 0 : i32
      %scan3A_70 = arith.constant 20 : i32
      %scan3A_71 = arith.addi %scan3A_69, %scan3A_70 : i32
      %scan3A_72 = arith.constant 1 : i32
      scf.for %scan3A_106 = %scan3A_69 to %scan3A_71 step %scan3A_72  : i32 {
        %mul3A_107 = arith.constant 2 : i32
        %mul3A_108 = arith.muli %mul3A_107, %scan3A_106 : i32
        %dma_wait3A_109 = arith.constant 0 : i32
        %dma_wait3A_110 = arith.constant 0 : i32
        %dma_wait3A_111 = tpu.memref_slice %arg6[%mul3A_108, %dma_wait3A_109, %dma_wait3A_110] : memref<40x2x128xi32, #tpu.memory_space<vmem>> -> memref<1x1x128xi32, #tpu.memory_space<vmem>>
        %dma_wait3A_112 = tpu.memref_squeeze %dma_wait3A_111 : memref<1x1x128xi32, #tpu.memory_space<vmem>> -> memref<128xi32, #tpu.memory_space<vmem>>
        %dma_wait3A_113 = arith.constant 0 : i32
        %dma_wait3A_114 = arith.constant 0 : i32
        %dma_wait3A_115 = tpu.memref_slice %arg2[%dma_wait3A_113, %dma_wait3A_114] : memref<10240x128xf32, #tpu.memory_space<hbm>> -> memref<10240x128xf32, #tpu.memory_space<hbm>>
        tpu.wait_indirect_dma semaphore(%arg9 : memref<!tpu.dma_semaphore, #tpu.memory_space<semaphore_mem>>) src(%dma_wait3A_115 : memref<10240x128xf32, #tpu.memory_space<hbm>>) dst(%arg7 : memref<128x128xf32, #tpu.memory_space<vmem>>)
        %gt3A = arith.constant 0 : i32
        %gt3A_116 = arith.cmpi sgt, %scan3A_106, %gt3A : i32
        %convert_element_type3A_117 = arith.extui %gt3A_116 : i1 to i32
        %cond3A_118 = arith.constant 0 : i32
        %cond3A_119 = arith.cmpi ne, %convert_element_type3A_117, %cond3A_118 : i32
        scf.if %cond3A_119 {
          %dma_wait3A_168 = arith.constant 0 : i32
          %dma_wait3A_169 = arith.constant 1 : i32
          %dma_wait3A_170 = arith.constant 0 : i32
          %dma_wait3A_171 = tpu.memref_slice %arg6[%dma_wait3A_168, %dma_wait3A_169, %dma_wait3A_170] : memref<40x2x128xi32, #tpu.memory_space<vmem>> -> memref<1x1x128xi32, #tpu.memory_space<vmem>>
          %dma_wait3A_172 = tpu.memref_squeeze %dma_wait3A_171 : memref<1x1x128xi32, #tpu.memory_space<vmem>> -> memref<128xi32, #tpu.memory_space<vmem>>
          %dma_wait3A_173 = arith.constant 0 : i32
          %dma_wait3A_174 = arith.constant 0 : i32
          %dma_wait3A_175 = tpu.memref_slice %arg5[%dma_wait3A_173, %dma_wait3A_174] : memref<10240x128xf32, #tpu.memory_space<vmem_shared>> -> memref<10240x128xf32, #tpu.memory_space<vmem_shared>>
          tpu.wait_indirect_dma semaphore(%arg10 : memref<!tpu.dma_semaphore, #tpu.memory_space<semaphore_mem>>) src(%arg8 : memref<128x128xf32, #tpu.memory_space<vmem>>) dst(%dma_wait3A_175 : memref<10240x128xf32, #tpu.memory_space<vmem_shared>>)
        } else {
        }
        %add3A_120 = arith.constant 1 : i32
        %add3A_121 = arith.addi %mul3A_108, %add3A_120 : i32
        %dma_start3A_122 = arith.constant 0 : i32
        %dma_start3A_123 = arith.constant 0 : i32
        %dma_start3A_124 = tpu.memref_slice %arg6[%add3A_121, %dma_start3A_122, %dma_start3A_123] : memref<40x2x128xi32, #tpu.memory_space<vmem>> -> memref<1x1x128xi32, #tpu.memory_space<vmem>>
        %dma_start3A_125 = tpu.memref_squeeze %dma_start3A_124 : memref<1x1x128xi32, #tpu.memory_space<vmem>> -> memref<128xi32, #tpu.memory_space<vmem>>
        %dma_start3A_126 = arith.constant 0 : i32
        %dma_start3A_127 = arith.constant 0 : i32
        %dma_start3A_128 = tpu.memref_slice %arg2[%dma_start3A_126, %dma_start3A_127] : memref<10240x128xf32, #tpu.memory_space<hbm>> -> memref<10240x128xf32, #tpu.memory_space<hbm>>
        tpu.enqueue_indirect_dma source(%dma_start3A_128 : memref<10240x128xf32, #tpu.memory_space<hbm>>) target(%arg8 : memref<128x128xf32, #tpu.memory_space<vmem>>) offsets(%dma_start3A_125 : memref<128xi32, #tpu.memory_space<vmem>>) semaphore(%arg9 : memref<!tpu.dma_semaphore, #tpu.memory_space<semaphore_mem>>)
        %dma_start3A_129 = arith.constant 1 : i32
        %dma_start3A_130 = arith.constant 0 : i32
        %dma_start3A_131 = tpu.memref_slice %arg6[%mul3A_108, %dma_start3A_129, %dma_start3A_130] : memref<40x2x128xi32, #tpu.memory_space<vmem>> -> memref<1x1x128xi32, #tpu.memory_space<vmem>>
        %dma_start3A_132 = tpu.memref_squeeze %dma_start3A_131 : memref<1x1x128xi32, #tpu.memory_space<vmem>> -> memref<128xi32, #tpu.memory_space<vmem>>
        %dma_start3A_133 = arith.constant 0 : i32
        %dma_start3A_134 = arith.constant 0 : i32
        %dma_start3A_135 = tpu.memref_slice %arg5[%dma_start3A_133, %dma_start3A_134] : memref<10240x128xf32, #tpu.memory_space<vmem_shared>> -> memref<10240x128xf32, #tpu.memory_space<vmem_shared>>
        tpu.enqueue_indirect_dma source(%arg7 : memref<128x128xf32, #tpu.memory_space<vmem>>) target(%dma_start3A_135 : memref<10240x128xf32, #tpu.memory_space<vmem_shared>>) offsets(%dma_start3A_132 : memref<128xi32, #tpu.memory_space<vmem>>) semaphore(%arg10 : memref<!tpu.dma_semaphore, #tpu.memory_space<semaphore_mem>>) {add = true}
        %add3A_136 = arith.constant 1 : i32
        %add3A_137 = arith.addi %mul3A_108, %add3A_136 : i32
        %dma_wait3A_138 = arith.constant 0 : i32
        %dma_wait3A_139 = arith.constant 0 : i32
        %dma_wait3A_140 = tpu.memref_slice %arg6[%add3A_137, %dma_wait3A_138, %dma_wait3A_139] : memref<40x2x128xi32, #tpu.memory_space<vmem>> -> memref<1x1x128xi32, #tpu.memory_space<vmem>>
        %dma_wait3A_141 = tpu.memref_squeeze %dma_wait3A_140 : memref<1x1x128xi32, #tpu.memory_space<vmem>> -> memref<128xi32, #tpu.memory_space<vmem>>
        %dma_wait3A_142 = arith.constant 0 : i32
        %dma_wait3A_143 = arith.constant 0 : i32
        %dma_wait3A_144 = tpu.memref_slice %arg2[%dma_wait3A_142, %dma_wait3A_143] : memref<10240x128xf32, #tpu.memory_space<hbm>> -> memref<10240x128xf32, #tpu.memory_space<hbm>>
        tpu.wait_indirect_dma semaphore(%arg9 : memref<!tpu.dma_semaphore, #tpu.memory_space<semaphore_mem>>) src(%dma_wait3A_144 : memref<10240x128xf32, #tpu.memory_space<hbm>>) dst(%arg8 : memref<128x128xf32, #tpu.memory_space<vmem>>)
        %dma_wait3A_145 = arith.constant 0 : i32
        %dma_wait3A_146 = arith.constant 1 : i32
        %dma_wait3A_147 = arith.constant 0 : i32
        %dma_wait3A_148 = tpu.memref_slice %arg6[%dma_wait3A_145, %dma_wait3A_146, %dma_wait3A_147] : memref<40x2x128xi32, #tpu.memory_space<vmem>> -> memref<1x1x128xi32, #tpu.memory_space<vmem>>
        %dma_wait3A_149 = tpu.memref_squeeze %dma_wait3A_148 : memref<1x1x128xi32, #tpu.memory_space<vmem>> -> memref<128xi32, #tpu.memory_space<vmem>>
        %dma_wait3A_150 = arith.constant 0 : i32
        %dma_wait3A_151 = arith.constant 0 : i32
        %dma_wait3A_152 = tpu.memref_slice %arg5[%dma_wait3A_150, %dma_wait3A_151] : memref<10240x128xf32, #tpu.memory_space<vmem_shared>> -> memref<10240x128xf32, #tpu.memory_space<vmem_shared>>
        tpu.wait_indirect_dma semaphore(%arg10 : memref<!tpu.dma_semaphore, #tpu.memory_space<semaphore_mem>>) src(%arg7 : memref<128x128xf32, #tpu.memory_space<vmem>>) dst(%dma_wait3A_152 : memref<10240x128xf32, #tpu.memory_space<vmem_shared>>)
        %add3A_153 = arith.constant 2 : i32
        %add3A_154 = arith.addi %mul3A_108, %add3A_153 : i32
        %lt3A = arith.constant 40 : i32
        %lt3A_155 = arith.cmpi slt, %add3A_154, %lt3A : i32
        %convert_element_type3A_156 = arith.extui %lt3A_155 : i1 to i32
        %cond3A_157 = arith.constant 0 : i32
        %cond3A_158 = arith.cmpi ne, %convert_element_type3A_156, %cond3A_157 : i32
        scf.if %cond3A_158 {
          %add3A_168 = arith.constant 2 : i32
          %add3A_169 = arith.addi %mul3A_108, %add3A_168 : i32
          %dma_start3A_170 = arith.constant 0 : i32
          %dma_start3A_171 = arith.constant 0 : i32
          %dma_start3A_172 = tpu.memref_slice %arg6[%add3A_169, %dma_start3A_170, %dma_start3A_171] : memref<40x2x128xi32, #tpu.memory_space<vmem>> -> memref<1x1x128xi32, #tpu.memory_space<vmem>>
          %dma_start3A_173 = tpu.memref_squeeze %dma_start3A_172 : memref<1x1x128xi32, #tpu.memory_space<vmem>> -> memref<128xi32, #tpu.memory_space<vmem>>
          %dma_start3A_174 = arith.constant 0 : i32
          %dma_start3A_175 = arith.constant 0 : i32
          %dma_start3A_176 = tpu.memref_slice %arg2[%dma_start3A_174, %dma_start3A_175] : memref<10240x128xf32, #tpu.memory_space<hbm>> -> memref<10240x128xf32, #tpu.memory_space<hbm>>
          tpu.enqueue_indirect_dma source(%dma_start3A_176 : memref<10240x128xf32, #tpu.memory_space<hbm>>) target(%arg7 : memref<128x128xf32, #tpu.memory_space<vmem>>) offsets(%dma_start3A_173 : memref<128xi32, #tpu.memory_space<vmem>>) semaphore(%arg9 : memref<!tpu.dma_semaphore, #tpu.memory_space<semaphore_mem>>)
        } else {
        }
        %add3A_159 = arith.constant 1 : i32
        %add3A_160 = arith.addi %mul3A_108, %add3A_159 : i32
        %dma_start3A_161 = arith.constant 1 : i32
        %dma_start3A_162 = arith.constant 0 : i32
        %dma_start3A_163 = tpu.memref_slice %arg6[%add3A_160, %dma_start3A_161, %dma_start3A_162] : memref<40x2x128xi32, #tpu.memory_space<vmem>> -> memref<1x1x128xi32, #tpu.memory_space<vmem>>
        %dma_start3A_164 = tpu.memref_squeeze %dma_start3A_163 : memref<1x1x128xi32, #tpu.memory_space<vmem>> -> memref<128xi32, #tpu.memory_space<vmem>>
        %dma_start3A_165 = arith.constant 0 : i32
        %dma_start3A_166 = arith.constant 0 : i32
        %dma_start3A_167 = tpu.memref_slice %arg5[%dma_start3A_165, %dma_start3A_166] : memref<10240x128xf32, #tpu.memory_space<vmem_shared>> -> memref<10240x128xf32, #tpu.memory_space<vmem_shared>>
        tpu.enqueue_indirect_dma source(%arg8 : memref<128x128xf32, #tpu.memory_space<vmem>>) target(%dma_start3A_167 : memref<10240x128xf32, #tpu.memory_space<vmem_shared>>) offsets(%dma_start3A_164 : memref<128xi32, #tpu.memory_space<vmem>>) semaphore(%arg10 : memref<!tpu.dma_semaphore, #tpu.memory_space<semaphore_mem>>) {add = true}
      }
      %scan3A_73 = arith.constant 20 : i32
      %dma_wait3A_74 = arith.constant 0 : i32
      %dma_wait3A_75 = arith.constant 1 : i32
      %dma_wait3A_76 = arith.constant 0 : i32
      %dma_wait3A_77 = tpu.memref_slice %arg6[%dma_wait3A_74, %dma_wait3A_75, %dma_wait3A_76] : memref<40x2x128xi32, #tpu.memory_space<vmem>> -> memref<1x1x128xi32, #tpu.memory_space<vmem>>
      %dma_wait3A_78 = tpu.memref_squeeze %dma_wait3A_77 : memref<1x1x128xi32, #tpu.memory_space<vmem>> -> memref<128xi32, #tpu.memory_space<vmem>>
      %dma_wait3A_79 = arith.constant 0 : i32
      %dma_wait3A_80 = arith.constant 0 : i32
      %dma_wait3A_81 = tpu.memref_slice %arg5[%dma_wait3A_79, %dma_wait3A_80] : memref<10240x128xf32, #tpu.memory_space<vmem_shared>> -> memref<10240x128xf32, #tpu.memory_space<vmem_shared>>
      tpu.wait_indirect_dma semaphore(%arg10 : memref<!tpu.dma_semaphore, #tpu.memory_space<semaphore_mem>>) src(%arg8 : memref<128x128xf32, #tpu.memory_space<vmem>>) dst(%dma_wait3A_81 : memref<10240x128xf32, #tpu.memory_space<vmem_shared>>)
      %add3A_82 = arith.constant 120 : i32
      %add3A_83 = arith.addi %mul3A_13, %add3A_82 : i32
      "tpu.region"() ({
        %run_scoped3A = tpu.sem_alloc : memref<!tpu.dma_semaphore, #tpu.memory_space<semaphore_mem>>
        %dma_start3A_106 = arith.constant 0 : i32
        %dma_start3A_107 = arith.constant 0 : i32
        %dma_start3A_108 = arith.constant 0 : i32
        %dma_start3A_109 = tpu.memref_slice %arg6[%dma_start3A_106, %dma_start3A_107, %dma_start3A_108] : memref<40x2x128xi32, #tpu.memory_space<vmem>> -> memref<40x2x128xi32, #tpu.memory_space<vmem>>
        %dma_start3A_110 = arith.constant 0 : i32
        %dma_start3A_111 = arith.constant 0 : i32
        %dma_start3A_112 = tpu.memref_slice %arg3[%add3A_83, %dma_start3A_110, %dma_start3A_111] : memref<2560x2x128xi32, #tpu.memory_space<hbm>> -> memref<40x2x128xi32, #tpu.memory_space<hbm>>
        %dma_start3A_113 = arith.constant 0 : i32
        %dma_start3A_114 = arith.constant 0 : i32
        %dma_start3A_115 = arith.constant 0 : i32
        %dma_start3A_116 = tpu.memref_slice %arg6[%dma_start3A_113, %dma_start3A_114, %dma_start3A_115] : memref<40x2x128xi32, #tpu.memory_space<vmem>> -> memref<40x2x128xi32, #tpu.memory_space<vmem>>
        %dma_start3A_117 = arith.constant 0 : i32
        %dma_start3A_118 = arith.constant 0 : i32
        %dma_start3A_119 = tpu.memref_slice %arg3[%add3A_83, %dma_start3A_117, %dma_start3A_118] : memref<2560x2x128xi32, #tpu.memory_space<hbm>> -> memref<40x2x128xi32, #tpu.memory_space<hbm>>
        tpu.enqueue_dma source(%dma_start3A_119 : memref<40x2x128xi32, #tpu.memory_space<hbm>>) target(%dma_start3A_116 : memref<40x2x128xi32, #tpu.memory_space<vmem>>) target_semaphore(%run_scoped3A : memref<!tpu.dma_semaphore, #tpu.memory_space<semaphore_mem>>)
        %dma_wait3A_120 = arith.constant 0 : i32
        %dma_wait3A_121 = arith.constant 0 : i32
        %dma_wait3A_122 = arith.constant 0 : i32
        %dma_wait3A_123 = tpu.memref_slice %arg6[%dma_wait3A_120, %dma_wait3A_121, %dma_wait3A_122] : memref<40x2x128xi32, #tpu.memory_space<vmem>> -> memref<40x2x128xi32, #tpu.memory_space<vmem>>
        %dma_wait3A_124 = arith.constant 0 : i32
        %dma_wait3A_125 = arith.constant 0 : i32
        %dma_wait3A_126 = tpu.memref_slice %arg3[%add3A_83, %dma_wait3A_124, %dma_wait3A_125] : memref<2560x2x128xi32, #tpu.memory_space<hbm>> -> memref<40x2x128xi32, #tpu.memory_space<hbm>>
        %dma_wait3A_127 = arith.constant 0 : i32
        %dma_wait3A_128 = arith.constant 0 : i32
        %dma_wait3A_129 = arith.constant 0 : i32
        %dma_wait3A_130 = tpu.memref_slice %arg6[%dma_wait3A_127, %dma_wait3A_128, %dma_wait3A_129] : memref<40x2x128xi32, #tpu.memory_space<vmem>> -> memref<40x2x128xi32, #tpu.memory_space<vmem>>
        %dma_wait3A_131 = arith.constant 0 : i32
        %dma_wait3A_132 = arith.constant 0 : i32
        %dma_wait3A_133 = tpu.memref_slice %arg3[%add3A_83, %dma_wait3A_131, %dma_wait3A_132] : memref<2560x2x128xi32, #tpu.memory_space<hbm>> -> memref<40x2x128xi32, #tpu.memory_space<hbm>>
        tpu.wait_dma2 semaphore(%run_scoped3A : memref<!tpu.dma_semaphore, #tpu.memory_space<semaphore_mem>>) src(%dma_wait3A_133 : memref<40x2x128xi32, #tpu.memory_space<hbm>>) dst(%dma_wait3A_130 : memref<40x2x128xi32, #tpu.memory_space<vmem>>)
        tpu.yield
      }) : () -> ()
      %dma_start3A_84 = arith.constant 0 : i32
      %dma_start3A_85 = arith.constant 0 : i32
      %dma_start3A_86 = arith.constant 0 : i32
      %dma_start3A_87 = tpu.memref_slice %arg6[%dma_start3A_84, %dma_start3A_85, %dma_start3A_86] : memref<40x2x128xi32, #tpu.memory_space<vmem>> -> memref<1x1x128xi32, #tpu.memory_space<vmem>>
      %dma_start3A_88 = tpu.memref_squeeze %dma_start3A_87 : memref<1x1x128xi32, #tpu.memory_space<vmem>> -> memref<128xi32, #tpu.memory_space<vmem>>
      %dma_start3A_89 = arith.constant 0 : i32
      %dma_start3A_90 = arith.constant 0 : i32
      %dma_start3A_91 = tpu.memref_slice %arg2[%dma_start3A_89, %dma_start3A_90] : memref<10240x128xf32, #tpu.memory_space<hbm>> -> memref<10240x128xf32, #tpu.memory_space<hbm>>
      tpu.enqueue_indirect_dma source(%dma_start3A_91 : memref<10240x128xf32, #tpu.memory_space<hbm>>) target(%arg7 : memref<128x128xf32, #tpu.memory_space<vmem>>) offsets(%dma_start3A_88 : memref<128xi32, #tpu.memory_space<vmem>>) semaphore(%arg9 : memref<!tpu.dma_semaphore, #tpu.memory_space<semaphore_mem>>)
      %scan3A_92 = arith.constant 0 : i32
      %scan3A_93 = arith.constant 0 : i32
      %scan3A_94 = arith.constant 20 : i32
      %scan3A_95 = arith.addi %scan3A_93, %scan3A_94 : i32
      %scan3A_96 = arith.constant 1 : i32
      scf.for %scan3A_106 = %scan3A_93 to %scan3A_95 step %scan3A_96  : i32 {
        %mul3A_107 = arith.constant 2 : i32
        %mul3A_108 = arith.muli %mul3A_107, %scan3A_106 : i32
        %dma_wait3A_109 = arith.constant 0 : i32
        %dma_wait3A_110 = arith.constant 0 : i32
        %dma_wait3A_111 = tpu.memref_slice %arg6[%mul3A_108, %dma_wait3A_109, %dma_wait3A_110] : memref<40x2x128xi32, #tpu.memory_space<vmem>> -> memref<1x1x128xi32, #tpu.memory_space<vmem>>
        %dma_wait3A_112 = tpu.memref_squeeze %dma_wait3A_111 : memref<1x1x128xi32, #tpu.memory_space<vmem>> -> memref<128xi32, #tpu.memory_space<vmem>>
        %dma_wait3A_113 = arith.constant 0 : i32
        %dma_wait3A_114 = arith.constant 0 : i32
        %dma_wait3A_115 = tpu.memref_slice %arg2[%dma_wait3A_113, %dma_wait3A_114] : memref<10240x128xf32, #tpu.memory_space<hbm>> -> memref<10240x128xf32, #tpu.memory_space<hbm>>
        tpu.wait_indirect_dma semaphore(%arg9 : memref<!tpu.dma_semaphore, #tpu.memory_space<semaphore_mem>>) src(%dma_wait3A_115 : memref<10240x128xf32, #tpu.memory_space<hbm>>) dst(%arg7 : memref<128x128xf32, #tpu.memory_space<vmem>>)
        %gt3A = arith.constant 0 : i32
        %gt3A_116 = arith.cmpi sgt, %scan3A_106, %gt3A : i32
        %convert_element_type3A_117 = arith.extui %gt3A_116 : i1 to i32
        %cond3A_118 = arith.constant 0 : i32
        %cond3A_119 = arith.cmpi ne, %convert_element_type3A_117, %cond3A_118 : i32
        scf.if %cond3A_119 {
          %dma_wait3A_168 = arith.constant 0 : i32
          %dma_wait3A_169 = arith.constant 1 : i32
          %dma_wait3A_170 = arith.constant 0 : i32
          %dma_wait3A_171 = tpu.memref_slice %arg6[%dma_wait3A_168, %dma_wait3A_169, %dma_wait3A_170] : memref<40x2x128xi32, #tpu.memory_space<vmem>> -> memref<1x1x128xi32, #tpu.memory_space<vmem>>
          %dma_wait3A_172 = tpu.memref_squeeze %dma_wait3A_171 : memref<1x1x128xi32, #tpu.memory_space<vmem>> -> memref<128xi32, #tpu.memory_space<vmem>>
          %dma_wait3A_173 = arith.constant 0 : i32
          %dma_wait3A_174 = arith.constant 0 : i32
          %dma_wait3A_175 = tpu.memref_slice %arg5[%dma_wait3A_173, %dma_wait3A_174] : memref<10240x128xf32, #tpu.memory_space<vmem_shared>> -> memref<10240x128xf32, #tpu.memory_space<vmem_shared>>
          tpu.wait_indirect_dma semaphore(%arg10 : memref<!tpu.dma_semaphore, #tpu.memory_space<semaphore_mem>>) src(%arg8 : memref<128x128xf32, #tpu.memory_space<vmem>>) dst(%dma_wait3A_175 : memref<10240x128xf32, #tpu.memory_space<vmem_shared>>)
        } else {
        }
        %add3A_120 = arith.constant 1 : i32
        %add3A_121 = arith.addi %mul3A_108, %add3A_120 : i32
        %dma_start3A_122 = arith.constant 0 : i32
        %dma_start3A_123 = arith.constant 0 : i32
        %dma_start3A_124 = tpu.memref_slice %arg6[%add3A_121, %dma_start3A_122, %dma_start3A_123] : memref<40x2x128xi32, #tpu.memory_space<vmem>> -> memref<1x1x128xi32, #tpu.memory_space<vmem>>
        %dma_start3A_125 = tpu.memref_squeeze %dma_start3A_124 : memref<1x1x128xi32, #tpu.memory_space<vmem>> -> memref<128xi32, #tpu.memory_space<vmem>>
        %dma_start3A_126 = arith.constant 0 : i32
        %dma_start3A_127 = arith.constant 0 : i32
        %dma_start3A_128 = tpu.memref_slice %arg2[%dma_start3A_126, %dma_start3A_127] : memref<10240x128xf32, #tpu.memory_space<hbm>> -> memref<10240x128xf32, #tpu.memory_space<hbm>>
        tpu.enqueue_indirect_dma source(%dma_start3A_128 : memref<10240x128xf32, #tpu.memory_space<hbm>>) target(%arg8 : memref<128x128xf32, #tpu.memory_space<vmem>>) offsets(%dma_start3A_125 : memref<128xi32, #tpu.memory_space<vmem>>) semaphore(%arg9 : memref<!tpu.dma_semaphore, #tpu.memory_space<semaphore_mem>>)
        %dma_start3A_129 = arith.constant 1 : i32
        %dma_start3A_130 = arith.constant 0 : i32
        %dma_start3A_131 = tpu.memref_slice %arg6[%mul3A_108, %dma_start3A_129, %dma_start3A_130] : memref<40x2x128xi32, #tpu.memory_space<vmem>> -> memref<1x1x128xi32, #tpu.memory_space<vmem>>
        %dma_start3A_132 = tpu.memref_squeeze %dma_start3A_131 : memref<1x1x128xi32, #tpu.memory_space<vmem>> -> memref<128xi32, #tpu.memory_space<vmem>>
        %dma_start3A_133 = arith.constant 0 : i32
        %dma_start3A_134 = arith.constant 0 : i32
        %dma_start3A_135 = tpu.memref_slice %arg5[%dma_start3A_133, %dma_start3A_134] : memref<10240x128xf32, #tpu.memory_space<vmem_shared>> -> memref<10240x128xf32, #tpu.memory_space<vmem_shared>>
        tpu.enqueue_indirect_dma source(%arg7 : memref<128x128xf32, #tpu.memory_space<vmem>>) target(%dma_start3A_135 : memref<10240x128xf32, #tpu.memory_space<vmem_shared>>) offsets(%dma_start3A_132 : memref<128xi32, #tpu.memory_space<vmem>>) semaphore(%arg10 : memref<!tpu.dma_semaphore, #tpu.memory_space<semaphore_mem>>) {add = true}
        %add3A_136 = arith.constant 1 : i32
        %add3A_137 = arith.addi %mul3A_108, %add3A_136 : i32
        %dma_wait3A_138 = arith.constant 0 : i32
        %dma_wait3A_139 = arith.constant 0 : i32
        %dma_wait3A_140 = tpu.memref_slice %arg6[%add3A_137, %dma_wait3A_138, %dma_wait3A_139] : memref<40x2x128xi32, #tpu.memory_space<vmem>> -> memref<1x1x128xi32, #tpu.memory_space<vmem>>
        %dma_wait3A_141 = tpu.memref_squeeze %dma_wait3A_140 : memref<1x1x128xi32, #tpu.memory_space<vmem>> -> memref<128xi32, #tpu.memory_space<vmem>>
        %dma_wait3A_142 = arith.constant 0 : i32
        %dma_wait3A_143 = arith.constant 0 : i32
        %dma_wait3A_144 = tpu.memref_slice %arg2[%dma_wait3A_142, %dma_wait3A_143] : memref<10240x128xf32, #tpu.memory_space<hbm>> -> memref<10240x128xf32, #tpu.memory_space<hbm>>
        tpu.wait_indirect_dma semaphore(%arg9 : memref<!tpu.dma_semaphore, #tpu.memory_space<semaphore_mem>>) src(%dma_wait3A_144 : memref<10240x128xf32, #tpu.memory_space<hbm>>) dst(%arg8 : memref<128x128xf32, #tpu.memory_space<vmem>>)
        %dma_wait3A_145 = arith.constant 0 : i32
        %dma_wait3A_146 = arith.constant 1 : i32
        %dma_wait3A_147 = arith.constant 0 : i32
        %dma_wait3A_148 = tpu.memref_slice %arg6[%dma_wait3A_145, %dma_wait3A_146, %dma_wait3A_147] : memref<40x2x128xi32, #tpu.memory_space<vmem>> -> memref<1x1x128xi32, #tpu.memory_space<vmem>>
        %dma_wait3A_149 = tpu.memref_squeeze %dma_wait3A_148 : memref<1x1x128xi32, #tpu.memory_space<vmem>> -> memref<128xi32, #tpu.memory_space<vmem>>
        %dma_wait3A_150 = arith.constant 0 : i32
        %dma_wait3A_151 = arith.constant 0 : i32
        %dma_wait3A_152 = tpu.memref_slice %arg5[%dma_wait3A_150, %dma_wait3A_151] : memref<10240x128xf32, #tpu.memory_space<vmem_shared>> -> memref<10240x128xf32, #tpu.memory_space<vmem_shared>>
        tpu.wait_indirect_dma semaphore(%arg10 : memref<!tpu.dma_semaphore, #tpu.memory_space<semaphore_mem>>) src(%arg7 : memref<128x128xf32, #tpu.memory_space<vmem>>) dst(%dma_wait3A_152 : memref<10240x128xf32, #tpu.memory_space<vmem_shared>>)
        %add3A_153 = arith.constant 2 : i32
        %add3A_154 = arith.addi %mul3A_108, %add3A_153 : i32
        %lt3A = arith.constant 40 : i32
        %lt3A_155 = arith.cmpi slt, %add3A_154, %lt3A : i32
        %convert_element_type3A_156 = arith.extui %lt3A_155 : i1 to i32
        %cond3A_157 = arith.constant 0 : i32
        %cond3A_158 = arith.cmpi ne, %convert_element_type3A_156, %cond3A_157 : i32
        scf.if %cond3A_158 {
          %add3A_168 = arith.constant 2 : i32
          %add3A_169 = arith.addi %mul3A_108, %add3A_168 : i32
          %dma_start3A_170 = arith.constant 0 : i32
          %dma_start3A_171 = arith.constant 0 : i32
          %dma_start3A_172 = tpu.memref_slice %arg6[%add3A_169, %dma_start3A_170, %dma_start3A_171] : memref<40x2x128xi32, #tpu.memory_space<vmem>> -> memref<1x1x128xi32, #tpu.memory_space<vmem>>
          %dma_start3A_173 = tpu.memref_squeeze %dma_start3A_172 : memref<1x1x128xi32, #tpu.memory_space<vmem>> -> memref<128xi32, #tpu.memory_space<vmem>>
          %dma_start3A_174 = arith.constant 0 : i32
          %dma_start3A_175 = arith.constant 0 : i32
          %dma_start3A_176 = tpu.memref_slice %arg2[%dma_start3A_174, %dma_start3A_175] : memref<10240x128xf32, #tpu.memory_space<hbm>> -> memref<10240x128xf32, #tpu.memory_space<hbm>>
          tpu.enqueue_indirect_dma source(%dma_start3A_176 : memref<10240x128xf32, #tpu.memory_space<hbm>>) target(%arg7 : memref<128x128xf32, #tpu.memory_space<vmem>>) offsets(%dma_start3A_173 : memref<128xi32, #tpu.memory_space<vmem>>) semaphore(%arg9 : memref<!tpu.dma_semaphore, #tpu.memory_space<semaphore_mem>>)
        } else {
        }
        %add3A_159 = arith.constant 1 : i32
        %add3A_160 = arith.addi %mul3A_108, %add3A_159 : i32
        %dma_start3A_161 = arith.constant 1 : i32
        %dma_start3A_162 = arith.constant 0 : i32
        %dma_start3A_163 = tpu.memref_slice %arg6[%add3A_160, %dma_start3A_161, %dma_start3A_162] : memref<40x2x128xi32, #tpu.memory_space<vmem>> -> memref<1x1x128xi32, #tpu.memory_space<vmem>>
        %dma_start3A_164 = tpu.memref_squeeze %dma_start3A_163 : memref<1x1x128xi32, #tpu.memory_space<vmem>> -> memref<128xi32, #tpu.memory_space<vmem>>
        %dma_start3A_165 = arith.constant 0 : i32
        %dma_start3A_166 = arith.constant 0 : i32
        %dma_start3A_167 = tpu.memref_slice %arg5[%dma_start3A_165, %dma_start3A_166] : memref<10240x128xf32, #tpu.memory_space<vmem_shared>> -> memref<10240x128xf32, #tpu.memory_space<vmem_shared>>
        tpu.enqueue_indirect_dma source(%arg8 : memref<128x128xf32, #tpu.memory_space<vmem>>) target(%dma_start3A_167 : memref<10240x128xf32, #tpu.memory_space<vmem_shared>>) offsets(%dma_start3A_164 : memref<128xi32, #tpu.memory_space<vmem>>) semaphore(%arg10 : memref<!tpu.dma_semaphore, #tpu.memory_space<semaphore_mem>>) {add = true}
      }
      %scan3A_97 = arith.constant 20 : i32
      %dma_wait3A_98 = arith.constant 0 : i32
      %dma_wait3A_99 = arith.constant 1 : i32
      %dma_wait3A_100 = arith.constant 0 : i32
      %dma_wait3A_101 = tpu.memref_slice %arg6[%dma_wait3A_98, %dma_wait3A_99, %dma_wait3A_100] : memref<40x2x128xi32, #tpu.memory_space<vmem>> -> memref<1x1x128xi32, #tpu.memory_space<vmem>>
      %dma_wait3A_102 = tpu.memref_squeeze %dma_wait3A_101 : memref<1x1x128xi32, #tpu.memory_space<vmem>> -> memref<128xi32, #tpu.memory_space<vmem>>
      %dma_wait3A_103 = arith.constant 0 : i32
      %dma_wait3A_104 = arith.constant 0 : i32
      %dma_wait3A_105 = tpu.memref_slice %arg5[%dma_wait3A_103, %dma_wait3A_104] : memref<10240x128xf32, #tpu.memory_space<vmem_shared>> -> memref<10240x128xf32, #tpu.memory_space<vmem_shared>>
      tpu.wait_indirect_dma semaphore(%arg10 : memref<!tpu.dma_semaphore, #tpu.memory_space<semaphore_mem>>) src(%arg8 : memref<128x128xf32, #tpu.memory_space<vmem>>) dst(%dma_wait3A_105 : memref<10240x128xf32, #tpu.memory_space<vmem_shared>>)
    } else {
    }
    %barrier3A_7 = arith.constant 0 : index
    tpu.barrier barrier_id(%barrier3A_7)
    %eq3A_8 = arith.constant 0 : i32
    %eq3A_9 = arith.cmpi eq, %arg0, %eq3A_8 : i32
    %convert_element_type3A_10 = arith.extui %eq3A_9 : i1 to i32
    %cond3A_11 = arith.constant 0 : i32
    %cond3A_12 = arith.cmpi ne, %convert_element_type3A_10, %cond3A_11 : i32
    scf.if %cond3A_12 {
      %mul3A = arith.constant 640 : i32
      %mul3A_13 = arith.muli %arg1, %mul3A : i32
      %mul3A_14 = arith.constant 640 : i32
      %mul3A_15 = arith.muli %arg1, %mul3A_14 : i32
      "tpu.region"() ({
        %run_scoped3A = tpu.sem_alloc : memref<!tpu.dma_semaphore, #tpu.memory_space<semaphore_mem>>
        %dma_start3A = arith.constant 0 : i32
        %dma_start3A_16 = tpu.memref_slice %arg4[%mul3A_15, %dma_start3A] : memref<10240x128xf32, #tpu.memory_space<hbm>> -> memref<640x128xf32, #tpu.memory_space<hbm>>
        %dma_start3A_17 = arith.constant 0 : i32
        %dma_start3A_18 = tpu.memref_slice %arg5[%mul3A_13, %dma_start3A_17] : memref<10240x128xf32, #tpu.memory_space<vmem_shared>> -> memref<640x128xf32, #tpu.memory_space<vmem_shared>>
        tpu.enqueue_dma source(%dma_start3A_18 : memref<640x128xf32, #tpu.memory_space<vmem_shared>>) target(%dma_start3A_16 : memref<640x128xf32, #tpu.memory_space<hbm>>) target_semaphore(%run_scoped3A : memref<!tpu.dma_semaphore, #tpu.memory_space<semaphore_mem>>)
        %dma_wait3A = arith.constant 0 : i32
        %dma_wait3A_19 = tpu.memref_slice %arg4[%mul3A_15, %dma_wait3A] : memref<10240x128xf32, #tpu.memory_space<hbm>> -> memref<640x128xf32, #tpu.memory_space<hbm>>
        %dma_wait3A_20 = arith.constant 0 : i32
        %dma_wait3A_21 = tpu.memref_slice %arg5[%mul3A_13, %dma_wait3A_20] : memref<10240x128xf32, #tpu.memory_space<vmem_shared>> -> memref<640x128xf32, #tpu.memory_space<vmem_shared>>
        tpu.wait_dma2 semaphore(%run_scoped3A : memref<!tpu.dma_semaphore, #tpu.memory_space<semaphore_mem>>) src(%dma_wait3A_21 : memref<640x128xf32, #tpu.memory_space<vmem_shared>>) dst(%dma_wait3A_19 : memref<640x128xf32, #tpu.memory_space<hbm>>)
        tpu.yield
      }) : () -> ()
    } else {
    }
    return
  }
}

#map = affine_map<(d0, d1) -> (0, 0)>
#map1 = affine_map<(d0, d1) -> (0, 0, 0)>
module attributes {stable_mosaic.version = 14 : i64} {
  func.func @_edge_pass(%arg0: i32, %arg1: i32, %arg2: memref<10240x128xf32, #tpu.memory_space<hbm>>, %arg3: memref<2560x2x128xi32, #tpu.memory_space<hbm>>, %arg4: memref<10240x128xf32, #tpu.memory_space<hbm>>, %arg5: memref<10240x128xf32, #tpu.memory_space<vmem_shared>>, %arg6: memref<40x2x128xi32, #tpu.memory_space<vmem>>, %arg7: memref<128x128xf32, #tpu.memory_space<vmem>>, %arg8: memref<128x128xf32, #tpu.memory_space<vmem>>, %arg9: memref<!tpu.dma_semaphore, #tpu.memory_space<semaphore_mem>>, %arg10: memref<!tpu.dma_semaphore, #tpu.memory_space<semaphore_mem>>) attributes {dimension_semantics = [#tpu.dimension_semantics<core_parallel>, #tpu.dimension_semantics<subcore_parallel>], iteration_bounds = array<i64: 2, 16>, scalar_prefetch = 0 : i64, scratch_operands = 6 : i64, tpu.core_type = #tpu.core_type<sc_vector_subcore>, window_params = [{transform_indices = #map}, {transform_indices = #map1}, {transform_indices = #map}]} {
    %eq3A = arith.constant 0 : i32
    %eq3A_0 = arith.cmpi eq, %arg0, %eq3A : i32
    %convert_element_type3A = arith.extui %eq3A_0 : i1 to i32
    %cond3A = arith.constant 0 : i32
    %cond3A_1 = arith.cmpi ne, %convert_element_type3A, %cond3A : i32
    scf.if %cond3A_1 {
      %mul3A = arith.constant 640 : i32
      %mul3A_13 = arith.muli %arg1, %mul3A : i32
      %mul3A_14 = arith.constant 640 : i32
      %mul3A_15 = arith.muli %arg1, %mul3A_14 : i32
      "tpu.region"() ({
        %run_scoped3A = tpu.sem_alloc : memref<!tpu.dma_semaphore, #tpu.memory_space<semaphore_mem>>
        %dma_start3A = arith.constant 0 : i32
        %dma_start3A_16 = tpu.memref_slice %arg5[%mul3A_15, %dma_start3A] : memref<10240x128xf32, #tpu.memory_space<vmem_shared>> -> memref<640x128xf32, #tpu.memory_space<vmem_shared>>
        %dma_start3A_17 = arith.constant 0 : i32
        %dma_start3A_18 = tpu.memref_slice %arg2[%mul3A_13, %dma_start3A_17] : memref<10240x128xf32, #tpu.memory_space<hbm>> -> memref<640x128xf32, #tpu.memory_space<hbm>>
        tpu.enqueue_dma source(%dma_start3A_18 : memref<640x128xf32, #tpu.memory_space<hbm>>) target(%dma_start3A_16 : memref<640x128xf32, #tpu.memory_space<vmem_shared>>) target_semaphore(%run_scoped3A : memref<!tpu.dma_semaphore, #tpu.memory_space<semaphore_mem>>)
        %dma_wait3A = arith.constant 0 : i32
        %dma_wait3A_19 = tpu.memref_slice %arg5[%mul3A_15, %dma_wait3A] : memref<10240x128xf32, #tpu.memory_space<vmem_shared>> -> memref<640x128xf32, #tpu.memory_space<vmem_shared>>
        %dma_wait3A_20 = arith.constant 0 : i32
        %dma_wait3A_21 = tpu.memref_slice %arg2[%mul3A_13, %dma_wait3A_20] : memref<10240x128xf32, #tpu.memory_space<hbm>> -> memref<640x128xf32, #tpu.memory_space<hbm>>
        tpu.wait_dma2 semaphore(%run_scoped3A : memref<!tpu.dma_semaphore, #tpu.memory_space<semaphore_mem>>) src(%dma_wait3A_21 : memref<640x128xf32, #tpu.memory_space<hbm>>) dst(%dma_wait3A_19 : memref<640x128xf32, #tpu.memory_space<vmem_shared>>)
        tpu.yield
      }) : () -> ()
    } else {
    }
    %barrier3A = arith.constant 0 : index
    tpu.barrier barrier_id(%barrier3A)
    %eq3A_2 = arith.constant 0 : i32
    %eq3A_3 = arith.cmpi eq, %arg0, %eq3A_2 : i32
    %convert_element_type3A_4 = arith.extui %eq3A_3 : i1 to i32
    %cond3A_5 = arith.constant 0 : i32
    %cond3A_6 = arith.cmpi ne, %convert_element_type3A_4, %cond3A_5 : i32
    scf.if %cond3A_6 {
      %mul3A = arith.constant 160 : i32
      %mul3A_13 = arith.muli %arg1, %mul3A : i32
      %add3A = arith.constant 0 : i32
      %add3A_14 = arith.addi %mul3A_13, %add3A : i32
      "tpu.region"() ({
        %run_scoped3A = tpu.sem_alloc : memref<!tpu.dma_semaphore, #tpu.memory_space<semaphore_mem>>
        %dma_start3A_106 = arith.constant 0 : i32
        %dma_start3A_107 = arith.constant 0 : i32
        %dma_start3A_108 = arith.constant 0 : i32
        %dma_start3A_109 = tpu.memref_slice %arg6[%dma_start3A_106, %dma_start3A_107, %dma_start3A_108] : memref<40x2x128xi32, #tpu.memory_space<vmem>> -> memref<40x2x128xi32, #tpu.memory_space<vmem>>
        %dma_start3A_110 = arith.constant 0 : i32
        %dma_start3A_111 = arith.constant 0 : i32
        %dma_start3A_112 = tpu.memref_slice %arg3[%add3A_14, %dma_start3A_110, %dma_start3A_111] : memref<2560x2x128xi32, #tpu.memory_space<hbm>> -> memref<40x2x128xi32, #tpu.memory_space<hbm>>
        %dma_start3A_113 = arith.constant 0 : i32
        %dma_start3A_114 = arith.constant 0 : i32
        %dma_start3A_115 = arith.constant 0 : i32
        %dma_start3A_116 = tpu.memref_slice %arg6[%dma_start3A_113, %dma_start3A_114, %dma_start3A_115] : memref<40x2x128xi32, #tpu.memory_space<vmem>> -> memref<40x2x128xi32, #tpu.memory_space<vmem>>
        %dma_start3A_117 = arith.constant 0 : i32
        %dma_start3A_118 = arith.constant 0 : i32
        %dma_start3A_119 = tpu.memref_slice %arg3[%add3A_14, %dma_start3A_117, %dma_start3A_118] : memref<2560x2x128xi32, #tpu.memory_space<hbm>> -> memref<40x2x128xi32, #tpu.memory_space<hbm>>
        tpu.enqueue_dma source(%dma_start3A_119 : memref<40x2x128xi32, #tpu.memory_space<hbm>>) target(%dma_start3A_116 : memref<40x2x128xi32, #tpu.memory_space<vmem>>) target_semaphore(%run_scoped3A : memref<!tpu.dma_semaphore, #tpu.memory_space<semaphore_mem>>)
        %dma_wait3A_120 = arith.constant 0 : i32
        %dma_wait3A_121 = arith.constant 0 : i32
        %dma_wait3A_122 = arith.constant 0 : i32
        %dma_wait3A_123 = tpu.memref_slice %arg6[%dma_wait3A_120, %dma_wait3A_121, %dma_wait3A_122] : memref<40x2x128xi32, #tpu.memory_space<vmem>> -> memref<40x2x128xi32, #tpu.memory_space<vmem>>
        %dma_wait3A_124 = arith.constant 0 : i32
        %dma_wait3A_125 = arith.constant 0 : i32
        %dma_wait3A_126 = tpu.memref_slice %arg3[%add3A_14, %dma_wait3A_124, %dma_wait3A_125] : memref<2560x2x128xi32, #tpu.memory_space<hbm>> -> memref<40x2x128xi32, #tpu.memory_space<hbm>>
        %dma_wait3A_127 = arith.constant 0 : i32
        %dma_wait3A_128 = arith.constant 0 : i32
        %dma_wait3A_129 = arith.constant 0 : i32
        %dma_wait3A_130 = tpu.memref_slice %arg6[%dma_wait3A_127, %dma_wait3A_128, %dma_wait3A_129] : memref<40x2x128xi32, #tpu.memory_space<vmem>> -> memref<40x2x128xi32, #tpu.memory_space<vmem>>
        %dma_wait3A_131 = arith.constant 0 : i32
        %dma_wait3A_132 = arith.constant 0 : i32
        %dma_wait3A_133 = tpu.memref_slice %arg3[%add3A_14, %dma_wait3A_131, %dma_wait3A_132] : memref<2560x2x128xi32, #tpu.memory_space<hbm>> -> memref<40x2x128xi32, #tpu.memory_space<hbm>>
        tpu.wait_dma2 semaphore(%run_scoped3A : memref<!tpu.dma_semaphore, #tpu.memory_space<semaphore_mem>>) src(%dma_wait3A_133 : memref<40x2x128xi32, #tpu.memory_space<hbm>>) dst(%dma_wait3A_130 : memref<40x2x128xi32, #tpu.memory_space<vmem>>)
        tpu.yield
      }) : () -> ()
      %dma_start3A = arith.constant 0 : i32
      %dma_start3A_15 = arith.constant 0 : i32
      %dma_start3A_16 = arith.constant 0 : i32
      %dma_start3A_17 = tpu.memref_slice %arg6[%dma_start3A, %dma_start3A_15, %dma_start3A_16] : memref<40x2x128xi32, #tpu.memory_space<vmem>> -> memref<1x1x128xi32, #tpu.memory_space<vmem>>
      %dma_start3A_18 = tpu.memref_squeeze %dma_start3A_17 : memref<1x1x128xi32, #tpu.memory_space<vmem>> -> memref<128xi32, #tpu.memory_space<vmem>>
      %dma_start3A_19 = arith.constant 0 : i32
      %dma_start3A_20 = arith.constant 0 : i32
      %dma_start3A_21 = tpu.memref_slice %arg2[%dma_start3A_19, %dma_start3A_20] : memref<10240x128xf32, #tpu.memory_space<hbm>> -> memref<10240x128xf32, #tpu.memory_space<hbm>>
      tpu.enqueue_indirect_dma source(%dma_start3A_21 : memref<10240x128xf32, #tpu.memory_space<hbm>>) target(%arg7 : memref<128x128xf32, #tpu.memory_space<vmem>>) offsets(%dma_start3A_18 : memref<128xi32, #tpu.memory_space<vmem>>) semaphore(%arg9 : memref<!tpu.dma_semaphore, #tpu.memory_space<semaphore_mem>>)
      %scan3A = arith.constant 0 : i32
      %scan3A_22 = arith.constant 0 : i32
      %scan3A_23 = arith.constant 20 : i32
      %scan3A_24 = arith.addi %scan3A_22, %scan3A_23 : i32
      %scan3A_25 = arith.constant 1 : i32
      scf.for %scan3A_106 = %scan3A_22 to %scan3A_24 step %scan3A_25  : i32 {
        %mul3A_107 = arith.constant 2 : i32
        %mul3A_108 = arith.muli %mul3A_107, %scan3A_106 : i32
        %dma_wait3A_109 = arith.constant 0 : i32
        %dma_wait3A_110 = arith.constant 0 : i32
        %dma_wait3A_111 = tpu.memref_slice %arg6[%mul3A_108, %dma_wait3A_109, %dma_wait3A_110] : memref<40x2x128xi32, #tpu.memory_space<vmem>> -> memref<1x1x128xi32, #tpu.memory_space<vmem>>
        %dma_wait3A_112 = tpu.memref_squeeze %dma_wait3A_111 : memref<1x1x128xi32, #tpu.memory_space<vmem>> -> memref<128xi32, #tpu.memory_space<vmem>>
        %dma_wait3A_113 = arith.constant 0 : i32
        %dma_wait3A_114 = arith.constant 0 : i32
        %dma_wait3A_115 = tpu.memref_slice %arg2[%dma_wait3A_113, %dma_wait3A_114] : memref<10240x128xf32, #tpu.memory_space<hbm>> -> memref<10240x128xf32, #tpu.memory_space<hbm>>
        tpu.wait_indirect_dma semaphore(%arg9 : memref<!tpu.dma_semaphore, #tpu.memory_space<semaphore_mem>>) src(%dma_wait3A_115 : memref<10240x128xf32, #tpu.memory_space<hbm>>) dst(%arg7 : memref<128x128xf32, #tpu.memory_space<vmem>>)
        %gt3A = arith.constant 0 : i32
        %gt3A_116 = arith.cmpi sgt, %scan3A_106, %gt3A : i32
        %convert_element_type3A_117 = arith.extui %gt3A_116 : i1 to i32
        %cond3A_118 = arith.constant 0 : i32
        %cond3A_119 = arith.cmpi ne, %convert_element_type3A_117, %cond3A_118 : i32
        scf.if %cond3A_119 {
          %dma_wait3A_168 = arith.constant 0 : i32
          %dma_wait3A_169 = arith.constant 1 : i32
          %dma_wait3A_170 = arith.constant 0 : i32
          %dma_wait3A_171 = tpu.memref_slice %arg6[%dma_wait3A_168, %dma_wait3A_169, %dma_wait3A_170] : memref<40x2x128xi32, #tpu.memory_space<vmem>> -> memref<1x1x128xi32, #tpu.memory_space<vmem>>
          %dma_wait3A_172 = tpu.memref_squeeze %dma_wait3A_171 : memref<1x1x128xi32, #tpu.memory_space<vmem>> -> memref<128xi32, #tpu.memory_space<vmem>>
          %dma_wait3A_173 = arith.constant 0 : i32
          %dma_wait3A_174 = arith.constant 0 : i32
          %dma_wait3A_175 = tpu.memref_slice %arg5[%dma_wait3A_173, %dma_wait3A_174] : memref<10240x128xf32, #tpu.memory_space<vmem_shared>> -> memref<10240x128xf32, #tpu.memory_space<vmem_shared>>
          tpu.wait_indirect_dma semaphore(%arg10 : memref<!tpu.dma_semaphore, #tpu.memory_space<semaphore_mem>>) src(%arg8 : memref<128x128xf32, #tpu.memory_space<vmem>>) dst(%dma_wait3A_175 : memref<10240x128xf32, #tpu.memory_space<vmem_shared>>)
        } else {
        }
        %add3A_120 = arith.constant 1 : i32
        %add3A_121 = arith.addi %mul3A_108, %add3A_120 : i32
        %dma_start3A_122 = arith.constant 0 : i32
        %dma_start3A_123 = arith.constant 0 : i32
        %dma_start3A_124 = tpu.memref_slice %arg6[%add3A_121, %dma_start3A_122, %dma_start3A_123] : memref<40x2x128xi32, #tpu.memory_space<vmem>> -> memref<1x1x128xi32, #tpu.memory_space<vmem>>
        %dma_start3A_125 = tpu.memref_squeeze %dma_start3A_124 : memref<1x1x128xi32, #tpu.memory_space<vmem>> -> memref<128xi32, #tpu.memory_space<vmem>>
        %dma_start3A_126 = arith.constant 0 : i32
        %dma_start3A_127 = arith.constant 0 : i32
        %dma_start3A_128 = tpu.memref_slice %arg2[%dma_start3A_126, %dma_start3A_127] : memref<10240x128xf32, #tpu.memory_space<hbm>> -> memref<10240x128xf32, #tpu.memory_space<hbm>>
        tpu.enqueue_indirect_dma source(%dma_start3A_128 : memref<10240x128xf32, #tpu.memory_space<hbm>>) target(%arg8 : memref<128x128xf32, #tpu.memory_space<vmem>>) offsets(%dma_start3A_125 : memref<128xi32, #tpu.memory_space<vmem>>) semaphore(%arg9 : memref<!tpu.dma_semaphore, #tpu.memory_space<semaphore_mem>>)
        %dma_start3A_129 = arith.constant 1 : i32
        %dma_start3A_130 = arith.constant 0 : i32
        %dma_start3A_131 = tpu.memref_slice %arg6[%mul3A_108, %dma_start3A_129, %dma_start3A_130] : memref<40x2x128xi32, #tpu.memory_space<vmem>> -> memref<1x1x128xi32, #tpu.memory_space<vmem>>
        %dma_start3A_132 = tpu.memref_squeeze %dma_start3A_131 : memref<1x1x128xi32, #tpu.memory_space<vmem>> -> memref<128xi32, #tpu.memory_space<vmem>>
        %dma_start3A_133 = arith.constant 0 : i32
        %dma_start3A_134 = arith.constant 0 : i32
        %dma_start3A_135 = tpu.memref_slice %arg5[%dma_start3A_133, %dma_start3A_134] : memref<10240x128xf32, #tpu.memory_space<vmem_shared>> -> memref<10240x128xf32, #tpu.memory_space<vmem_shared>>
        tpu.enqueue_indirect_dma source(%arg7 : memref<128x128xf32, #tpu.memory_space<vmem>>) target(%dma_start3A_135 : memref<10240x128xf32, #tpu.memory_space<vmem_shared>>) offsets(%dma_start3A_132 : memref<128xi32, #tpu.memory_space<vmem>>) semaphore(%arg10 : memref<!tpu.dma_semaphore, #tpu.memory_space<semaphore_mem>>) {add = true}
        %add3A_136 = arith.constant 1 : i32
        %add3A_137 = arith.addi %mul3A_108, %add3A_136 : i32
        %dma_wait3A_138 = arith.constant 0 : i32
        %dma_wait3A_139 = arith.constant 0 : i32
        %dma_wait3A_140 = tpu.memref_slice %arg6[%add3A_137, %dma_wait3A_138, %dma_wait3A_139] : memref<40x2x128xi32, #tpu.memory_space<vmem>> -> memref<1x1x128xi32, #tpu.memory_space<vmem>>
        %dma_wait3A_141 = tpu.memref_squeeze %dma_wait3A_140 : memref<1x1x128xi32, #tpu.memory_space<vmem>> -> memref<128xi32, #tpu.memory_space<vmem>>
        %dma_wait3A_142 = arith.constant 0 : i32
        %dma_wait3A_143 = arith.constant 0 : i32
        %dma_wait3A_144 = tpu.memref_slice %arg2[%dma_wait3A_142, %dma_wait3A_143] : memref<10240x128xf32, #tpu.memory_space<hbm>> -> memref<10240x128xf32, #tpu.memory_space<hbm>>
        tpu.wait_indirect_dma semaphore(%arg9 : memref<!tpu.dma_semaphore, #tpu.memory_space<semaphore_mem>>) src(%dma_wait3A_144 : memref<10240x128xf32, #tpu.memory_space<hbm>>) dst(%arg8 : memref<128x128xf32, #tpu.memory_space<vmem>>)
        %dma_wait3A_145 = arith.constant 0 : i32
        %dma_wait3A_146 = arith.constant 1 : i32
        %dma_wait3A_147 = arith.constant 0 : i32
        %dma_wait3A_148 = tpu.memref_slice %arg6[%dma_wait3A_145, %dma_wait3A_146, %dma_wait3A_147] : memref<40x2x128xi32, #tpu.memory_space<vmem>> -> memref<1x1x128xi32, #tpu.memory_space<vmem>>
        %dma_wait3A_149 = tpu.memref_squeeze %dma_wait3A_148 : memref<1x1x128xi32, #tpu.memory_space<vmem>> -> memref<128xi32, #tpu.memory_space<vmem>>
        %dma_wait3A_150 = arith.constant 0 : i32
        %dma_wait3A_151 = arith.constant 0 : i32
        %dma_wait3A_152 = tpu.memref_slice %arg5[%dma_wait3A_150, %dma_wait3A_151] : memref<10240x128xf32, #tpu.memory_space<vmem_shared>> -> memref<10240x128xf32, #tpu.memory_space<vmem_shared>>
        tpu.wait_indirect_dma semaphore(%arg10 : memref<!tpu.dma_semaphore, #tpu.memory_space<semaphore_mem>>) src(%arg7 : memref<128x128xf32, #tpu.memory_space<vmem>>) dst(%dma_wait3A_152 : memref<10240x128xf32, #tpu.memory_space<vmem_shared>>)
        %add3A_153 = arith.constant 2 : i32
        %add3A_154 = arith.addi %mul3A_108, %add3A_153 : i32
        %lt3A = arith.constant 40 : i32
        %lt3A_155 = arith.cmpi slt, %add3A_154, %lt3A : i32
        %convert_element_type3A_156 = arith.extui %lt3A_155 : i1 to i32
        %cond3A_157 = arith.constant 0 : i32
        %cond3A_158 = arith.cmpi ne, %convert_element_type3A_156, %cond3A_157 : i32
        scf.if %cond3A_158 {
          %add3A_168 = arith.constant 2 : i32
          %add3A_169 = arith.addi %mul3A_108, %add3A_168 : i32
          %dma_start3A_170 = arith.constant 0 : i32
          %dma_start3A_171 = arith.constant 0 : i32
          %dma_start3A_172 = tpu.memref_slice %arg6[%add3A_169, %dma_start3A_170, %dma_start3A_171] : memref<40x2x128xi32, #tpu.memory_space<vmem>> -> memref<1x1x128xi32, #tpu.memory_space<vmem>>
          %dma_start3A_173 = tpu.memref_squeeze %dma_start3A_172 : memref<1x1x128xi32, #tpu.memory_space<vmem>> -> memref<128xi32, #tpu.memory_space<vmem>>
          %dma_start3A_174 = arith.constant 0 : i32
          %dma_start3A_175 = arith.constant 0 : i32
          %dma_start3A_176 = tpu.memref_slice %arg2[%dma_start3A_174, %dma_start3A_175] : memref<10240x128xf32, #tpu.memory_space<hbm>> -> memref<10240x128xf32, #tpu.memory_space<hbm>>
          tpu.enqueue_indirect_dma source(%dma_start3A_176 : memref<10240x128xf32, #tpu.memory_space<hbm>>) target(%arg7 : memref<128x128xf32, #tpu.memory_space<vmem>>) offsets(%dma_start3A_173 : memref<128xi32, #tpu.memory_space<vmem>>) semaphore(%arg9 : memref<!tpu.dma_semaphore, #tpu.memory_space<semaphore_mem>>)
        } else {
        }
        %add3A_159 = arith.constant 1 : i32
        %add3A_160 = arith.addi %mul3A_108, %add3A_159 : i32
        %dma_start3A_161 = arith.constant 1 : i32
        %dma_start3A_162 = arith.constant 0 : i32
        %dma_start3A_163 = tpu.memref_slice %arg6[%add3A_160, %dma_start3A_161, %dma_start3A_162] : memref<40x2x128xi32, #tpu.memory_space<vmem>> -> memref<1x1x128xi32, #tpu.memory_space<vmem>>
        %dma_start3A_164 = tpu.memref_squeeze %dma_start3A_163 : memref<1x1x128xi32, #tpu.memory_space<vmem>> -> memref<128xi32, #tpu.memory_space<vmem>>
        %dma_start3A_165 = arith.constant 0 : i32
        %dma_start3A_166 = arith.constant 0 : i32
        %dma_start3A_167 = tpu.memref_slice %arg5[%dma_start3A_165, %dma_start3A_166] : memref<10240x128xf32, #tpu.memory_space<vmem_shared>> -> memref<10240x128xf32, #tpu.memory_space<vmem_shared>>
        tpu.enqueue_indirect_dma source(%arg8 : memref<128x128xf32, #tpu.memory_space<vmem>>) target(%dma_start3A_167 : memref<10240x128xf32, #tpu.memory_space<vmem_shared>>) offsets(%dma_start3A_164 : memref<128xi32, #tpu.memory_space<vmem>>) semaphore(%arg10 : memref<!tpu.dma_semaphore, #tpu.memory_space<semaphore_mem>>) {add = true}
      }
      %scan3A_26 = arith.constant 20 : i32
      %dma_wait3A = arith.constant 0 : i32
      %dma_wait3A_27 = arith.constant 1 : i32
      %dma_wait3A_28 = arith.constant 0 : i32
      %dma_wait3A_29 = tpu.memref_slice %arg6[%dma_wait3A, %dma_wait3A_27, %dma_wait3A_28] : memref<40x2x128xi32, #tpu.memory_space<vmem>> -> memref<1x1x128xi32, #tpu.memory_space<vmem>>
      %dma_wait3A_30 = tpu.memref_squeeze %dma_wait3A_29 : memref<1x1x128xi32, #tpu.memory_space<vmem>> -> memref<128xi32, #tpu.memory_space<vmem>>
      %dma_wait3A_31 = arith.constant 0 : i32
      %dma_wait3A_32 = arith.constant 0 : i32
      %dma_wait3A_33 = tpu.memref_slice %arg5[%dma_wait3A_31, %dma_wait3A_32] : memref<10240x128xf32, #tpu.memory_space<vmem_shared>> -> memref<10240x128xf32, #tpu.memory_space<vmem_shared>>
      tpu.wait_indirect_dma semaphore(%arg10 : memref<!tpu.dma_semaphore, #tpu.memory_space<semaphore_mem>>) src(%arg8 : memref<128x128xf32, #tpu.memory_space<vmem>>) dst(%dma_wait3A_33 : memref<10240x128xf32, #tpu.memory_space<vmem_shared>>)
      %add3A_34 = arith.constant 40 : i32
      %add3A_35 = arith.addi %mul3A_13, %add3A_34 : i32
      "tpu.region"() ({
        %run_scoped3A = tpu.sem_alloc : memref<!tpu.dma_semaphore, #tpu.memory_space<semaphore_mem>>
        %dma_start3A_106 = arith.constant 0 : i32
        %dma_start3A_107 = arith.constant 0 : i32
        %dma_start3A_108 = arith.constant 0 : i32
        %dma_start3A_109 = tpu.memref_slice %arg6[%dma_start3A_106, %dma_start3A_107, %dma_start3A_108] : memref<40x2x128xi32, #tpu.memory_space<vmem>> -> memref<40x2x128xi32, #tpu.memory_space<vmem>>
        %dma_start3A_110 = arith.constant 0 : i32
        %dma_start3A_111 = arith.constant 0 : i32
        %dma_start3A_112 = tpu.memref_slice %arg3[%add3A_35, %dma_start3A_110, %dma_start3A_111] : memref<2560x2x128xi32, #tpu.memory_space<hbm>> -> memref<40x2x128xi32, #tpu.memory_space<hbm>>
        %dma_start3A_113 = arith.constant 0 : i32
        %dma_start3A_114 = arith.constant 0 : i32
        %dma_start3A_115 = arith.constant 0 : i32
        %dma_start3A_116 = tpu.memref_slice %arg6[%dma_start3A_113, %dma_start3A_114, %dma_start3A_115] : memref<40x2x128xi32, #tpu.memory_space<vmem>> -> memref<40x2x128xi32, #tpu.memory_space<vmem>>
        %dma_start3A_117 = arith.constant 0 : i32
        %dma_start3A_118 = arith.constant 0 : i32
        %dma_start3A_119 = tpu.memref_slice %arg3[%add3A_35, %dma_start3A_117, %dma_start3A_118] : memref<2560x2x128xi32, #tpu.memory_space<hbm>> -> memref<40x2x128xi32, #tpu.memory_space<hbm>>
        tpu.enqueue_dma source(%dma_start3A_119 : memref<40x2x128xi32, #tpu.memory_space<hbm>>) target(%dma_start3A_116 : memref<40x2x128xi32, #tpu.memory_space<vmem>>) target_semaphore(%run_scoped3A : memref<!tpu.dma_semaphore, #tpu.memory_space<semaphore_mem>>)
        %dma_wait3A_120 = arith.constant 0 : i32
        %dma_wait3A_121 = arith.constant 0 : i32
        %dma_wait3A_122 = arith.constant 0 : i32
        %dma_wait3A_123 = tpu.memref_slice %arg6[%dma_wait3A_120, %dma_wait3A_121, %dma_wait3A_122] : memref<40x2x128xi32, #tpu.memory_space<vmem>> -> memref<40x2x128xi32, #tpu.memory_space<vmem>>
        %dma_wait3A_124 = arith.constant 0 : i32
        %dma_wait3A_125 = arith.constant 0 : i32
        %dma_wait3A_126 = tpu.memref_slice %arg3[%add3A_35, %dma_wait3A_124, %dma_wait3A_125] : memref<2560x2x128xi32, #tpu.memory_space<hbm>> -> memref<40x2x128xi32, #tpu.memory_space<hbm>>
        %dma_wait3A_127 = arith.constant 0 : i32
        %dma_wait3A_128 = arith.constant 0 : i32
        %dma_wait3A_129 = arith.constant 0 : i32
        %dma_wait3A_130 = tpu.memref_slice %arg6[%dma_wait3A_127, %dma_wait3A_128, %dma_wait3A_129] : memref<40x2x128xi32, #tpu.memory_space<vmem>> -> memref<40x2x128xi32, #tpu.memory_space<vmem>>
        %dma_wait3A_131 = arith.constant 0 : i32
        %dma_wait3A_132 = arith.constant 0 : i32
        %dma_wait3A_133 = tpu.memref_slice %arg3[%add3A_35, %dma_wait3A_131, %dma_wait3A_132] : memref<2560x2x128xi32, #tpu.memory_space<hbm>> -> memref<40x2x128xi32, #tpu.memory_space<hbm>>
        tpu.wait_dma2 semaphore(%run_scoped3A : memref<!tpu.dma_semaphore, #tpu.memory_space<semaphore_mem>>) src(%dma_wait3A_133 : memref<40x2x128xi32, #tpu.memory_space<hbm>>) dst(%dma_wait3A_130 : memref<40x2x128xi32, #tpu.memory_space<vmem>>)
        tpu.yield
      }) : () -> ()
      %dma_start3A_36 = arith.constant 0 : i32
      %dma_start3A_37 = arith.constant 0 : i32
      %dma_start3A_38 = arith.constant 0 : i32
      %dma_start3A_39 = tpu.memref_slice %arg6[%dma_start3A_36, %dma_start3A_37, %dma_start3A_38] : memref<40x2x128xi32, #tpu.memory_space<vmem>> -> memref<1x1x128xi32, #tpu.memory_space<vmem>>
      %dma_start3A_40 = tpu.memref_squeeze %dma_start3A_39 : memref<1x1x128xi32, #tpu.memory_space<vmem>> -> memref<128xi32, #tpu.memory_space<vmem>>
      %dma_start3A_41 = arith.constant 0 : i32
      %dma_start3A_42 = arith.constant 0 : i32
      %dma_start3A_43 = tpu.memref_slice %arg2[%dma_start3A_41, %dma_start3A_42] : memref<10240x128xf32, #tpu.memory_space<hbm>> -> memref<10240x128xf32, #tpu.memory_space<hbm>>
      tpu.enqueue_indirect_dma source(%dma_start3A_43 : memref<10240x128xf32, #tpu.memory_space<hbm>>) target(%arg7 : memref<128x128xf32, #tpu.memory_space<vmem>>) offsets(%dma_start3A_40 : memref<128xi32, #tpu.memory_space<vmem>>) semaphore(%arg9 : memref<!tpu.dma_semaphore, #tpu.memory_space<semaphore_mem>>)
      %scan3A_44 = arith.constant 0 : i32
      %scan3A_45 = arith.constant 0 : i32
      %scan3A_46 = arith.constant 20 : i32
      %scan3A_47 = arith.addi %scan3A_45, %scan3A_46 : i32
      %scan3A_48 = arith.constant 1 : i32
      scf.for %scan3A_106 = %scan3A_45 to %scan3A_47 step %scan3A_48  : i32 {
        %mul3A_107 = arith.constant 2 : i32
        %mul3A_108 = arith.muli %mul3A_107, %scan3A_106 : i32
        %dma_wait3A_109 = arith.constant 0 : i32
        %dma_wait3A_110 = arith.constant 0 : i32
        %dma_wait3A_111 = tpu.memref_slice %arg6[%mul3A_108, %dma_wait3A_109, %dma_wait3A_110] : memref<40x2x128xi32, #tpu.memory_space<vmem>> -> memref<1x1x128xi32, #tpu.memory_space<vmem>>
        %dma_wait3A_112 = tpu.memref_squeeze %dma_wait3A_111 : memref<1x1x128xi32, #tpu.memory_space<vmem>> -> memref<128xi32, #tpu.memory_space<vmem>>
        %dma_wait3A_113 = arith.constant 0 : i32
        %dma_wait3A_114 = arith.constant 0 : i32
        %dma_wait3A_115 = tpu.memref_slice %arg2[%dma_wait3A_113, %dma_wait3A_114] : memref<10240x128xf32, #tpu.memory_space<hbm>> -> memref<10240x128xf32, #tpu.memory_space<hbm>>
        tpu.wait_indirect_dma semaphore(%arg9 : memref<!tpu.dma_semaphore, #tpu.memory_space<semaphore_mem>>) src(%dma_wait3A_115 : memref<10240x128xf32, #tpu.memory_space<hbm>>) dst(%arg7 : memref<128x128xf32, #tpu.memory_space<vmem>>)
        %gt3A = arith.constant 0 : i32
        %gt3A_116 = arith.cmpi sgt, %scan3A_106, %gt3A : i32
        %convert_element_type3A_117 = arith.extui %gt3A_116 : i1 to i32
        %cond3A_118 = arith.constant 0 : i32
        %cond3A_119 = arith.cmpi ne, %convert_element_type3A_117, %cond3A_118 : i32
        scf.if %cond3A_119 {
          %dma_wait3A_168 = arith.constant 0 : i32
          %dma_wait3A_169 = arith.constant 1 : i32
          %dma_wait3A_170 = arith.constant 0 : i32
          %dma_wait3A_171 = tpu.memref_slice %arg6[%dma_wait3A_168, %dma_wait3A_169, %dma_wait3A_170] : memref<40x2x128xi32, #tpu.memory_space<vmem>> -> memref<1x1x128xi32, #tpu.memory_space<vmem>>
          %dma_wait3A_172 = tpu.memref_squeeze %dma_wait3A_171 : memref<1x1x128xi32, #tpu.memory_space<vmem>> -> memref<128xi32, #tpu.memory_space<vmem>>
          %dma_wait3A_173 = arith.constant 0 : i32
          %dma_wait3A_174 = arith.constant 0 : i32
          %dma_wait3A_175 = tpu.memref_slice %arg5[%dma_wait3A_173, %dma_wait3A_174] : memref<10240x128xf32, #tpu.memory_space<vmem_shared>> -> memref<10240x128xf32, #tpu.memory_space<vmem_shared>>
          tpu.wait_indirect_dma semaphore(%arg10 : memref<!tpu.dma_semaphore, #tpu.memory_space<semaphore_mem>>) src(%arg8 : memref<128x128xf32, #tpu.memory_space<vmem>>) dst(%dma_wait3A_175 : memref<10240x128xf32, #tpu.memory_space<vmem_shared>>)
        } else {
        }
        %add3A_120 = arith.constant 1 : i32
        %add3A_121 = arith.addi %mul3A_108, %add3A_120 : i32
        %dma_start3A_122 = arith.constant 0 : i32
        %dma_start3A_123 = arith.constant 0 : i32
        %dma_start3A_124 = tpu.memref_slice %arg6[%add3A_121, %dma_start3A_122, %dma_start3A_123] : memref<40x2x128xi32, #tpu.memory_space<vmem>> -> memref<1x1x128xi32, #tpu.memory_space<vmem>>
        %dma_start3A_125 = tpu.memref_squeeze %dma_start3A_124 : memref<1x1x128xi32, #tpu.memory_space<vmem>> -> memref<128xi32, #tpu.memory_space<vmem>>
        %dma_start3A_126 = arith.constant 0 : i32
        %dma_start3A_127 = arith.constant 0 : i32
        %dma_start3A_128 = tpu.memref_slice %arg2[%dma_start3A_126, %dma_start3A_127] : memref<10240x128xf32, #tpu.memory_space<hbm>> -> memref<10240x128xf32, #tpu.memory_space<hbm>>
        tpu.enqueue_indirect_dma source(%dma_start3A_128 : memref<10240x128xf32, #tpu.memory_space<hbm>>) target(%arg8 : memref<128x128xf32, #tpu.memory_space<vmem>>) offsets(%dma_start3A_125 : memref<128xi32, #tpu.memory_space<vmem>>) semaphore(%arg9 : memref<!tpu.dma_semaphore, #tpu.memory_space<semaphore_mem>>)
        %dma_start3A_129 = arith.constant 1 : i32
        %dma_start3A_130 = arith.constant 0 : i32
        %dma_start3A_131 = tpu.memref_slice %arg6[%mul3A_108, %dma_start3A_129, %dma_start3A_130] : memref<40x2x128xi32, #tpu.memory_space<vmem>> -> memref<1x1x128xi32, #tpu.memory_space<vmem>>
        %dma_start3A_132 = tpu.memref_squeeze %dma_start3A_131 : memref<1x1x128xi32, #tpu.memory_space<vmem>> -> memref<128xi32, #tpu.memory_space<vmem>>
        %dma_start3A_133 = arith.constant 0 : i32
        %dma_start3A_134 = arith.constant 0 : i32
        %dma_start3A_135 = tpu.memref_slice %arg5[%dma_start3A_133, %dma_start3A_134] : memref<10240x128xf32, #tpu.memory_space<vmem_shared>> -> memref<10240x128xf32, #tpu.memory_space<vmem_shared>>
        tpu.enqueue_indirect_dma source(%arg7 : memref<128x128xf32, #tpu.memory_space<vmem>>) target(%dma_start3A_135 : memref<10240x128xf32, #tpu.memory_space<vmem_shared>>) offsets(%dma_start3A_132 : memref<128xi32, #tpu.memory_space<vmem>>) semaphore(%arg10 : memref<!tpu.dma_semaphore, #tpu.memory_space<semaphore_mem>>) {add = true}
        %add3A_136 = arith.constant 1 : i32
        %add3A_137 = arith.addi %mul3A_108, %add3A_136 : i32
        %dma_wait3A_138 = arith.constant 0 : i32
        %dma_wait3A_139 = arith.constant 0 : i32
        %dma_wait3A_140 = tpu.memref_slice %arg6[%add3A_137, %dma_wait3A_138, %dma_wait3A_139] : memref<40x2x128xi32, #tpu.memory_space<vmem>> -> memref<1x1x128xi32, #tpu.memory_space<vmem>>
        %dma_wait3A_141 = tpu.memref_squeeze %dma_wait3A_140 : memref<1x1x128xi32, #tpu.memory_space<vmem>> -> memref<128xi32, #tpu.memory_space<vmem>>
        %dma_wait3A_142 = arith.constant 0 : i32
        %dma_wait3A_143 = arith.constant 0 : i32
        %dma_wait3A_144 = tpu.memref_slice %arg2[%dma_wait3A_142, %dma_wait3A_143] : memref<10240x128xf32, #tpu.memory_space<hbm>> -> memref<10240x128xf32, #tpu.memory_space<hbm>>
        tpu.wait_indirect_dma semaphore(%arg9 : memref<!tpu.dma_semaphore, #tpu.memory_space<semaphore_mem>>) src(%dma_wait3A_144 : memref<10240x128xf32, #tpu.memory_space<hbm>>) dst(%arg8 : memref<128x128xf32, #tpu.memory_space<vmem>>)
        %dma_wait3A_145 = arith.constant 0 : i32
        %dma_wait3A_146 = arith.constant 1 : i32
        %dma_wait3A_147 = arith.constant 0 : i32
        %dma_wait3A_148 = tpu.memref_slice %arg6[%dma_wait3A_145, %dma_wait3A_146, %dma_wait3A_147] : memref<40x2x128xi32, #tpu.memory_space<vmem>> -> memref<1x1x128xi32, #tpu.memory_space<vmem>>
        %dma_wait3A_149 = tpu.memref_squeeze %dma_wait3A_148 : memref<1x1x128xi32, #tpu.memory_space<vmem>> -> memref<128xi32, #tpu.memory_space<vmem>>
        %dma_wait3A_150 = arith.constant 0 : i32
        %dma_wait3A_151 = arith.constant 0 : i32
        %dma_wait3A_152 = tpu.memref_slice %arg5[%dma_wait3A_150, %dma_wait3A_151] : memref<10240x128xf32, #tpu.memory_space<vmem_shared>> -> memref<10240x128xf32, #tpu.memory_space<vmem_shared>>
        tpu.wait_indirect_dma semaphore(%arg10 : memref<!tpu.dma_semaphore, #tpu.memory_space<semaphore_mem>>) src(%arg7 : memref<128x128xf32, #tpu.memory_space<vmem>>) dst(%dma_wait3A_152 : memref<10240x128xf32, #tpu.memory_space<vmem_shared>>)
        %add3A_153 = arith.constant 2 : i32
        %add3A_154 = arith.addi %mul3A_108, %add3A_153 : i32
        %lt3A = arith.constant 40 : i32
        %lt3A_155 = arith.cmpi slt, %add3A_154, %lt3A : i32
        %convert_element_type3A_156 = arith.extui %lt3A_155 : i1 to i32
        %cond3A_157 = arith.constant 0 : i32
        %cond3A_158 = arith.cmpi ne, %convert_element_type3A_156, %cond3A_157 : i32
        scf.if %cond3A_158 {
          %add3A_168 = arith.constant 2 : i32
          %add3A_169 = arith.addi %mul3A_108, %add3A_168 : i32
          %dma_start3A_170 = arith.constant 0 : i32
          %dma_start3A_171 = arith.constant 0 : i32
          %dma_start3A_172 = tpu.memref_slice %arg6[%add3A_169, %dma_start3A_170, %dma_start3A_171] : memref<40x2x128xi32, #tpu.memory_space<vmem>> -> memref<1x1x128xi32, #tpu.memory_space<vmem>>
          %dma_start3A_173 = tpu.memref_squeeze %dma_start3A_172 : memref<1x1x128xi32, #tpu.memory_space<vmem>> -> memref<128xi32, #tpu.memory_space<vmem>>
          %dma_start3A_174 = arith.constant 0 : i32
          %dma_start3A_175 = arith.constant 0 : i32
          %dma_start3A_176 = tpu.memref_slice %arg2[%dma_start3A_174, %dma_start3A_175] : memref<10240x128xf32, #tpu.memory_space<hbm>> -> memref<10240x128xf32, #tpu.memory_space<hbm>>
          tpu.enqueue_indirect_dma source(%dma_start3A_176 : memref<10240x128xf32, #tpu.memory_space<hbm>>) target(%arg7 : memref<128x128xf32, #tpu.memory_space<vmem>>) offsets(%dma_start3A_173 : memref<128xi32, #tpu.memory_space<vmem>>) semaphore(%arg9 : memref<!tpu.dma_semaphore, #tpu.memory_space<semaphore_mem>>)
        } else {
        }
        %add3A_159 = arith.constant 1 : i32
        %add3A_160 = arith.addi %mul3A_108, %add3A_159 : i32
        %dma_start3A_161 = arith.constant 1 : i32
        %dma_start3A_162 = arith.constant 0 : i32
        %dma_start3A_163 = tpu.memref_slice %arg6[%add3A_160, %dma_start3A_161, %dma_start3A_162] : memref<40x2x128xi32, #tpu.memory_space<vmem>> -> memref<1x1x128xi32, #tpu.memory_space<vmem>>
        %dma_start3A_164 = tpu.memref_squeeze %dma_start3A_163 : memref<1x1x128xi32, #tpu.memory_space<vmem>> -> memref<128xi32, #tpu.memory_space<vmem>>
        %dma_start3A_165 = arith.constant 0 : i32
        %dma_start3A_166 = arith.constant 0 : i32
        %dma_start3A_167 = tpu.memref_slice %arg5[%dma_start3A_165, %dma_start3A_166] : memref<10240x128xf32, #tpu.memory_space<vmem_shared>> -> memref<10240x128xf32, #tpu.memory_space<vmem_shared>>
        tpu.enqueue_indirect_dma source(%arg8 : memref<128x128xf32, #tpu.memory_space<vmem>>) target(%dma_start3A_167 : memref<10240x128xf32, #tpu.memory_space<vmem_shared>>) offsets(%dma_start3A_164 : memref<128xi32, #tpu.memory_space<vmem>>) semaphore(%arg10 : memref<!tpu.dma_semaphore, #tpu.memory_space<semaphore_mem>>) {add = true}
      }
      %scan3A_49 = arith.constant 20 : i32
      %dma_wait3A_50 = arith.constant 0 : i32
      %dma_wait3A_51 = arith.constant 1 : i32
      %dma_wait3A_52 = arith.constant 0 : i32
      %dma_wait3A_53 = tpu.memref_slice %arg6[%dma_wait3A_50, %dma_wait3A_51, %dma_wait3A_52] : memref<40x2x128xi32, #tpu.memory_space<vmem>> -> memref<1x1x128xi32, #tpu.memory_space<vmem>>
      %dma_wait3A_54 = tpu.memref_squeeze %dma_wait3A_53 : memref<1x1x128xi32, #tpu.memory_space<vmem>> -> memref<128xi32, #tpu.memory_space<vmem>>
      %dma_wait3A_55 = arith.constant 0 : i32
      %dma_wait3A_56 = arith.constant 0 : i32
      %dma_wait3A_57 = tpu.memref_slice %arg5[%dma_wait3A_55, %dma_wait3A_56] : memref<10240x128xf32, #tpu.memory_space<vmem_shared>> -> memref<10240x128xf32, #tpu.memory_space<vmem_shared>>
      tpu.wait_indirect_dma semaphore(%arg10 : memref<!tpu.dma_semaphore, #tpu.memory_space<semaphore_mem>>) src(%arg8 : memref<128x128xf32, #tpu.memory_space<vmem>>) dst(%dma_wait3A_57 : memref<10240x128xf32, #tpu.memory_space<vmem_shared>>)
      %add3A_58 = arith.constant 80 : i32
      %add3A_59 = arith.addi %mul3A_13, %add3A_58 : i32
      "tpu.region"() ({
        %run_scoped3A = tpu.sem_alloc : memref<!tpu.dma_semaphore, #tpu.memory_space<semaphore_mem>>
        %dma_start3A_106 = arith.constant 0 : i32
        %dma_start3A_107 = arith.constant 0 : i32
        %dma_start3A_108 = arith.constant 0 : i32
        %dma_start3A_109 = tpu.memref_slice %arg6[%dma_start3A_106, %dma_start3A_107, %dma_start3A_108] : memref<40x2x128xi32, #tpu.memory_space<vmem>> -> memref<40x2x128xi32, #tpu.memory_space<vmem>>
        %dma_start3A_110 = arith.constant 0 : i32
        %dma_start3A_111 = arith.constant 0 : i32
        %dma_start3A_112 = tpu.memref_slice %arg3[%add3A_59, %dma_start3A_110, %dma_start3A_111] : memref<2560x2x128xi32, #tpu.memory_space<hbm>> -> memref<40x2x128xi32, #tpu.memory_space<hbm>>
        %dma_start3A_113 = arith.constant 0 : i32
        %dma_start3A_114 = arith.constant 0 : i32
        %dma_start3A_115 = arith.constant 0 : i32
        %dma_start3A_116 = tpu.memref_slice %arg6[%dma_start3A_113, %dma_start3A_114, %dma_start3A_115] : memref<40x2x128xi32, #tpu.memory_space<vmem>> -> memref<40x2x128xi32, #tpu.memory_space<vmem>>
        %dma_start3A_117 = arith.constant 0 : i32
        %dma_start3A_118 = arith.constant 0 : i32
        %dma_start3A_119 = tpu.memref_slice %arg3[%add3A_59, %dma_start3A_117, %dma_start3A_118] : memref<2560x2x128xi32, #tpu.memory_space<hbm>> -> memref<40x2x128xi32, #tpu.memory_space<hbm>>
        tpu.enqueue_dma source(%dma_start3A_119 : memref<40x2x128xi32, #tpu.memory_space<hbm>>) target(%dma_start3A_116 : memref<40x2x128xi32, #tpu.memory_space<vmem>>) target_semaphore(%run_scoped3A : memref<!tpu.dma_semaphore, #tpu.memory_space<semaphore_mem>>)
        %dma_wait3A_120 = arith.constant 0 : i32
        %dma_wait3A_121 = arith.constant 0 : i32
        %dma_wait3A_122 = arith.constant 0 : i32
        %dma_wait3A_123 = tpu.memref_slice %arg6[%dma_wait3A_120, %dma_wait3A_121, %dma_wait3A_122] : memref<40x2x128xi32, #tpu.memory_space<vmem>> -> memref<40x2x128xi32, #tpu.memory_space<vmem>>
        %dma_wait3A_124 = arith.constant 0 : i32
        %dma_wait3A_125 = arith.constant 0 : i32
        %dma_wait3A_126 = tpu.memref_slice %arg3[%add3A_59, %dma_wait3A_124, %dma_wait3A_125] : memref<2560x2x128xi32, #tpu.memory_space<hbm>> -> memref<40x2x128xi32, #tpu.memory_space<hbm>>
        %dma_wait3A_127 = arith.constant 0 : i32
        %dma_wait3A_128 = arith.constant 0 : i32
        %dma_wait3A_129 = arith.constant 0 : i32
        %dma_wait3A_130 = tpu.memref_slice %arg6[%dma_wait3A_127, %dma_wait3A_128, %dma_wait3A_129] : memref<40x2x128xi32, #tpu.memory_space<vmem>> -> memref<40x2x128xi32, #tpu.memory_space<vmem>>
        %dma_wait3A_131 = arith.constant 0 : i32
        %dma_wait3A_132 = arith.constant 0 : i32
        %dma_wait3A_133 = tpu.memref_slice %arg3[%add3A_59, %dma_wait3A_131, %dma_wait3A_132] : memref<2560x2x128xi32, #tpu.memory_space<hbm>> -> memref<40x2x128xi32, #tpu.memory_space<hbm>>
        tpu.wait_dma2 semaphore(%run_scoped3A : memref<!tpu.dma_semaphore, #tpu.memory_space<semaphore_mem>>) src(%dma_wait3A_133 : memref<40x2x128xi32, #tpu.memory_space<hbm>>) dst(%dma_wait3A_130 : memref<40x2x128xi32, #tpu.memory_space<vmem>>)
        tpu.yield
      }) : () -> ()
      %dma_start3A_60 = arith.constant 0 : i32
      %dma_start3A_61 = arith.constant 0 : i32
      %dma_start3A_62 = arith.constant 0 : i32
      %dma_start3A_63 = tpu.memref_slice %arg6[%dma_start3A_60, %dma_start3A_61, %dma_start3A_62] : memref<40x2x128xi32, #tpu.memory_space<vmem>> -> memref<1x1x128xi32, #tpu.memory_space<vmem>>
      %dma_start3A_64 = tpu.memref_squeeze %dma_start3A_63 : memref<1x1x128xi32, #tpu.memory_space<vmem>> -> memref<128xi32, #tpu.memory_space<vmem>>
      %dma_start3A_65 = arith.constant 0 : i32
      %dma_start3A_66 = arith.constant 0 : i32
      %dma_start3A_67 = tpu.memref_slice %arg2[%dma_start3A_65, %dma_start3A_66] : memref<10240x128xf32, #tpu.memory_space<hbm>> -> memref<10240x128xf32, #tpu.memory_space<hbm>>
      tpu.enqueue_indirect_dma source(%dma_start3A_67 : memref<10240x128xf32, #tpu.memory_space<hbm>>) target(%arg7 : memref<128x128xf32, #tpu.memory_space<vmem>>) offsets(%dma_start3A_64 : memref<128xi32, #tpu.memory_space<vmem>>) semaphore(%arg9 : memref<!tpu.dma_semaphore, #tpu.memory_space<semaphore_mem>>)
      %scan3A_68 = arith.constant 0 : i32
      %scan3A_69 = arith.constant 0 : i32
      %scan3A_70 = arith.constant 20 : i32
      %scan3A_71 = arith.addi %scan3A_69, %scan3A_70 : i32
      %scan3A_72 = arith.constant 1 : i32
      scf.for %scan3A_106 = %scan3A_69 to %scan3A_71 step %scan3A_72  : i32 {
        %mul3A_107 = arith.constant 2 : i32
        %mul3A_108 = arith.muli %mul3A_107, %scan3A_106 : i32
        %dma_wait3A_109 = arith.constant 0 : i32
        %dma_wait3A_110 = arith.constant 0 : i32
        %dma_wait3A_111 = tpu.memref_slice %arg6[%mul3A_108, %dma_wait3A_109, %dma_wait3A_110] : memref<40x2x128xi32, #tpu.memory_space<vmem>> -> memref<1x1x128xi32, #tpu.memory_space<vmem>>
        %dma_wait3A_112 = tpu.memref_squeeze %dma_wait3A_111 : memref<1x1x128xi32, #tpu.memory_space<vmem>> -> memref<128xi32, #tpu.memory_space<vmem>>
        %dma_wait3A_113 = arith.constant 0 : i32
        %dma_wait3A_114 = arith.constant 0 : i32
        %dma_wait3A_115 = tpu.memref_slice %arg2[%dma_wait3A_113, %dma_wait3A_114] : memref<10240x128xf32, #tpu.memory_space<hbm>> -> memref<10240x128xf32, #tpu.memory_space<hbm>>
        tpu.wait_indirect_dma semaphore(%arg9 : memref<!tpu.dma_semaphore, #tpu.memory_space<semaphore_mem>>) src(%dma_wait3A_115 : memref<10240x128xf32, #tpu.memory_space<hbm>>) dst(%arg7 : memref<128x128xf32, #tpu.memory_space<vmem>>)
        %gt3A = arith.constant 0 : i32
        %gt3A_116 = arith.cmpi sgt, %scan3A_106, %gt3A : i32
        %convert_element_type3A_117 = arith.extui %gt3A_116 : i1 to i32
        %cond3A_118 = arith.constant 0 : i32
        %cond3A_119 = arith.cmpi ne, %convert_element_type3A_117, %cond3A_118 : i32
        scf.if %cond3A_119 {
          %dma_wait3A_168 = arith.constant 0 : i32
          %dma_wait3A_169 = arith.constant 1 : i32
          %dma_wait3A_170 = arith.constant 0 : i32
          %dma_wait3A_171 = tpu.memref_slice %arg6[%dma_wait3A_168, %dma_wait3A_169, %dma_wait3A_170] : memref<40x2x128xi32, #tpu.memory_space<vmem>> -> memref<1x1x128xi32, #tpu.memory_space<vmem>>
          %dma_wait3A_172 = tpu.memref_squeeze %dma_wait3A_171 : memref<1x1x128xi32, #tpu.memory_space<vmem>> -> memref<128xi32, #tpu.memory_space<vmem>>
          %dma_wait3A_173 = arith.constant 0 : i32
          %dma_wait3A_174 = arith.constant 0 : i32
          %dma_wait3A_175 = tpu.memref_slice %arg5[%dma_wait3A_173, %dma_wait3A_174] : memref<10240x128xf32, #tpu.memory_space<vmem_shared>> -> memref<10240x128xf32, #tpu.memory_space<vmem_shared>>
          tpu.wait_indirect_dma semaphore(%arg10 : memref<!tpu.dma_semaphore, #tpu.memory_space<semaphore_mem>>) src(%arg8 : memref<128x128xf32, #tpu.memory_space<vmem>>) dst(%dma_wait3A_175 : memref<10240x128xf32, #tpu.memory_space<vmem_shared>>)
        } else {
        }
        %add3A_120 = arith.constant 1 : i32
        %add3A_121 = arith.addi %mul3A_108, %add3A_120 : i32
        %dma_start3A_122 = arith.constant 0 : i32
        %dma_start3A_123 = arith.constant 0 : i32
        %dma_start3A_124 = tpu.memref_slice %arg6[%add3A_121, %dma_start3A_122, %dma_start3A_123] : memref<40x2x128xi32, #tpu.memory_space<vmem>> -> memref<1x1x128xi32, #tpu.memory_space<vmem>>
        %dma_start3A_125 = tpu.memref_squeeze %dma_start3A_124 : memref<1x1x128xi32, #tpu.memory_space<vmem>> -> memref<128xi32, #tpu.memory_space<vmem>>
        %dma_start3A_126 = arith.constant 0 : i32
        %dma_start3A_127 = arith.constant 0 : i32
        %dma_start3A_128 = tpu.memref_slice %arg2[%dma_start3A_126, %dma_start3A_127] : memref<10240x128xf32, #tpu.memory_space<hbm>> -> memref<10240x128xf32, #tpu.memory_space<hbm>>
        tpu.enqueue_indirect_dma source(%dma_start3A_128 : memref<10240x128xf32, #tpu.memory_space<hbm>>) target(%arg8 : memref<128x128xf32, #tpu.memory_space<vmem>>) offsets(%dma_start3A_125 : memref<128xi32, #tpu.memory_space<vmem>>) semaphore(%arg9 : memref<!tpu.dma_semaphore, #tpu.memory_space<semaphore_mem>>)
        %dma_start3A_129 = arith.constant 1 : i32
        %dma_start3A_130 = arith.constant 0 : i32
        %dma_start3A_131 = tpu.memref_slice %arg6[%mul3A_108, %dma_start3A_129, %dma_start3A_130] : memref<40x2x128xi32, #tpu.memory_space<vmem>> -> memref<1x1x128xi32, #tpu.memory_space<vmem>>
        %dma_start3A_132 = tpu.memref_squeeze %dma_start3A_131 : memref<1x1x128xi32, #tpu.memory_space<vmem>> -> memref<128xi32, #tpu.memory_space<vmem>>
        %dma_start3A_133 = arith.constant 0 : i32
        %dma_start3A_134 = arith.constant 0 : i32
        %dma_start3A_135 = tpu.memref_slice %arg5[%dma_start3A_133, %dma_start3A_134] : memref<10240x128xf32, #tpu.memory_space<vmem_shared>> -> memref<10240x128xf32, #tpu.memory_space<vmem_shared>>
        tpu.enqueue_indirect_dma source(%arg7 : memref<128x128xf32, #tpu.memory_space<vmem>>) target(%dma_start3A_135 : memref<10240x128xf32, #tpu.memory_space<vmem_shared>>) offsets(%dma_start3A_132 : memref<128xi32, #tpu.memory_space<vmem>>) semaphore(%arg10 : memref<!tpu.dma_semaphore, #tpu.memory_space<semaphore_mem>>) {add = true}
        %add3A_136 = arith.constant 1 : i32
        %add3A_137 = arith.addi %mul3A_108, %add3A_136 : i32
        %dma_wait3A_138 = arith.constant 0 : i32
        %dma_wait3A_139 = arith.constant 0 : i32
        %dma_wait3A_140 = tpu.memref_slice %arg6[%add3A_137, %dma_wait3A_138, %dma_wait3A_139] : memref<40x2x128xi32, #tpu.memory_space<vmem>> -> memref<1x1x128xi32, #tpu.memory_space<vmem>>
        %dma_wait3A_141 = tpu.memref_squeeze %dma_wait3A_140 : memref<1x1x128xi32, #tpu.memory_space<vmem>> -> memref<128xi32, #tpu.memory_space<vmem>>
        %dma_wait3A_142 = arith.constant 0 : i32
        %dma_wait3A_143 = arith.constant 0 : i32
        %dma_wait3A_144 = tpu.memref_slice %arg2[%dma_wait3A_142, %dma_wait3A_143] : memref<10240x128xf32, #tpu.memory_space<hbm>> -> memref<10240x128xf32, #tpu.memory_space<hbm>>
        tpu.wait_indirect_dma semaphore(%arg9 : memref<!tpu.dma_semaphore, #tpu.memory_space<semaphore_mem>>) src(%dma_wait3A_144 : memref<10240x128xf32, #tpu.memory_space<hbm>>) dst(%arg8 : memref<128x128xf32, #tpu.memory_space<vmem>>)
        %dma_wait3A_145 = arith.constant 0 : i32
        %dma_wait3A_146 = arith.constant 1 : i32
        %dma_wait3A_147 = arith.constant 0 : i32
        %dma_wait3A_148 = tpu.memref_slice %arg6[%dma_wait3A_145, %dma_wait3A_146, %dma_wait3A_147] : memref<40x2x128xi32, #tpu.memory_space<vmem>> -> memref<1x1x128xi32, #tpu.memory_space<vmem>>
        %dma_wait3A_149 = tpu.memref_squeeze %dma_wait3A_148 : memref<1x1x128xi32, #tpu.memory_space<vmem>> -> memref<128xi32, #tpu.memory_space<vmem>>
        %dma_wait3A_150 = arith.constant 0 : i32
        %dma_wait3A_151 = arith.constant 0 : i32
        %dma_wait3A_152 = tpu.memref_slice %arg5[%dma_wait3A_150, %dma_wait3A_151] : memref<10240x128xf32, #tpu.memory_space<vmem_shared>> -> memref<10240x128xf32, #tpu.memory_space<vmem_shared>>
        tpu.wait_indirect_dma semaphore(%arg10 : memref<!tpu.dma_semaphore, #tpu.memory_space<semaphore_mem>>) src(%arg7 : memref<128x128xf32, #tpu.memory_space<vmem>>) dst(%dma_wait3A_152 : memref<10240x128xf32, #tpu.memory_space<vmem_shared>>)
        %add3A_153 = arith.constant 2 : i32
        %add3A_154 = arith.addi %mul3A_108, %add3A_153 : i32
        %lt3A = arith.constant 40 : i32
        %lt3A_155 = arith.cmpi slt, %add3A_154, %lt3A : i32
        %convert_element_type3A_156 = arith.extui %lt3A_155 : i1 to i32
        %cond3A_157 = arith.constant 0 : i32
        %cond3A_158 = arith.cmpi ne, %convert_element_type3A_156, %cond3A_157 : i32
        scf.if %cond3A_158 {
          %add3A_168 = arith.constant 2 : i32
          %add3A_169 = arith.addi %mul3A_108, %add3A_168 : i32
          %dma_start3A_170 = arith.constant 0 : i32
          %dma_start3A_171 = arith.constant 0 : i32
          %dma_start3A_172 = tpu.memref_slice %arg6[%add3A_169, %dma_start3A_170, %dma_start3A_171] : memref<40x2x128xi32, #tpu.memory_space<vmem>> -> memref<1x1x128xi32, #tpu.memory_space<vmem>>
          %dma_start3A_173 = tpu.memref_squeeze %dma_start3A_172 : memref<1x1x128xi32, #tpu.memory_space<vmem>> -> memref<128xi32, #tpu.memory_space<vmem>>
          %dma_start3A_174 = arith.constant 0 : i32
          %dma_start3A_175 = arith.constant 0 : i32
          %dma_start3A_176 = tpu.memref_slice %arg2[%dma_start3A_174, %dma_start3A_175] : memref<10240x128xf32, #tpu.memory_space<hbm>> -> memref<10240x128xf32, #tpu.memory_space<hbm>>
          tpu.enqueue_indirect_dma source(%dma_start3A_176 : memref<10240x128xf32, #tpu.memory_space<hbm>>) target(%arg7 : memref<128x128xf32, #tpu.memory_space<vmem>>) offsets(%dma_start3A_173 : memref<128xi32, #tpu.memory_space<vmem>>) semaphore(%arg9 : memref<!tpu.dma_semaphore, #tpu.memory_space<semaphore_mem>>)
        } else {
        }
        %add3A_159 = arith.constant 1 : i32
        %add3A_160 = arith.addi %mul3A_108, %add3A_159 : i32
        %dma_start3A_161 = arith.constant 1 : i32
        %dma_start3A_162 = arith.constant 0 : i32
        %dma_start3A_163 = tpu.memref_slice %arg6[%add3A_160, %dma_start3A_161, %dma_start3A_162] : memref<40x2x128xi32, #tpu.memory_space<vmem>> -> memref<1x1x128xi32, #tpu.memory_space<vmem>>
        %dma_start3A_164 = tpu.memref_squeeze %dma_start3A_163 : memref<1x1x128xi32, #tpu.memory_space<vmem>> -> memref<128xi32, #tpu.memory_space<vmem>>
        %dma_start3A_165 = arith.constant 0 : i32
        %dma_start3A_166 = arith.constant 0 : i32
        %dma_start3A_167 = tpu.memref_slice %arg5[%dma_start3A_165, %dma_start3A_166] : memref<10240x128xf32, #tpu.memory_space<vmem_shared>> -> memref<10240x128xf32, #tpu.memory_space<vmem_shared>>
        tpu.enqueue_indirect_dma source(%arg8 : memref<128x128xf32, #tpu.memory_space<vmem>>) target(%dma_start3A_167 : memref<10240x128xf32, #tpu.memory_space<vmem_shared>>) offsets(%dma_start3A_164 : memref<128xi32, #tpu.memory_space<vmem>>) semaphore(%arg10 : memref<!tpu.dma_semaphore, #tpu.memory_space<semaphore_mem>>) {add = true}
      }
      %scan3A_73 = arith.constant 20 : i32
      %dma_wait3A_74 = arith.constant 0 : i32
      %dma_wait3A_75 = arith.constant 1 : i32
      %dma_wait3A_76 = arith.constant 0 : i32
      %dma_wait3A_77 = tpu.memref_slice %arg6[%dma_wait3A_74, %dma_wait3A_75, %dma_wait3A_76] : memref<40x2x128xi32, #tpu.memory_space<vmem>> -> memref<1x1x128xi32, #tpu.memory_space<vmem>>
      %dma_wait3A_78 = tpu.memref_squeeze %dma_wait3A_77 : memref<1x1x128xi32, #tpu.memory_space<vmem>> -> memref<128xi32, #tpu.memory_space<vmem>>
      %dma_wait3A_79 = arith.constant 0 : i32
      %dma_wait3A_80 = arith.constant 0 : i32
      %dma_wait3A_81 = tpu.memref_slice %arg5[%dma_wait3A_79, %dma_wait3A_80] : memref<10240x128xf32, #tpu.memory_space<vmem_shared>> -> memref<10240x128xf32, #tpu.memory_space<vmem_shared>>
      tpu.wait_indirect_dma semaphore(%arg10 : memref<!tpu.dma_semaphore, #tpu.memory_space<semaphore_mem>>) src(%arg8 : memref<128x128xf32, #tpu.memory_space<vmem>>) dst(%dma_wait3A_81 : memref<10240x128xf32, #tpu.memory_space<vmem_shared>>)
      %add3A_82 = arith.constant 120 : i32
      %add3A_83 = arith.addi %mul3A_13, %add3A_82 : i32
      "tpu.region"() ({
        %run_scoped3A = tpu.sem_alloc : memref<!tpu.dma_semaphore, #tpu.memory_space<semaphore_mem>>
        %dma_start3A_106 = arith.constant 0 : i32
        %dma_start3A_107 = arith.constant 0 : i32
        %dma_start3A_108 = arith.constant 0 : i32
        %dma_start3A_109 = tpu.memref_slice %arg6[%dma_start3A_106, %dma_start3A_107, %dma_start3A_108] : memref<40x2x128xi32, #tpu.memory_space<vmem>> -> memref<40x2x128xi32, #tpu.memory_space<vmem>>
        %dma_start3A_110 = arith.constant 0 : i32
        %dma_start3A_111 = arith.constant 0 : i32
        %dma_start3A_112 = tpu.memref_slice %arg3[%add3A_83, %dma_start3A_110, %dma_start3A_111] : memref<2560x2x128xi32, #tpu.memory_space<hbm>> -> memref<40x2x128xi32, #tpu.memory_space<hbm>>
        %dma_start3A_113 = arith.constant 0 : i32
        %dma_start3A_114 = arith.constant 0 : i32
        %dma_start3A_115 = arith.constant 0 : i32
        %dma_start3A_116 = tpu.memref_slice %arg6[%dma_start3A_113, %dma_start3A_114, %dma_start3A_115] : memref<40x2x128xi32, #tpu.memory_space<vmem>> -> memref<40x2x128xi32, #tpu.memory_space<vmem>>
        %dma_start3A_117 = arith.constant 0 : i32
        %dma_start3A_118 = arith.constant 0 : i32
        %dma_start3A_119 = tpu.memref_slice %arg3[%add3A_83, %dma_start3A_117, %dma_start3A_118] : memref<2560x2x128xi32, #tpu.memory_space<hbm>> -> memref<40x2x128xi32, #tpu.memory_space<hbm>>
        tpu.enqueue_dma source(%dma_start3A_119 : memref<40x2x128xi32, #tpu.memory_space<hbm>>) target(%dma_start3A_116 : memref<40x2x128xi32, #tpu.memory_space<vmem>>) target_semaphore(%run_scoped3A : memref<!tpu.dma_semaphore, #tpu.memory_space<semaphore_mem>>)
        %dma_wait3A_120 = arith.constant 0 : i32
        %dma_wait3A_121 = arith.constant 0 : i32
        %dma_wait3A_122 = arith.constant 0 : i32
        %dma_wait3A_123 = tpu.memref_slice %arg6[%dma_wait3A_120, %dma_wait3A_121, %dma_wait3A_122] : memref<40x2x128xi32, #tpu.memory_space<vmem>> -> memref<40x2x128xi32, #tpu.memory_space<vmem>>
        %dma_wait3A_124 = arith.constant 0 : i32
        %dma_wait3A_125 = arith.constant 0 : i32
        %dma_wait3A_126 = tpu.memref_slice %arg3[%add3A_83, %dma_wait3A_124, %dma_wait3A_125] : memref<2560x2x128xi32, #tpu.memory_space<hbm>> -> memref<40x2x128xi32, #tpu.memory_space<hbm>>
        %dma_wait3A_127 = arith.constant 0 : i32
        %dma_wait3A_128 = arith.constant 0 : i32
        %dma_wait3A_129 = arith.constant 0 : i32
        %dma_wait3A_130 = tpu.memref_slice %arg6[%dma_wait3A_127, %dma_wait3A_128, %dma_wait3A_129] : memref<40x2x128xi32, #tpu.memory_space<vmem>> -> memref<40x2x128xi32, #tpu.memory_space<vmem>>
        %dma_wait3A_131 = arith.constant 0 : i32
        %dma_wait3A_132 = arith.constant 0 : i32
        %dma_wait3A_133 = tpu.memref_slice %arg3[%add3A_83, %dma_wait3A_131, %dma_wait3A_132] : memref<2560x2x128xi32, #tpu.memory_space<hbm>> -> memref<40x2x128xi32, #tpu.memory_space<hbm>>
        tpu.wait_dma2 semaphore(%run_scoped3A : memref<!tpu.dma_semaphore, #tpu.memory_space<semaphore_mem>>) src(%dma_wait3A_133 : memref<40x2x128xi32, #tpu.memory_space<hbm>>) dst(%dma_wait3A_130 : memref<40x2x128xi32, #tpu.memory_space<vmem>>)
        tpu.yield
      }) : () -> ()
      %dma_start3A_84 = arith.constant 0 : i32
      %dma_start3A_85 = arith.constant 0 : i32
      %dma_start3A_86 = arith.constant 0 : i32
      %dma_start3A_87 = tpu.memref_slice %arg6[%dma_start3A_84, %dma_start3A_85, %dma_start3A_86] : memref<40x2x128xi32, #tpu.memory_space<vmem>> -> memref<1x1x128xi32, #tpu.memory_space<vmem>>
      %dma_start3A_88 = tpu.memref_squeeze %dma_start3A_87 : memref<1x1x128xi32, #tpu.memory_space<vmem>> -> memref<128xi32, #tpu.memory_space<vmem>>
      %dma_start3A_89 = arith.constant 0 : i32
      %dma_start3A_90 = arith.constant 0 : i32
      %dma_start3A_91 = tpu.memref_slice %arg2[%dma_start3A_89, %dma_start3A_90] : memref<10240x128xf32, #tpu.memory_space<hbm>> -> memref<10240x128xf32, #tpu.memory_space<hbm>>
      tpu.enqueue_indirect_dma source(%dma_start3A_91 : memref<10240x128xf32, #tpu.memory_space<hbm>>) target(%arg7 : memref<128x128xf32, #tpu.memory_space<vmem>>) offsets(%dma_start3A_88 : memref<128xi32, #tpu.memory_space<vmem>>) semaphore(%arg9 : memref<!tpu.dma_semaphore, #tpu.memory_space<semaphore_mem>>)
      %scan3A_92 = arith.constant 0 : i32
      %scan3A_93 = arith.constant 0 : i32
      %scan3A_94 = arith.constant 20 : i32
      %scan3A_95 = arith.addi %scan3A_93, %scan3A_94 : i32
      %scan3A_96 = arith.constant 1 : i32
      scf.for %scan3A_106 = %scan3A_93 to %scan3A_95 step %scan3A_96  : i32 {
        %mul3A_107 = arith.constant 2 : i32
        %mul3A_108 = arith.muli %mul3A_107, %scan3A_106 : i32
        %dma_wait3A_109 = arith.constant 0 : i32
        %dma_wait3A_110 = arith.constant 0 : i32
        %dma_wait3A_111 = tpu.memref_slice %arg6[%mul3A_108, %dma_wait3A_109, %dma_wait3A_110] : memref<40x2x128xi32, #tpu.memory_space<vmem>> -> memref<1x1x128xi32, #tpu.memory_space<vmem>>
        %dma_wait3A_112 = tpu.memref_squeeze %dma_wait3A_111 : memref<1x1x128xi32, #tpu.memory_space<vmem>> -> memref<128xi32, #tpu.memory_space<vmem>>
        %dma_wait3A_113 = arith.constant 0 : i32
        %dma_wait3A_114 = arith.constant 0 : i32
        %dma_wait3A_115 = tpu.memref_slice %arg2[%dma_wait3A_113, %dma_wait3A_114] : memref<10240x128xf32, #tpu.memory_space<hbm>> -> memref<10240x128xf32, #tpu.memory_space<hbm>>
        tpu.wait_indirect_dma semaphore(%arg9 : memref<!tpu.dma_semaphore, #tpu.memory_space<semaphore_mem>>) src(%dma_wait3A_115 : memref<10240x128xf32, #tpu.memory_space<hbm>>) dst(%arg7 : memref<128x128xf32, #tpu.memory_space<vmem>>)
        %gt3A = arith.constant 0 : i32
        %gt3A_116 = arith.cmpi sgt, %scan3A_106, %gt3A : i32
        %convert_element_type3A_117 = arith.extui %gt3A_116 : i1 to i32
        %cond3A_118 = arith.constant 0 : i32
        %cond3A_119 = arith.cmpi ne, %convert_element_type3A_117, %cond3A_118 : i32
        scf.if %cond3A_119 {
          %dma_wait3A_168 = arith.constant 0 : i32
          %dma_wait3A_169 = arith.constant 1 : i32
          %dma_wait3A_170 = arith.constant 0 : i32
          %dma_wait3A_171 = tpu.memref_slice %arg6[%dma_wait3A_168, %dma_wait3A_169, %dma_wait3A_170] : memref<40x2x128xi32, #tpu.memory_space<vmem>> -> memref<1x1x128xi32, #tpu.memory_space<vmem>>
          %dma_wait3A_172 = tpu.memref_squeeze %dma_wait3A_171 : memref<1x1x128xi32, #tpu.memory_space<vmem>> -> memref<128xi32, #tpu.memory_space<vmem>>
          %dma_wait3A_173 = arith.constant 0 : i32
          %dma_wait3A_174 = arith.constant 0 : i32
          %dma_wait3A_175 = tpu.memref_slice %arg5[%dma_wait3A_173, %dma_wait3A_174] : memref<10240x128xf32, #tpu.memory_space<vmem_shared>> -> memref<10240x128xf32, #tpu.memory_space<vmem_shared>>
          tpu.wait_indirect_dma semaphore(%arg10 : memref<!tpu.dma_semaphore, #tpu.memory_space<semaphore_mem>>) src(%arg8 : memref<128x128xf32, #tpu.memory_space<vmem>>) dst(%dma_wait3A_175 : memref<10240x128xf32, #tpu.memory_space<vmem_shared>>)
        } else {
        }
        %add3A_120 = arith.constant 1 : i32
        %add3A_121 = arith.addi %mul3A_108, %add3A_120 : i32
        %dma_start3A_122 = arith.constant 0 : i32
        %dma_start3A_123 = arith.constant 0 : i32
        %dma_start3A_124 = tpu.memref_slice %arg6[%add3A_121, %dma_start3A_122, %dma_start3A_123] : memref<40x2x128xi32, #tpu.memory_space<vmem>> -> memref<1x1x128xi32, #tpu.memory_space<vmem>>
        %dma_start3A_125 = tpu.memref_squeeze %dma_start3A_124 : memref<1x1x128xi32, #tpu.memory_space<vmem>> -> memref<128xi32, #tpu.memory_space<vmem>>
        %dma_start3A_126 = arith.constant 0 : i32
        %dma_start3A_127 = arith.constant 0 : i32
        %dma_start3A_128 = tpu.memref_slice %arg2[%dma_start3A_126, %dma_start3A_127] : memref<10240x128xf32, #tpu.memory_space<hbm>> -> memref<10240x128xf32, #tpu.memory_space<hbm>>
        tpu.enqueue_indirect_dma source(%dma_start3A_128 : memref<10240x128xf32, #tpu.memory_space<hbm>>) target(%arg8 : memref<128x128xf32, #tpu.memory_space<vmem>>) offsets(%dma_start3A_125 : memref<128xi32, #tpu.memory_space<vmem>>) semaphore(%arg9 : memref<!tpu.dma_semaphore, #tpu.memory_space<semaphore_mem>>)
        %dma_start3A_129 = arith.constant 1 : i32
        %dma_start3A_130 = arith.constant 0 : i32
        %dma_start3A_131 = tpu.memref_slice %arg6[%mul3A_108, %dma_start3A_129, %dma_start3A_130] : memref<40x2x128xi32, #tpu.memory_space<vmem>> -> memref<1x1x128xi32, #tpu.memory_space<vmem>>
        %dma_start3A_132 = tpu.memref_squeeze %dma_start3A_131 : memref<1x1x128xi32, #tpu.memory_space<vmem>> -> memref<128xi32, #tpu.memory_space<vmem>>
        %dma_start3A_133 = arith.constant 0 : i32
        %dma_start3A_134 = arith.constant 0 : i32
        %dma_start3A_135 = tpu.memref_slice %arg5[%dma_start3A_133, %dma_start3A_134] : memref<10240x128xf32, #tpu.memory_space<vmem_shared>> -> memref<10240x128xf32, #tpu.memory_space<vmem_shared>>
        tpu.enqueue_indirect_dma source(%arg7 : memref<128x128xf32, #tpu.memory_space<vmem>>) target(%dma_start3A_135 : memref<10240x128xf32, #tpu.memory_space<vmem_shared>>) offsets(%dma_start3A_132 : memref<128xi32, #tpu.memory_space<vmem>>) semaphore(%arg10 : memref<!tpu.dma_semaphore, #tpu.memory_space<semaphore_mem>>) {add = true}
        %add3A_136 = arith.constant 1 : i32
        %add3A_137 = arith.addi %mul3A_108, %add3A_136 : i32
        %dma_wait3A_138 = arith.constant 0 : i32
        %dma_wait3A_139 = arith.constant 0 : i32
        %dma_wait3A_140 = tpu.memref_slice %arg6[%add3A_137, %dma_wait3A_138, %dma_wait3A_139] : memref<40x2x128xi32, #tpu.memory_space<vmem>> -> memref<1x1x128xi32, #tpu.memory_space<vmem>>
        %dma_wait3A_141 = tpu.memref_squeeze %dma_wait3A_140 : memref<1x1x128xi32, #tpu.memory_space<vmem>> -> memref<128xi32, #tpu.memory_space<vmem>>
        %dma_wait3A_142 = arith.constant 0 : i32
        %dma_wait3A_143 = arith.constant 0 : i32
        %dma_wait3A_144 = tpu.memref_slice %arg2[%dma_wait3A_142, %dma_wait3A_143] : memref<10240x128xf32, #tpu.memory_space<hbm>> -> memref<10240x128xf32, #tpu.memory_space<hbm>>
        tpu.wait_indirect_dma semaphore(%arg9 : memref<!tpu.dma_semaphore, #tpu.memory_space<semaphore_mem>>) src(%dma_wait3A_144 : memref<10240x128xf32, #tpu.memory_space<hbm>>) dst(%arg8 : memref<128x128xf32, #tpu.memory_space<vmem>>)
        %dma_wait3A_145 = arith.constant 0 : i32
        %dma_wait3A_146 = arith.constant 1 : i32
        %dma_wait3A_147 = arith.constant 0 : i32
        %dma_wait3A_148 = tpu.memref_slice %arg6[%dma_wait3A_145, %dma_wait3A_146, %dma_wait3A_147] : memref<40x2x128xi32, #tpu.memory_space<vmem>> -> memref<1x1x128xi32, #tpu.memory_space<vmem>>
        %dma_wait3A_149 = tpu.memref_squeeze %dma_wait3A_148 : memref<1x1x128xi32, #tpu.memory_space<vmem>> -> memref<128xi32, #tpu.memory_space<vmem>>
        %dma_wait3A_150 = arith.constant 0 : i32
        %dma_wait3A_151 = arith.constant 0 : i32
        %dma_wait3A_152 = tpu.memref_slice %arg5[%dma_wait3A_150, %dma_wait3A_151] : memref<10240x128xf32, #tpu.memory_space<vmem_shared>> -> memref<10240x128xf32, #tpu.memory_space<vmem_shared>>
        tpu.wait_indirect_dma semaphore(%arg10 : memref<!tpu.dma_semaphore, #tpu.memory_space<semaphore_mem>>) src(%arg7 : memref<128x128xf32, #tpu.memory_space<vmem>>) dst(%dma_wait3A_152 : memref<10240x128xf32, #tpu.memory_space<vmem_shared>>)
        %add3A_153 = arith.constant 2 : i32
        %add3A_154 = arith.addi %mul3A_108, %add3A_153 : i32
        %lt3A = arith.constant 40 : i32
        %lt3A_155 = arith.cmpi slt, %add3A_154, %lt3A : i32
        %convert_element_type3A_156 = arith.extui %lt3A_155 : i1 to i32
        %cond3A_157 = arith.constant 0 : i32
        %cond3A_158 = arith.cmpi ne, %convert_element_type3A_156, %cond3A_157 : i32
        scf.if %cond3A_158 {
          %add3A_168 = arith.constant 2 : i32
          %add3A_169 = arith.addi %mul3A_108, %add3A_168 : i32
          %dma_start3A_170 = arith.constant 0 : i32
          %dma_start3A_171 = arith.constant 0 : i32
          %dma_start3A_172 = tpu.memref_slice %arg6[%add3A_169, %dma_start3A_170, %dma_start3A_171] : memref<40x2x128xi32, #tpu.memory_space<vmem>> -> memref<1x1x128xi32, #tpu.memory_space<vmem>>
          %dma_start3A_173 = tpu.memref_squeeze %dma_start3A_172 : memref<1x1x128xi32, #tpu.memory_space<vmem>> -> memref<128xi32, #tpu.memory_space<vmem>>
          %dma_start3A_174 = arith.constant 0 : i32
          %dma_start3A_175 = arith.constant 0 : i32
          %dma_start3A_176 = tpu.memref_slice %arg2[%dma_start3A_174, %dma_start3A_175] : memref<10240x128xf32, #tpu.memory_space<hbm>> -> memref<10240x128xf32, #tpu.memory_space<hbm>>
          tpu.enqueue_indirect_dma source(%dma_start3A_176 : memref<10240x128xf32, #tpu.memory_space<hbm>>) target(%arg7 : memref<128x128xf32, #tpu.memory_space<vmem>>) offsets(%dma_start3A_173 : memref<128xi32, #tpu.memory_space<vmem>>) semaphore(%arg9 : memref<!tpu.dma_semaphore, #tpu.memory_space<semaphore_mem>>)
        } else {
        }
        %add3A_159 = arith.constant 1 : i32
        %add3A_160 = arith.addi %mul3A_108, %add3A_159 : i32
        %dma_start3A_161 = arith.constant 1 : i32
        %dma_start3A_162 = arith.constant 0 : i32
        %dma_start3A_163 = tpu.memref_slice %arg6[%add3A_160, %dma_start3A_161, %dma_start3A_162] : memref<40x2x128xi32, #tpu.memory_space<vmem>> -> memref<1x1x128xi32, #tpu.memory_space<vmem>>
        %dma_start3A_164 = tpu.memref_squeeze %dma_start3A_163 : memref<1x1x128xi32, #tpu.memory_space<vmem>> -> memref<128xi32, #tpu.memory_space<vmem>>
        %dma_start3A_165 = arith.constant 0 : i32
        %dma_start3A_166 = arith.constant 0 : i32
        %dma_start3A_167 = tpu.memref_slice %arg5[%dma_start3A_165, %dma_start3A_166] : memref<10240x128xf32, #tpu.memory_space<vmem_shared>> -> memref<10240x128xf32, #tpu.memory_space<vmem_shared>>
        tpu.enqueue_indirect_dma source(%arg8 : memref<128x128xf32, #tpu.memory_space<vmem>>) target(%dma_start3A_167 : memref<10240x128xf32, #tpu.memory_space<vmem_shared>>) offsets(%dma_start3A_164 : memref<128xi32, #tpu.memory_space<vmem>>) semaphore(%arg10 : memref<!tpu.dma_semaphore, #tpu.memory_space<semaphore_mem>>) {add = true}
      }
      %scan3A_97 = arith.constant 20 : i32
      %dma_wait3A_98 = arith.constant 0 : i32
      %dma_wait3A_99 = arith.constant 1 : i32
      %dma_wait3A_100 = arith.constant 0 : i32
      %dma_wait3A_101 = tpu.memref_slice %arg6[%dma_wait3A_98, %dma_wait3A_99, %dma_wait3A_100] : memref<40x2x128xi32, #tpu.memory_space<vmem>> -> memref<1x1x128xi32, #tpu.memory_space<vmem>>
      %dma_wait3A_102 = tpu.memref_squeeze %dma_wait3A_101 : memref<1x1x128xi32, #tpu.memory_space<vmem>> -> memref<128xi32, #tpu.memory_space<vmem>>
      %dma_wait3A_103 = arith.constant 0 : i32
      %dma_wait3A_104 = arith.constant 0 : i32
      %dma_wait3A_105 = tpu.memref_slice %arg5[%dma_wait3A_103, %dma_wait3A_104] : memref<10240x128xf32, #tpu.memory_space<vmem_shared>> -> memref<10240x128xf32, #tpu.memory_space<vmem_shared>>
      tpu.wait_indirect_dma semaphore(%arg10 : memref<!tpu.dma_semaphore, #tpu.memory_space<semaphore_mem>>) src(%arg8 : memref<128x128xf32, #tpu.memory_space<vmem>>) dst(%dma_wait3A_105 : memref<10240x128xf32, #tpu.memory_space<vmem_shared>>)
    } else {
    }
    %barrier3A_7 = arith.constant 0 : index
    tpu.barrier barrier_id(%barrier3A_7)
    %eq3A_8 = arith.constant 0 : i32
    %eq3A_9 = arith.cmpi eq, %arg0, %eq3A_8 : i32
    %convert_element_type3A_10 = arith.extui %eq3A_9 : i1 to i32
    %cond3A_11 = arith.constant 0 : i32
    %cond3A_12 = arith.cmpi ne, %convert_element_type3A_10, %cond3A_11 : i32
    scf.if %cond3A_12 {
      %mul3A = arith.constant 640 : i32
      %mul3A_13 = arith.muli %arg1, %mul3A : i32
      %mul3A_14 = arith.constant 640 : i32
      %mul3A_15 = arith.muli %arg1, %mul3A_14 : i32
      "tpu.region"() ({
        %run_scoped3A = tpu.sem_alloc : memref<!tpu.dma_semaphore, #tpu.memory_space<semaphore_mem>>
        %dma_start3A = arith.constant 0 : i32
        %dma_start3A_16 = tpu.memref_slice %arg4[%mul3A_15, %dma_start3A] : memref<10240x128xf32, #tpu.memory_space<hbm>> -> memref<640x128xf32, #tpu.memory_space<hbm>>
        %dma_start3A_17 = arith.constant 0 : i32
        %dma_start3A_18 = tpu.memref_slice %arg5[%mul3A_13, %dma_start3A_17] : memref<10240x128xf32, #tpu.memory_space<vmem_shared>> -> memref<640x128xf32, #tpu.memory_space<vmem_shared>>
        tpu.enqueue_dma source(%dma_start3A_18 : memref<640x128xf32, #tpu.memory_space<vmem_shared>>) target(%dma_start3A_16 : memref<640x128xf32, #tpu.memory_space<hbm>>) target_semaphore(%run_scoped3A : memref<!tpu.dma_semaphore, #tpu.memory_space<semaphore_mem>>)
        %dma_wait3A = arith.constant 0 : i32
        %dma_wait3A_19 = tpu.memref_slice %arg4[%mul3A_15, %dma_wait3A] : memref<10240x128xf32, #tpu.memory_space<hbm>> -> memref<640x128xf32, #tpu.memory_space<hbm>>
        %dma_wait3A_20 = arith.constant 0 : i32
        %dma_wait3A_21 = tpu.memref_slice %arg5[%mul3A_13, %dma_wait3A_20] : memref<10240x128xf32, #tpu.memory_space<vmem_shared>> -> memref<640x128xf32, #tpu.memory_space<vmem_shared>>
        tpu.wait_dma2 semaphore(%run_scoped3A : memref<!tpu.dma_semaphore, #tpu.memory_space<semaphore_mem>>) src(%dma_wait3A_21 : memref<640x128xf32, #tpu.memory_space<vmem_shared>>) dst(%dma_wait3A_19 : memref<640x128xf32, #tpu.memory_space<hbm>>)
        tpu.yield
      }) : () -> ()
    } else {
    }
    return
  }
}

#map = affine_map<(d0, d1) -> (0, 0)>
#map1 = affine_map<(d0, d1) -> (0, 0, 0)>
module attributes {stable_mosaic.version = 14 : i64} {
  func.func @_edge_pass(%arg0: i32, %arg1: i32, %arg2: memref<10240x128xf32, #tpu.memory_space<hbm>>, %arg3: memref<2560x2x128xi32, #tpu.memory_space<hbm>>, %arg4: memref<10240x128xf32, #tpu.memory_space<hbm>>, %arg5: memref<10240x128xf32, #tpu.memory_space<vmem_shared>>, %arg6: memref<40x2x128xi32, #tpu.memory_space<vmem>>, %arg7: memref<128x128xf32, #tpu.memory_space<vmem>>, %arg8: memref<128x128xf32, #tpu.memory_space<vmem>>, %arg9: memref<!tpu.dma_semaphore, #tpu.memory_space<semaphore_mem>>, %arg10: memref<!tpu.dma_semaphore, #tpu.memory_space<semaphore_mem>>) attributes {dimension_semantics = [#tpu.dimension_semantics<core_parallel>, #tpu.dimension_semantics<subcore_parallel>], iteration_bounds = array<i64: 2, 16>, scalar_prefetch = 0 : i64, scratch_operands = 6 : i64, tpu.core_type = #tpu.core_type<sc_vector_subcore>, window_params = [{transform_indices = #map}, {transform_indices = #map1}, {transform_indices = #map}]} {
    %eq3A = arith.constant 0 : i32
    %eq3A_0 = arith.cmpi eq, %arg0, %eq3A : i32
    %convert_element_type3A = arith.extui %eq3A_0 : i1 to i32
    %cond3A = arith.constant 0 : i32
    %cond3A_1 = arith.cmpi ne, %convert_element_type3A, %cond3A : i32
    scf.if %cond3A_1 {
      %mul3A = arith.constant 640 : i32
      %mul3A_13 = arith.muli %arg1, %mul3A : i32
      %mul3A_14 = arith.constant 640 : i32
      %mul3A_15 = arith.muli %arg1, %mul3A_14 : i32
      "tpu.region"() ({
        %run_scoped3A = tpu.sem_alloc : memref<!tpu.dma_semaphore, #tpu.memory_space<semaphore_mem>>
        %dma_start3A = arith.constant 0 : i32
        %dma_start3A_16 = tpu.memref_slice %arg5[%mul3A_15, %dma_start3A] : memref<10240x128xf32, #tpu.memory_space<vmem_shared>> -> memref<640x128xf32, #tpu.memory_space<vmem_shared>>
        %dma_start3A_17 = arith.constant 0 : i32
        %dma_start3A_18 = tpu.memref_slice %arg2[%mul3A_13, %dma_start3A_17] : memref<10240x128xf32, #tpu.memory_space<hbm>> -> memref<640x128xf32, #tpu.memory_space<hbm>>
        tpu.enqueue_dma source(%dma_start3A_18 : memref<640x128xf32, #tpu.memory_space<hbm>>) target(%dma_start3A_16 : memref<640x128xf32, #tpu.memory_space<vmem_shared>>) target_semaphore(%run_scoped3A : memref<!tpu.dma_semaphore, #tpu.memory_space<semaphore_mem>>)
        %dma_wait3A = arith.constant 0 : i32
        %dma_wait3A_19 = tpu.memref_slice %arg5[%mul3A_15, %dma_wait3A] : memref<10240x128xf32, #tpu.memory_space<vmem_shared>> -> memref<640x128xf32, #tpu.memory_space<vmem_shared>>
        %dma_wait3A_20 = arith.constant 0 : i32
        %dma_wait3A_21 = tpu.memref_slice %arg2[%mul3A_13, %dma_wait3A_20] : memref<10240x128xf32, #tpu.memory_space<hbm>> -> memref<640x128xf32, #tpu.memory_space<hbm>>
        tpu.wait_dma2 semaphore(%run_scoped3A : memref<!tpu.dma_semaphore, #tpu.memory_space<semaphore_mem>>) src(%dma_wait3A_21 : memref<640x128xf32, #tpu.memory_space<hbm>>) dst(%dma_wait3A_19 : memref<640x128xf32, #tpu.memory_space<vmem_shared>>)
        tpu.yield
      }) : () -> ()
    } else {
    }
    %barrier3A = arith.constant 0 : index
    tpu.barrier barrier_id(%barrier3A)
    %eq3A_2 = arith.constant 0 : i32
    %eq3A_3 = arith.cmpi eq, %arg0, %eq3A_2 : i32
    %convert_element_type3A_4 = arith.extui %eq3A_3 : i1 to i32
    %cond3A_5 = arith.constant 0 : i32
    %cond3A_6 = arith.cmpi ne, %convert_element_type3A_4, %cond3A_5 : i32
    scf.if %cond3A_6 {
      %mul3A = arith.constant 160 : i32
      %mul3A_13 = arith.muli %arg1, %mul3A : i32
      %add3A = arith.constant 0 : i32
      %add3A_14 = arith.addi %mul3A_13, %add3A : i32
      "tpu.region"() ({
        %run_scoped3A = tpu.sem_alloc : memref<!tpu.dma_semaphore, #tpu.memory_space<semaphore_mem>>
        %dma_start3A_106 = arith.constant 0 : i32
        %dma_start3A_107 = arith.constant 0 : i32
        %dma_start3A_108 = arith.constant 0 : i32
        %dma_start3A_109 = tpu.memref_slice %arg6[%dma_start3A_106, %dma_start3A_107, %dma_start3A_108] : memref<40x2x128xi32, #tpu.memory_space<vmem>> -> memref<40x2x128xi32, #tpu.memory_space<vmem>>
        %dma_start3A_110 = arith.constant 0 : i32
        %dma_start3A_111 = arith.constant 0 : i32
        %dma_start3A_112 = tpu.memref_slice %arg3[%add3A_14, %dma_start3A_110, %dma_start3A_111] : memref<2560x2x128xi32, #tpu.memory_space<hbm>> -> memref<40x2x128xi32, #tpu.memory_space<hbm>>
        %dma_start3A_113 = arith.constant 0 : i32
        %dma_start3A_114 = arith.constant 0 : i32
        %dma_start3A_115 = arith.constant 0 : i32
        %dma_start3A_116 = tpu.memref_slice %arg6[%dma_start3A_113, %dma_start3A_114, %dma_start3A_115] : memref<40x2x128xi32, #tpu.memory_space<vmem>> -> memref<40x2x128xi32, #tpu.memory_space<vmem>>
        %dma_start3A_117 = arith.constant 0 : i32
        %dma_start3A_118 = arith.constant 0 : i32
        %dma_start3A_119 = tpu.memref_slice %arg3[%add3A_14, %dma_start3A_117, %dma_start3A_118] : memref<2560x2x128xi32, #tpu.memory_space<hbm>> -> memref<40x2x128xi32, #tpu.memory_space<hbm>>
        tpu.enqueue_dma source(%dma_start3A_119 : memref<40x2x128xi32, #tpu.memory_space<hbm>>) target(%dma_start3A_116 : memref<40x2x128xi32, #tpu.memory_space<vmem>>) target_semaphore(%run_scoped3A : memref<!tpu.dma_semaphore, #tpu.memory_space<semaphore_mem>>)
        %dma_wait3A_120 = arith.constant 0 : i32
        %dma_wait3A_121 = arith.constant 0 : i32
        %dma_wait3A_122 = arith.constant 0 : i32
        %dma_wait3A_123 = tpu.memref_slice %arg6[%dma_wait3A_120, %dma_wait3A_121, %dma_wait3A_122] : memref<40x2x128xi32, #tpu.memory_space<vmem>> -> memref<40x2x128xi32, #tpu.memory_space<vmem>>
        %dma_wait3A_124 = arith.constant 0 : i32
        %dma_wait3A_125 = arith.constant 0 : i32
        %dma_wait3A_126 = tpu.memref_slice %arg3[%add3A_14, %dma_wait3A_124, %dma_wait3A_125] : memref<2560x2x128xi32, #tpu.memory_space<hbm>> -> memref<40x2x128xi32, #tpu.memory_space<hbm>>
        %dma_wait3A_127 = arith.constant 0 : i32
        %dma_wait3A_128 = arith.constant 0 : i32
        %dma_wait3A_129 = arith.constant 0 : i32
        %dma_wait3A_130 = tpu.memref_slice %arg6[%dma_wait3A_127, %dma_wait3A_128, %dma_wait3A_129] : memref<40x2x128xi32, #tpu.memory_space<vmem>> -> memref<40x2x128xi32, #tpu.memory_space<vmem>>
        %dma_wait3A_131 = arith.constant 0 : i32
        %dma_wait3A_132 = arith.constant 0 : i32
        %dma_wait3A_133 = tpu.memref_slice %arg3[%add3A_14, %dma_wait3A_131, %dma_wait3A_132] : memref<2560x2x128xi32, #tpu.memory_space<hbm>> -> memref<40x2x128xi32, #tpu.memory_space<hbm>>
        tpu.wait_dma2 semaphore(%run_scoped3A : memref<!tpu.dma_semaphore, #tpu.memory_space<semaphore_mem>>) src(%dma_wait3A_133 : memref<40x2x128xi32, #tpu.memory_space<hbm>>) dst(%dma_wait3A_130 : memref<40x2x128xi32, #tpu.memory_space<vmem>>)
        tpu.yield
      }) : () -> ()
      %dma_start3A = arith.constant 0 : i32
      %dma_start3A_15 = arith.constant 0 : i32
      %dma_start3A_16 = arith.constant 0 : i32
      %dma_start3A_17 = tpu.memref_slice %arg6[%dma_start3A, %dma_start3A_15, %dma_start3A_16] : memref<40x2x128xi32, #tpu.memory_space<vmem>> -> memref<1x1x128xi32, #tpu.memory_space<vmem>>
      %dma_start3A_18 = tpu.memref_squeeze %dma_start3A_17 : memref<1x1x128xi32, #tpu.memory_space<vmem>> -> memref<128xi32, #tpu.memory_space<vmem>>
      %dma_start3A_19 = arith.constant 0 : i32
      %dma_start3A_20 = arith.constant 0 : i32
      %dma_start3A_21 = tpu.memref_slice %arg2[%dma_start3A_19, %dma_start3A_20] : memref<10240x128xf32, #tpu.memory_space<hbm>> -> memref<10240x128xf32, #tpu.memory_space<hbm>>
      tpu.enqueue_indirect_dma source(%dma_start3A_21 : memref<10240x128xf32, #tpu.memory_space<hbm>>) target(%arg7 : memref<128x128xf32, #tpu.memory_space<vmem>>) offsets(%dma_start3A_18 : memref<128xi32, #tpu.memory_space<vmem>>) semaphore(%arg9 : memref<!tpu.dma_semaphore, #tpu.memory_space<semaphore_mem>>)
      %scan3A = arith.constant 0 : i32
      %scan3A_22 = arith.constant 0 : i32
      %scan3A_23 = arith.constant 20 : i32
      %scan3A_24 = arith.addi %scan3A_22, %scan3A_23 : i32
      %scan3A_25 = arith.constant 1 : i32
      scf.for %scan3A_106 = %scan3A_22 to %scan3A_24 step %scan3A_25  : i32 {
        %mul3A_107 = arith.constant 2 : i32
        %mul3A_108 = arith.muli %mul3A_107, %scan3A_106 : i32
        %dma_wait3A_109 = arith.constant 0 : i32
        %dma_wait3A_110 = arith.constant 0 : i32
        %dma_wait3A_111 = tpu.memref_slice %arg6[%mul3A_108, %dma_wait3A_109, %dma_wait3A_110] : memref<40x2x128xi32, #tpu.memory_space<vmem>> -> memref<1x1x128xi32, #tpu.memory_space<vmem>>
        %dma_wait3A_112 = tpu.memref_squeeze %dma_wait3A_111 : memref<1x1x128xi32, #tpu.memory_space<vmem>> -> memref<128xi32, #tpu.memory_space<vmem>>
        %dma_wait3A_113 = arith.constant 0 : i32
        %dma_wait3A_114 = arith.constant 0 : i32
        %dma_wait3A_115 = tpu.memref_slice %arg2[%dma_wait3A_113, %dma_wait3A_114] : memref<10240x128xf32, #tpu.memory_space<hbm>> -> memref<10240x128xf32, #tpu.memory_space<hbm>>
        tpu.wait_indirect_dma semaphore(%arg9 : memref<!tpu.dma_semaphore, #tpu.memory_space<semaphore_mem>>) src(%dma_wait3A_115 : memref<10240x128xf32, #tpu.memory_space<hbm>>) dst(%arg7 : memref<128x128xf32, #tpu.memory_space<vmem>>)
        %gt3A = arith.constant 0 : i32
        %gt3A_116 = arith.cmpi sgt, %scan3A_106, %gt3A : i32
        %convert_element_type3A_117 = arith.extui %gt3A_116 : i1 to i32
        %cond3A_118 = arith.constant 0 : i32
        %cond3A_119 = arith.cmpi ne, %convert_element_type3A_117, %cond3A_118 : i32
        scf.if %cond3A_119 {
          %dma_wait3A_168 = arith.constant 0 : i32
          %dma_wait3A_169 = arith.constant 1 : i32
          %dma_wait3A_170 = arith.constant 0 : i32
          %dma_wait3A_171 = tpu.memref_slice %arg6[%dma_wait3A_168, %dma_wait3A_169, %dma_wait3A_170] : memref<40x2x128xi32, #tpu.memory_space<vmem>> -> memref<1x1x128xi32, #tpu.memory_space<vmem>>
          %dma_wait3A_172 = tpu.memref_squeeze %dma_wait3A_171 : memref<1x1x128xi32, #tpu.memory_space<vmem>> -> memref<128xi32, #tpu.memory_space<vmem>>
          %dma_wait3A_173 = arith.constant 0 : i32
          %dma_wait3A_174 = arith.constant 0 : i32
          %dma_wait3A_175 = tpu.memref_slice %arg5[%dma_wait3A_173, %dma_wait3A_174] : memref<10240x128xf32, #tpu.memory_space<vmem_shared>> -> memref<10240x128xf32, #tpu.memory_space<vmem_shared>>
          tpu.wait_indirect_dma semaphore(%arg10 : memref<!tpu.dma_semaphore, #tpu.memory_space<semaphore_mem>>) src(%arg8 : memref<128x128xf32, #tpu.memory_space<vmem>>) dst(%dma_wait3A_175 : memref<10240x128xf32, #tpu.memory_space<vmem_shared>>)
        } else {
        }
        %add3A_120 = arith.constant 1 : i32
        %add3A_121 = arith.addi %mul3A_108, %add3A_120 : i32
        %dma_start3A_122 = arith.constant 0 : i32
        %dma_start3A_123 = arith.constant 0 : i32
        %dma_start3A_124 = tpu.memref_slice %arg6[%add3A_121, %dma_start3A_122, %dma_start3A_123] : memref<40x2x128xi32, #tpu.memory_space<vmem>> -> memref<1x1x128xi32, #tpu.memory_space<vmem>>
        %dma_start3A_125 = tpu.memref_squeeze %dma_start3A_124 : memref<1x1x128xi32, #tpu.memory_space<vmem>> -> memref<128xi32, #tpu.memory_space<vmem>>
        %dma_start3A_126 = arith.constant 0 : i32
        %dma_start3A_127 = arith.constant 0 : i32
        %dma_start3A_128 = tpu.memref_slice %arg2[%dma_start3A_126, %dma_start3A_127] : memref<10240x128xf32, #tpu.memory_space<hbm>> -> memref<10240x128xf32, #tpu.memory_space<hbm>>
        tpu.enqueue_indirect_dma source(%dma_start3A_128 : memref<10240x128xf32, #tpu.memory_space<hbm>>) target(%arg8 : memref<128x128xf32, #tpu.memory_space<vmem>>) offsets(%dma_start3A_125 : memref<128xi32, #tpu.memory_space<vmem>>) semaphore(%arg9 : memref<!tpu.dma_semaphore, #tpu.memory_space<semaphore_mem>>)
        %dma_start3A_129 = arith.constant 1 : i32
        %dma_start3A_130 = arith.constant 0 : i32
        %dma_start3A_131 = tpu.memref_slice %arg6[%mul3A_108, %dma_start3A_129, %dma_start3A_130] : memref<40x2x128xi32, #tpu.memory_space<vmem>> -> memref<1x1x128xi32, #tpu.memory_space<vmem>>
        %dma_start3A_132 = tpu.memref_squeeze %dma_start3A_131 : memref<1x1x128xi32, #tpu.memory_space<vmem>> -> memref<128xi32, #tpu.memory_space<vmem>>
        %dma_start3A_133 = arith.constant 0 : i32
        %dma_start3A_134 = arith.constant 0 : i32
        %dma_start3A_135 = tpu.memref_slice %arg5[%dma_start3A_133, %dma_start3A_134] : memref<10240x128xf32, #tpu.memory_space<vmem_shared>> -> memref<10240x128xf32, #tpu.memory_space<vmem_shared>>
        tpu.enqueue_indirect_dma source(%arg7 : memref<128x128xf32, #tpu.memory_space<vmem>>) target(%dma_start3A_135 : memref<10240x128xf32, #tpu.memory_space<vmem_shared>>) offsets(%dma_start3A_132 : memref<128xi32, #tpu.memory_space<vmem>>) semaphore(%arg10 : memref<!tpu.dma_semaphore, #tpu.memory_space<semaphore_mem>>) {add = true}
        %add3A_136 = arith.constant 1 : i32
        %add3A_137 = arith.addi %mul3A_108, %add3A_136 : i32
        %dma_wait3A_138 = arith.constant 0 : i32
        %dma_wait3A_139 = arith.constant 0 : i32
        %dma_wait3A_140 = tpu.memref_slice %arg6[%add3A_137, %dma_wait3A_138, %dma_wait3A_139] : memref<40x2x128xi32, #tpu.memory_space<vmem>> -> memref<1x1x128xi32, #tpu.memory_space<vmem>>
        %dma_wait3A_141 = tpu.memref_squeeze %dma_wait3A_140 : memref<1x1x128xi32, #tpu.memory_space<vmem>> -> memref<128xi32, #tpu.memory_space<vmem>>
        %dma_wait3A_142 = arith.constant 0 : i32
        %dma_wait3A_143 = arith.constant 0 : i32
        %dma_wait3A_144 = tpu.memref_slice %arg2[%dma_wait3A_142, %dma_wait3A_143] : memref<10240x128xf32, #tpu.memory_space<hbm>> -> memref<10240x128xf32, #tpu.memory_space<hbm>>
        tpu.wait_indirect_dma semaphore(%arg9 : memref<!tpu.dma_semaphore, #tpu.memory_space<semaphore_mem>>) src(%dma_wait3A_144 : memref<10240x128xf32, #tpu.memory_space<hbm>>) dst(%arg8 : memref<128x128xf32, #tpu.memory_space<vmem>>)
        %dma_wait3A_145 = arith.constant 0 : i32
        %dma_wait3A_146 = arith.constant 1 : i32
        %dma_wait3A_147 = arith.constant 0 : i32
        %dma_wait3A_148 = tpu.memref_slice %arg6[%dma_wait3A_145, %dma_wait3A_146, %dma_wait3A_147] : memref<40x2x128xi32, #tpu.memory_space<vmem>> -> memref<1x1x128xi32, #tpu.memory_space<vmem>>
        %dma_wait3A_149 = tpu.memref_squeeze %dma_wait3A_148 : memref<1x1x128xi32, #tpu.memory_space<vmem>> -> memref<128xi32, #tpu.memory_space<vmem>>
        %dma_wait3A_150 = arith.constant 0 : i32
        %dma_wait3A_151 = arith.constant 0 : i32
        %dma_wait3A_152 = tpu.memref_slice %arg5[%dma_wait3A_150, %dma_wait3A_151] : memref<10240x128xf32, #tpu.memory_space<vmem_shared>> -> memref<10240x128xf32, #tpu.memory_space<vmem_shared>>
        tpu.wait_indirect_dma semaphore(%arg10 : memref<!tpu.dma_semaphore, #tpu.memory_space<semaphore_mem>>) src(%arg7 : memref<128x128xf32, #tpu.memory_space<vmem>>) dst(%dma_wait3A_152 : memref<10240x128xf32, #tpu.memory_space<vmem_shared>>)
        %add3A_153 = arith.constant 2 : i32
        %add3A_154 = arith.addi %mul3A_108, %add3A_153 : i32
        %lt3A = arith.constant 40 : i32
        %lt3A_155 = arith.cmpi slt, %add3A_154, %lt3A : i32
        %convert_element_type3A_156 = arith.extui %lt3A_155 : i1 to i32
        %cond3A_157 = arith.constant 0 : i32
        %cond3A_158 = arith.cmpi ne, %convert_element_type3A_156, %cond3A_157 : i32
        scf.if %cond3A_158 {
          %add3A_168 = arith.constant 2 : i32
          %add3A_169 = arith.addi %mul3A_108, %add3A_168 : i32
          %dma_start3A_170 = arith.constant 0 : i32
          %dma_start3A_171 = arith.constant 0 : i32
          %dma_start3A_172 = tpu.memref_slice %arg6[%add3A_169, %dma_start3A_170, %dma_start3A_171] : memref<40x2x128xi32, #tpu.memory_space<vmem>> -> memref<1x1x128xi32, #tpu.memory_space<vmem>>
          %dma_start3A_173 = tpu.memref_squeeze %dma_start3A_172 : memref<1x1x128xi32, #tpu.memory_space<vmem>> -> memref<128xi32, #tpu.memory_space<vmem>>
          %dma_start3A_174 = arith.constant 0 : i32
          %dma_start3A_175 = arith.constant 0 : i32
          %dma_start3A_176 = tpu.memref_slice %arg2[%dma_start3A_174, %dma_start3A_175] : memref<10240x128xf32, #tpu.memory_space<hbm>> -> memref<10240x128xf32, #tpu.memory_space<hbm>>
          tpu.enqueue_indirect_dma source(%dma_start3A_176 : memref<10240x128xf32, #tpu.memory_space<hbm>>) target(%arg7 : memref<128x128xf32, #tpu.memory_space<vmem>>) offsets(%dma_start3A_173 : memref<128xi32, #tpu.memory_space<vmem>>) semaphore(%arg9 : memref<!tpu.dma_semaphore, #tpu.memory_space<semaphore_mem>>)
        } else {
        }
        %add3A_159 = arith.constant 1 : i32
        %add3A_160 = arith.addi %mul3A_108, %add3A_159 : i32
        %dma_start3A_161 = arith.constant 1 : i32
        %dma_start3A_162 = arith.constant 0 : i32
        %dma_start3A_163 = tpu.memref_slice %arg6[%add3A_160, %dma_start3A_161, %dma_start3A_162] : memref<40x2x128xi32, #tpu.memory_space<vmem>> -> memref<1x1x128xi32, #tpu.memory_space<vmem>>
        %dma_start3A_164 = tpu.memref_squeeze %dma_start3A_163 : memref<1x1x128xi32, #tpu.memory_space<vmem>> -> memref<128xi32, #tpu.memory_space<vmem>>
        %dma_start3A_165 = arith.constant 0 : i32
        %dma_start3A_166 = arith.constant 0 : i32
        %dma_start3A_167 = tpu.memref_slice %arg5[%dma_start3A_165, %dma_start3A_166] : memref<10240x128xf32, #tpu.memory_space<vmem_shared>> -> memref<10240x128xf32, #tpu.memory_space<vmem_shared>>
        tpu.enqueue_indirect_dma source(%arg8 : memref<128x128xf32, #tpu.memory_space<vmem>>) target(%dma_start3A_167 : memref<10240x128xf32, #tpu.memory_space<vmem_shared>>) offsets(%dma_start3A_164 : memref<128xi32, #tpu.memory_space<vmem>>) semaphore(%arg10 : memref<!tpu.dma_semaphore, #tpu.memory_space<semaphore_mem>>) {add = true}
      }
      %scan3A_26 = arith.constant 20 : i32
      %dma_wait3A = arith.constant 0 : i32
      %dma_wait3A_27 = arith.constant 1 : i32
      %dma_wait3A_28 = arith.constant 0 : i32
      %dma_wait3A_29 = tpu.memref_slice %arg6[%dma_wait3A, %dma_wait3A_27, %dma_wait3A_28] : memref<40x2x128xi32, #tpu.memory_space<vmem>> -> memref<1x1x128xi32, #tpu.memory_space<vmem>>
      %dma_wait3A_30 = tpu.memref_squeeze %dma_wait3A_29 : memref<1x1x128xi32, #tpu.memory_space<vmem>> -> memref<128xi32, #tpu.memory_space<vmem>>
      %dma_wait3A_31 = arith.constant 0 : i32
      %dma_wait3A_32 = arith.constant 0 : i32
      %dma_wait3A_33 = tpu.memref_slice %arg5[%dma_wait3A_31, %dma_wait3A_32] : memref<10240x128xf32, #tpu.memory_space<vmem_shared>> -> memref<10240x128xf32, #tpu.memory_space<vmem_shared>>
      tpu.wait_indirect_dma semaphore(%arg10 : memref<!tpu.dma_semaphore, #tpu.memory_space<semaphore_mem>>) src(%arg8 : memref<128x128xf32, #tpu.memory_space<vmem>>) dst(%dma_wait3A_33 : memref<10240x128xf32, #tpu.memory_space<vmem_shared>>)
      %add3A_34 = arith.constant 40 : i32
      %add3A_35 = arith.addi %mul3A_13, %add3A_34 : i32
      "tpu.region"() ({
        %run_scoped3A = tpu.sem_alloc : memref<!tpu.dma_semaphore, #tpu.memory_space<semaphore_mem>>
        %dma_start3A_106 = arith.constant 0 : i32
        %dma_start3A_107 = arith.constant 0 : i32
        %dma_start3A_108 = arith.constant 0 : i32
        %dma_start3A_109 = tpu.memref_slice %arg6[%dma_start3A_106, %dma_start3A_107, %dma_start3A_108] : memref<40x2x128xi32, #tpu.memory_space<vmem>> -> memref<40x2x128xi32, #tpu.memory_space<vmem>>
        %dma_start3A_110 = arith.constant 0 : i32
        %dma_start3A_111 = arith.constant 0 : i32
        %dma_start3A_112 = tpu.memref_slice %arg3[%add3A_35, %dma_start3A_110, %dma_start3A_111] : memref<2560x2x128xi32, #tpu.memory_space<hbm>> -> memref<40x2x128xi32, #tpu.memory_space<hbm>>
        %dma_start3A_113 = arith.constant 0 : i32
        %dma_start3A_114 = arith.constant 0 : i32
        %dma_start3A_115 = arith.constant 0 : i32
        %dma_start3A_116 = tpu.memref_slice %arg6[%dma_start3A_113, %dma_start3A_114, %dma_start3A_115] : memref<40x2x128xi32, #tpu.memory_space<vmem>> -> memref<40x2x128xi32, #tpu.memory_space<vmem>>
        %dma_start3A_117 = arith.constant 0 : i32
        %dma_start3A_118 = arith.constant 0 : i32
        %dma_start3A_119 = tpu.memref_slice %arg3[%add3A_35, %dma_start3A_117, %dma_start3A_118] : memref<2560x2x128xi32, #tpu.memory_space<hbm>> -> memref<40x2x128xi32, #tpu.memory_space<hbm>>
        tpu.enqueue_dma source(%dma_start3A_119 : memref<40x2x128xi32, #tpu.memory_space<hbm>>) target(%dma_start3A_116 : memref<40x2x128xi32, #tpu.memory_space<vmem>>) target_semaphore(%run_scoped3A : memref<!tpu.dma_semaphore, #tpu.memory_space<semaphore_mem>>)
        %dma_wait3A_120 = arith.constant 0 : i32
        %dma_wait3A_121 = arith.constant 0 : i32
        %dma_wait3A_122 = arith.constant 0 : i32
        %dma_wait3A_123 = tpu.memref_slice %arg6[%dma_wait3A_120, %dma_wait3A_121, %dma_wait3A_122] : memref<40x2x128xi32, #tpu.memory_space<vmem>> -> memref<40x2x128xi32, #tpu.memory_space<vmem>>
        %dma_wait3A_124 = arith.constant 0 : i32
        %dma_wait3A_125 = arith.constant 0 : i32
        %dma_wait3A_126 = tpu.memref_slice %arg3[%add3A_35, %dma_wait3A_124, %dma_wait3A_125] : memref<2560x2x128xi32, #tpu.memory_space<hbm>> -> memref<40x2x128xi32, #tpu.memory_space<hbm>>
        %dma_wait3A_127 = arith.constant 0 : i32
        %dma_wait3A_128 = arith.constant 0 : i32
        %dma_wait3A_129 = arith.constant 0 : i32
        %dma_wait3A_130 = tpu.memref_slice %arg6[%dma_wait3A_127, %dma_wait3A_128, %dma_wait3A_129] : memref<40x2x128xi32, #tpu.memory_space<vmem>> -> memref<40x2x128xi32, #tpu.memory_space<vmem>>
        %dma_wait3A_131 = arith.constant 0 : i32
        %dma_wait3A_132 = arith.constant 0 : i32
        %dma_wait3A_133 = tpu.memref_slice %arg3[%add3A_35, %dma_wait3A_131, %dma_wait3A_132] : memref<2560x2x128xi32, #tpu.memory_space<hbm>> -> memref<40x2x128xi32, #tpu.memory_space<hbm>>
        tpu.wait_dma2 semaphore(%run_scoped3A : memref<!tpu.dma_semaphore, #tpu.memory_space<semaphore_mem>>) src(%dma_wait3A_133 : memref<40x2x128xi32, #tpu.memory_space<hbm>>) dst(%dma_wait3A_130 : memref<40x2x128xi32, #tpu.memory_space<vmem>>)
        tpu.yield
      }) : () -> ()
      %dma_start3A_36 = arith.constant 0 : i32
      %dma_start3A_37 = arith.constant 0 : i32
      %dma_start3A_38 = arith.constant 0 : i32
      %dma_start3A_39 = tpu.memref_slice %arg6[%dma_start3A_36, %dma_start3A_37, %dma_start3A_38] : memref<40x2x128xi32, #tpu.memory_space<vmem>> -> memref<1x1x128xi32, #tpu.memory_space<vmem>>
      %dma_start3A_40 = tpu.memref_squeeze %dma_start3A_39 : memref<1x1x128xi32, #tpu.memory_space<vmem>> -> memref<128xi32, #tpu.memory_space<vmem>>
      %dma_start3A_41 = arith.constant 0 : i32
      %dma_start3A_42 = arith.constant 0 : i32
      %dma_start3A_43 = tpu.memref_slice %arg2[%dma_start3A_41, %dma_start3A_42] : memref<10240x128xf32, #tpu.memory_space<hbm>> -> memref<10240x128xf32, #tpu.memory_space<hbm>>
      tpu.enqueue_indirect_dma source(%dma_start3A_43 : memref<10240x128xf32, #tpu.memory_space<hbm>>) target(%arg7 : memref<128x128xf32, #tpu.memory_space<vmem>>) offsets(%dma_start3A_40 : memref<128xi32, #tpu.memory_space<vmem>>) semaphore(%arg9 : memref<!tpu.dma_semaphore, #tpu.memory_space<semaphore_mem>>)
      %scan3A_44 = arith.constant 0 : i32
      %scan3A_45 = arith.constant 0 : i32
      %scan3A_46 = arith.constant 20 : i32
      %scan3A_47 = arith.addi %scan3A_45, %scan3A_46 : i32
      %scan3A_48 = arith.constant 1 : i32
      scf.for %scan3A_106 = %scan3A_45 to %scan3A_47 step %scan3A_48  : i32 {
        %mul3A_107 = arith.constant 2 : i32
        %mul3A_108 = arith.muli %mul3A_107, %scan3A_106 : i32
        %dma_wait3A_109 = arith.constant 0 : i32
        %dma_wait3A_110 = arith.constant 0 : i32
        %dma_wait3A_111 = tpu.memref_slice %arg6[%mul3A_108, %dma_wait3A_109, %dma_wait3A_110] : memref<40x2x128xi32, #tpu.memory_space<vmem>> -> memref<1x1x128xi32, #tpu.memory_space<vmem>>
        %dma_wait3A_112 = tpu.memref_squeeze %dma_wait3A_111 : memref<1x1x128xi32, #tpu.memory_space<vmem>> -> memref<128xi32, #tpu.memory_space<vmem>>
        %dma_wait3A_113 = arith.constant 0 : i32
        %dma_wait3A_114 = arith.constant 0 : i32
        %dma_wait3A_115 = tpu.memref_slice %arg2[%dma_wait3A_113, %dma_wait3A_114] : memref<10240x128xf32, #tpu.memory_space<hbm>> -> memref<10240x128xf32, #tpu.memory_space<hbm>>
        tpu.wait_indirect_dma semaphore(%arg9 : memref<!tpu.dma_semaphore, #tpu.memory_space<semaphore_mem>>) src(%dma_wait3A_115 : memref<10240x128xf32, #tpu.memory_space<hbm>>) dst(%arg7 : memref<128x128xf32, #tpu.memory_space<vmem>>)
        %gt3A = arith.constant 0 : i32
        %gt3A_116 = arith.cmpi sgt, %scan3A_106, %gt3A : i32
        %convert_element_type3A_117 = arith.extui %gt3A_116 : i1 to i32
        %cond3A_118 = arith.constant 0 : i32
        %cond3A_119 = arith.cmpi ne, %convert_element_type3A_117, %cond3A_118 : i32
        scf.if %cond3A_119 {
          %dma_wait3A_168 = arith.constant 0 : i32
          %dma_wait3A_169 = arith.constant 1 : i32
          %dma_wait3A_170 = arith.constant 0 : i32
          %dma_wait3A_171 = tpu.memref_slice %arg6[%dma_wait3A_168, %dma_wait3A_169, %dma_wait3A_170] : memref<40x2x128xi32, #tpu.memory_space<vmem>> -> memref<1x1x128xi32, #tpu.memory_space<vmem>>
          %dma_wait3A_172 = tpu.memref_squeeze %dma_wait3A_171 : memref<1x1x128xi32, #tpu.memory_space<vmem>> -> memref<128xi32, #tpu.memory_space<vmem>>
          %dma_wait3A_173 = arith.constant 0 : i32
          %dma_wait3A_174 = arith.constant 0 : i32
          %dma_wait3A_175 = tpu.memref_slice %arg5[%dma_wait3A_173, %dma_wait3A_174] : memref<10240x128xf32, #tpu.memory_space<vmem_shared>> -> memref<10240x128xf32, #tpu.memory_space<vmem_shared>>
          tpu.wait_indirect_dma semaphore(%arg10 : memref<!tpu.dma_semaphore, #tpu.memory_space<semaphore_mem>>) src(%arg8 : memref<128x128xf32, #tpu.memory_space<vmem>>) dst(%dma_wait3A_175 : memref<10240x128xf32, #tpu.memory_space<vmem_shared>>)
        } else {
        }
        %add3A_120 = arith.constant 1 : i32
        %add3A_121 = arith.addi %mul3A_108, %add3A_120 : i32
        %dma_start3A_122 = arith.constant 0 : i32
        %dma_start3A_123 = arith.constant 0 : i32
        %dma_start3A_124 = tpu.memref_slice %arg6[%add3A_121, %dma_start3A_122, %dma_start3A_123] : memref<40x2x128xi32, #tpu.memory_space<vmem>> -> memref<1x1x128xi32, #tpu.memory_space<vmem>>
        %dma_start3A_125 = tpu.memref_squeeze %dma_start3A_124 : memref<1x1x128xi32, #tpu.memory_space<vmem>> -> memref<128xi32, #tpu.memory_space<vmem>>
        %dma_start3A_126 = arith.constant 0 : i32
        %dma_start3A_127 = arith.constant 0 : i32
        %dma_start3A_128 = tpu.memref_slice %arg2[%dma_start3A_126, %dma_start3A_127] : memref<10240x128xf32, #tpu.memory_space<hbm>> -> memref<10240x128xf32, #tpu.memory_space<hbm>>
        tpu.enqueue_indirect_dma source(%dma_start3A_128 : memref<10240x128xf32, #tpu.memory_space<hbm>>) target(%arg8 : memref<128x128xf32, #tpu.memory_space<vmem>>) offsets(%dma_start3A_125 : memref<128xi32, #tpu.memory_space<vmem>>) semaphore(%arg9 : memref<!tpu.dma_semaphore, #tpu.memory_space<semaphore_mem>>)
        %dma_start3A_129 = arith.constant 1 : i32
        %dma_start3A_130 = arith.constant 0 : i32
        %dma_start3A_131 = tpu.memref_slice %arg6[%mul3A_108, %dma_start3A_129, %dma_start3A_130] : memref<40x2x128xi32, #tpu.memory_space<vmem>> -> memref<1x1x128xi32, #tpu.memory_space<vmem>>
        %dma_start3A_132 = tpu.memref_squeeze %dma_start3A_131 : memref<1x1x128xi32, #tpu.memory_space<vmem>> -> memref<128xi32, #tpu.memory_space<vmem>>
        %dma_start3A_133 = arith.constant 0 : i32
        %dma_start3A_134 = arith.constant 0 : i32
        %dma_start3A_135 = tpu.memref_slice %arg5[%dma_start3A_133, %dma_start3A_134] : memref<10240x128xf32, #tpu.memory_space<vmem_shared>> -> memref<10240x128xf32, #tpu.memory_space<vmem_shared>>
        tpu.enqueue_indirect_dma source(%arg7 : memref<128x128xf32, #tpu.memory_space<vmem>>) target(%dma_start3A_135 : memref<10240x128xf32, #tpu.memory_space<vmem_shared>>) offsets(%dma_start3A_132 : memref<128xi32, #tpu.memory_space<vmem>>) semaphore(%arg10 : memref<!tpu.dma_semaphore, #tpu.memory_space<semaphore_mem>>) {add = true}
        %add3A_136 = arith.constant 1 : i32
        %add3A_137 = arith.addi %mul3A_108, %add3A_136 : i32
        %dma_wait3A_138 = arith.constant 0 : i32
        %dma_wait3A_139 = arith.constant 0 : i32
        %dma_wait3A_140 = tpu.memref_slice %arg6[%add3A_137, %dma_wait3A_138, %dma_wait3A_139] : memref<40x2x128xi32, #tpu.memory_space<vmem>> -> memref<1x1x128xi32, #tpu.memory_space<vmem>>
        %dma_wait3A_141 = tpu.memref_squeeze %dma_wait3A_140 : memref<1x1x128xi32, #tpu.memory_space<vmem>> -> memref<128xi32, #tpu.memory_space<vmem>>
        %dma_wait3A_142 = arith.constant 0 : i32
        %dma_wait3A_143 = arith.constant 0 : i32
        %dma_wait3A_144 = tpu.memref_slice %arg2[%dma_wait3A_142, %dma_wait3A_143] : memref<10240x128xf32, #tpu.memory_space<hbm>> -> memref<10240x128xf32, #tpu.memory_space<hbm>>
        tpu.wait_indirect_dma semaphore(%arg9 : memref<!tpu.dma_semaphore, #tpu.memory_space<semaphore_mem>>) src(%dma_wait3A_144 : memref<10240x128xf32, #tpu.memory_space<hbm>>) dst(%arg8 : memref<128x128xf32, #tpu.memory_space<vmem>>)
        %dma_wait3A_145 = arith.constant 0 : i32
        %dma_wait3A_146 = arith.constant 1 : i32
        %dma_wait3A_147 = arith.constant 0 : i32
        %dma_wait3A_148 = tpu.memref_slice %arg6[%dma_wait3A_145, %dma_wait3A_146, %dma_wait3A_147] : memref<40x2x128xi32, #tpu.memory_space<vmem>> -> memref<1x1x128xi32, #tpu.memory_space<vmem>>
        %dma_wait3A_149 = tpu.memref_squeeze %dma_wait3A_148 : memref<1x1x128xi32, #tpu.memory_space<vmem>> -> memref<128xi32, #tpu.memory_space<vmem>>
        %dma_wait3A_150 = arith.constant 0 : i32
        %dma_wait3A_151 = arith.constant 0 : i32
        %dma_wait3A_152 = tpu.memref_slice %arg5[%dma_wait3A_150, %dma_wait3A_151] : memref<10240x128xf32, #tpu.memory_space<vmem_shared>> -> memref<10240x128xf32, #tpu.memory_space<vmem_shared>>
        tpu.wait_indirect_dma semaphore(%arg10 : memref<!tpu.dma_semaphore, #tpu.memory_space<semaphore_mem>>) src(%arg7 : memref<128x128xf32, #tpu.memory_space<vmem>>) dst(%dma_wait3A_152 : memref<10240x128xf32, #tpu.memory_space<vmem_shared>>)
        %add3A_153 = arith.constant 2 : i32
        %add3A_154 = arith.addi %mul3A_108, %add3A_153 : i32
        %lt3A = arith.constant 40 : i32
        %lt3A_155 = arith.cmpi slt, %add3A_154, %lt3A : i32
        %convert_element_type3A_156 = arith.extui %lt3A_155 : i1 to i32
        %cond3A_157 = arith.constant 0 : i32
        %cond3A_158 = arith.cmpi ne, %convert_element_type3A_156, %cond3A_157 : i32
        scf.if %cond3A_158 {
          %add3A_168 = arith.constant 2 : i32
          %add3A_169 = arith.addi %mul3A_108, %add3A_168 : i32
          %dma_start3A_170 = arith.constant 0 : i32
          %dma_start3A_171 = arith.constant 0 : i32
          %dma_start3A_172 = tpu.memref_slice %arg6[%add3A_169, %dma_start3A_170, %dma_start3A_171] : memref<40x2x128xi32, #tpu.memory_space<vmem>> -> memref<1x1x128xi32, #tpu.memory_space<vmem>>
          %dma_start3A_173 = tpu.memref_squeeze %dma_start3A_172 : memref<1x1x128xi32, #tpu.memory_space<vmem>> -> memref<128xi32, #tpu.memory_space<vmem>>
          %dma_start3A_174 = arith.constant 0 : i32
          %dma_start3A_175 = arith.constant 0 : i32
          %dma_start3A_176 = tpu.memref_slice %arg2[%dma_start3A_174, %dma_start3A_175] : memref<10240x128xf32, #tpu.memory_space<hbm>> -> memref<10240x128xf32, #tpu.memory_space<hbm>>
          tpu.enqueue_indirect_dma source(%dma_start3A_176 : memref<10240x128xf32, #tpu.memory_space<hbm>>) target(%arg7 : memref<128x128xf32, #tpu.memory_space<vmem>>) offsets(%dma_start3A_173 : memref<128xi32, #tpu.memory_space<vmem>>) semaphore(%arg9 : memref<!tpu.dma_semaphore, #tpu.memory_space<semaphore_mem>>)
        } else {
        }
        %add3A_159 = arith.constant 1 : i32
        %add3A_160 = arith.addi %mul3A_108, %add3A_159 : i32
        %dma_start3A_161 = arith.constant 1 : i32
        %dma_start3A_162 = arith.constant 0 : i32
        %dma_start3A_163 = tpu.memref_slice %arg6[%add3A_160, %dma_start3A_161, %dma_start3A_162] : memref<40x2x128xi32, #tpu.memory_space<vmem>> -> memref<1x1x128xi32, #tpu.memory_space<vmem>>
        %dma_start3A_164 = tpu.memref_squeeze %dma_start3A_163 : memref<1x1x128xi32, #tpu.memory_space<vmem>> -> memref<128xi32, #tpu.memory_space<vmem>>
        %dma_start3A_165 = arith.constant 0 : i32
        %dma_start3A_166 = arith.constant 0 : i32
        %dma_start3A_167 = tpu.memref_slice %arg5[%dma_start3A_165, %dma_start3A_166] : memref<10240x128xf32, #tpu.memory_space<vmem_shared>> -> memref<10240x128xf32, #tpu.memory_space<vmem_shared>>
        tpu.enqueue_indirect_dma source(%arg8 : memref<128x128xf32, #tpu.memory_space<vmem>>) target(%dma_start3A_167 : memref<10240x128xf32, #tpu.memory_space<vmem_shared>>) offsets(%dma_start3A_164 : memref<128xi32, #tpu.memory_space<vmem>>) semaphore(%arg10 : memref<!tpu.dma_semaphore, #tpu.memory_space<semaphore_mem>>) {add = true}
      }
      %scan3A_49 = arith.constant 20 : i32
      %dma_wait3A_50 = arith.constant 0 : i32
      %dma_wait3A_51 = arith.constant 1 : i32
      %dma_wait3A_52 = arith.constant 0 : i32
      %dma_wait3A_53 = tpu.memref_slice %arg6[%dma_wait3A_50, %dma_wait3A_51, %dma_wait3A_52] : memref<40x2x128xi32, #tpu.memory_space<vmem>> -> memref<1x1x128xi32, #tpu.memory_space<vmem>>
      %dma_wait3A_54 = tpu.memref_squeeze %dma_wait3A_53 : memref<1x1x128xi32, #tpu.memory_space<vmem>> -> memref<128xi32, #tpu.memory_space<vmem>>
      %dma_wait3A_55 = arith.constant 0 : i32
      %dma_wait3A_56 = arith.constant 0 : i32
      %dma_wait3A_57 = tpu.memref_slice %arg5[%dma_wait3A_55, %dma_wait3A_56] : memref<10240x128xf32, #tpu.memory_space<vmem_shared>> -> memref<10240x128xf32, #tpu.memory_space<vmem_shared>>
      tpu.wait_indirect_dma semaphore(%arg10 : memref<!tpu.dma_semaphore, #tpu.memory_space<semaphore_mem>>) src(%arg8 : memref<128x128xf32, #tpu.memory_space<vmem>>) dst(%dma_wait3A_57 : memref<10240x128xf32, #tpu.memory_space<vmem_shared>>)
      %add3A_58 = arith.constant 80 : i32
      %add3A_59 = arith.addi %mul3A_13, %add3A_58 : i32
      "tpu.region"() ({
        %run_scoped3A = tpu.sem_alloc : memref<!tpu.dma_semaphore, #tpu.memory_space<semaphore_mem>>
        %dma_start3A_106 = arith.constant 0 : i32
        %dma_start3A_107 = arith.constant 0 : i32
        %dma_start3A_108 = arith.constant 0 : i32
        %dma_start3A_109 = tpu.memref_slice %arg6[%dma_start3A_106, %dma_start3A_107, %dma_start3A_108] : memref<40x2x128xi32, #tpu.memory_space<vmem>> -> memref<40x2x128xi32, #tpu.memory_space<vmem>>
        %dma_start3A_110 = arith.constant 0 : i32
        %dma_start3A_111 = arith.constant 0 : i32
        %dma_start3A_112 = tpu.memref_slice %arg3[%add3A_59, %dma_start3A_110, %dma_start3A_111] : memref<2560x2x128xi32, #tpu.memory_space<hbm>> -> memref<40x2x128xi32, #tpu.memory_space<hbm>>
        %dma_start3A_113 = arith.constant 0 : i32
        %dma_start3A_114 = arith.constant 0 : i32
        %dma_start3A_115 = arith.constant 0 : i32
        %dma_start3A_116 = tpu.memref_slice %arg6[%dma_start3A_113, %dma_start3A_114, %dma_start3A_115] : memref<40x2x128xi32, #tpu.memory_space<vmem>> -> memref<40x2x128xi32, #tpu.memory_space<vmem>>
        %dma_start3A_117 = arith.constant 0 : i32
        %dma_start3A_118 = arith.constant 0 : i32
        %dma_start3A_119 = tpu.memref_slice %arg3[%add3A_59, %dma_start3A_117, %dma_start3A_118] : memref<2560x2x128xi32, #tpu.memory_space<hbm>> -> memref<40x2x128xi32, #tpu.memory_space<hbm>>
        tpu.enqueue_dma source(%dma_start3A_119 : memref<40x2x128xi32, #tpu.memory_space<hbm>>) target(%dma_start3A_116 : memref<40x2x128xi32, #tpu.memory_space<vmem>>) target_semaphore(%run_scoped3A : memref<!tpu.dma_semaphore, #tpu.memory_space<semaphore_mem>>)
        %dma_wait3A_120 = arith.constant 0 : i32
        %dma_wait3A_121 = arith.constant 0 : i32
        %dma_wait3A_122 = arith.constant 0 : i32
        %dma_wait3A_123 = tpu.memref_slice %arg6[%dma_wait3A_120, %dma_wait3A_121, %dma_wait3A_122] : memref<40x2x128xi32, #tpu.memory_space<vmem>> -> memref<40x2x128xi32, #tpu.memory_space<vmem>>
        %dma_wait3A_124 = arith.constant 0 : i32
        %dma_wait3A_125 = arith.constant 0 : i32
        %dma_wait3A_126 = tpu.memref_slice %arg3[%add3A_59, %dma_wait3A_124, %dma_wait3A_125] : memref<2560x2x128xi32, #tpu.memory_space<hbm>> -> memref<40x2x128xi32, #tpu.memory_space<hbm>>
        %dma_wait3A_127 = arith.constant 0 : i32
        %dma_wait3A_128 = arith.constant 0 : i32
        %dma_wait3A_129 = arith.constant 0 : i32
        %dma_wait3A_130 = tpu.memref_slice %arg6[%dma_wait3A_127, %dma_wait3A_128, %dma_wait3A_129] : memref<40x2x128xi32, #tpu.memory_space<vmem>> -> memref<40x2x128xi32, #tpu.memory_space<vmem>>
        %dma_wait3A_131 = arith.constant 0 : i32
        %dma_wait3A_132 = arith.constant 0 : i32
        %dma_wait3A_133 = tpu.memref_slice %arg3[%add3A_59, %dma_wait3A_131, %dma_wait3A_132] : memref<2560x2x128xi32, #tpu.memory_space<hbm>> -> memref<40x2x128xi32, #tpu.memory_space<hbm>>
        tpu.wait_dma2 semaphore(%run_scoped3A : memref<!tpu.dma_semaphore, #tpu.memory_space<semaphore_mem>>) src(%dma_wait3A_133 : memref<40x2x128xi32, #tpu.memory_space<hbm>>) dst(%dma_wait3A_130 : memref<40x2x128xi32, #tpu.memory_space<vmem>>)
        tpu.yield
      }) : () -> ()
      %dma_start3A_60 = arith.constant 0 : i32
      %dma_start3A_61 = arith.constant 0 : i32
      %dma_start3A_62 = arith.constant 0 : i32
      %dma_start3A_63 = tpu.memref_slice %arg6[%dma_start3A_60, %dma_start3A_61, %dma_start3A_62] : memref<40x2x128xi32, #tpu.memory_space<vmem>> -> memref<1x1x128xi32, #tpu.memory_space<vmem>>
      %dma_start3A_64 = tpu.memref_squeeze %dma_start3A_63 : memref<1x1x128xi32, #tpu.memory_space<vmem>> -> memref<128xi32, #tpu.memory_space<vmem>>
      %dma_start3A_65 = arith.constant 0 : i32
      %dma_start3A_66 = arith.constant 0 : i32
      %dma_start3A_67 = tpu.memref_slice %arg2[%dma_start3A_65, %dma_start3A_66] : memref<10240x128xf32, #tpu.memory_space<hbm>> -> memref<10240x128xf32, #tpu.memory_space<hbm>>
      tpu.enqueue_indirect_dma source(%dma_start3A_67 : memref<10240x128xf32, #tpu.memory_space<hbm>>) target(%arg7 : memref<128x128xf32, #tpu.memory_space<vmem>>) offsets(%dma_start3A_64 : memref<128xi32, #tpu.memory_space<vmem>>) semaphore(%arg9 : memref<!tpu.dma_semaphore, #tpu.memory_space<semaphore_mem>>)
      %scan3A_68 = arith.constant 0 : i32
      %scan3A_69 = arith.constant 0 : i32
      %scan3A_70 = arith.constant 20 : i32
      %scan3A_71 = arith.addi %scan3A_69, %scan3A_70 : i32
      %scan3A_72 = arith.constant 1 : i32
      scf.for %scan3A_106 = %scan3A_69 to %scan3A_71 step %scan3A_72  : i32 {
        %mul3A_107 = arith.constant 2 : i32
        %mul3A_108 = arith.muli %mul3A_107, %scan3A_106 : i32
        %dma_wait3A_109 = arith.constant 0 : i32
        %dma_wait3A_110 = arith.constant 0 : i32
        %dma_wait3A_111 = tpu.memref_slice %arg6[%mul3A_108, %dma_wait3A_109, %dma_wait3A_110] : memref<40x2x128xi32, #tpu.memory_space<vmem>> -> memref<1x1x128xi32, #tpu.memory_space<vmem>>
        %dma_wait3A_112 = tpu.memref_squeeze %dma_wait3A_111 : memref<1x1x128xi32, #tpu.memory_space<vmem>> -> memref<128xi32, #tpu.memory_space<vmem>>
        %dma_wait3A_113 = arith.constant 0 : i32
        %dma_wait3A_114 = arith.constant 0 : i32
        %dma_wait3A_115 = tpu.memref_slice %arg2[%dma_wait3A_113, %dma_wait3A_114] : memref<10240x128xf32, #tpu.memory_space<hbm>> -> memref<10240x128xf32, #tpu.memory_space<hbm>>
        tpu.wait_indirect_dma semaphore(%arg9 : memref<!tpu.dma_semaphore, #tpu.memory_space<semaphore_mem>>) src(%dma_wait3A_115 : memref<10240x128xf32, #tpu.memory_space<hbm>>) dst(%arg7 : memref<128x128xf32, #tpu.memory_space<vmem>>)
        %gt3A = arith.constant 0 : i32
        %gt3A_116 = arith.cmpi sgt, %scan3A_106, %gt3A : i32
        %convert_element_type3A_117 = arith.extui %gt3A_116 : i1 to i32
        %cond3A_118 = arith.constant 0 : i32
        %cond3A_119 = arith.cmpi ne, %convert_element_type3A_117, %cond3A_118 : i32
        scf.if %cond3A_119 {
          %dma_wait3A_168 = arith.constant 0 : i32
          %dma_wait3A_169 = arith.constant 1 : i32
          %dma_wait3A_170 = arith.constant 0 : i32
          %dma_wait3A_171 = tpu.memref_slice %arg6[%dma_wait3A_168, %dma_wait3A_169, %dma_wait3A_170] : memref<40x2x128xi32, #tpu.memory_space<vmem>> -> memref<1x1x128xi32, #tpu.memory_space<vmem>>
          %dma_wait3A_172 = tpu.memref_squeeze %dma_wait3A_171 : memref<1x1x128xi32, #tpu.memory_space<vmem>> -> memref<128xi32, #tpu.memory_space<vmem>>
          %dma_wait3A_173 = arith.constant 0 : i32
          %dma_wait3A_174 = arith.constant 0 : i32
          %dma_wait3A_175 = tpu.memref_slice %arg5[%dma_wait3A_173, %dma_wait3A_174] : memref<10240x128xf32, #tpu.memory_space<vmem_shared>> -> memref<10240x128xf32, #tpu.memory_space<vmem_shared>>
          tpu.wait_indirect_dma semaphore(%arg10 : memref<!tpu.dma_semaphore, #tpu.memory_space<semaphore_mem>>) src(%arg8 : memref<128x128xf32, #tpu.memory_space<vmem>>) dst(%dma_wait3A_175 : memref<10240x128xf32, #tpu.memory_space<vmem_shared>>)
        } else {
        }
        %add3A_120 = arith.constant 1 : i32
        %add3A_121 = arith.addi %mul3A_108, %add3A_120 : i32
        %dma_start3A_122 = arith.constant 0 : i32
        %dma_start3A_123 = arith.constant 0 : i32
        %dma_start3A_124 = tpu.memref_slice %arg6[%add3A_121, %dma_start3A_122, %dma_start3A_123] : memref<40x2x128xi32, #tpu.memory_space<vmem>> -> memref<1x1x128xi32, #tpu.memory_space<vmem>>
        %dma_start3A_125 = tpu.memref_squeeze %dma_start3A_124 : memref<1x1x128xi32, #tpu.memory_space<vmem>> -> memref<128xi32, #tpu.memory_space<vmem>>
        %dma_start3A_126 = arith.constant 0 : i32
        %dma_start3A_127 = arith.constant 0 : i32
        %dma_start3A_128 = tpu.memref_slice %arg2[%dma_start3A_126, %dma_start3A_127] : memref<10240x128xf32, #tpu.memory_space<hbm>> -> memref<10240x128xf32, #tpu.memory_space<hbm>>
        tpu.enqueue_indirect_dma source(%dma_start3A_128 : memref<10240x128xf32, #tpu.memory_space<hbm>>) target(%arg8 : memref<128x128xf32, #tpu.memory_space<vmem>>) offsets(%dma_start3A_125 : memref<128xi32, #tpu.memory_space<vmem>>) semaphore(%arg9 : memref<!tpu.dma_semaphore, #tpu.memory_space<semaphore_mem>>)
        %dma_start3A_129 = arith.constant 1 : i32
        %dma_start3A_130 = arith.constant 0 : i32
        %dma_start3A_131 = tpu.memref_slice %arg6[%mul3A_108, %dma_start3A_129, %dma_start3A_130] : memref<40x2x128xi32, #tpu.memory_space<vmem>> -> memref<1x1x128xi32, #tpu.memory_space<vmem>>
        %dma_start3A_132 = tpu.memref_squeeze %dma_start3A_131 : memref<1x1x128xi32, #tpu.memory_space<vmem>> -> memref<128xi32, #tpu.memory_space<vmem>>
        %dma_start3A_133 = arith.constant 0 : i32
        %dma_start3A_134 = arith.constant 0 : i32
        %dma_start3A_135 = tpu.memref_slice %arg5[%dma_start3A_133, %dma_start3A_134] : memref<10240x128xf32, #tpu.memory_space<vmem_shared>> -> memref<10240x128xf32, #tpu.memory_space<vmem_shared>>
        tpu.enqueue_indirect_dma source(%arg7 : memref<128x128xf32, #tpu.memory_space<vmem>>) target(%dma_start3A_135 : memref<10240x128xf32, #tpu.memory_space<vmem_shared>>) offsets(%dma_start3A_132 : memref<128xi32, #tpu.memory_space<vmem>>) semaphore(%arg10 : memref<!tpu.dma_semaphore, #tpu.memory_space<semaphore_mem>>) {add = true}
        %add3A_136 = arith.constant 1 : i32
        %add3A_137 = arith.addi %mul3A_108, %add3A_136 : i32
        %dma_wait3A_138 = arith.constant 0 : i32
        %dma_wait3A_139 = arith.constant 0 : i32
        %dma_wait3A_140 = tpu.memref_slice %arg6[%add3A_137, %dma_wait3A_138, %dma_wait3A_139] : memref<40x2x128xi32, #tpu.memory_space<vmem>> -> memref<1x1x128xi32, #tpu.memory_space<vmem>>
        %dma_wait3A_141 = tpu.memref_squeeze %dma_wait3A_140 : memref<1x1x128xi32, #tpu.memory_space<vmem>> -> memref<128xi32, #tpu.memory_space<vmem>>
        %dma_wait3A_142 = arith.constant 0 : i32
        %dma_wait3A_143 = arith.constant 0 : i32
        %dma_wait3A_144 = tpu.memref_slice %arg2[%dma_wait3A_142, %dma_wait3A_143] : memref<10240x128xf32, #tpu.memory_space<hbm>> -> memref<10240x128xf32, #tpu.memory_space<hbm>>
        tpu.wait_indirect_dma semaphore(%arg9 : memref<!tpu.dma_semaphore, #tpu.memory_space<semaphore_mem>>) src(%dma_wait3A_144 : memref<10240x128xf32, #tpu.memory_space<hbm>>) dst(%arg8 : memref<128x128xf32, #tpu.memory_space<vmem>>)
        %dma_wait3A_145 = arith.constant 0 : i32
        %dma_wait3A_146 = arith.constant 1 : i32
        %dma_wait3A_147 = arith.constant 0 : i32
        %dma_wait3A_148 = tpu.memref_slice %arg6[%dma_wait3A_145, %dma_wait3A_146, %dma_wait3A_147] : memref<40x2x128xi32, #tpu.memory_space<vmem>> -> memref<1x1x128xi32, #tpu.memory_space<vmem>>
        %dma_wait3A_149 = tpu.memref_squeeze %dma_wait3A_148 : memref<1x1x128xi32, #tpu.memory_space<vmem>> -> memref<128xi32, #tpu.memory_space<vmem>>
        %dma_wait3A_150 = arith.constant 0 : i32
        %dma_wait3A_151 = arith.constant 0 : i32
        %dma_wait3A_152 = tpu.memref_slice %arg5[%dma_wait3A_150, %dma_wait3A_151] : memref<10240x128xf32, #tpu.memory_space<vmem_shared>> -> memref<10240x128xf32, #tpu.memory_space<vmem_shared>>
        tpu.wait_indirect_dma semaphore(%arg10 : memref<!tpu.dma_semaphore, #tpu.memory_space<semaphore_mem>>) src(%arg7 : memref<128x128xf32, #tpu.memory_space<vmem>>) dst(%dma_wait3A_152 : memref<10240x128xf32, #tpu.memory_space<vmem_shared>>)
        %add3A_153 = arith.constant 2 : i32
        %add3A_154 = arith.addi %mul3A_108, %add3A_153 : i32
        %lt3A = arith.constant 40 : i32
        %lt3A_155 = arith.cmpi slt, %add3A_154, %lt3A : i32
        %convert_element_type3A_156 = arith.extui %lt3A_155 : i1 to i32
        %cond3A_157 = arith.constant 0 : i32
        %cond3A_158 = arith.cmpi ne, %convert_element_type3A_156, %cond3A_157 : i32
        scf.if %cond3A_158 {
          %add3A_168 = arith.constant 2 : i32
          %add3A_169 = arith.addi %mul3A_108, %add3A_168 : i32
          %dma_start3A_170 = arith.constant 0 : i32
          %dma_start3A_171 = arith.constant 0 : i32
          %dma_start3A_172 = tpu.memref_slice %arg6[%add3A_169, %dma_start3A_170, %dma_start3A_171] : memref<40x2x128xi32, #tpu.memory_space<vmem>> -> memref<1x1x128xi32, #tpu.memory_space<vmem>>
          %dma_start3A_173 = tpu.memref_squeeze %dma_start3A_172 : memref<1x1x128xi32, #tpu.memory_space<vmem>> -> memref<128xi32, #tpu.memory_space<vmem>>
          %dma_start3A_174 = arith.constant 0 : i32
          %dma_start3A_175 = arith.constant 0 : i32
          %dma_start3A_176 = tpu.memref_slice %arg2[%dma_start3A_174, %dma_start3A_175] : memref<10240x128xf32, #tpu.memory_space<hbm>> -> memref<10240x128xf32, #tpu.memory_space<hbm>>
          tpu.enqueue_indirect_dma source(%dma_start3A_176 : memref<10240x128xf32, #tpu.memory_space<hbm>>) target(%arg7 : memref<128x128xf32, #tpu.memory_space<vmem>>) offsets(%dma_start3A_173 : memref<128xi32, #tpu.memory_space<vmem>>) semaphore(%arg9 : memref<!tpu.dma_semaphore, #tpu.memory_space<semaphore_mem>>)
        } else {
        }
        %add3A_159 = arith.constant 1 : i32
        %add3A_160 = arith.addi %mul3A_108, %add3A_159 : i32
        %dma_start3A_161 = arith.constant 1 : i32
        %dma_start3A_162 = arith.constant 0 : i32
        %dma_start3A_163 = tpu.memref_slice %arg6[%add3A_160, %dma_start3A_161, %dma_start3A_162] : memref<40x2x128xi32, #tpu.memory_space<vmem>> -> memref<1x1x128xi32, #tpu.memory_space<vmem>>
        %dma_start3A_164 = tpu.memref_squeeze %dma_start3A_163 : memref<1x1x128xi32, #tpu.memory_space<vmem>> -> memref<128xi32, #tpu.memory_space<vmem>>
        %dma_start3A_165 = arith.constant 0 : i32
        %dma_start3A_166 = arith.constant 0 : i32
        %dma_start3A_167 = tpu.memref_slice %arg5[%dma_start3A_165, %dma_start3A_166] : memref<10240x128xf32, #tpu.memory_space<vmem_shared>> -> memref<10240x128xf32, #tpu.memory_space<vmem_shared>>
        tpu.enqueue_indirect_dma source(%arg8 : memref<128x128xf32, #tpu.memory_space<vmem>>) target(%dma_start3A_167 : memref<10240x128xf32, #tpu.memory_space<vmem_shared>>) offsets(%dma_start3A_164 : memref<128xi32, #tpu.memory_space<vmem>>) semaphore(%arg10 : memref<!tpu.dma_semaphore, #tpu.memory_space<semaphore_mem>>) {add = true}
      }
      %scan3A_73 = arith.constant 20 : i32
      %dma_wait3A_74 = arith.constant 0 : i32
      %dma_wait3A_75 = arith.constant 1 : i32
      %dma_wait3A_76 = arith.constant 0 : i32
      %dma_wait3A_77 = tpu.memref_slice %arg6[%dma_wait3A_74, %dma_wait3A_75, %dma_wait3A_76] : memref<40x2x128xi32, #tpu.memory_space<vmem>> -> memref<1x1x128xi32, #tpu.memory_space<vmem>>
      %dma_wait3A_78 = tpu.memref_squeeze %dma_wait3A_77 : memref<1x1x128xi32, #tpu.memory_space<vmem>> -> memref<128xi32, #tpu.memory_space<vmem>>
      %dma_wait3A_79 = arith.constant 0 : i32
      %dma_wait3A_80 = arith.constant 0 : i32
      %dma_wait3A_81 = tpu.memref_slice %arg5[%dma_wait3A_79, %dma_wait3A_80] : memref<10240x128xf32, #tpu.memory_space<vmem_shared>> -> memref<10240x128xf32, #tpu.memory_space<vmem_shared>>
      tpu.wait_indirect_dma semaphore(%arg10 : memref<!tpu.dma_semaphore, #tpu.memory_space<semaphore_mem>>) src(%arg8 : memref<128x128xf32, #tpu.memory_space<vmem>>) dst(%dma_wait3A_81 : memref<10240x128xf32, #tpu.memory_space<vmem_shared>>)
      %add3A_82 = arith.constant 120 : i32
      %add3A_83 = arith.addi %mul3A_13, %add3A_82 : i32
      "tpu.region"() ({
        %run_scoped3A = tpu.sem_alloc : memref<!tpu.dma_semaphore, #tpu.memory_space<semaphore_mem>>
        %dma_start3A_106 = arith.constant 0 : i32
        %dma_start3A_107 = arith.constant 0 : i32
        %dma_start3A_108 = arith.constant 0 : i32
        %dma_start3A_109 = tpu.memref_slice %arg6[%dma_start3A_106, %dma_start3A_107, %dma_start3A_108] : memref<40x2x128xi32, #tpu.memory_space<vmem>> -> memref<40x2x128xi32, #tpu.memory_space<vmem>>
        %dma_start3A_110 = arith.constant 0 : i32
        %dma_start3A_111 = arith.constant 0 : i32
        %dma_start3A_112 = tpu.memref_slice %arg3[%add3A_83, %dma_start3A_110, %dma_start3A_111] : memref<2560x2x128xi32, #tpu.memory_space<hbm>> -> memref<40x2x128xi32, #tpu.memory_space<hbm>>
        %dma_start3A_113 = arith.constant 0 : i32
        %dma_start3A_114 = arith.constant 0 : i32
        %dma_start3A_115 = arith.constant 0 : i32
        %dma_start3A_116 = tpu.memref_slice %arg6[%dma_start3A_113, %dma_start3A_114, %dma_start3A_115] : memref<40x2x128xi32, #tpu.memory_space<vmem>> -> memref<40x2x128xi32, #tpu.memory_space<vmem>>
        %dma_start3A_117 = arith.constant 0 : i32
        %dma_start3A_118 = arith.constant 0 : i32
        %dma_start3A_119 = tpu.memref_slice %arg3[%add3A_83, %dma_start3A_117, %dma_start3A_118] : memref<2560x2x128xi32, #tpu.memory_space<hbm>> -> memref<40x2x128xi32, #tpu.memory_space<hbm>>
        tpu.enqueue_dma source(%dma_start3A_119 : memref<40x2x128xi32, #tpu.memory_space<hbm>>) target(%dma_start3A_116 : memref<40x2x128xi32, #tpu.memory_space<vmem>>) target_semaphore(%run_scoped3A : memref<!tpu.dma_semaphore, #tpu.memory_space<semaphore_mem>>)
        %dma_wait3A_120 = arith.constant 0 : i32
        %dma_wait3A_121 = arith.constant 0 : i32
        %dma_wait3A_122 = arith.constant 0 : i32
        %dma_wait3A_123 = tpu.memref_slice %arg6[%dma_wait3A_120, %dma_wait3A_121, %dma_wait3A_122] : memref<40x2x128xi32, #tpu.memory_space<vmem>> -> memref<40x2x128xi32, #tpu.memory_space<vmem>>
        %dma_wait3A_124 = arith.constant 0 : i32
        %dma_wait3A_125 = arith.constant 0 : i32
        %dma_wait3A_126 = tpu.memref_slice %arg3[%add3A_83, %dma_wait3A_124, %dma_wait3A_125] : memref<2560x2x128xi32, #tpu.memory_space<hbm>> -> memref<40x2x128xi32, #tpu.memory_space<hbm>>
        %dma_wait3A_127 = arith.constant 0 : i32
        %dma_wait3A_128 = arith.constant 0 : i32
        %dma_wait3A_129 = arith.constant 0 : i32
        %dma_wait3A_130 = tpu.memref_slice %arg6[%dma_wait3A_127, %dma_wait3A_128, %dma_wait3A_129] : memref<40x2x128xi32, #tpu.memory_space<vmem>> -> memref<40x2x128xi32, #tpu.memory_space<vmem>>
        %dma_wait3A_131 = arith.constant 0 : i32
        %dma_wait3A_132 = arith.constant 0 : i32
        %dma_wait3A_133 = tpu.memref_slice %arg3[%add3A_83, %dma_wait3A_131, %dma_wait3A_132] : memref<2560x2x128xi32, #tpu.memory_space<hbm>> -> memref<40x2x128xi32, #tpu.memory_space<hbm>>
        tpu.wait_dma2 semaphore(%run_scoped3A : memref<!tpu.dma_semaphore, #tpu.memory_space<semaphore_mem>>) src(%dma_wait3A_133 : memref<40x2x128xi32, #tpu.memory_space<hbm>>) dst(%dma_wait3A_130 : memref<40x2x128xi32, #tpu.memory_space<vmem>>)
        tpu.yield
      }) : () -> ()
      %dma_start3A_84 = arith.constant 0 : i32
      %dma_start3A_85 = arith.constant 0 : i32
      %dma_start3A_86 = arith.constant 0 : i32
      %dma_start3A_87 = tpu.memref_slice %arg6[%dma_start3A_84, %dma_start3A_85, %dma_start3A_86] : memref<40x2x128xi32, #tpu.memory_space<vmem>> -> memref<1x1x128xi32, #tpu.memory_space<vmem>>
      %dma_start3A_88 = tpu.memref_squeeze %dma_start3A_87 : memref<1x1x128xi32, #tpu.memory_space<vmem>> -> memref<128xi32, #tpu.memory_space<vmem>>
      %dma_start3A_89 = arith.constant 0 : i32
      %dma_start3A_90 = arith.constant 0 : i32
      %dma_start3A_91 = tpu.memref_slice %arg2[%dma_start3A_89, %dma_start3A_90] : memref<10240x128xf32, #tpu.memory_space<hbm>> -> memref<10240x128xf32, #tpu.memory_space<hbm>>
      tpu.enqueue_indirect_dma source(%dma_start3A_91 : memref<10240x128xf32, #tpu.memory_space<hbm>>) target(%arg7 : memref<128x128xf32, #tpu.memory_space<vmem>>) offsets(%dma_start3A_88 : memref<128xi32, #tpu.memory_space<vmem>>) semaphore(%arg9 : memref<!tpu.dma_semaphore, #tpu.memory_space<semaphore_mem>>)
      %scan3A_92 = arith.constant 0 : i32
      %scan3A_93 = arith.constant 0 : i32
      %scan3A_94 = arith.constant 20 : i32
      %scan3A_95 = arith.addi %scan3A_93, %scan3A_94 : i32
      %scan3A_96 = arith.constant 1 : i32
      scf.for %scan3A_106 = %scan3A_93 to %scan3A_95 step %scan3A_96  : i32 {
        %mul3A_107 = arith.constant 2 : i32
        %mul3A_108 = arith.muli %mul3A_107, %scan3A_106 : i32
        %dma_wait3A_109 = arith.constant 0 : i32
        %dma_wait3A_110 = arith.constant 0 : i32
        %dma_wait3A_111 = tpu.memref_slice %arg6[%mul3A_108, %dma_wait3A_109, %dma_wait3A_110] : memref<40x2x128xi32, #tpu.memory_space<vmem>> -> memref<1x1x128xi32, #tpu.memory_space<vmem>>
        %dma_wait3A_112 = tpu.memref_squeeze %dma_wait3A_111 : memref<1x1x128xi32, #tpu.memory_space<vmem>> -> memref<128xi32, #tpu.memory_space<vmem>>
        %dma_wait3A_113 = arith.constant 0 : i32
        %dma_wait3A_114 = arith.constant 0 : i32
        %dma_wait3A_115 = tpu.memref_slice %arg2[%dma_wait3A_113, %dma_wait3A_114] : memref<10240x128xf32, #tpu.memory_space<hbm>> -> memref<10240x128xf32, #tpu.memory_space<hbm>>
        tpu.wait_indirect_dma semaphore(%arg9 : memref<!tpu.dma_semaphore, #tpu.memory_space<semaphore_mem>>) src(%dma_wait3A_115 : memref<10240x128xf32, #tpu.memory_space<hbm>>) dst(%arg7 : memref<128x128xf32, #tpu.memory_space<vmem>>)
        %gt3A = arith.constant 0 : i32
        %gt3A_116 = arith.cmpi sgt, %scan3A_106, %gt3A : i32
        %convert_element_type3A_117 = arith.extui %gt3A_116 : i1 to i32
        %cond3A_118 = arith.constant 0 : i32
        %cond3A_119 = arith.cmpi ne, %convert_element_type3A_117, %cond3A_118 : i32
        scf.if %cond3A_119 {
          %dma_wait3A_168 = arith.constant 0 : i32
          %dma_wait3A_169 = arith.constant 1 : i32
          %dma_wait3A_170 = arith.constant 0 : i32
          %dma_wait3A_171 = tpu.memref_slice %arg6[%dma_wait3A_168, %dma_wait3A_169, %dma_wait3A_170] : memref<40x2x128xi32, #tpu.memory_space<vmem>> -> memref<1x1x128xi32, #tpu.memory_space<vmem>>
          %dma_wait3A_172 = tpu.memref_squeeze %dma_wait3A_171 : memref<1x1x128xi32, #tpu.memory_space<vmem>> -> memref<128xi32, #tpu.memory_space<vmem>>
          %dma_wait3A_173 = arith.constant 0 : i32
          %dma_wait3A_174 = arith.constant 0 : i32
          %dma_wait3A_175 = tpu.memref_slice %arg5[%dma_wait3A_173, %dma_wait3A_174] : memref<10240x128xf32, #tpu.memory_space<vmem_shared>> -> memref<10240x128xf32, #tpu.memory_space<vmem_shared>>
          tpu.wait_indirect_dma semaphore(%arg10 : memref<!tpu.dma_semaphore, #tpu.memory_space<semaphore_mem>>) src(%arg8 : memref<128x128xf32, #tpu.memory_space<vmem>>) dst(%dma_wait3A_175 : memref<10240x128xf32, #tpu.memory_space<vmem_shared>>)
        } else {
        }
        %add3A_120 = arith.constant 1 : i32
        %add3A_121 = arith.addi %mul3A_108, %add3A_120 : i32
        %dma_start3A_122 = arith.constant 0 : i32
        %dma_start3A_123 = arith.constant 0 : i32
        %dma_start3A_124 = tpu.memref_slice %arg6[%add3A_121, %dma_start3A_122, %dma_start3A_123] : memref<40x2x128xi32, #tpu.memory_space<vmem>> -> memref<1x1x128xi32, #tpu.memory_space<vmem>>
        %dma_start3A_125 = tpu.memref_squeeze %dma_start3A_124 : memref<1x1x128xi32, #tpu.memory_space<vmem>> -> memref<128xi32, #tpu.memory_space<vmem>>
        %dma_start3A_126 = arith.constant 0 : i32
        %dma_start3A_127 = arith.constant 0 : i32
        %dma_start3A_128 = tpu.memref_slice %arg2[%dma_start3A_126, %dma_start3A_127] : memref<10240x128xf32, #tpu.memory_space<hbm>> -> memref<10240x128xf32, #tpu.memory_space<hbm>>
        tpu.enqueue_indirect_dma source(%dma_start3A_128 : memref<10240x128xf32, #tpu.memory_space<hbm>>) target(%arg8 : memref<128x128xf32, #tpu.memory_space<vmem>>) offsets(%dma_start3A_125 : memref<128xi32, #tpu.memory_space<vmem>>) semaphore(%arg9 : memref<!tpu.dma_semaphore, #tpu.memory_space<semaphore_mem>>)
        %dma_start3A_129 = arith.constant 1 : i32
        %dma_start3A_130 = arith.constant 0 : i32
        %dma_start3A_131 = tpu.memref_slice %arg6[%mul3A_108, %dma_start3A_129, %dma_start3A_130] : memref<40x2x128xi32, #tpu.memory_space<vmem>> -> memref<1x1x128xi32, #tpu.memory_space<vmem>>
        %dma_start3A_132 = tpu.memref_squeeze %dma_start3A_131 : memref<1x1x128xi32, #tpu.memory_space<vmem>> -> memref<128xi32, #tpu.memory_space<vmem>>
        %dma_start3A_133 = arith.constant 0 : i32
        %dma_start3A_134 = arith.constant 0 : i32
        %dma_start3A_135 = tpu.memref_slice %arg5[%dma_start3A_133, %dma_start3A_134] : memref<10240x128xf32, #tpu.memory_space<vmem_shared>> -> memref<10240x128xf32, #tpu.memory_space<vmem_shared>>
        tpu.enqueue_indirect_dma source(%arg7 : memref<128x128xf32, #tpu.memory_space<vmem>>) target(%dma_start3A_135 : memref<10240x128xf32, #tpu.memory_space<vmem_shared>>) offsets(%dma_start3A_132 : memref<128xi32, #tpu.memory_space<vmem>>) semaphore(%arg10 : memref<!tpu.dma_semaphore, #tpu.memory_space<semaphore_mem>>) {add = true}
        %add3A_136 = arith.constant 1 : i32
        %add3A_137 = arith.addi %mul3A_108, %add3A_136 : i32
        %dma_wait3A_138 = arith.constant 0 : i32
        %dma_wait3A_139 = arith.constant 0 : i32
        %dma_wait3A_140 = tpu.memref_slice %arg6[%add3A_137, %dma_wait3A_138, %dma_wait3A_139] : memref<40x2x128xi32, #tpu.memory_space<vmem>> -> memref<1x1x128xi32, #tpu.memory_space<vmem>>
        %dma_wait3A_141 = tpu.memref_squeeze %dma_wait3A_140 : memref<1x1x128xi32, #tpu.memory_space<vmem>> -> memref<128xi32, #tpu.memory_space<vmem>>
        %dma_wait3A_142 = arith.constant 0 : i32
        %dma_wait3A_143 = arith.constant 0 : i32
        %dma_wait3A_144 = tpu.memref_slice %arg2[%dma_wait3A_142, %dma_wait3A_143] : memref<10240x128xf32, #tpu.memory_space<hbm>> -> memref<10240x128xf32, #tpu.memory_space<hbm>>
        tpu.wait_indirect_dma semaphore(%arg9 : memref<!tpu.dma_semaphore, #tpu.memory_space<semaphore_mem>>) src(%dma_wait3A_144 : memref<10240x128xf32, #tpu.memory_space<hbm>>) dst(%arg8 : memref<128x128xf32, #tpu.memory_space<vmem>>)
        %dma_wait3A_145 = arith.constant 0 : i32
        %dma_wait3A_146 = arith.constant 1 : i32
        %dma_wait3A_147 = arith.constant 0 : i32
        %dma_wait3A_148 = tpu.memref_slice %arg6[%dma_wait3A_145, %dma_wait3A_146, %dma_wait3A_147] : memref<40x2x128xi32, #tpu.memory_space<vmem>> -> memref<1x1x128xi32, #tpu.memory_space<vmem>>
        %dma_wait3A_149 = tpu.memref_squeeze %dma_wait3A_148 : memref<1x1x128xi32, #tpu.memory_space<vmem>> -> memref<128xi32, #tpu.memory_space<vmem>>
        %dma_wait3A_150 = arith.constant 0 : i32
        %dma_wait3A_151 = arith.constant 0 : i32
        %dma_wait3A_152 = tpu.memref_slice %arg5[%dma_wait3A_150, %dma_wait3A_151] : memref<10240x128xf32, #tpu.memory_space<vmem_shared>> -> memref<10240x128xf32, #tpu.memory_space<vmem_shared>>
        tpu.wait_indirect_dma semaphore(%arg10 : memref<!tpu.dma_semaphore, #tpu.memory_space<semaphore_mem>>) src(%arg7 : memref<128x128xf32, #tpu.memory_space<vmem>>) dst(%dma_wait3A_152 : memref<10240x128xf32, #tpu.memory_space<vmem_shared>>)
        %add3A_153 = arith.constant 2 : i32
        %add3A_154 = arith.addi %mul3A_108, %add3A_153 : i32
        %lt3A = arith.constant 40 : i32
        %lt3A_155 = arith.cmpi slt, %add3A_154, %lt3A : i32
        %convert_element_type3A_156 = arith.extui %lt3A_155 : i1 to i32
        %cond3A_157 = arith.constant 0 : i32
        %cond3A_158 = arith.cmpi ne, %convert_element_type3A_156, %cond3A_157 : i32
        scf.if %cond3A_158 {
          %add3A_168 = arith.constant 2 : i32
          %add3A_169 = arith.addi %mul3A_108, %add3A_168 : i32
          %dma_start3A_170 = arith.constant 0 : i32
          %dma_start3A_171 = arith.constant 0 : i32
          %dma_start3A_172 = tpu.memref_slice %arg6[%add3A_169, %dma_start3A_170, %dma_start3A_171] : memref<40x2x128xi32, #tpu.memory_space<vmem>> -> memref<1x1x128xi32, #tpu.memory_space<vmem>>
          %dma_start3A_173 = tpu.memref_squeeze %dma_start3A_172 : memref<1x1x128xi32, #tpu.memory_space<vmem>> -> memref<128xi32, #tpu.memory_space<vmem>>
          %dma_start3A_174 = arith.constant 0 : i32
          %dma_start3A_175 = arith.constant 0 : i32
          %dma_start3A_176 = tpu.memref_slice %arg2[%dma_start3A_174, %dma_start3A_175] : memref<10240x128xf32, #tpu.memory_space<hbm>> -> memref<10240x128xf32, #tpu.memory_space<hbm>>
          tpu.enqueue_indirect_dma source(%dma_start3A_176 : memref<10240x128xf32, #tpu.memory_space<hbm>>) target(%arg7 : memref<128x128xf32, #tpu.memory_space<vmem>>) offsets(%dma_start3A_173 : memref<128xi32, #tpu.memory_space<vmem>>) semaphore(%arg9 : memref<!tpu.dma_semaphore, #tpu.memory_space<semaphore_mem>>)
        } else {
        }
        %add3A_159 = arith.constant 1 : i32
        %add3A_160 = arith.addi %mul3A_108, %add3A_159 : i32
        %dma_start3A_161 = arith.constant 1 : i32
        %dma_start3A_162 = arith.constant 0 : i32
        %dma_start3A_163 = tpu.memref_slice %arg6[%add3A_160, %dma_start3A_161, %dma_start3A_162] : memref<40x2x128xi32, #tpu.memory_space<vmem>> -> memref<1x1x128xi32, #tpu.memory_space<vmem>>
        %dma_start3A_164 = tpu.memref_squeeze %dma_start3A_163 : memref<1x1x128xi32, #tpu.memory_space<vmem>> -> memref<128xi32, #tpu.memory_space<vmem>>
        %dma_start3A_165 = arith.constant 0 : i32
        %dma_start3A_166 = arith.constant 0 : i32
        %dma_start3A_167 = tpu.memref_slice %arg5[%dma_start3A_165, %dma_start3A_166] : memref<10240x128xf32, #tpu.memory_space<vmem_shared>> -> memref<10240x128xf32, #tpu.memory_space<vmem_shared>>
        tpu.enqueue_indirect_dma source(%arg8 : memref<128x128xf32, #tpu.memory_space<vmem>>) target(%dma_start3A_167 : memref<10240x128xf32, #tpu.memory_space<vmem_shared>>) offsets(%dma_start3A_164 : memref<128xi32, #tpu.memory_space<vmem>>) semaphore(%arg10 : memref<!tpu.dma_semaphore, #tpu.memory_space<semaphore_mem>>) {add = true}
      }
      %scan3A_97 = arith.constant 20 : i32
      %dma_wait3A_98 = arith.constant 0 : i32
      %dma_wait3A_99 = arith.constant 1 : i32
      %dma_wait3A_100 = arith.constant 0 : i32
      %dma_wait3A_101 = tpu.memref_slice %arg6[%dma_wait3A_98, %dma_wait3A_99, %dma_wait3A_100] : memref<40x2x128xi32, #tpu.memory_space<vmem>> -> memref<1x1x128xi32, #tpu.memory_space<vmem>>
      %dma_wait3A_102 = tpu.memref_squeeze %dma_wait3A_101 : memref<1x1x128xi32, #tpu.memory_space<vmem>> -> memref<128xi32, #tpu.memory_space<vmem>>
      %dma_wait3A_103 = arith.constant 0 : i32
      %dma_wait3A_104 = arith.constant 0 : i32
      %dma_wait3A_105 = tpu.memref_slice %arg5[%dma_wait3A_103, %dma_wait3A_104] : memref<10240x128xf32, #tpu.memory_space<vmem_shared>> -> memref<10240x128xf32, #tpu.memory_space<vmem_shared>>
      tpu.wait_indirect_dma semaphore(%arg10 : memref<!tpu.dma_semaphore, #tpu.memory_space<semaphore_mem>>) src(%arg8 : memref<128x128xf32, #tpu.memory_space<vmem>>) dst(%dma_wait3A_105 : memref<10240x128xf32, #tpu.memory_space<vmem_shared>>)
    } else {
    }
    %barrier3A_7 = arith.constant 0 : index
    tpu.barrier barrier_id(%barrier3A_7)
    %eq3A_8 = arith.constant 0 : i32
    %eq3A_9 = arith.cmpi eq, %arg0, %eq3A_8 : i32
    %convert_element_type3A_10 = arith.extui %eq3A_9 : i1 to i32
    %cond3A_11 = arith.constant 0 : i32
    %cond3A_12 = arith.cmpi ne, %convert_element_type3A_10, %cond3A_11 : i32
    scf.if %cond3A_12 {
      %mul3A = arith.constant 640 : i32
      %mul3A_13 = arith.muli %arg1, %mul3A : i32
      %mul3A_14 = arith.constant 640 : i32
      %mul3A_15 = arith.muli %arg1, %mul3A_14 : i32
      "tpu.region"() ({
        %run_scoped3A = tpu.sem_alloc : memref<!tpu.dma_semaphore, #tpu.memory_space<semaphore_mem>>
        %dma_start3A = arith.constant 0 : i32
        %dma_start3A_16 = tpu.memref_slice %arg4[%mul3A_15, %dma_start3A] : memref<10240x128xf32, #tpu.memory_space<hbm>> -> memref<640x128xf32, #tpu.memory_space<hbm>>
        %dma_start3A_17 = arith.constant 0 : i32
        %dma_start3A_18 = tpu.memref_slice %arg5[%mul3A_13, %dma_start3A_17] : memref<10240x128xf32, #tpu.memory_space<vmem_shared>> -> memref<640x128xf32, #tpu.memory_space<vmem_shared>>
        tpu.enqueue_dma source(%dma_start3A_18 : memref<640x128xf32, #tpu.memory_space<vmem_shared>>) target(%dma_start3A_16 : memref<640x128xf32, #tpu.memory_space<hbm>>) target_semaphore(%run_scoped3A : memref<!tpu.dma_semaphore, #tpu.memory_space<semaphore_mem>>)
        %dma_wait3A = arith.constant 0 : i32
        %dma_wait3A_19 = tpu.memref_slice %arg4[%mul3A_15, %dma_wait3A] : memref<10240x128xf32, #tpu.memory_space<hbm>> -> memref<640x128xf32, #tpu.memory_space<hbm>>
        %dma_wait3A_20 = arith.constant 0 : i32
        %dma_wait3A_21 = tpu.memref_slice %arg5[%mul3A_13, %dma_wait3A_20] : memref<10240x128xf32, #tpu.memory_space<vmem_shared>> -> memref<640x128xf32, #tpu.memory_space<vmem_shared>>
        tpu.wait_dma2 semaphore(%run_scoped3A : memref<!tpu.dma_semaphore, #tpu.memory_space<semaphore_mem>>) src(%dma_wait3A_21 : memref<640x128xf32, #tpu.memory_space<vmem_shared>>) dst(%dma_wait3A_19 : memref<640x128xf32, #tpu.memory_space<hbm>>)
        tpu.yield
      }) : () -> ()
    } else {
    }
    return
  }
}

#map = affine_map<(d0, d1) -> (0, 0)>
#map1 = affine_map<(d0, d1) -> (0, 0, 0)>
module attributes {stable_mosaic.version = 14 : i64} {
  func.func @_edge_pass(%arg0: i32, %arg1: i32, %arg2: memref<10240x128xf32, #tpu.memory_space<hbm>>, %arg3: memref<2560x2x128xi32, #tpu.memory_space<hbm>>, %arg4: memref<10240x128xf32, #tpu.memory_space<hbm>>, %arg5: memref<10240x128xf32, #tpu.memory_space<vmem_shared>>, %arg6: memref<40x2x128xi32, #tpu.memory_space<vmem>>, %arg7: memref<128x128xf32, #tpu.memory_space<vmem>>, %arg8: memref<128x128xf32, #tpu.memory_space<vmem>>, %arg9: memref<!tpu.dma_semaphore, #tpu.memory_space<semaphore_mem>>, %arg10: memref<!tpu.dma_semaphore, #tpu.memory_space<semaphore_mem>>) attributes {dimension_semantics = [#tpu.dimension_semantics<core_parallel>, #tpu.dimension_semantics<subcore_parallel>], iteration_bounds = array<i64: 2, 16>, scalar_prefetch = 0 : i64, scratch_operands = 6 : i64, tpu.core_type = #tpu.core_type<sc_vector_subcore>, window_params = [{transform_indices = #map}, {transform_indices = #map1}, {transform_indices = #map}]} {
    %eq3A = arith.constant 0 : i32
    %eq3A_0 = arith.cmpi eq, %arg0, %eq3A : i32
    %convert_element_type3A = arith.extui %eq3A_0 : i1 to i32
    %cond3A = arith.constant 0 : i32
    %cond3A_1 = arith.cmpi ne, %convert_element_type3A, %cond3A : i32
    scf.if %cond3A_1 {
      %mul3A = arith.constant 640 : i32
      %mul3A_13 = arith.muli %arg1, %mul3A : i32
      %mul3A_14 = arith.constant 640 : i32
      %mul3A_15 = arith.muli %arg1, %mul3A_14 : i32
      "tpu.region"() ({
        %run_scoped3A = tpu.sem_alloc : memref<!tpu.dma_semaphore, #tpu.memory_space<semaphore_mem>>
        %dma_start3A = arith.constant 0 : i32
        %dma_start3A_16 = tpu.memref_slice %arg5[%mul3A_15, %dma_start3A] : memref<10240x128xf32, #tpu.memory_space<vmem_shared>> -> memref<640x128xf32, #tpu.memory_space<vmem_shared>>
        %dma_start3A_17 = arith.constant 0 : i32
        %dma_start3A_18 = tpu.memref_slice %arg2[%mul3A_13, %dma_start3A_17] : memref<10240x128xf32, #tpu.memory_space<hbm>> -> memref<640x128xf32, #tpu.memory_space<hbm>>
        tpu.enqueue_dma source(%dma_start3A_18 : memref<640x128xf32, #tpu.memory_space<hbm>>) target(%dma_start3A_16 : memref<640x128xf32, #tpu.memory_space<vmem_shared>>) target_semaphore(%run_scoped3A : memref<!tpu.dma_semaphore, #tpu.memory_space<semaphore_mem>>)
        %dma_wait3A = arith.constant 0 : i32
        %dma_wait3A_19 = tpu.memref_slice %arg5[%mul3A_15, %dma_wait3A] : memref<10240x128xf32, #tpu.memory_space<vmem_shared>> -> memref<640x128xf32, #tpu.memory_space<vmem_shared>>
        %dma_wait3A_20 = arith.constant 0 : i32
        %dma_wait3A_21 = tpu.memref_slice %arg2[%mul3A_13, %dma_wait3A_20] : memref<10240x128xf32, #tpu.memory_space<hbm>> -> memref<640x128xf32, #tpu.memory_space<hbm>>
        tpu.wait_dma2 semaphore(%run_scoped3A : memref<!tpu.dma_semaphore, #tpu.memory_space<semaphore_mem>>) src(%dma_wait3A_21 : memref<640x128xf32, #tpu.memory_space<hbm>>) dst(%dma_wait3A_19 : memref<640x128xf32, #tpu.memory_space<vmem_shared>>)
        tpu.yield
      }) : () -> ()
    } else {
    }
    %barrier3A = arith.constant 0 : index
    tpu.barrier barrier_id(%barrier3A)
    %eq3A_2 = arith.constant 0 : i32
    %eq3A_3 = arith.cmpi eq, %arg0, %eq3A_2 : i32
    %convert_element_type3A_4 = arith.extui %eq3A_3 : i1 to i32
    %cond3A_5 = arith.constant 0 : i32
    %cond3A_6 = arith.cmpi ne, %convert_element_type3A_4, %cond3A_5 : i32
    scf.if %cond3A_6 {
      %mul3A = arith.constant 160 : i32
      %mul3A_13 = arith.muli %arg1, %mul3A : i32
      %add3A = arith.constant 0 : i32
      %add3A_14 = arith.addi %mul3A_13, %add3A : i32
      "tpu.region"() ({
        %run_scoped3A = tpu.sem_alloc : memref<!tpu.dma_semaphore, #tpu.memory_space<semaphore_mem>>
        %dma_start3A_106 = arith.constant 0 : i32
        %dma_start3A_107 = arith.constant 0 : i32
        %dma_start3A_108 = arith.constant 0 : i32
        %dma_start3A_109 = tpu.memref_slice %arg6[%dma_start3A_106, %dma_start3A_107, %dma_start3A_108] : memref<40x2x128xi32, #tpu.memory_space<vmem>> -> memref<40x2x128xi32, #tpu.memory_space<vmem>>
        %dma_start3A_110 = arith.constant 0 : i32
        %dma_start3A_111 = arith.constant 0 : i32
        %dma_start3A_112 = tpu.memref_slice %arg3[%add3A_14, %dma_start3A_110, %dma_start3A_111] : memref<2560x2x128xi32, #tpu.memory_space<hbm>> -> memref<40x2x128xi32, #tpu.memory_space<hbm>>
        %dma_start3A_113 = arith.constant 0 : i32
        %dma_start3A_114 = arith.constant 0 : i32
        %dma_start3A_115 = arith.constant 0 : i32
        %dma_start3A_116 = tpu.memref_slice %arg6[%dma_start3A_113, %dma_start3A_114, %dma_start3A_115] : memref<40x2x128xi32, #tpu.memory_space<vmem>> -> memref<40x2x128xi32, #tpu.memory_space<vmem>>
        %dma_start3A_117 = arith.constant 0 : i32
        %dma_start3A_118 = arith.constant 0 : i32
        %dma_start3A_119 = tpu.memref_slice %arg3[%add3A_14, %dma_start3A_117, %dma_start3A_118] : memref<2560x2x128xi32, #tpu.memory_space<hbm>> -> memref<40x2x128xi32, #tpu.memory_space<hbm>>
        tpu.enqueue_dma source(%dma_start3A_119 : memref<40x2x128xi32, #tpu.memory_space<hbm>>) target(%dma_start3A_116 : memref<40x2x128xi32, #tpu.memory_space<vmem>>) target_semaphore(%run_scoped3A : memref<!tpu.dma_semaphore, #tpu.memory_space<semaphore_mem>>)
        %dma_wait3A_120 = arith.constant 0 : i32
        %dma_wait3A_121 = arith.constant 0 : i32
        %dma_wait3A_122 = arith.constant 0 : i32
        %dma_wait3A_123 = tpu.memref_slice %arg6[%dma_wait3A_120, %dma_wait3A_121, %dma_wait3A_122] : memref<40x2x128xi32, #tpu.memory_space<vmem>> -> memref<40x2x128xi32, #tpu.memory_space<vmem>>
        %dma_wait3A_124 = arith.constant 0 : i32
        %dma_wait3A_125 = arith.constant 0 : i32
        %dma_wait3A_126 = tpu.memref_slice %arg3[%add3A_14, %dma_wait3A_124, %dma_wait3A_125] : memref<2560x2x128xi32, #tpu.memory_space<hbm>> -> memref<40x2x128xi32, #tpu.memory_space<hbm>>
        %dma_wait3A_127 = arith.constant 0 : i32
        %dma_wait3A_128 = arith.constant 0 : i32
        %dma_wait3A_129 = arith.constant 0 : i32
        %dma_wait3A_130 = tpu.memref_slice %arg6[%dma_wait3A_127, %dma_wait3A_128, %dma_wait3A_129] : memref<40x2x128xi32, #tpu.memory_space<vmem>> -> memref<40x2x128xi32, #tpu.memory_space<vmem>>
        %dma_wait3A_131 = arith.constant 0 : i32
        %dma_wait3A_132 = arith.constant 0 : i32
        %dma_wait3A_133 = tpu.memref_slice %arg3[%add3A_14, %dma_wait3A_131, %dma_wait3A_132] : memref<2560x2x128xi32, #tpu.memory_space<hbm>> -> memref<40x2x128xi32, #tpu.memory_space<hbm>>
        tpu.wait_dma2 semaphore(%run_scoped3A : memref<!tpu.dma_semaphore, #tpu.memory_space<semaphore_mem>>) src(%dma_wait3A_133 : memref<40x2x128xi32, #tpu.memory_space<hbm>>) dst(%dma_wait3A_130 : memref<40x2x128xi32, #tpu.memory_space<vmem>>)
        tpu.yield
      }) : () -> ()
      %dma_start3A = arith.constant 0 : i32
      %dma_start3A_15 = arith.constant 0 : i32
      %dma_start3A_16 = arith.constant 0 : i32
      %dma_start3A_17 = tpu.memref_slice %arg6[%dma_start3A, %dma_start3A_15, %dma_start3A_16] : memref<40x2x128xi32, #tpu.memory_space<vmem>> -> memref<1x1x128xi32, #tpu.memory_space<vmem>>
      %dma_start3A_18 = tpu.memref_squeeze %dma_start3A_17 : memref<1x1x128xi32, #tpu.memory_space<vmem>> -> memref<128xi32, #tpu.memory_space<vmem>>
      %dma_start3A_19 = arith.constant 0 : i32
      %dma_start3A_20 = arith.constant 0 : i32
      %dma_start3A_21 = tpu.memref_slice %arg2[%dma_start3A_19, %dma_start3A_20] : memref<10240x128xf32, #tpu.memory_space<hbm>> -> memref<10240x128xf32, #tpu.memory_space<hbm>>
      tpu.enqueue_indirect_dma source(%dma_start3A_21 : memref<10240x128xf32, #tpu.memory_space<hbm>>) target(%arg7 : memref<128x128xf32, #tpu.memory_space<vmem>>) offsets(%dma_start3A_18 : memref<128xi32, #tpu.memory_space<vmem>>) semaphore(%arg9 : memref<!tpu.dma_semaphore, #tpu.memory_space<semaphore_mem>>)
      %scan3A = arith.constant 0 : i32
      %scan3A_22 = arith.constant 0 : i32
      %scan3A_23 = arith.constant 20 : i32
      %scan3A_24 = arith.addi %scan3A_22, %scan3A_23 : i32
      %scan3A_25 = arith.constant 1 : i32
      scf.for %scan3A_106 = %scan3A_22 to %scan3A_24 step %scan3A_25  : i32 {
        %mul3A_107 = arith.constant 2 : i32
        %mul3A_108 = arith.muli %mul3A_107, %scan3A_106 : i32
        %dma_wait3A_109 = arith.constant 0 : i32
        %dma_wait3A_110 = arith.constant 0 : i32
        %dma_wait3A_111 = tpu.memref_slice %arg6[%mul3A_108, %dma_wait3A_109, %dma_wait3A_110] : memref<40x2x128xi32, #tpu.memory_space<vmem>> -> memref<1x1x128xi32, #tpu.memory_space<vmem>>
        %dma_wait3A_112 = tpu.memref_squeeze %dma_wait3A_111 : memref<1x1x128xi32, #tpu.memory_space<vmem>> -> memref<128xi32, #tpu.memory_space<vmem>>
        %dma_wait3A_113 = arith.constant 0 : i32
        %dma_wait3A_114 = arith.constant 0 : i32
        %dma_wait3A_115 = tpu.memref_slice %arg2[%dma_wait3A_113, %dma_wait3A_114] : memref<10240x128xf32, #tpu.memory_space<hbm>> -> memref<10240x128xf32, #tpu.memory_space<hbm>>
        tpu.wait_indirect_dma semaphore(%arg9 : memref<!tpu.dma_semaphore, #tpu.memory_space<semaphore_mem>>) src(%dma_wait3A_115 : memref<10240x128xf32, #tpu.memory_space<hbm>>) dst(%arg7 : memref<128x128xf32, #tpu.memory_space<vmem>>)
        %gt3A = arith.constant 0 : i32
        %gt3A_116 = arith.cmpi sgt, %scan3A_106, %gt3A : i32
        %convert_element_type3A_117 = arith.extui %gt3A_116 : i1 to i32
        %cond3A_118 = arith.constant 0 : i32
        %cond3A_119 = arith.cmpi ne, %convert_element_type3A_117, %cond3A_118 : i32
        scf.if %cond3A_119 {
          %dma_wait3A_168 = arith.constant 0 : i32
          %dma_wait3A_169 = arith.constant 1 : i32
          %dma_wait3A_170 = arith.constant 0 : i32
          %dma_wait3A_171 = tpu.memref_slice %arg6[%dma_wait3A_168, %dma_wait3A_169, %dma_wait3A_170] : memref<40x2x128xi32, #tpu.memory_space<vmem>> -> memref<1x1x128xi32, #tpu.memory_space<vmem>>
          %dma_wait3A_172 = tpu.memref_squeeze %dma_wait3A_171 : memref<1x1x128xi32, #tpu.memory_space<vmem>> -> memref<128xi32, #tpu.memory_space<vmem>>
          %dma_wait3A_173 = arith.constant 0 : i32
          %dma_wait3A_174 = arith.constant 0 : i32
          %dma_wait3A_175 = tpu.memref_slice %arg5[%dma_wait3A_173, %dma_wait3A_174] : memref<10240x128xf32, #tpu.memory_space<vmem_shared>> -> memref<10240x128xf32, #tpu.memory_space<vmem_shared>>
          tpu.wait_indirect_dma semaphore(%arg10 : memref<!tpu.dma_semaphore, #tpu.memory_space<semaphore_mem>>) src(%arg8 : memref<128x128xf32, #tpu.memory_space<vmem>>) dst(%dma_wait3A_175 : memref<10240x128xf32, #tpu.memory_space<vmem_shared>>)
        } else {
        }
        %add3A_120 = arith.constant 1 : i32
        %add3A_121 = arith.addi %mul3A_108, %add3A_120 : i32
        %dma_start3A_122 = arith.constant 0 : i32
        %dma_start3A_123 = arith.constant 0 : i32
        %dma_start3A_124 = tpu.memref_slice %arg6[%add3A_121, %dma_start3A_122, %dma_start3A_123] : memref<40x2x128xi32, #tpu.memory_space<vmem>> -> memref<1x1x128xi32, #tpu.memory_space<vmem>>
        %dma_start3A_125 = tpu.memref_squeeze %dma_start3A_124 : memref<1x1x128xi32, #tpu.memory_space<vmem>> -> memref<128xi32, #tpu.memory_space<vmem>>
        %dma_start3A_126 = arith.constant 0 : i32
        %dma_start3A_127 = arith.constant 0 : i32
        %dma_start3A_128 = tpu.memref_slice %arg2[%dma_start3A_126, %dma_start3A_127] : memref<10240x128xf32, #tpu.memory_space<hbm>> -> memref<10240x128xf32, #tpu.memory_space<hbm>>
        tpu.enqueue_indirect_dma source(%dma_start3A_128 : memref<10240x128xf32, #tpu.memory_space<hbm>>) target(%arg8 : memref<128x128xf32, #tpu.memory_space<vmem>>) offsets(%dma_start3A_125 : memref<128xi32, #tpu.memory_space<vmem>>) semaphore(%arg9 : memref<!tpu.dma_semaphore, #tpu.memory_space<semaphore_mem>>)
        %dma_start3A_129 = arith.constant 1 : i32
        %dma_start3A_130 = arith.constant 0 : i32
        %dma_start3A_131 = tpu.memref_slice %arg6[%mul3A_108, %dma_start3A_129, %dma_start3A_130] : memref<40x2x128xi32, #tpu.memory_space<vmem>> -> memref<1x1x128xi32, #tpu.memory_space<vmem>>
        %dma_start3A_132 = tpu.memref_squeeze %dma_start3A_131 : memref<1x1x128xi32, #tpu.memory_space<vmem>> -> memref<128xi32, #tpu.memory_space<vmem>>
        %dma_start3A_133 = arith.constant 0 : i32
        %dma_start3A_134 = arith.constant 0 : i32
        %dma_start3A_135 = tpu.memref_slice %arg5[%dma_start3A_133, %dma_start3A_134] : memref<10240x128xf32, #tpu.memory_space<vmem_shared>> -> memref<10240x128xf32, #tpu.memory_space<vmem_shared>>
        tpu.enqueue_indirect_dma source(%arg7 : memref<128x128xf32, #tpu.memory_space<vmem>>) target(%dma_start3A_135 : memref<10240x128xf32, #tpu.memory_space<vmem_shared>>) offsets(%dma_start3A_132 : memref<128xi32, #tpu.memory_space<vmem>>) semaphore(%arg10 : memref<!tpu.dma_semaphore, #tpu.memory_space<semaphore_mem>>) {add = true}
        %add3A_136 = arith.constant 1 : i32
        %add3A_137 = arith.addi %mul3A_108, %add3A_136 : i32
        %dma_wait3A_138 = arith.constant 0 : i32
        %dma_wait3A_139 = arith.constant 0 : i32
        %dma_wait3A_140 = tpu.memref_slice %arg6[%add3A_137, %dma_wait3A_138, %dma_wait3A_139] : memref<40x2x128xi32, #tpu.memory_space<vmem>> -> memref<1x1x128xi32, #tpu.memory_space<vmem>>
        %dma_wait3A_141 = tpu.memref_squeeze %dma_wait3A_140 : memref<1x1x128xi32, #tpu.memory_space<vmem>> -> memref<128xi32, #tpu.memory_space<vmem>>
        %dma_wait3A_142 = arith.constant 0 : i32
        %dma_wait3A_143 = arith.constant 0 : i32
        %dma_wait3A_144 = tpu.memref_slice %arg2[%dma_wait3A_142, %dma_wait3A_143] : memref<10240x128xf32, #tpu.memory_space<hbm>> -> memref<10240x128xf32, #tpu.memory_space<hbm>>
        tpu.wait_indirect_dma semaphore(%arg9 : memref<!tpu.dma_semaphore, #tpu.memory_space<semaphore_mem>>) src(%dma_wait3A_144 : memref<10240x128xf32, #tpu.memory_space<hbm>>) dst(%arg8 : memref<128x128xf32, #tpu.memory_space<vmem>>)
        %dma_wait3A_145 = arith.constant 0 : i32
        %dma_wait3A_146 = arith.constant 1 : i32
        %dma_wait3A_147 = arith.constant 0 : i32
        %dma_wait3A_148 = tpu.memref_slice %arg6[%dma_wait3A_145, %dma_wait3A_146, %dma_wait3A_147] : memref<40x2x128xi32, #tpu.memory_space<vmem>> -> memref<1x1x128xi32, #tpu.memory_space<vmem>>
        %dma_wait3A_149 = tpu.memref_squeeze %dma_wait3A_148 : memref<1x1x128xi32, #tpu.memory_space<vmem>> -> memref<128xi32, #tpu.memory_space<vmem>>
        %dma_wait3A_150 = arith.constant 0 : i32
        %dma_wait3A_151 = arith.constant 0 : i32
        %dma_wait3A_152 = tpu.memref_slice %arg5[%dma_wait3A_150, %dma_wait3A_151] : memref<10240x128xf32, #tpu.memory_space<vmem_shared>> -> memref<10240x128xf32, #tpu.memory_space<vmem_shared>>
        tpu.wait_indirect_dma semaphore(%arg10 : memref<!tpu.dma_semaphore, #tpu.memory_space<semaphore_mem>>) src(%arg7 : memref<128x128xf32, #tpu.memory_space<vmem>>) dst(%dma_wait3A_152 : memref<10240x128xf32, #tpu.memory_space<vmem_shared>>)
        %add3A_153 = arith.constant 2 : i32
        %add3A_154 = arith.addi %mul3A_108, %add3A_153 : i32
        %lt3A = arith.constant 40 : i32
        %lt3A_155 = arith.cmpi slt, %add3A_154, %lt3A : i32
        %convert_element_type3A_156 = arith.extui %lt3A_155 : i1 to i32
        %cond3A_157 = arith.constant 0 : i32
        %cond3A_158 = arith.cmpi ne, %convert_element_type3A_156, %cond3A_157 : i32
        scf.if %cond3A_158 {
          %add3A_168 = arith.constant 2 : i32
          %add3A_169 = arith.addi %mul3A_108, %add3A_168 : i32
          %dma_start3A_170 = arith.constant 0 : i32
          %dma_start3A_171 = arith.constant 0 : i32
          %dma_start3A_172 = tpu.memref_slice %arg6[%add3A_169, %dma_start3A_170, %dma_start3A_171] : memref<40x2x128xi32, #tpu.memory_space<vmem>> -> memref<1x1x128xi32, #tpu.memory_space<vmem>>
          %dma_start3A_173 = tpu.memref_squeeze %dma_start3A_172 : memref<1x1x128xi32, #tpu.memory_space<vmem>> -> memref<128xi32, #tpu.memory_space<vmem>>
          %dma_start3A_174 = arith.constant 0 : i32
          %dma_start3A_175 = arith.constant 0 : i32
          %dma_start3A_176 = tpu.memref_slice %arg2[%dma_start3A_174, %dma_start3A_175] : memref<10240x128xf32, #tpu.memory_space<hbm>> -> memref<10240x128xf32, #tpu.memory_space<hbm>>
          tpu.enqueue_indirect_dma source(%dma_start3A_176 : memref<10240x128xf32, #tpu.memory_space<hbm>>) target(%arg7 : memref<128x128xf32, #tpu.memory_space<vmem>>) offsets(%dma_start3A_173 : memref<128xi32, #tpu.memory_space<vmem>>) semaphore(%arg9 : memref<!tpu.dma_semaphore, #tpu.memory_space<semaphore_mem>>)
        } else {
        }
        %add3A_159 = arith.constant 1 : i32
        %add3A_160 = arith.addi %mul3A_108, %add3A_159 : i32
        %dma_start3A_161 = arith.constant 1 : i32
        %dma_start3A_162 = arith.constant 0 : i32
        %dma_start3A_163 = tpu.memref_slice %arg6[%add3A_160, %dma_start3A_161, %dma_start3A_162] : memref<40x2x128xi32, #tpu.memory_space<vmem>> -> memref<1x1x128xi32, #tpu.memory_space<vmem>>
        %dma_start3A_164 = tpu.memref_squeeze %dma_start3A_163 : memref<1x1x128xi32, #tpu.memory_space<vmem>> -> memref<128xi32, #tpu.memory_space<vmem>>
        %dma_start3A_165 = arith.constant 0 : i32
        %dma_start3A_166 = arith.constant 0 : i32
        %dma_start3A_167 = tpu.memref_slice %arg5[%dma_start3A_165, %dma_start3A_166] : memref<10240x128xf32, #tpu.memory_space<vmem_shared>> -> memref<10240x128xf32, #tpu.memory_space<vmem_shared>>
        tpu.enqueue_indirect_dma source(%arg8 : memref<128x128xf32, #tpu.memory_space<vmem>>) target(%dma_start3A_167 : memref<10240x128xf32, #tpu.memory_space<vmem_shared>>) offsets(%dma_start3A_164 : memref<128xi32, #tpu.memory_space<vmem>>) semaphore(%arg10 : memref<!tpu.dma_semaphore, #tpu.memory_space<semaphore_mem>>) {add = true}
      }
      %scan3A_26 = arith.constant 20 : i32
      %dma_wait3A = arith.constant 0 : i32
      %dma_wait3A_27 = arith.constant 1 : i32
      %dma_wait3A_28 = arith.constant 0 : i32
      %dma_wait3A_29 = tpu.memref_slice %arg6[%dma_wait3A, %dma_wait3A_27, %dma_wait3A_28] : memref<40x2x128xi32, #tpu.memory_space<vmem>> -> memref<1x1x128xi32, #tpu.memory_space<vmem>>
      %dma_wait3A_30 = tpu.memref_squeeze %dma_wait3A_29 : memref<1x1x128xi32, #tpu.memory_space<vmem>> -> memref<128xi32, #tpu.memory_space<vmem>>
      %dma_wait3A_31 = arith.constant 0 : i32
      %dma_wait3A_32 = arith.constant 0 : i32
      %dma_wait3A_33 = tpu.memref_slice %arg5[%dma_wait3A_31, %dma_wait3A_32] : memref<10240x128xf32, #tpu.memory_space<vmem_shared>> -> memref<10240x128xf32, #tpu.memory_space<vmem_shared>>
      tpu.wait_indirect_dma semaphore(%arg10 : memref<!tpu.dma_semaphore, #tpu.memory_space<semaphore_mem>>) src(%arg8 : memref<128x128xf32, #tpu.memory_space<vmem>>) dst(%dma_wait3A_33 : memref<10240x128xf32, #tpu.memory_space<vmem_shared>>)
      %add3A_34 = arith.constant 40 : i32
      %add3A_35 = arith.addi %mul3A_13, %add3A_34 : i32
      "tpu.region"() ({
        %run_scoped3A = tpu.sem_alloc : memref<!tpu.dma_semaphore, #tpu.memory_space<semaphore_mem>>
        %dma_start3A_106 = arith.constant 0 : i32
        %dma_start3A_107 = arith.constant 0 : i32
        %dma_start3A_108 = arith.constant 0 : i32
        %dma_start3A_109 = tpu.memref_slice %arg6[%dma_start3A_106, %dma_start3A_107, %dma_start3A_108] : memref<40x2x128xi32, #tpu.memory_space<vmem>> -> memref<40x2x128xi32, #tpu.memory_space<vmem>>
        %dma_start3A_110 = arith.constant 0 : i32
        %dma_start3A_111 = arith.constant 0 : i32
        %dma_start3A_112 = tpu.memref_slice %arg3[%add3A_35, %dma_start3A_110, %dma_start3A_111] : memref<2560x2x128xi32, #tpu.memory_space<hbm>> -> memref<40x2x128xi32, #tpu.memory_space<hbm>>
        %dma_start3A_113 = arith.constant 0 : i32
        %dma_start3A_114 = arith.constant 0 : i32
        %dma_start3A_115 = arith.constant 0 : i32
        %dma_start3A_116 = tpu.memref_slice %arg6[%dma_start3A_113, %dma_start3A_114, %dma_start3A_115] : memref<40x2x128xi32, #tpu.memory_space<vmem>> -> memref<40x2x128xi32, #tpu.memory_space<vmem>>
        %dma_start3A_117 = arith.constant 0 : i32
        %dma_start3A_118 = arith.constant 0 : i32
        %dma_start3A_119 = tpu.memref_slice %arg3[%add3A_35, %dma_start3A_117, %dma_start3A_118] : memref<2560x2x128xi32, #tpu.memory_space<hbm>> -> memref<40x2x128xi32, #tpu.memory_space<hbm>>
        tpu.enqueue_dma source(%dma_start3A_119 : memref<40x2x128xi32, #tpu.memory_space<hbm>>) target(%dma_start3A_116 : memref<40x2x128xi32, #tpu.memory_space<vmem>>) target_semaphore(%run_scoped3A : memref<!tpu.dma_semaphore, #tpu.memory_space<semaphore_mem>>)
        %dma_wait3A_120 = arith.constant 0 : i32
        %dma_wait3A_121 = arith.constant 0 : i32
        %dma_wait3A_122 = arith.constant 0 : i32
        %dma_wait3A_123 = tpu.memref_slice %arg6[%dma_wait3A_120, %dma_wait3A_121, %dma_wait3A_122] : memref<40x2x128xi32, #tpu.memory_space<vmem>> -> memref<40x2x128xi32, #tpu.memory_space<vmem>>
        %dma_wait3A_124 = arith.constant 0 : i32
        %dma_wait3A_125 = arith.constant 0 : i32
        %dma_wait3A_126 = tpu.memref_slice %arg3[%add3A_35, %dma_wait3A_124, %dma_wait3A_125] : memref<2560x2x128xi32, #tpu.memory_space<hbm>> -> memref<40x2x128xi32, #tpu.memory_space<hbm>>
        %dma_wait3A_127 = arith.constant 0 : i32
        %dma_wait3A_128 = arith.constant 0 : i32
        %dma_wait3A_129 = arith.constant 0 : i32
        %dma_wait3A_130 = tpu.memref_slice %arg6[%dma_wait3A_127, %dma_wait3A_128, %dma_wait3A_129] : memref<40x2x128xi32, #tpu.memory_space<vmem>> -> memref<40x2x128xi32, #tpu.memory_space<vmem>>
        %dma_wait3A_131 = arith.constant 0 : i32
        %dma_wait3A_132 = arith.constant 0 : i32
        %dma_wait3A_133 = tpu.memref_slice %arg3[%add3A_35, %dma_wait3A_131, %dma_wait3A_132] : memref<2560x2x128xi32, #tpu.memory_space<hbm>> -> memref<40x2x128xi32, #tpu.memory_space<hbm>>
        tpu.wait_dma2 semaphore(%run_scoped3A : memref<!tpu.dma_semaphore, #tpu.memory_space<semaphore_mem>>) src(%dma_wait3A_133 : memref<40x2x128xi32, #tpu.memory_space<hbm>>) dst(%dma_wait3A_130 : memref<40x2x128xi32, #tpu.memory_space<vmem>>)
        tpu.yield
      }) : () -> ()
      %dma_start3A_36 = arith.constant 0 : i32
      %dma_start3A_37 = arith.constant 0 : i32
      %dma_start3A_38 = arith.constant 0 : i32
      %dma_start3A_39 = tpu.memref_slice %arg6[%dma_start3A_36, %dma_start3A_37, %dma_start3A_38] : memref<40x2x128xi32, #tpu.memory_space<vmem>> -> memref<1x1x128xi32, #tpu.memory_space<vmem>>
      %dma_start3A_40 = tpu.memref_squeeze %dma_start3A_39 : memref<1x1x128xi32, #tpu.memory_space<vmem>> -> memref<128xi32, #tpu.memory_space<vmem>>
      %dma_start3A_41 = arith.constant 0 : i32
      %dma_start3A_42 = arith.constant 0 : i32
      %dma_start3A_43 = tpu.memref_slice %arg2[%dma_start3A_41, %dma_start3A_42] : memref<10240x128xf32, #tpu.memory_space<hbm>> -> memref<10240x128xf32, #tpu.memory_space<hbm>>
      tpu.enqueue_indirect_dma source(%dma_start3A_43 : memref<10240x128xf32, #tpu.memory_space<hbm>>) target(%arg7 : memref<128x128xf32, #tpu.memory_space<vmem>>) offsets(%dma_start3A_40 : memref<128xi32, #tpu.memory_space<vmem>>) semaphore(%arg9 : memref<!tpu.dma_semaphore, #tpu.memory_space<semaphore_mem>>)
      %scan3A_44 = arith.constant 0 : i32
      %scan3A_45 = arith.constant 0 : i32
      %scan3A_46 = arith.constant 20 : i32
      %scan3A_47 = arith.addi %scan3A_45, %scan3A_46 : i32
      %scan3A_48 = arith.constant 1 : i32
      scf.for %scan3A_106 = %scan3A_45 to %scan3A_47 step %scan3A_48  : i32 {
        %mul3A_107 = arith.constant 2 : i32
        %mul3A_108 = arith.muli %mul3A_107, %scan3A_106 : i32
        %dma_wait3A_109 = arith.constant 0 : i32
        %dma_wait3A_110 = arith.constant 0 : i32
        %dma_wait3A_111 = tpu.memref_slice %arg6[%mul3A_108, %dma_wait3A_109, %dma_wait3A_110] : memref<40x2x128xi32, #tpu.memory_space<vmem>> -> memref<1x1x128xi32, #tpu.memory_space<vmem>>
        %dma_wait3A_112 = tpu.memref_squeeze %dma_wait3A_111 : memref<1x1x128xi32, #tpu.memory_space<vmem>> -> memref<128xi32, #tpu.memory_space<vmem>>
        %dma_wait3A_113 = arith.constant 0 : i32
        %dma_wait3A_114 = arith.constant 0 : i32
        %dma_wait3A_115 = tpu.memref_slice %arg2[%dma_wait3A_113, %dma_wait3A_114] : memref<10240x128xf32, #tpu.memory_space<hbm>> -> memref<10240x128xf32, #tpu.memory_space<hbm>>
        tpu.wait_indirect_dma semaphore(%arg9 : memref<!tpu.dma_semaphore, #tpu.memory_space<semaphore_mem>>) src(%dma_wait3A_115 : memref<10240x128xf32, #tpu.memory_space<hbm>>) dst(%arg7 : memref<128x128xf32, #tpu.memory_space<vmem>>)
        %gt3A = arith.constant 0 : i32
        %gt3A_116 = arith.cmpi sgt, %scan3A_106, %gt3A : i32
        %convert_element_type3A_117 = arith.extui %gt3A_116 : i1 to i32
        %cond3A_118 = arith.constant 0 : i32
        %cond3A_119 = arith.cmpi ne, %convert_element_type3A_117, %cond3A_118 : i32
        scf.if %cond3A_119 {
          %dma_wait3A_168 = arith.constant 0 : i32
          %dma_wait3A_169 = arith.constant 1 : i32
          %dma_wait3A_170 = arith.constant 0 : i32
          %dma_wait3A_171 = tpu.memref_slice %arg6[%dma_wait3A_168, %dma_wait3A_169, %dma_wait3A_170] : memref<40x2x128xi32, #tpu.memory_space<vmem>> -> memref<1x1x128xi32, #tpu.memory_space<vmem>>
          %dma_wait3A_172 = tpu.memref_squeeze %dma_wait3A_171 : memref<1x1x128xi32, #tpu.memory_space<vmem>> -> memref<128xi32, #tpu.memory_space<vmem>>
          %dma_wait3A_173 = arith.constant 0 : i32
          %dma_wait3A_174 = arith.constant 0 : i32
          %dma_wait3A_175 = tpu.memref_slice %arg5[%dma_wait3A_173, %dma_wait3A_174] : memref<10240x128xf32, #tpu.memory_space<vmem_shared>> -> memref<10240x128xf32, #tpu.memory_space<vmem_shared>>
          tpu.wait_indirect_dma semaphore(%arg10 : memref<!tpu.dma_semaphore, #tpu.memory_space<semaphore_mem>>) src(%arg8 : memref<128x128xf32, #tpu.memory_space<vmem>>) dst(%dma_wait3A_175 : memref<10240x128xf32, #tpu.memory_space<vmem_shared>>)
        } else {
        }
        %add3A_120 = arith.constant 1 : i32
        %add3A_121 = arith.addi %mul3A_108, %add3A_120 : i32
        %dma_start3A_122 = arith.constant 0 : i32
        %dma_start3A_123 = arith.constant 0 : i32
        %dma_start3A_124 = tpu.memref_slice %arg6[%add3A_121, %dma_start3A_122, %dma_start3A_123] : memref<40x2x128xi32, #tpu.memory_space<vmem>> -> memref<1x1x128xi32, #tpu.memory_space<vmem>>
        %dma_start3A_125 = tpu.memref_squeeze %dma_start3A_124 : memref<1x1x128xi32, #tpu.memory_space<vmem>> -> memref<128xi32, #tpu.memory_space<vmem>>
        %dma_start3A_126 = arith.constant 0 : i32
        %dma_start3A_127 = arith.constant 0 : i32
        %dma_start3A_128 = tpu.memref_slice %arg2[%dma_start3A_126, %dma_start3A_127] : memref<10240x128xf32, #tpu.memory_space<hbm>> -> memref<10240x128xf32, #tpu.memory_space<hbm>>
        tpu.enqueue_indirect_dma source(%dma_start3A_128 : memref<10240x128xf32, #tpu.memory_space<hbm>>) target(%arg8 : memref<128x128xf32, #tpu.memory_space<vmem>>) offsets(%dma_start3A_125 : memref<128xi32, #tpu.memory_space<vmem>>) semaphore(%arg9 : memref<!tpu.dma_semaphore, #tpu.memory_space<semaphore_mem>>)
        %dma_start3A_129 = arith.constant 1 : i32
        %dma_start3A_130 = arith.constant 0 : i32
        %dma_start3A_131 = tpu.memref_slice %arg6[%mul3A_108, %dma_start3A_129, %dma_start3A_130] : memref<40x2x128xi32, #tpu.memory_space<vmem>> -> memref<1x1x128xi32, #tpu.memory_space<vmem>>
        %dma_start3A_132 = tpu.memref_squeeze %dma_start3A_131 : memref<1x1x128xi32, #tpu.memory_space<vmem>> -> memref<128xi32, #tpu.memory_space<vmem>>
        %dma_start3A_133 = arith.constant 0 : i32
        %dma_start3A_134 = arith.constant 0 : i32
        %dma_start3A_135 = tpu.memref_slice %arg5[%dma_start3A_133, %dma_start3A_134] : memref<10240x128xf32, #tpu.memory_space<vmem_shared>> -> memref<10240x128xf32, #tpu.memory_space<vmem_shared>>
        tpu.enqueue_indirect_dma source(%arg7 : memref<128x128xf32, #tpu.memory_space<vmem>>) target(%dma_start3A_135 : memref<10240x128xf32, #tpu.memory_space<vmem_shared>>) offsets(%dma_start3A_132 : memref<128xi32, #tpu.memory_space<vmem>>) semaphore(%arg10 : memref<!tpu.dma_semaphore, #tpu.memory_space<semaphore_mem>>) {add = true}
        %add3A_136 = arith.constant 1 : i32
        %add3A_137 = arith.addi %mul3A_108, %add3A_136 : i32
        %dma_wait3A_138 = arith.constant 0 : i32
        %dma_wait3A_139 = arith.constant 0 : i32
        %dma_wait3A_140 = tpu.memref_slice %arg6[%add3A_137, %dma_wait3A_138, %dma_wait3A_139] : memref<40x2x128xi32, #tpu.memory_space<vmem>> -> memref<1x1x128xi32, #tpu.memory_space<vmem>>
        %dma_wait3A_141 = tpu.memref_squeeze %dma_wait3A_140 : memref<1x1x128xi32, #tpu.memory_space<vmem>> -> memref<128xi32, #tpu.memory_space<vmem>>
        %dma_wait3A_142 = arith.constant 0 : i32
        %dma_wait3A_143 = arith.constant 0 : i32
        %dma_wait3A_144 = tpu.memref_slice %arg2[%dma_wait3A_142, %dma_wait3A_143] : memref<10240x128xf32, #tpu.memory_space<hbm>> -> memref<10240x128xf32, #tpu.memory_space<hbm>>
        tpu.wait_indirect_dma semaphore(%arg9 : memref<!tpu.dma_semaphore, #tpu.memory_space<semaphore_mem>>) src(%dma_wait3A_144 : memref<10240x128xf32, #tpu.memory_space<hbm>>) dst(%arg8 : memref<128x128xf32, #tpu.memory_space<vmem>>)
        %dma_wait3A_145 = arith.constant 0 : i32
        %dma_wait3A_146 = arith.constant 1 : i32
        %dma_wait3A_147 = arith.constant 0 : i32
        %dma_wait3A_148 = tpu.memref_slice %arg6[%dma_wait3A_145, %dma_wait3A_146, %dma_wait3A_147] : memref<40x2x128xi32, #tpu.memory_space<vmem>> -> memref<1x1x128xi32, #tpu.memory_space<vmem>>
        %dma_wait3A_149 = tpu.memref_squeeze %dma_wait3A_148 : memref<1x1x128xi32, #tpu.memory_space<vmem>> -> memref<128xi32, #tpu.memory_space<vmem>>
        %dma_wait3A_150 = arith.constant 0 : i32
        %dma_wait3A_151 = arith.constant 0 : i32
        %dma_wait3A_152 = tpu.memref_slice %arg5[%dma_wait3A_150, %dma_wait3A_151] : memref<10240x128xf32, #tpu.memory_space<vmem_shared>> -> memref<10240x128xf32, #tpu.memory_space<vmem_shared>>
        tpu.wait_indirect_dma semaphore(%arg10 : memref<!tpu.dma_semaphore, #tpu.memory_space<semaphore_mem>>) src(%arg7 : memref<128x128xf32, #tpu.memory_space<vmem>>) dst(%dma_wait3A_152 : memref<10240x128xf32, #tpu.memory_space<vmem_shared>>)
        %add3A_153 = arith.constant 2 : i32
        %add3A_154 = arith.addi %mul3A_108, %add3A_153 : i32
        %lt3A = arith.constant 40 : i32
        %lt3A_155 = arith.cmpi slt, %add3A_154, %lt3A : i32
        %convert_element_type3A_156 = arith.extui %lt3A_155 : i1 to i32
        %cond3A_157 = arith.constant 0 : i32
        %cond3A_158 = arith.cmpi ne, %convert_element_type3A_156, %cond3A_157 : i32
        scf.if %cond3A_158 {
          %add3A_168 = arith.constant 2 : i32
          %add3A_169 = arith.addi %mul3A_108, %add3A_168 : i32
          %dma_start3A_170 = arith.constant 0 : i32
          %dma_start3A_171 = arith.constant 0 : i32
          %dma_start3A_172 = tpu.memref_slice %arg6[%add3A_169, %dma_start3A_170, %dma_start3A_171] : memref<40x2x128xi32, #tpu.memory_space<vmem>> -> memref<1x1x128xi32, #tpu.memory_space<vmem>>
          %dma_start3A_173 = tpu.memref_squeeze %dma_start3A_172 : memref<1x1x128xi32, #tpu.memory_space<vmem>> -> memref<128xi32, #tpu.memory_space<vmem>>
          %dma_start3A_174 = arith.constant 0 : i32
          %dma_start3A_175 = arith.constant 0 : i32
          %dma_start3A_176 = tpu.memref_slice %arg2[%dma_start3A_174, %dma_start3A_175] : memref<10240x128xf32, #tpu.memory_space<hbm>> -> memref<10240x128xf32, #tpu.memory_space<hbm>>
          tpu.enqueue_indirect_dma source(%dma_start3A_176 : memref<10240x128xf32, #tpu.memory_space<hbm>>) target(%arg7 : memref<128x128xf32, #tpu.memory_space<vmem>>) offsets(%dma_start3A_173 : memref<128xi32, #tpu.memory_space<vmem>>) semaphore(%arg9 : memref<!tpu.dma_semaphore, #tpu.memory_space<semaphore_mem>>)
        } else {
        }
        %add3A_159 = arith.constant 1 : i32
        %add3A_160 = arith.addi %mul3A_108, %add3A_159 : i32
        %dma_start3A_161 = arith.constant 1 : i32
        %dma_start3A_162 = arith.constant 0 : i32
        %dma_start3A_163 = tpu.memref_slice %arg6[%add3A_160, %dma_start3A_161, %dma_start3A_162] : memref<40x2x128xi32, #tpu.memory_space<vmem>> -> memref<1x1x128xi32, #tpu.memory_space<vmem>>
        %dma_start3A_164 = tpu.memref_squeeze %dma_start3A_163 : memref<1x1x128xi32, #tpu.memory_space<vmem>> -> memref<128xi32, #tpu.memory_space<vmem>>
        %dma_start3A_165 = arith.constant 0 : i32
        %dma_start3A_166 = arith.constant 0 : i32
        %dma_start3A_167 = tpu.memref_slice %arg5[%dma_start3A_165, %dma_start3A_166] : memref<10240x128xf32, #tpu.memory_space<vmem_shared>> -> memref<10240x128xf32, #tpu.memory_space<vmem_shared>>
        tpu.enqueue_indirect_dma source(%arg8 : memref<128x128xf32, #tpu.memory_space<vmem>>) target(%dma_start3A_167 : memref<10240x128xf32, #tpu.memory_space<vmem_shared>>) offsets(%dma_start3A_164 : memref<128xi32, #tpu.memory_space<vmem>>) semaphore(%arg10 : memref<!tpu.dma_semaphore, #tpu.memory_space<semaphore_mem>>) {add = true}
      }
      %scan3A_49 = arith.constant 20 : i32
      %dma_wait3A_50 = arith.constant 0 : i32
      %dma_wait3A_51 = arith.constant 1 : i32
      %dma_wait3A_52 = arith.constant 0 : i32
      %dma_wait3A_53 = tpu.memref_slice %arg6[%dma_wait3A_50, %dma_wait3A_51, %dma_wait3A_52] : memref<40x2x128xi32, #tpu.memory_space<vmem>> -> memref<1x1x128xi32, #tpu.memory_space<vmem>>
      %dma_wait3A_54 = tpu.memref_squeeze %dma_wait3A_53 : memref<1x1x128xi32, #tpu.memory_space<vmem>> -> memref<128xi32, #tpu.memory_space<vmem>>
      %dma_wait3A_55 = arith.constant 0 : i32
      %dma_wait3A_56 = arith.constant 0 : i32
      %dma_wait3A_57 = tpu.memref_slice %arg5[%dma_wait3A_55, %dma_wait3A_56] : memref<10240x128xf32, #tpu.memory_space<vmem_shared>> -> memref<10240x128xf32, #tpu.memory_space<vmem_shared>>
      tpu.wait_indirect_dma semaphore(%arg10 : memref<!tpu.dma_semaphore, #tpu.memory_space<semaphore_mem>>) src(%arg8 : memref<128x128xf32, #tpu.memory_space<vmem>>) dst(%dma_wait3A_57 : memref<10240x128xf32, #tpu.memory_space<vmem_shared>>)
      %add3A_58 = arith.constant 80 : i32
      %add3A_59 = arith.addi %mul3A_13, %add3A_58 : i32
      "tpu.region"() ({
        %run_scoped3A = tpu.sem_alloc : memref<!tpu.dma_semaphore, #tpu.memory_space<semaphore_mem>>
        %dma_start3A_106 = arith.constant 0 : i32
        %dma_start3A_107 = arith.constant 0 : i32
        %dma_start3A_108 = arith.constant 0 : i32
        %dma_start3A_109 = tpu.memref_slice %arg6[%dma_start3A_106, %dma_start3A_107, %dma_start3A_108] : memref<40x2x128xi32, #tpu.memory_space<vmem>> -> memref<40x2x128xi32, #tpu.memory_space<vmem>>
        %dma_start3A_110 = arith.constant 0 : i32
        %dma_start3A_111 = arith.constant 0 : i32
        %dma_start3A_112 = tpu.memref_slice %arg3[%add3A_59, %dma_start3A_110, %dma_start3A_111] : memref<2560x2x128xi32, #tpu.memory_space<hbm>> -> memref<40x2x128xi32, #tpu.memory_space<hbm>>
        %dma_start3A_113 = arith.constant 0 : i32
        %dma_start3A_114 = arith.constant 0 : i32
        %dma_start3A_115 = arith.constant 0 : i32
        %dma_start3A_116 = tpu.memref_slice %arg6[%dma_start3A_113, %dma_start3A_114, %dma_start3A_115] : memref<40x2x128xi32, #tpu.memory_space<vmem>> -> memref<40x2x128xi32, #tpu.memory_space<vmem>>
        %dma_start3A_117 = arith.constant 0 : i32
        %dma_start3A_118 = arith.constant 0 : i32
        %dma_start3A_119 = tpu.memref_slice %arg3[%add3A_59, %dma_start3A_117, %dma_start3A_118] : memref<2560x2x128xi32, #tpu.memory_space<hbm>> -> memref<40x2x128xi32, #tpu.memory_space<hbm>>
        tpu.enqueue_dma source(%dma_start3A_119 : memref<40x2x128xi32, #tpu.memory_space<hbm>>) target(%dma_start3A_116 : memref<40x2x128xi32, #tpu.memory_space<vmem>>) target_semaphore(%run_scoped3A : memref<!tpu.dma_semaphore, #tpu.memory_space<semaphore_mem>>)
        %dma_wait3A_120 = arith.constant 0 : i32
        %dma_wait3A_121 = arith.constant 0 : i32
        %dma_wait3A_122 = arith.constant 0 : i32
        %dma_wait3A_123 = tpu.memref_slice %arg6[%dma_wait3A_120, %dma_wait3A_121, %dma_wait3A_122] : memref<40x2x128xi32, #tpu.memory_space<vmem>> -> memref<40x2x128xi32, #tpu.memory_space<vmem>>
        %dma_wait3A_124 = arith.constant 0 : i32
        %dma_wait3A_125 = arith.constant 0 : i32
        %dma_wait3A_126 = tpu.memref_slice %arg3[%add3A_59, %dma_wait3A_124, %dma_wait3A_125] : memref<2560x2x128xi32, #tpu.memory_space<hbm>> -> memref<40x2x128xi32, #tpu.memory_space<hbm>>
        %dma_wait3A_127 = arith.constant 0 : i32
        %dma_wait3A_128 = arith.constant 0 : i32
        %dma_wait3A_129 = arith.constant 0 : i32
        %dma_wait3A_130 = tpu.memref_slice %arg6[%dma_wait3A_127, %dma_wait3A_128, %dma_wait3A_129] : memref<40x2x128xi32, #tpu.memory_space<vmem>> -> memref<40x2x128xi32, #tpu.memory_space<vmem>>
        %dma_wait3A_131 = arith.constant 0 : i32
        %dma_wait3A_132 = arith.constant 0 : i32
        %dma_wait3A_133 = tpu.memref_slice %arg3[%add3A_59, %dma_wait3A_131, %dma_wait3A_132] : memref<2560x2x128xi32, #tpu.memory_space<hbm>> -> memref<40x2x128xi32, #tpu.memory_space<hbm>>
        tpu.wait_dma2 semaphore(%run_scoped3A : memref<!tpu.dma_semaphore, #tpu.memory_space<semaphore_mem>>) src(%dma_wait3A_133 : memref<40x2x128xi32, #tpu.memory_space<hbm>>) dst(%dma_wait3A_130 : memref<40x2x128xi32, #tpu.memory_space<vmem>>)
        tpu.yield
      }) : () -> ()
      %dma_start3A_60 = arith.constant 0 : i32
      %dma_start3A_61 = arith.constant 0 : i32
      %dma_start3A_62 = arith.constant 0 : i32
      %dma_start3A_63 = tpu.memref_slice %arg6[%dma_start3A_60, %dma_start3A_61, %dma_start3A_62] : memref<40x2x128xi32, #tpu.memory_space<vmem>> -> memref<1x1x128xi32, #tpu.memory_space<vmem>>
      %dma_start3A_64 = tpu.memref_squeeze %dma_start3A_63 : memref<1x1x128xi32, #tpu.memory_space<vmem>> -> memref<128xi32, #tpu.memory_space<vmem>>
      %dma_start3A_65 = arith.constant 0 : i32
      %dma_start3A_66 = arith.constant 0 : i32
      %dma_start3A_67 = tpu.memref_slice %arg2[%dma_start3A_65, %dma_start3A_66] : memref<10240x128xf32, #tpu.memory_space<hbm>> -> memref<10240x128xf32, #tpu.memory_space<hbm>>
      tpu.enqueue_indirect_dma source(%dma_start3A_67 : memref<10240x128xf32, #tpu.memory_space<hbm>>) target(%arg7 : memref<128x128xf32, #tpu.memory_space<vmem>>) offsets(%dma_start3A_64 : memref<128xi32, #tpu.memory_space<vmem>>) semaphore(%arg9 : memref<!tpu.dma_semaphore, #tpu.memory_space<semaphore_mem>>)
      %scan3A_68 = arith.constant 0 : i32
      %scan3A_69 = arith.constant 0 : i32
      %scan3A_70 = arith.constant 20 : i32
      %scan3A_71 = arith.addi %scan3A_69, %scan3A_70 : i32
      %scan3A_72 = arith.constant 1 : i32
      scf.for %scan3A_106 = %scan3A_69 to %scan3A_71 step %scan3A_72  : i32 {
        %mul3A_107 = arith.constant 2 : i32
        %mul3A_108 = arith.muli %mul3A_107, %scan3A_106 : i32
        %dma_wait3A_109 = arith.constant 0 : i32
        %dma_wait3A_110 = arith.constant 0 : i32
        %dma_wait3A_111 = tpu.memref_slice %arg6[%mul3A_108, %dma_wait3A_109, %dma_wait3A_110] : memref<40x2x128xi32, #tpu.memory_space<vmem>> -> memref<1x1x128xi32, #tpu.memory_space<vmem>>
        %dma_wait3A_112 = tpu.memref_squeeze %dma_wait3A_111 : memref<1x1x128xi32, #tpu.memory_space<vmem>> -> memref<128xi32, #tpu.memory_space<vmem>>
        %dma_wait3A_113 = arith.constant 0 : i32
        %dma_wait3A_114 = arith.constant 0 : i32
        %dma_wait3A_115 = tpu.memref_slice %arg2[%dma_wait3A_113, %dma_wait3A_114] : memref<10240x128xf32, #tpu.memory_space<hbm>> -> memref<10240x128xf32, #tpu.memory_space<hbm>>
        tpu.wait_indirect_dma semaphore(%arg9 : memref<!tpu.dma_semaphore, #tpu.memory_space<semaphore_mem>>) src(%dma_wait3A_115 : memref<10240x128xf32, #tpu.memory_space<hbm>>) dst(%arg7 : memref<128x128xf32, #tpu.memory_space<vmem>>)
        %gt3A = arith.constant 0 : i32
        %gt3A_116 = arith.cmpi sgt, %scan3A_106, %gt3A : i32
        %convert_element_type3A_117 = arith.extui %gt3A_116 : i1 to i32
        %cond3A_118 = arith.constant 0 : i32
        %cond3A_119 = arith.cmpi ne, %convert_element_type3A_117, %cond3A_118 : i32
        scf.if %cond3A_119 {
          %dma_wait3A_168 = arith.constant 0 : i32
          %dma_wait3A_169 = arith.constant 1 : i32
          %dma_wait3A_170 = arith.constant 0 : i32
          %dma_wait3A_171 = tpu.memref_slice %arg6[%dma_wait3A_168, %dma_wait3A_169, %dma_wait3A_170] : memref<40x2x128xi32, #tpu.memory_space<vmem>> -> memref<1x1x128xi32, #tpu.memory_space<vmem>>
          %dma_wait3A_172 = tpu.memref_squeeze %dma_wait3A_171 : memref<1x1x128xi32, #tpu.memory_space<vmem>> -> memref<128xi32, #tpu.memory_space<vmem>>
          %dma_wait3A_173 = arith.constant 0 : i32
          %dma_wait3A_174 = arith.constant 0 : i32
          %dma_wait3A_175 = tpu.memref_slice %arg5[%dma_wait3A_173, %dma_wait3A_174] : memref<10240x128xf32, #tpu.memory_space<vmem_shared>> -> memref<10240x128xf32, #tpu.memory_space<vmem_shared>>
          tpu.wait_indirect_dma semaphore(%arg10 : memref<!tpu.dma_semaphore, #tpu.memory_space<semaphore_mem>>) src(%arg8 : memref<128x128xf32, #tpu.memory_space<vmem>>) dst(%dma_wait3A_175 : memref<10240x128xf32, #tpu.memory_space<vmem_shared>>)
        } else {
        }
        %add3A_120 = arith.constant 1 : i32
        %add3A_121 = arith.addi %mul3A_108, %add3A_120 : i32
        %dma_start3A_122 = arith.constant 0 : i32
        %dma_start3A_123 = arith.constant 0 : i32
        %dma_start3A_124 = tpu.memref_slice %arg6[%add3A_121, %dma_start3A_122, %dma_start3A_123] : memref<40x2x128xi32, #tpu.memory_space<vmem>> -> memref<1x1x128xi32, #tpu.memory_space<vmem>>
        %dma_start3A_125 = tpu.memref_squeeze %dma_start3A_124 : memref<1x1x128xi32, #tpu.memory_space<vmem>> -> memref<128xi32, #tpu.memory_space<vmem>>
        %dma_start3A_126 = arith.constant 0 : i32
        %dma_start3A_127 = arith.constant 0 : i32
        %dma_start3A_128 = tpu.memref_slice %arg2[%dma_start3A_126, %dma_start3A_127] : memref<10240x128xf32, #tpu.memory_space<hbm>> -> memref<10240x128xf32, #tpu.memory_space<hbm>>
        tpu.enqueue_indirect_dma source(%dma_start3A_128 : memref<10240x128xf32, #tpu.memory_space<hbm>>) target(%arg8 : memref<128x128xf32, #tpu.memory_space<vmem>>) offsets(%dma_start3A_125 : memref<128xi32, #tpu.memory_space<vmem>>) semaphore(%arg9 : memref<!tpu.dma_semaphore, #tpu.memory_space<semaphore_mem>>)
        %dma_start3A_129 = arith.constant 1 : i32
        %dma_start3A_130 = arith.constant 0 : i32
        %dma_start3A_131 = tpu.memref_slice %arg6[%mul3A_108, %dma_start3A_129, %dma_start3A_130] : memref<40x2x128xi32, #tpu.memory_space<vmem>> -> memref<1x1x128xi32, #tpu.memory_space<vmem>>
        %dma_start3A_132 = tpu.memref_squeeze %dma_start3A_131 : memref<1x1x128xi32, #tpu.memory_space<vmem>> -> memref<128xi32, #tpu.memory_space<vmem>>
        %dma_start3A_133 = arith.constant 0 : i32
        %dma_start3A_134 = arith.constant 0 : i32
        %dma_start3A_135 = tpu.memref_slice %arg5[%dma_start3A_133, %dma_start3A_134] : memref<10240x128xf32, #tpu.memory_space<vmem_shared>> -> memref<10240x128xf32, #tpu.memory_space<vmem_shared>>
        tpu.enqueue_indirect_dma source(%arg7 : memref<128x128xf32, #tpu.memory_space<vmem>>) target(%dma_start3A_135 : memref<10240x128xf32, #tpu.memory_space<vmem_shared>>) offsets(%dma_start3A_132 : memref<128xi32, #tpu.memory_space<vmem>>) semaphore(%arg10 : memref<!tpu.dma_semaphore, #tpu.memory_space<semaphore_mem>>) {add = true}
        %add3A_136 = arith.constant 1 : i32
        %add3A_137 = arith.addi %mul3A_108, %add3A_136 : i32
        %dma_wait3A_138 = arith.constant 0 : i32
        %dma_wait3A_139 = arith.constant 0 : i32
        %dma_wait3A_140 = tpu.memref_slice %arg6[%add3A_137, %dma_wait3A_138, %dma_wait3A_139] : memref<40x2x128xi32, #tpu.memory_space<vmem>> -> memref<1x1x128xi32, #tpu.memory_space<vmem>>
        %dma_wait3A_141 = tpu.memref_squeeze %dma_wait3A_140 : memref<1x1x128xi32, #tpu.memory_space<vmem>> -> memref<128xi32, #tpu.memory_space<vmem>>
        %dma_wait3A_142 = arith.constant 0 : i32
        %dma_wait3A_143 = arith.constant 0 : i32
        %dma_wait3A_144 = tpu.memref_slice %arg2[%dma_wait3A_142, %dma_wait3A_143] : memref<10240x128xf32, #tpu.memory_space<hbm>> -> memref<10240x128xf32, #tpu.memory_space<hbm>>
        tpu.wait_indirect_dma semaphore(%arg9 : memref<!tpu.dma_semaphore, #tpu.memory_space<semaphore_mem>>) src(%dma_wait3A_144 : memref<10240x128xf32, #tpu.memory_space<hbm>>) dst(%arg8 : memref<128x128xf32, #tpu.memory_space<vmem>>)
        %dma_wait3A_145 = arith.constant 0 : i32
        %dma_wait3A_146 = arith.constant 1 : i32
        %dma_wait3A_147 = arith.constant 0 : i32
        %dma_wait3A_148 = tpu.memref_slice %arg6[%dma_wait3A_145, %dma_wait3A_146, %dma_wait3A_147] : memref<40x2x128xi32, #tpu.memory_space<vmem>> -> memref<1x1x128xi32, #tpu.memory_space<vmem>>
        %dma_wait3A_149 = tpu.memref_squeeze %dma_wait3A_148 : memref<1x1x128xi32, #tpu.memory_space<vmem>> -> memref<128xi32, #tpu.memory_space<vmem>>
        %dma_wait3A_150 = arith.constant 0 : i32
        %dma_wait3A_151 = arith.constant 0 : i32
        %dma_wait3A_152 = tpu.memref_slice %arg5[%dma_wait3A_150, %dma_wait3A_151] : memref<10240x128xf32, #tpu.memory_space<vmem_shared>> -> memref<10240x128xf32, #tpu.memory_space<vmem_shared>>
        tpu.wait_indirect_dma semaphore(%arg10 : memref<!tpu.dma_semaphore, #tpu.memory_space<semaphore_mem>>) src(%arg7 : memref<128x128xf32, #tpu.memory_space<vmem>>) dst(%dma_wait3A_152 : memref<10240x128xf32, #tpu.memory_space<vmem_shared>>)
        %add3A_153 = arith.constant 2 : i32
        %add3A_154 = arith.addi %mul3A_108, %add3A_153 : i32
        %lt3A = arith.constant 40 : i32
        %lt3A_155 = arith.cmpi slt, %add3A_154, %lt3A : i32
        %convert_element_type3A_156 = arith.extui %lt3A_155 : i1 to i32
        %cond3A_157 = arith.constant 0 : i32
        %cond3A_158 = arith.cmpi ne, %convert_element_type3A_156, %cond3A_157 : i32
        scf.if %cond3A_158 {
          %add3A_168 = arith.constant 2 : i32
          %add3A_169 = arith.addi %mul3A_108, %add3A_168 : i32
          %dma_start3A_170 = arith.constant 0 : i32
          %dma_start3A_171 = arith.constant 0 : i32
          %dma_start3A_172 = tpu.memref_slice %arg6[%add3A_169, %dma_start3A_170, %dma_start3A_171] : memref<40x2x128xi32, #tpu.memory_space<vmem>> -> memref<1x1x128xi32, #tpu.memory_space<vmem>>
          %dma_start3A_173 = tpu.memref_squeeze %dma_start3A_172 : memref<1x1x128xi32, #tpu.memory_space<vmem>> -> memref<128xi32, #tpu.memory_space<vmem>>
          %dma_start3A_174 = arith.constant 0 : i32
          %dma_start3A_175 = arith.constant 0 : i32
          %dma_start3A_176 = tpu.memref_slice %arg2[%dma_start3A_174, %dma_start3A_175] : memref<10240x128xf32, #tpu.memory_space<hbm>> -> memref<10240x128xf32, #tpu.memory_space<hbm>>
          tpu.enqueue_indirect_dma source(%dma_start3A_176 : memref<10240x128xf32, #tpu.memory_space<hbm>>) target(%arg7 : memref<128x128xf32, #tpu.memory_space<vmem>>) offsets(%dma_start3A_173 : memref<128xi32, #tpu.memory_space<vmem>>) semaphore(%arg9 : memref<!tpu.dma_semaphore, #tpu.memory_space<semaphore_mem>>)
        } else {
        }
        %add3A_159 = arith.constant 1 : i32
        %add3A_160 = arith.addi %mul3A_108, %add3A_159 : i32
        %dma_start3A_161 = arith.constant 1 : i32
        %dma_start3A_162 = arith.constant 0 : i32
        %dma_start3A_163 = tpu.memref_slice %arg6[%add3A_160, %dma_start3A_161, %dma_start3A_162] : memref<40x2x128xi32, #tpu.memory_space<vmem>> -> memref<1x1x128xi32, #tpu.memory_space<vmem>>
        %dma_start3A_164 = tpu.memref_squeeze %dma_start3A_163 : memref<1x1x128xi32, #tpu.memory_space<vmem>> -> memref<128xi32, #tpu.memory_space<vmem>>
        %dma_start3A_165 = arith.constant 0 : i32
        %dma_start3A_166 = arith.constant 0 : i32
        %dma_start3A_167 = tpu.memref_slice %arg5[%dma_start3A_165, %dma_start3A_166] : memref<10240x128xf32, #tpu.memory_space<vmem_shared>> -> memref<10240x128xf32, #tpu.memory_space<vmem_shared>>
        tpu.enqueue_indirect_dma source(%arg8 : memref<128x128xf32, #tpu.memory_space<vmem>>) target(%dma_start3A_167 : memref<10240x128xf32, #tpu.memory_space<vmem_shared>>) offsets(%dma_start3A_164 : memref<128xi32, #tpu.memory_space<vmem>>) semaphore(%arg10 : memref<!tpu.dma_semaphore, #tpu.memory_space<semaphore_mem>>) {add = true}
      }
      %scan3A_73 = arith.constant 20 : i32
      %dma_wait3A_74 = arith.constant 0 : i32
      %dma_wait3A_75 = arith.constant 1 : i32
      %dma_wait3A_76 = arith.constant 0 : i32
      %dma_wait3A_77 = tpu.memref_slice %arg6[%dma_wait3A_74, %dma_wait3A_75, %dma_wait3A_76] : memref<40x2x128xi32, #tpu.memory_space<vmem>> -> memref<1x1x128xi32, #tpu.memory_space<vmem>>
      %dma_wait3A_78 = tpu.memref_squeeze %dma_wait3A_77 : memref<1x1x128xi32, #tpu.memory_space<vmem>> -> memref<128xi32, #tpu.memory_space<vmem>>
      %dma_wait3A_79 = arith.constant 0 : i32
      %dma_wait3A_80 = arith.constant 0 : i32
      %dma_wait3A_81 = tpu.memref_slice %arg5[%dma_wait3A_79, %dma_wait3A_80] : memref<10240x128xf32, #tpu.memory_space<vmem_shared>> -> memref<10240x128xf32, #tpu.memory_space<vmem_shared>>
      tpu.wait_indirect_dma semaphore(%arg10 : memref<!tpu.dma_semaphore, #tpu.memory_space<semaphore_mem>>) src(%arg8 : memref<128x128xf32, #tpu.memory_space<vmem>>) dst(%dma_wait3A_81 : memref<10240x128xf32, #tpu.memory_space<vmem_shared>>)
      %add3A_82 = arith.constant 120 : i32
      %add3A_83 = arith.addi %mul3A_13, %add3A_82 : i32
      "tpu.region"() ({
        %run_scoped3A = tpu.sem_alloc : memref<!tpu.dma_semaphore, #tpu.memory_space<semaphore_mem>>
        %dma_start3A_106 = arith.constant 0 : i32
        %dma_start3A_107 = arith.constant 0 : i32
        %dma_start3A_108 = arith.constant 0 : i32
        %dma_start3A_109 = tpu.memref_slice %arg6[%dma_start3A_106, %dma_start3A_107, %dma_start3A_108] : memref<40x2x128xi32, #tpu.memory_space<vmem>> -> memref<40x2x128xi32, #tpu.memory_space<vmem>>
        %dma_start3A_110 = arith.constant 0 : i32
        %dma_start3A_111 = arith.constant 0 : i32
        %dma_start3A_112 = tpu.memref_slice %arg3[%add3A_83, %dma_start3A_110, %dma_start3A_111] : memref<2560x2x128xi32, #tpu.memory_space<hbm>> -> memref<40x2x128xi32, #tpu.memory_space<hbm>>
        %dma_start3A_113 = arith.constant 0 : i32
        %dma_start3A_114 = arith.constant 0 : i32
        %dma_start3A_115 = arith.constant 0 : i32
        %dma_start3A_116 = tpu.memref_slice %arg6[%dma_start3A_113, %dma_start3A_114, %dma_start3A_115] : memref<40x2x128xi32, #tpu.memory_space<vmem>> -> memref<40x2x128xi32, #tpu.memory_space<vmem>>
        %dma_start3A_117 = arith.constant 0 : i32
        %dma_start3A_118 = arith.constant 0 : i32
        %dma_start3A_119 = tpu.memref_slice %arg3[%add3A_83, %dma_start3A_117, %dma_start3A_118] : memref<2560x2x128xi32, #tpu.memory_space<hbm>> -> memref<40x2x128xi32, #tpu.memory_space<hbm>>
        tpu.enqueue_dma source(%dma_start3A_119 : memref<40x2x128xi32, #tpu.memory_space<hbm>>) target(%dma_start3A_116 : memref<40x2x128xi32, #tpu.memory_space<vmem>>) target_semaphore(%run_scoped3A : memref<!tpu.dma_semaphore, #tpu.memory_space<semaphore_mem>>)
        %dma_wait3A_120 = arith.constant 0 : i32
        %dma_wait3A_121 = arith.constant 0 : i32
        %dma_wait3A_122 = arith.constant 0 : i32
        %dma_wait3A_123 = tpu.memref_slice %arg6[%dma_wait3A_120, %dma_wait3A_121, %dma_wait3A_122] : memref<40x2x128xi32, #tpu.memory_space<vmem>> -> memref<40x2x128xi32, #tpu.memory_space<vmem>>
        %dma_wait3A_124 = arith.constant 0 : i32
        %dma_wait3A_125 = arith.constant 0 : i32
        %dma_wait3A_126 = tpu.memref_slice %arg3[%add3A_83, %dma_wait3A_124, %dma_wait3A_125] : memref<2560x2x128xi32, #tpu.memory_space<hbm>> -> memref<40x2x128xi32, #tpu.memory_space<hbm>>
        %dma_wait3A_127 = arith.constant 0 : i32
        %dma_wait3A_128 = arith.constant 0 : i32
        %dma_wait3A_129 = arith.constant 0 : i32
        %dma_wait3A_130 = tpu.memref_slice %arg6[%dma_wait3A_127, %dma_wait3A_128, %dma_wait3A_129] : memref<40x2x128xi32, #tpu.memory_space<vmem>> -> memref<40x2x128xi32, #tpu.memory_space<vmem>>
        %dma_wait3A_131 = arith.constant 0 : i32
        %dma_wait3A_132 = arith.constant 0 : i32
        %dma_wait3A_133 = tpu.memref_slice %arg3[%add3A_83, %dma_wait3A_131, %dma_wait3A_132] : memref<2560x2x128xi32, #tpu.memory_space<hbm>> -> memref<40x2x128xi32, #tpu.memory_space<hbm>>
        tpu.wait_dma2 semaphore(%run_scoped3A : memref<!tpu.dma_semaphore, #tpu.memory_space<semaphore_mem>>) src(%dma_wait3A_133 : memref<40x2x128xi32, #tpu.memory_space<hbm>>) dst(%dma_wait3A_130 : memref<40x2x128xi32, #tpu.memory_space<vmem>>)
        tpu.yield
      }) : () -> ()
      %dma_start3A_84 = arith.constant 0 : i32
      %dma_start3A_85 = arith.constant 0 : i32
      %dma_start3A_86 = arith.constant 0 : i32
      %dma_start3A_87 = tpu.memref_slice %arg6[%dma_start3A_84, %dma_start3A_85, %dma_start3A_86] : memref<40x2x128xi32, #tpu.memory_space<vmem>> -> memref<1x1x128xi32, #tpu.memory_space<vmem>>
      %dma_start3A_88 = tpu.memref_squeeze %dma_start3A_87 : memref<1x1x128xi32, #tpu.memory_space<vmem>> -> memref<128xi32, #tpu.memory_space<vmem>>
      %dma_start3A_89 = arith.constant 0 : i32
      %dma_start3A_90 = arith.constant 0 : i32
      %dma_start3A_91 = tpu.memref_slice %arg2[%dma_start3A_89, %dma_start3A_90] : memref<10240x128xf32, #tpu.memory_space<hbm>> -> memref<10240x128xf32, #tpu.memory_space<hbm>>
      tpu.enqueue_indirect_dma source(%dma_start3A_91 : memref<10240x128xf32, #tpu.memory_space<hbm>>) target(%arg7 : memref<128x128xf32, #tpu.memory_space<vmem>>) offsets(%dma_start3A_88 : memref<128xi32, #tpu.memory_space<vmem>>) semaphore(%arg9 : memref<!tpu.dma_semaphore, #tpu.memory_space<semaphore_mem>>)
      %scan3A_92 = arith.constant 0 : i32
      %scan3A_93 = arith.constant 0 : i32
      %scan3A_94 = arith.constant 20 : i32
      %scan3A_95 = arith.addi %scan3A_93, %scan3A_94 : i32
      %scan3A_96 = arith.constant 1 : i32
      scf.for %scan3A_106 = %scan3A_93 to %scan3A_95 step %scan3A_96  : i32 {
        %mul3A_107 = arith.constant 2 : i32
        %mul3A_108 = arith.muli %mul3A_107, %scan3A_106 : i32
        %dma_wait3A_109 = arith.constant 0 : i32
        %dma_wait3A_110 = arith.constant 0 : i32
        %dma_wait3A_111 = tpu.memref_slice %arg6[%mul3A_108, %dma_wait3A_109, %dma_wait3A_110] : memref<40x2x128xi32, #tpu.memory_space<vmem>> -> memref<1x1x128xi32, #tpu.memory_space<vmem>>
        %dma_wait3A_112 = tpu.memref_squeeze %dma_wait3A_111 : memref<1x1x128xi32, #tpu.memory_space<vmem>> -> memref<128xi32, #tpu.memory_space<vmem>>
        %dma_wait3A_113 = arith.constant 0 : i32
        %dma_wait3A_114 = arith.constant 0 : i32
        %dma_wait3A_115 = tpu.memref_slice %arg2[%dma_wait3A_113, %dma_wait3A_114] : memref<10240x128xf32, #tpu.memory_space<hbm>> -> memref<10240x128xf32, #tpu.memory_space<hbm>>
        tpu.wait_indirect_dma semaphore(%arg9 : memref<!tpu.dma_semaphore, #tpu.memory_space<semaphore_mem>>) src(%dma_wait3A_115 : memref<10240x128xf32, #tpu.memory_space<hbm>>) dst(%arg7 : memref<128x128xf32, #tpu.memory_space<vmem>>)
        %gt3A = arith.constant 0 : i32
        %gt3A_116 = arith.cmpi sgt, %scan3A_106, %gt3A : i32
        %convert_element_type3A_117 = arith.extui %gt3A_116 : i1 to i32
        %cond3A_118 = arith.constant 0 : i32
        %cond3A_119 = arith.cmpi ne, %convert_element_type3A_117, %cond3A_118 : i32
        scf.if %cond3A_119 {
          %dma_wait3A_168 = arith.constant 0 : i32
          %dma_wait3A_169 = arith.constant 1 : i32
          %dma_wait3A_170 = arith.constant 0 : i32
          %dma_wait3A_171 = tpu.memref_slice %arg6[%dma_wait3A_168, %dma_wait3A_169, %dma_wait3A_170] : memref<40x2x128xi32, #tpu.memory_space<vmem>> -> memref<1x1x128xi32, #tpu.memory_space<vmem>>
          %dma_wait3A_172 = tpu.memref_squeeze %dma_wait3A_171 : memref<1x1x128xi32, #tpu.memory_space<vmem>> -> memref<128xi32, #tpu.memory_space<vmem>>
          %dma_wait3A_173 = arith.constant 0 : i32
          %dma_wait3A_174 = arith.constant 0 : i32
          %dma_wait3A_175 = tpu.memref_slice %arg5[%dma_wait3A_173, %dma_wait3A_174] : memref<10240x128xf32, #tpu.memory_space<vmem_shared>> -> memref<10240x128xf32, #tpu.memory_space<vmem_shared>>
          tpu.wait_indirect_dma semaphore(%arg10 : memref<!tpu.dma_semaphore, #tpu.memory_space<semaphore_mem>>) src(%arg8 : memref<128x128xf32, #tpu.memory_space<vmem>>) dst(%dma_wait3A_175 : memref<10240x128xf32, #tpu.memory_space<vmem_shared>>)
        } else {
        }
        %add3A_120 = arith.constant 1 : i32
        %add3A_121 = arith.addi %mul3A_108, %add3A_120 : i32
        %dma_start3A_122 = arith.constant 0 : i32
        %dma_start3A_123 = arith.constant 0 : i32
        %dma_start3A_124 = tpu.memref_slice %arg6[%add3A_121, %dma_start3A_122, %dma_start3A_123] : memref<40x2x128xi32, #tpu.memory_space<vmem>> -> memref<1x1x128xi32, #tpu.memory_space<vmem>>
        %dma_start3A_125 = tpu.memref_squeeze %dma_start3A_124 : memref<1x1x128xi32, #tpu.memory_space<vmem>> -> memref<128xi32, #tpu.memory_space<vmem>>
        %dma_start3A_126 = arith.constant 0 : i32
        %dma_start3A_127 = arith.constant 0 : i32
        %dma_start3A_128 = tpu.memref_slice %arg2[%dma_start3A_126, %dma_start3A_127] : memref<10240x128xf32, #tpu.memory_space<hbm>> -> memref<10240x128xf32, #tpu.memory_space<hbm>>
        tpu.enqueue_indirect_dma source(%dma_start3A_128 : memref<10240x128xf32, #tpu.memory_space<hbm>>) target(%arg8 : memref<128x128xf32, #tpu.memory_space<vmem>>) offsets(%dma_start3A_125 : memref<128xi32, #tpu.memory_space<vmem>>) semaphore(%arg9 : memref<!tpu.dma_semaphore, #tpu.memory_space<semaphore_mem>>)
        %dma_start3A_129 = arith.constant 1 : i32
        %dma_start3A_130 = arith.constant 0 : i32
        %dma_start3A_131 = tpu.memref_slice %arg6[%mul3A_108, %dma_start3A_129, %dma_start3A_130] : memref<40x2x128xi32, #tpu.memory_space<vmem>> -> memref<1x1x128xi32, #tpu.memory_space<vmem>>
        %dma_start3A_132 = tpu.memref_squeeze %dma_start3A_131 : memref<1x1x128xi32, #tpu.memory_space<vmem>> -> memref<128xi32, #tpu.memory_space<vmem>>
        %dma_start3A_133 = arith.constant 0 : i32
        %dma_start3A_134 = arith.constant 0 : i32
        %dma_start3A_135 = tpu.memref_slice %arg5[%dma_start3A_133, %dma_start3A_134] : memref<10240x128xf32, #tpu.memory_space<vmem_shared>> -> memref<10240x128xf32, #tpu.memory_space<vmem_shared>>
        tpu.enqueue_indirect_dma source(%arg7 : memref<128x128xf32, #tpu.memory_space<vmem>>) target(%dma_start3A_135 : memref<10240x128xf32, #tpu.memory_space<vmem_shared>>) offsets(%dma_start3A_132 : memref<128xi32, #tpu.memory_space<vmem>>) semaphore(%arg10 : memref<!tpu.dma_semaphore, #tpu.memory_space<semaphore_mem>>) {add = true}
        %add3A_136 = arith.constant 1 : i32
        %add3A_137 = arith.addi %mul3A_108, %add3A_136 : i32
        %dma_wait3A_138 = arith.constant 0 : i32
        %dma_wait3A_139 = arith.constant 0 : i32
        %dma_wait3A_140 = tpu.memref_slice %arg6[%add3A_137, %dma_wait3A_138, %dma_wait3A_139] : memref<40x2x128xi32, #tpu.memory_space<vmem>> -> memref<1x1x128xi32, #tpu.memory_space<vmem>>
        %dma_wait3A_141 = tpu.memref_squeeze %dma_wait3A_140 : memref<1x1x128xi32, #tpu.memory_space<vmem>> -> memref<128xi32, #tpu.memory_space<vmem>>
        %dma_wait3A_142 = arith.constant 0 : i32
        %dma_wait3A_143 = arith.constant 0 : i32
        %dma_wait3A_144 = tpu.memref_slice %arg2[%dma_wait3A_142, %dma_wait3A_143] : memref<10240x128xf32, #tpu.memory_space<hbm>> -> memref<10240x128xf32, #tpu.memory_space<hbm>>
        tpu.wait_indirect_dma semaphore(%arg9 : memref<!tpu.dma_semaphore, #tpu.memory_space<semaphore_mem>>) src(%dma_wait3A_144 : memref<10240x128xf32, #tpu.memory_space<hbm>>) dst(%arg8 : memref<128x128xf32, #tpu.memory_space<vmem>>)
        %dma_wait3A_145 = arith.constant 0 : i32
        %dma_wait3A_146 = arith.constant 1 : i32
        %dma_wait3A_147 = arith.constant 0 : i32
        %dma_wait3A_148 = tpu.memref_slice %arg6[%dma_wait3A_145, %dma_wait3A_146, %dma_wait3A_147] : memref<40x2x128xi32, #tpu.memory_space<vmem>> -> memref<1x1x128xi32, #tpu.memory_space<vmem>>
        %dma_wait3A_149 = tpu.memref_squeeze %dma_wait3A_148 : memref<1x1x128xi32, #tpu.memory_space<vmem>> -> memref<128xi32, #tpu.memory_space<vmem>>
        %dma_wait3A_150 = arith.constant 0 : i32
        %dma_wait3A_151 = arith.constant 0 : i32
        %dma_wait3A_152 = tpu.memref_slice %arg5[%dma_wait3A_150, %dma_wait3A_151] : memref<10240x128xf32, #tpu.memory_space<vmem_shared>> -> memref<10240x128xf32, #tpu.memory_space<vmem_shared>>
        tpu.wait_indirect_dma semaphore(%arg10 : memref<!tpu.dma_semaphore, #tpu.memory_space<semaphore_mem>>) src(%arg7 : memref<128x128xf32, #tpu.memory_space<vmem>>) dst(%dma_wait3A_152 : memref<10240x128xf32, #tpu.memory_space<vmem_shared>>)
        %add3A_153 = arith.constant 2 : i32
        %add3A_154 = arith.addi %mul3A_108, %add3A_153 : i32
        %lt3A = arith.constant 40 : i32
        %lt3A_155 = arith.cmpi slt, %add3A_154, %lt3A : i32
        %convert_element_type3A_156 = arith.extui %lt3A_155 : i1 to i32
        %cond3A_157 = arith.constant 0 : i32
        %cond3A_158 = arith.cmpi ne, %convert_element_type3A_156, %cond3A_157 : i32
        scf.if %cond3A_158 {
          %add3A_168 = arith.constant 2 : i32
          %add3A_169 = arith.addi %mul3A_108, %add3A_168 : i32
          %dma_start3A_170 = arith.constant 0 : i32
          %dma_start3A_171 = arith.constant 0 : i32
          %dma_start3A_172 = tpu.memref_slice %arg6[%add3A_169, %dma_start3A_170, %dma_start3A_171] : memref<40x2x128xi32, #tpu.memory_space<vmem>> -> memref<1x1x128xi32, #tpu.memory_space<vmem>>
          %dma_start3A_173 = tpu.memref_squeeze %dma_start3A_172 : memref<1x1x128xi32, #tpu.memory_space<vmem>> -> memref<128xi32, #tpu.memory_space<vmem>>
          %dma_start3A_174 = arith.constant 0 : i32
          %dma_start3A_175 = arith.constant 0 : i32
          %dma_start3A_176 = tpu.memref_slice %arg2[%dma_start3A_174, %dma_start3A_175] : memref<10240x128xf32, #tpu.memory_space<hbm>> -> memref<10240x128xf32, #tpu.memory_space<hbm>>
          tpu.enqueue_indirect_dma source(%dma_start3A_176 : memref<10240x128xf32, #tpu.memory_space<hbm>>) target(%arg7 : memref<128x128xf32, #tpu.memory_space<vmem>>) offsets(%dma_start3A_173 : memref<128xi32, #tpu.memory_space<vmem>>) semaphore(%arg9 : memref<!tpu.dma_semaphore, #tpu.memory_space<semaphore_mem>>)
        } else {
        }
        %add3A_159 = arith.constant 1 : i32
        %add3A_160 = arith.addi %mul3A_108, %add3A_159 : i32
        %dma_start3A_161 = arith.constant 1 : i32
        %dma_start3A_162 = arith.constant 0 : i32
        %dma_start3A_163 = tpu.memref_slice %arg6[%add3A_160, %dma_start3A_161, %dma_start3A_162] : memref<40x2x128xi32, #tpu.memory_space<vmem>> -> memref<1x1x128xi32, #tpu.memory_space<vmem>>
        %dma_start3A_164 = tpu.memref_squeeze %dma_start3A_163 : memref<1x1x128xi32, #tpu.memory_space<vmem>> -> memref<128xi32, #tpu.memory_space<vmem>>
        %dma_start3A_165 = arith.constant 0 : i32
        %dma_start3A_166 = arith.constant 0 : i32
        %dma_start3A_167 = tpu.memref_slice %arg5[%dma_start3A_165, %dma_start3A_166] : memref<10240x128xf32, #tpu.memory_space<vmem_shared>> -> memref<10240x128xf32, #tpu.memory_space<vmem_shared>>
        tpu.enqueue_indirect_dma source(%arg8 : memref<128x128xf32, #tpu.memory_space<vmem>>) target(%dma_start3A_167 : memref<10240x128xf32, #tpu.memory_space<vmem_shared>>) offsets(%dma_start3A_164 : memref<128xi32, #tpu.memory_space<vmem>>) semaphore(%arg10 : memref<!tpu.dma_semaphore, #tpu.memory_space<semaphore_mem>>) {add = true}
      }
      %scan3A_97 = arith.constant 20 : i32
      %dma_wait3A_98 = arith.constant 0 : i32
      %dma_wait3A_99 = arith.constant 1 : i32
      %dma_wait3A_100 = arith.constant 0 : i32
      %dma_wait3A_101 = tpu.memref_slice %arg6[%dma_wait3A_98, %dma_wait3A_99, %dma_wait3A_100] : memref<40x2x128xi32, #tpu.memory_space<vmem>> -> memref<1x1x128xi32, #tpu.memory_space<vmem>>
      %dma_wait3A_102 = tpu.memref_squeeze %dma_wait3A_101 : memref<1x1x128xi32, #tpu.memory_space<vmem>> -> memref<128xi32, #tpu.memory_space<vmem>>
      %dma_wait3A_103 = arith.constant 0 : i32
      %dma_wait3A_104 = arith.constant 0 : i32
      %dma_wait3A_105 = tpu.memref_slice %arg5[%dma_wait3A_103, %dma_wait3A_104] : memref<10240x128xf32, #tpu.memory_space<vmem_shared>> -> memref<10240x128xf32, #tpu.memory_space<vmem_shared>>
      tpu.wait_indirect_dma semaphore(%arg10 : memref<!tpu.dma_semaphore, #tpu.memory_space<semaphore_mem>>) src(%arg8 : memref<128x128xf32, #tpu.memory_space<vmem>>) dst(%dma_wait3A_105 : memref<10240x128xf32, #tpu.memory_space<vmem_shared>>)
    } else {
    }
    %barrier3A_7 = arith.constant 0 : index
    tpu.barrier barrier_id(%barrier3A_7)
    %eq3A_8 = arith.constant 0 : i32
    %eq3A_9 = arith.cmpi eq, %arg0, %eq3A_8 : i32
    %convert_element_type3A_10 = arith.extui %eq3A_9 : i1 to i32
    %cond3A_11 = arith.constant 0 : i32
    %cond3A_12 = arith.cmpi ne, %convert_element_type3A_10, %cond3A_11 : i32
    scf.if %cond3A_12 {
      %mul3A = arith.constant 640 : i32
      %mul3A_13 = arith.muli %arg1, %mul3A : i32
      %mul3A_14 = arith.constant 640 : i32
      %mul3A_15 = arith.muli %arg1, %mul3A_14 : i32
      "tpu.region"() ({
        %run_scoped3A = tpu.sem_alloc : memref<!tpu.dma_semaphore, #tpu.memory_space<semaphore_mem>>
        %dma_start3A = arith.constant 0 : i32
        %dma_start3A_16 = tpu.memref_slice %arg4[%mul3A_15, %dma_start3A] : memref<10240x128xf32, #tpu.memory_space<hbm>> -> memref<640x128xf32, #tpu.memory_space<hbm>>
        %dma_start3A_17 = arith.constant 0 : i32
        %dma_start3A_18 = tpu.memref_slice %arg5[%mul3A_13, %dma_start3A_17] : memref<10240x128xf32, #tpu.memory_space<vmem_shared>> -> memref<640x128xf32, #tpu.memory_space<vmem_shared>>
        tpu.enqueue_dma source(%dma_start3A_18 : memref<640x128xf32, #tpu.memory_space<vmem_shared>>) target(%dma_start3A_16 : memref<640x128xf32, #tpu.memory_space<hbm>>) target_semaphore(%run_scoped3A : memref<!tpu.dma_semaphore, #tpu.memory_space<semaphore_mem>>)
        %dma_wait3A = arith.constant 0 : i32
        %dma_wait3A_19 = tpu.memref_slice %arg4[%mul3A_15, %dma_wait3A] : memref<10240x128xf32, #tpu.memory_space<hbm>> -> memref<640x128xf32, #tpu.memory_space<hbm>>
        %dma_wait3A_20 = arith.constant 0 : i32
        %dma_wait3A_21 = tpu.memref_slice %arg5[%mul3A_13, %dma_wait3A_20] : memref<10240x128xf32, #tpu.memory_space<vmem_shared>> -> memref<640x128xf32, #tpu.memory_space<vmem_shared>>
        tpu.wait_dma2 semaphore(%run_scoped3A : memref<!tpu.dma_semaphore, #tpu.memory_space<semaphore_mem>>) src(%dma_wait3A_21 : memref<640x128xf32, #tpu.memory_space<vmem_shared>>) dst(%dma_wait3A_19 : memref<640x128xf32, #tpu.memory_space<hbm>>)
        tpu.yield
      }) : () -> ()
    } else {
    }
    return
  }
}

module attributes {stable_mosaic.version = 14 : i64} {
  func.func @_prologue_body(%arg0: i32, %arg1: memref<1024x128xf32, #tpu.memory_space<vmem>>, %arg2: memref<2x1024x1xf32, #tpu.memory_space<vmem>>, %arg3: memref<128x128xf32, #tpu.memory_space<vmem>>, %arg4: memref<1024x128xf32, #tpu.memory_space<vmem>>, %arg5: memref<1024x1xf32, #tpu.memory_space<vmem>>) attributes {dimension_semantics = [#tpu.dimension_semantics<arbitrary>], iteration_bounds = array<i64: 10>, scalar_prefetch = 0 : i64, scratch_operands = 0 : i64, tpu.core_type = #tpu.core_type<tc>, window_params = [{transform_indices = @transform_0, window_bounds = array<i64: 1024, 128>}, {transform_indices = @transform_1, window_bounds = array<i64: 2, 1024, 1>}, {pipeline_mode = #tpu.pipeline_mode<synchronous>, transform_indices = @transform_2, window_bounds = array<i64: 128, 128>}, {transform_indices = @transform_3, window_bounds = array<i64: 1024, 128>}, {transform_indices = @transform_4, window_bounds = array<i64: 1024, 1>}]} {
    %get3A = arith.constant 0 : index
    %get3A_0 = arith.constant 0 : index
    %get3A_1 = arith.constant 0 : index
    %get3A_2 = vector.load %arg2[%get3A, %get3A_0, %get3A_1] : memref<2x1024x1xf32, #tpu.memory_space<vmem>>, vector<1x1024x1xf32>
    %get3A_3 = vector.shape_cast %get3A_2 : vector<1x1024x1xf32> to vector<1024x1xf32>
    %get3A_4 = arith.constant 1 : index
    %get3A_5 = arith.constant 0 : index
    %get3A_6 = arith.constant 0 : index
    %get3A_7 = vector.load %arg2[%get3A_4, %get3A_5, %get3A_6] : memref<2x1024x1xf32, #tpu.memory_space<vmem>>, vector<1x1024x1xf32>
    %get3A_8 = vector.shape_cast %get3A_7 : vector<1x1024x1xf32> to vector<1024x1xf32>
    %add3A = arith.addf %get3A_3, %get3A_8 : vector<1024x1xf32>
    %add3A_9 = arith.constant 1.000000e+00 : f32
    %add3A_10 = vector.broadcast %add3A_9 : f32 to vector<1024x1xf32>
    %add3A_11 = arith.addf %add3A, %add3A_10 : vector<1024x1xf32>
    %rsqrt3A = math.rsqrt %add3A_11 : vector<1024x1xf32>
    %swap3A = arith.constant 0 : index
    %swap3A_12 = arith.constant 0 : index
    %swap3A_13 = vector.load %arg5[%swap3A, %swap3A_12] : memref<1024x1xf32, #tpu.memory_space<vmem>>, vector<1024x1xf32>
    tpu.vector_store %arg5[%swap3A, %swap3A_12], %rsqrt3A {strides = array<i32>} : memref<1024x1xf32, #tpu.memory_space<vmem>>, vector<1024x1xf32>,
    %get3A_14 = arith.constant 0 : index
    %get3A_15 = arith.constant 0 : index
    %get3A_16 = vector.load %arg1[%get3A_14, %get3A_15] : memref<1024x128xf32, #tpu.memory_space<vmem>>, vector<1024x128xf32>
    %get3A_17 = arith.constant 0 : index
    %get3A_18 = arith.constant 0 : index
    %get3A_19 = vector.load %arg3[%get3A_17, %get3A_18] : memref<128x128xf32, #tpu.memory_space<vmem>>, vector<128x128xf32>
    %dot_general3A = arith.constant dense<0.000000e+00> : vector<1024x128xf32>
    %dot_general3A_20 = tpu.matmul %get3A_16, %get3A_19, %dot_general3A {dimension_numbers = #tpu.dot_dimension_numbers<[1], [0], [0], [1], [0, 0, 1, 1], [], []>, transpose_lhs_hint = false} : vector<1024x128xf32>, vector<128x128xf32>, vector<1024x128xf32> -> vector<1024x128xf32>
    %mul3A = vector.broadcast %rsqrt3A : vector<1024x1xf32> to vector<1024x128xf32>
    %mul3A_21 = arith.mulf %mul3A, %dot_general3A_20 : vector<1024x128xf32>
    %swap3A_22 = arith.constant 0 : index
    %swap3A_23 = arith.constant 0 : index
    %swap3A_24 = vector.load %arg4[%swap3A_22, %swap3A_23] : memref<1024x128xf32, #tpu.memory_space<vmem>>, vector<1024x128xf32>
    tpu.vector_store %arg4[%swap3A_22, %swap3A_23], %mul3A_21 {strides = array<i32>} : memref<1024x128xf32, #tpu.memory_space<vmem>>, vector<1024x128xf32>,
    return
  }
  func.func @transform_0(%arg0: i32) -> (i32, i32) {
    %c0_i32 = arith.constant 0 : i32
    %c0_i32_0 = arith.constant 0 : i32
    return %arg0, %c0_i32 : i32, i32
  }
  func.func @transform_1(%arg0: i32) -> (i32, i32, i32) {
    %c0_i32 = arith.constant 0 : i32
    %c0_i32_0 = arith.constant 0 : i32
    %c0_i32_1 = arith.constant 0 : i32
    return %c0_i32, %arg0, %c0_i32_0 : i32, i32, i32
  }
  func.func @transform_2(%arg0: i32) -> (i32, i32) {
    %c0_i32 = arith.constant 0 : i32
    %c0_i32_0 = arith.constant 0 : i32
    %c0_i32_1 = arith.constant 0 : i32
    return %c0_i32, %c0_i32_0 : i32, i32
  }
  func.func @transform_3(%arg0: i32) -> (i32, i32) {
    %c0_i32 = arith.constant 0 : i32
    %c0_i32_0 = arith.constant 0 : i32
    return %arg0, %c0_i32 : i32, i32
  }
  func.func @transform_4(%arg0: i32) -> (i32, i32) {
    %c0_i32 = arith.constant 0 : i32
    %c0_i32_0 = arith.constant 0 : i32
    return %arg0, %c0_i32 : i32, i32
  }
}

module attributes {stable_mosaic.version = 14 : i64} {
  func.func @_combine_mm_body(%arg0: i32, %arg1: memref<1024x128xf32, #tpu.memory_space<vmem>>, %arg2: memref<1024x1xf32, #tpu.memory_space<vmem>>, %arg3: memref<1x128xf32, #tpu.memory_space<vmem>>, %arg4: memref<128x128xf32, #tpu.memory_space<vmem>>, %arg5: memref<1024x128xf32, #tpu.memory_space<vmem>>) attributes {dimension_semantics = [#tpu.dimension_semantics<arbitrary>], iteration_bounds = array<i64: 10>, scalar_prefetch = 0 : i64, scratch_operands = 0 : i64, tpu.core_type = #tpu.core_type<tc>, window_params = [{transform_indices = @transform_0, window_bounds = array<i64: 1024, 128>}, {transform_indices = @transform_1, window_bounds = array<i64: 1024, 1>}, {pipeline_mode = #tpu.pipeline_mode<synchronous>, transform_indices = @transform_2, window_bounds = array<i64: 1, 128>}, {pipeline_mode = #tpu.pipeline_mode<synchronous>, transform_indices = @transform_3, window_bounds = array<i64: 128, 128>}, {transform_indices = @transform_4, window_bounds = array<i64: 1024, 128>}]} {
    %get3A = arith.constant 0 : index
    %get3A_0 = arith.constant 0 : index
    %get3A_1 = vector.load %arg2[%get3A, %get3A_0] : memref<1024x1xf32, #tpu.memory_space<vmem>>, vector<1024x1xf32>
    %get3A_2 = arith.constant 0 : index
    %get3A_3 = arith.constant 0 : index
    %get3A_4 = vector.load %arg1[%get3A_2, %get3A_3] : memref<1024x128xf32, #tpu.memory_space<vmem>>, vector<1024x128xf32>
    %mul3A = vector.broadcast %get3A_1 : vector<1024x1xf32> to vector<1024x128xf32>
    %mul3A_5 = arith.mulf %mul3A, %get3A_4 : vector<1024x128xf32>
    %get3A_6 = arith.constant 0 : index
    %get3A_7 = arith.constant 0 : index
    %get3A_8 = vector.load %arg3[%get3A_6, %get3A_7] : memref<1x128xf32, #tpu.memory_space<vmem>>, vector<1x128xf32>
    %add3A = vector.broadcast %get3A_8 : vector<1x128xf32> to vector<1024x128xf32>
    %add3A_9 = arith.addf %mul3A_5, %add3A : vector<1024x128xf32>
    %max3A = arith.constant 0.000000e+00 : f32
    %max3A_10 = vector.broadcast %max3A : f32 to vector<1024x128xf32>
    %max3A_11 = arith.maximumf %add3A_9, %max3A_10 : vector<1024x128xf32>
    %get3A_12 = arith.constant 0 : index
    %get3A_13 = arith.constant 0 : index
    %get3A_14 = vector.load %arg4[%get3A_12, %get3A_13] : memref<128x128xf32, #tpu.memory_space<vmem>>, vector<128x128xf32>
    %dot_general3A = arith.constant dense<0.000000e+00> : vector<1024x128xf32>
    %dot_general3A_15 = tpu.matmul %max3A_11, %get3A_14, %dot_general3A {dimension_numbers = #tpu.dot_dimension_numbers<[1], [0], [0], [1], [0, 0, 1, 1], [], []>, transpose_lhs_hint = false} : vector<1024x128xf32>, vector<128x128xf32>, vector<1024x128xf32> -> vector<1024x128xf32>
    %mul3A_16 = vector.broadcast %get3A_1 : vector<1024x1xf32> to vector<1024x128xf32>
    %mul3A_17 = arith.mulf %mul3A_16, %dot_general3A_15 : vector<1024x128xf32>
    %swap3A = arith.constant 0 : index
    %swap3A_18 = arith.constant 0 : index
    %swap3A_19 = vector.load %arg5[%swap3A, %swap3A_18] : memref<1024x128xf32, #tpu.memory_space<vmem>>, vector<1024x128xf32>
    tpu.vector_store %arg5[%swap3A, %swap3A_18], %mul3A_17 {strides = array<i32>} : memref<1024x128xf32, #tpu.memory_space<vmem>>, vector<1024x128xf32>,
    return
  }
  func.func @transform_0(%arg0: i32) -> (i32, i32) {
    %c0_i32 = arith.constant 0 : i32
    %c0_i32_0 = arith.constant 0 : i32
    return %arg0, %c0_i32 : i32, i32
  }
  func.func @transform_1(%arg0: i32) -> (i32, i32) {
    %c0_i32 = arith.constant 0 : i32
    %c0_i32_0 = arith.constant 0 : i32
    return %arg0, %c0_i32 : i32, i32
  }
  func.func @transform_2(%arg0: i32) -> (i32, i32) {
    %c0_i32 = arith.constant 0 : i32
    %c0_i32_0 = arith.constant 0 : i32
    %c0_i32_1 = arith.constant 0 : i32
    return %c0_i32, %c0_i32_0 : i32, i32
  }
  func.func @transform_3(%arg0: i32) -> (i32, i32) {
    %c0_i32 = arith.constant 0 : i32
    %c0_i32_0 = arith.constant 0 : i32
    %c0_i32_1 = arith.constant 0 : i32
    return %c0_i32, %c0_i32_0 : i32, i32
  }
  func.func @transform_4(%arg0: i32) -> (i32, i32) {
    %c0_i32 = arith.constant 0 : i32
    %c0_i32_0 = arith.constant 0 : i32
    return %arg0, %c0_i32 : i32, i32
  }
}

module attributes {stable_mosaic.version = 14 : i64} {
  func.func @_combine_last_body(%arg0: i32, %arg1: memref<1024x128xf32, #tpu.memory_space<vmem>>, %arg2: memref<1024x1xf32, #tpu.memory_space<vmem>>, %arg3: memref<1x128xf32, #tpu.memory_space<vmem>>, %arg4: memref<1024x128xf32, #tpu.memory_space<vmem>>) attributes {dimension_semantics = [#tpu.dimension_semantics<arbitrary>], iteration_bounds = array<i64: 10>, scalar_prefetch = 0 : i64, scratch_operands = 0 : i64, tpu.core_type = #tpu.core_type<tc>, window_params = [{transform_indices = @transform_0, window_bounds = array<i64: 1024, 128>}, {transform_indices = @transform_1, window_bounds = array<i64: 1024, 1>}, {pipeline_mode = #tpu.pipeline_mode<synchronous>, transform_indices = @transform_2, window_bounds = array<i64: 1, 128>}, {transform_indices = @transform_3, window_bounds = array<i64: 1024, 128>}]} {
    %iota3A = tpu.iota {dimensions = array<i32: 0>} : vector<1024x1xi32>
    %mul3A = arith.constant 1024 : i32
    %mul3A_0 = arith.muli %arg0, %mul3A : i32
    %add3A = vector.broadcast %mul3A_0 : i32 to vector<1024x1xi32>
    %add3A_1 = arith.addi %iota3A, %add3A : vector<1024x1xi32>
    %get3A = arith.constant 0 : index
    %get3A_2 = arith.constant 0 : index
    %get3A_3 = vector.load %arg2[%get3A, %get3A_2] : memref<1024x1xf32, #tpu.memory_space<vmem>>, vector<1024x1xf32>
    %get3A_4 = arith.constant 0 : index
    %get3A_5 = arith.constant 0 : index
    %get3A_6 = vector.load %arg1[%get3A_4, %get3A_5] : memref<1024x128xf32, #tpu.memory_space<vmem>>, vector<1024x128xf32>
    %mul3A_7 = vector.broadcast %get3A_3 : vector<1024x1xf32> to vector<1024x128xf32>
    %mul3A_8 = arith.mulf %mul3A_7, %get3A_6 : vector<1024x128xf32>
    %get3A_9 = arith.constant 0 : index
    %get3A_10 = arith.constant 0 : index
    %get3A_11 = vector.load %arg3[%get3A_9, %get3A_10] : memref<1x128xf32, #tpu.memory_space<vmem>>, vector<1x128xf32>
    %add3A_12 = vector.broadcast %get3A_11 : vector<1x128xf32> to vector<1024x128xf32>
    %add3A_13 = arith.addf %mul3A_8, %add3A_12 : vector<1024x128xf32>
    %max3A = arith.constant 0.000000e+00 : f32
    %max3A_14 = vector.broadcast %max3A : f32 to vector<1024x128xf32>
    %max3A_15 = arith.maximumf %add3A_13, %max3A_14 : vector<1024x128xf32>
    %lt3A = arith.constant 10000 : i32
    %lt3A_16 = vector.broadcast %lt3A : i32 to vector<1024x1xi32>
    %lt3A_17 = arith.cmpi slt, %add3A_1, %lt3A_16 : vector<1024x1xi32>
    %jit3A = arith.constant 0.000000e+00 : f32
    %broadcast_in_dim3A = vector.shape_cast %lt3A_17 : vector<1024x1xi1> to vector<1024x1xi1>
    %broadcast_in_dim3A_18 = vector.broadcast %broadcast_in_dim3A : vector<1024x1xi1> to vector<1024x128xi1>
    %broadcast_in_dim3A_19 = vector.broadcast %jit3A : f32 to vector<1024x128xf32>
    %select_n3A = arith.select %broadcast_in_dim3A_18, %max3A_15, %broadcast_in_dim3A_19 : vector<1024x128xi1>, vector<1024x128xf32>
    %swap3A = arith.constant 0 : index
    %swap3A_20 = arith.constant 0 : index
    %swap3A_21 = vector.load %arg4[%swap3A, %swap3A_20] : memref<1024x128xf32, #tpu.memory_space<vmem>>, vector<1024x128xf32>
    tpu.vector_store %arg4[%swap3A, %swap3A_20], %select_n3A {strides = array<i32>} : memref<1024x128xf32, #tpu.memory_space<vmem>>, vector<1024x128xf32>,
    return
  }
  func.func @transform_0(%arg0: i32) -> (i32, i32) {
    %c0_i32 = arith.constant 0 : i32
    %c0_i32_0 = arith.constant 0 : i32
    return %arg0, %c0_i32 : i32, i32
  }
  func.func @transform_1(%arg0: i32) -> (i32, i32) {
    %c0_i32 = arith.constant 0 : i32
    %c0_i32_0 = arith.constant 0 : i32
    return %arg0, %c0_i32 : i32, i32
  }
  func.func @transform_2(%arg0: i32) -> (i32, i32) {
    %c0_i32 = arith.constant 0 : i32
    %c0_i32_0 = arith.constant 0 : i32
    %c0_i32_1 = arith.constant 0 : i32
    return %c0_i32, %c0_i32_0 : i32, i32
  }
  func.func @transform_3(%arg0: i32) -> (i32, i32) {
    %c0_i32 = arith.constant 0 : i32
    %c0_i32_0 = arith.constant 0 : i32
    return %arg0, %c0_i32 : i32, i32
  }
}

module attributes {stable_mosaic.version = 14 : i64} {
  func.func @_head_body(%arg0: i32, %arg1: memref<128x128xf32, #tpu.memory_space<vmem>>, %arg2: memref<128x1xi32, #tpu.memory_space<vmem>>, %arg3: memref<256x6xf32, #tpu.memory_space<vmem>>, %arg4: memref<1x6xf32, #tpu.memory_space<vmem>>, %arg5: memref<64x6xf32, #tpu.memory_space<vmem>>, %arg6: memref<64x128xf32, #tpu.memory_space<vmem>>, %arg7: memref<64x128xf32, #tpu.memory_space<vmem>>, %arg8: memref<64x1xf32, #tpu.memory_space<vmem>>) attributes {dimension_semantics = [#tpu.dimension_semantics<arbitrary>], iteration_bounds = array<i64: 80>, scalar_prefetch = 0 : i64, scratch_operands = 3 : i64, tpu.core_type = #tpu.core_type<tc>, window_params = [{transform_indices = @transform_0, window_bounds = array<i64: 128, 128>}, {transform_indices = @transform_1, window_bounds = array<i64: 128, 1>}, {pipeline_mode = #tpu.pipeline_mode<synchronous>, transform_indices = @transform_2, window_bounds = array<i64: 256, 6>}, {pipeline_mode = #tpu.pipeline_mode<synchronous>, transform_indices = @transform_3, window_bounds = array<i64: 1, 6>}, {pipeline_mode = #tpu.pipeline_mode<synchronous>, transform_indices = @transform_4, window_bounds = array<i64: 64, 6>}]} {
    %eq3A = arith.constant 0 : i32
    %eq3A_0 = arith.cmpi eq, %arg0, %eq3A : i32
    %convert_element_type3A = arith.extui %eq3A_0 : i1 to i32
    %cond3A = arith.constant 0 : i32
    %cond3A_1 = arith.cmpi ne, %convert_element_type3A, %cond3A : i32
    scf.if %cond3A_1 {
      %broadcast_in_dim3A = arith.constant 0xFF800000 : f32
      %broadcast_in_dim3A_24 = vector.broadcast %broadcast_in_dim3A : f32 to vector<64x128xf32>
      %swap3A = arith.constant 0 : index
      %swap3A_25 = arith.constant 0 : index
      %swap3A_26 = vector.load %arg6[%swap3A, %swap3A_25] : memref<64x128xf32, #tpu.memory_space<vmem>>, vector<64x128xf32>
      tpu.vector_store %arg6[%swap3A, %swap3A_25], %broadcast_in_dim3A_24 {strides = array<i32>} : memref<64x128xf32, #tpu.memory_space<vmem>>, vector<64x128xf32>,
      %broadcast_in_dim3A_27 = arith.constant 0.000000e+00 : f32
      %broadcast_in_dim3A_28 = vector.broadcast %broadcast_in_dim3A_27 : f32 to vector<64x128xf32>
      %swap3A_29 = arith.constant 0 : index
      %swap3A_30 = arith.constant 0 : index
      %swap3A_31 = vector.load %arg7[%swap3A_29, %swap3A_30] : memref<64x128xf32, #tpu.memory_space<vmem>>, vector<64x128xf32>
      tpu.vector_store %arg7[%swap3A_29, %swap3A_30], %broadcast_in_dim3A_28 {strides = array<i32>} : memref<64x128xf32, #tpu.memory_space<vmem>>, vector<64x128xf32>,
      %broadcast_in_dim3A_32 = arith.constant 0.000000e+00 : f32
      %broadcast_in_dim3A_33 = vector.broadcast %broadcast_in_dim3A_32 : f32 to vector<64x1xf32>
      %swap3A_34 = arith.constant 0 : index
      %swap3A_35 = arith.constant 0 : index
      %swap3A_36 = vector.load %arg8[%swap3A_34, %swap3A_35] : memref<64x1xf32, #tpu.memory_space<vmem>>, vector<64x1xf32>
      tpu.vector_store %arg8[%swap3A_34, %swap3A_35], %broadcast_in_dim3A_33 {strides = array<i32>} : memref<64x1xf32, #tpu.memory_space<vmem>>, vector<64x1xf32>,
    } else {
    }
    %get3A = arith.constant 0 : index
    %get3A_2 = arith.constant 0 : index
    %get3A_3 = vector.load %arg1[%get3A, %get3A_2] : memref<128x128xf32, #tpu.memory_space<vmem>>, vector<128x128xf32>
    %get3A_4 = arith.constant 0 : index
    %get3A_5 = arith.constant 0 : index
    %get3A_6 = vector.load %arg2[%get3A_4, %get3A_5] : memref<128x1xi32, #tpu.memory_space<vmem>>, vector<128x1xi32>
    %slice3A = vector.extract_strided_slice %get3A_6 {offsets = [0, 0], sizes = [1, 1], strides = [1, 1]} : vector<128x1xi32> to vector<1x1xi32>
    %squeeze3A = vector.extract %slice3A[0, 0] : i32 from vector<1x1xi32>
    %slice3A_7 = vector.extract_strided_slice %get3A_6 {offsets = [127, 0], sizes = [1, 1], strides = [1, 1]} : vector<128x1xi32> to vector<1x1xi32>
    %squeeze3A_8 = vector.extract %slice3A_7[0, 0] : i32 from vector<1x1xi32>
    %min3A = arith.constant 63 : i32
    %min3A_9 = arith.minsi %squeeze3A_8, %min3A : i32
    %add3A = arith.constant 1 : i32
    %add3A_10 = arith.addi %min3A_9, %add3A : i32
    %while3A = arith.constant 0 : i32
    %while3A_11 = arith.subi %add3A_10, %squeeze3A : i32
    %while3A_12 = arith.addi %squeeze3A, %while3A_11 : i32
    %while3A_13 = arith.constant 1 : i32
    %while3A_14 = arith.divsi %while3A_11, %while3A_13 : i32
    %while3A_15 = arith.muli %while3A_14, %while3A_13 : i32
    %while3A_16 = arith.addi %squeeze3A, %while3A_15 : i32
    %while3A_17 = arith.constant 1 : i32
    scf.for %while3A_24 = %squeeze3A to %while3A_16 step %while3A_17  : i32 {
      %eq3A_25 = vector.broadcast %while3A_24 : i32 to vector<128x1xi32>
      %eq3A_26 = arith.cmpi eq, %get3A_6, %eq3A_25 : vector<128x1xi32>
      %jit3A = arith.constant 0xFF800000 : f32
      %broadcast_in_dim3A = vector.shape_cast %eq3A_26 : vector<128x1xi1> to vector<128x1xi1>
      %broadcast_in_dim3A_27 = vector.broadcast %broadcast_in_dim3A : vector<128x1xi1> to vector<128x128xi1>
      %broadcast_in_dim3A_28 = vector.broadcast %jit3A : f32 to vector<128x128xf32>
      %select_n3A = arith.select %broadcast_in_dim3A_27, %get3A_3, %broadcast_in_dim3A_28 : vector<128x128xi1>, vector<128x128xf32>
      %reduce_max3A = arith.constant dense<0xFF800000> : vector<128xf32>
      %reduce_max3A_29 = vector.multi_reduction <maximumf>, %select_n3A, %reduce_max3A [0] : vector<128x128xf32> to vector<128xf32>
      %broadcast_in_dim3A_30 = vector.shape_cast %reduce_max3A_29 : vector<128xf32> to vector<1x128xf32>
      %jit3A_31 = arith.constant 0.000000e+00 : f32
      %broadcast_in_dim3A_32 = vector.shape_cast %eq3A_26 : vector<128x1xi1> to vector<128x1xi1>
      %broadcast_in_dim3A_33 = vector.broadcast %broadcast_in_dim3A_32 : vector<128x1xi1> to vector<128x128xi1>
      %broadcast_in_dim3A_34 = vector.broadcast %jit3A_31 : f32 to vector<128x128xf32>
      %select_n3A_35 = arith.select %broadcast_in_dim3A_33, %get3A_3, %broadcast_in_dim3A_34 : vector<128x128xi1>, vector<128x128xf32>
      %reduce_sum3A = arith.constant dense<0.000000e+00> : vector<128xf32>
      %reduce_sum3A_36 = vector.multi_reduction <add>, %select_n3A_35, %reduce_sum3A [0] : vector<128x128xf32> to vector<128xf32>
      %broadcast_in_dim3A_37 = vector.shape_cast %reduce_sum3A_36 : vector<128xf32> to vector<1x128xf32>
      %convert_element_type3A_38 = arith.extui %eq3A_26 : vector<128x1xi1> to vector<128x1xi32>
      %convert_element_type3A_39 = arith.sitofp %convert_element_type3A_38 : vector<128x1xi32> to vector<128x1xf32>
      %reduce_sum3A_40 = arith.constant dense<0.000000e+00> : vector<1xf32>
      %reduce_sum3A_41 = vector.multi_reduction <add>, %convert_element_type3A_39, %reduce_sum3A_40 [0] : vector<128x1xf32> to vector<1xf32>
      %broadcast_in_dim3A_42 = vector.shape_cast %reduce_sum3A_41 : vector<1xf32> to vector<1x1xf32>
      %get3A_43 = arith.index_cast %while3A_24 : i32 to index
      %get3A_44 = arith.constant 0 : index
      %get3A_45 = vector.load %arg6[%get3A_43, %get3A_44] : memref<64x128xf32, #tpu.memory_space<vmem>>, vector<1x128xf32>
      %max3A = arith.maximumf %get3A_45, %broadcast_in_dim3A_30 : vector<1x128xf32>
      %swap3A = arith.index_cast %while3A_24 : i32 to index
      %swap3A_46 = arith.constant 0 : index
      %swap3A_47 = vector.load %arg6[%swap3A, %swap3A_46] : memref<64x128xf32, #tpu.memory_space<vmem>>, vector<1x128xf32>
      tpu.vector_store %arg6[%swap3A, %swap3A_46], %max3A {strides = array<i32>} : memref<64x128xf32, #tpu.memory_space<vmem>>, vector<1x128xf32>,
      %get3A_48 = arith.index_cast %while3A_24 : i32 to index
      %get3A_49 = arith.constant 0 : index
      %get3A_50 = vector.load %arg7[%get3A_48, %get3A_49] : memref<64x128xf32, #tpu.memory_space<vmem>>, vector<1x128xf32>
      %add3A_51 = arith.addf %get3A_50, %broadcast_in_dim3A_37 : vector<1x128xf32>
      %swap3A_52 = arith.index_cast %while3A_24 : i32 to index
      %swap3A_53 = arith.constant 0 : index
      %swap3A_54 = vector.load %arg7[%swap3A_52, %swap3A_53] : memref<64x128xf32, #tpu.memory_space<vmem>>, vector<1x128xf32>
      tpu.vector_store %arg7[%swap3A_52, %swap3A_53], %add3A_51 {strides = array<i32>} : memref<64x128xf32, #tpu.memory_space<vmem>>, vector<1x128xf32>,
      %get3A_55 = arith.index_cast %while3A_24 : i32 to index
      %get3A_56 = arith.constant 0 : index
      %get3A_57 = vector.load %arg8[%get3A_55, %get3A_56] : memref<64x1xf32, #tpu.memory_space<vmem>>, vector<1x1xf32>
      %add3A_58 = arith.addf %get3A_57, %broadcast_in_dim3A_42 : vector<1x1xf32>
      %swap3A_59 = arith.index_cast %while3A_24 : i32 to index
      %swap3A_60 = arith.constant 0 : index
      %swap3A_61 = vector.load %arg8[%swap3A_59, %swap3A_60] : memref<64x1xf32, #tpu.memory_space<vmem>>, vector<1x1xf32>
      tpu.vector_store %arg8[%swap3A_59, %swap3A_60], %add3A_58 {strides = array<i32>} : memref<64x1xf32, #tpu.memory_space<vmem>>, vector<1x1xf32>,
    }
    %while3A_18 = arith.constant 1 : i32
    scf.for %while3A_24 = %while3A_16 to %while3A_12 step %while3A_18  : i32 {
      %eq3A_25 = vector.broadcast %while3A_24 : i32 to vector<128x1xi32>
      %eq3A_26 = arith.cmpi eq, %get3A_6, %eq3A_25 : vector<128x1xi32>
      %jit3A = arith.constant 0xFF800000 : f32
      %broadcast_in_dim3A = vector.shape_cast %eq3A_26 : vector<128x1xi1> to vector<128x1xi1>
      %broadcast_in_dim3A_27 = vector.broadcast %broadcast_in_dim3A : vector<128x1xi1> to vector<128x128xi1>
      %broadcast_in_dim3A_28 = vector.broadcast %jit3A : f32 to vector<128x128xf32>
      %select_n3A = arith.select %broadcast_in_dim3A_27, %get3A_3, %broadcast_in_dim3A_28 : vector<128x128xi1>, vector<128x128xf32>
      %reduce_max3A = arith.constant dense<0xFF800000> : vector<128xf32>
      %reduce_max3A_29 = vector.multi_reduction <maximumf>, %select_n3A, %reduce_max3A [0] : vector<128x128xf32> to vector<128xf32>
      %broadcast_in_dim3A_30 = vector.shape_cast %reduce_max3A_29 : vector<128xf32> to vector<1x128xf32>
      %jit3A_31 = arith.constant 0.000000e+00 : f32
      %broadcast_in_dim3A_32 = vector.shape_cast %eq3A_26 : vector<128x1xi1> to vector<128x1xi1>
      %broadcast_in_dim3A_33 = vector.broadcast %broadcast_in_dim3A_32 : vector<128x1xi1> to vector<128x128xi1>
      %broadcast_in_dim3A_34 = vector.broadcast %jit3A_31 : f32 to vector<128x128xf32>
      %select_n3A_35 = arith.select %broadcast_in_dim3A_33, %get3A_3, %broadcast_in_dim3A_34 : vector<128x128xi1>, vector<128x128xf32>
      %reduce_sum3A = arith.constant dense<0.000000e+00> : vector<128xf32>
      %reduce_sum3A_36 = vector.multi_reduction <add>, %select_n3A_35, %reduce_sum3A [0] : vector<128x128xf32> to vector<128xf32>
      %broadcast_in_dim3A_37 = vector.shape_cast %reduce_sum3A_36 : vector<128xf32> to vector<1x128xf32>
      %convert_element_type3A_38 = arith.extui %eq3A_26 : vector<128x1xi1> to vector<128x1xi32>
      %convert_element_type3A_39 = arith.sitofp %convert_element_type3A_38 : vector<128x1xi32> to vector<128x1xf32>
      %reduce_sum3A_40 = arith.constant dense<0.000000e+00> : vector<1xf32>
      %reduce_sum3A_41 = vector.multi_reduction <add>, %convert_element_type3A_39, %reduce_sum3A_40 [0] : vector<128x1xf32> to vector<1xf32>
      %broadcast_in_dim3A_42 = vector.shape_cast %reduce_sum3A_41 : vector<1xf32> to vector<1x1xf32>
      %get3A_43 = arith.index_cast %while3A_24 : i32 to index
      %get3A_44 = arith.constant 0 : index
      %get3A_45 = vector.load %arg6[%get3A_43, %get3A_44] : memref<64x128xf32, #tpu.memory_space<vmem>>, vector<1x128xf32>
      %max3A = arith.maximumf %get3A_45, %broadcast_in_dim3A_30 : vector<1x128xf32>
      %swap3A = arith.index_cast %while3A_24 : i32 to index
      %swap3A_46 = arith.constant 0 : index
      %swap3A_47 = vector.load %arg6[%swap3A, %swap3A_46] : memref<64x128xf32, #tpu.memory_space<vmem>>, vector<1x128xf32>
      tpu.vector_store %arg6[%swap3A, %swap3A_46], %max3A {strides = array<i32>} : memref<64x128xf32, #tpu.memory_space<vmem>>, vector<1x128xf32>,
      %get3A_48 = arith.index_cast %while3A_24 : i32 to index
      %get3A_49 = arith.constant 0 : index
      %get3A_50 = vector.load %arg7[%get3A_48, %get3A_49] : memref<64x128xf32, #tpu.memory_space<vmem>>, vector<1x128xf32>
      %add3A_51 = arith.addf %get3A_50, %broadcast_in_dim3A_37 : vector<1x128xf32>
      %swap3A_52 = arith.index_cast %while3A_24 : i32 to index
      %swap3A_53 = arith.constant 0 : index
      %swap3A_54 = vector.load %arg7[%swap3A_52, %swap3A_53] : memref<64x128xf32, #tpu.memory_space<vmem>>, vector<1x128xf32>
      tpu.vector_store %arg7[%swap3A_52, %swap3A_53], %add3A_51 {strides = array<i32>} : memref<64x128xf32, #tpu.memory_space<vmem>>, vector<1x128xf32>,
      %get3A_55 = arith.index_cast %while3A_24 : i32 to index
      %get3A_56 = arith.constant 0 : index
      %get3A_57 = vector.load %arg8[%get3A_55, %get3A_56] : memref<64x1xf32, #tpu.memory_space<vmem>>, vector<1x1xf32>
      %add3A_58 = arith.addf %get3A_57, %broadcast_in_dim3A_42 : vector<1x1xf32>
      %swap3A_59 = arith.index_cast %while3A_24 : i32 to index
      %swap3A_60 = arith.constant 0 : index
      %swap3A_61 = vector.load %arg8[%swap3A_59, %swap3A_60] : memref<64x1xf32, #tpu.memory_space<vmem>>, vector<1x1xf32>
      tpu.vector_store %arg8[%swap3A_59, %swap3A_60], %add3A_58 {strides = array<i32>} : memref<64x1xf32, #tpu.memory_space<vmem>>, vector<1x1xf32>,
    }
    %eq3A_19 = arith.constant 79 : i32
    %eq3A_20 = arith.cmpi eq, %arg0, %eq3A_19 : i32
    %convert_element_type3A_21 = arith.extui %eq3A_20 : i1 to i32
    %cond3A_22 = arith.constant 0 : i32
    %cond3A_23 = arith.cmpi ne, %convert_element_type3A_21, %cond3A_22 : i32
    scf.if %cond3A_23 {
      %get3A_24 = arith.constant 0 : index
      %get3A_25 = arith.constant 0 : index
      %get3A_26 = vector.load %arg7[%get3A_24, %get3A_25] : memref<64x128xf32, #tpu.memory_space<vmem>>, vector<64x128xf32>
      %get3A_27 = arith.constant 0 : index
      %get3A_28 = arith.constant 0 : index
      %get3A_29 = vector.load %arg8[%get3A_27, %get3A_28] : memref<64x1xf32, #tpu.memory_space<vmem>>, vector<64x1xf32>
      %max3A = arith.constant 1.000000e+00 : f32
      %max3A_30 = vector.broadcast %max3A : f32 to vector<64x1xf32>
      %max3A_31 = arith.maximumf %get3A_29, %max3A_30 : vector<64x1xf32>
      %div3A = vector.broadcast %max3A_31 : vector<64x1xf32> to vector<64x128xf32>
      %div3A_32 = arith.divf %get3A_26, %div3A : vector<64x128xf32>
      %get3A_33 = arith.constant 0 : index
      %get3A_34 = arith.constant 0 : index
      %get3A_35 = vector.load %arg6[%get3A_33, %get3A_34] : memref<64x128xf32, #tpu.memory_space<vmem>>, vector<64x128xf32>
      %concatenate3A = tpu.concatenate %div3A_32, %get3A_35 in 1 : vector<64x128xf32>, vector<64x128xf32> -> vector<64x256xf32>
      %get3A_36 = arith.constant 0 : index
      %get3A_37 = arith.constant 0 : index
      %get3A_38 = vector.load %arg3[%get3A_36, %get3A_37] : memref<256x6xf32, #tpu.memory_space<vmem>>, vector<256x6xf32>
      %dot_general3A = arith.constant dense<0.000000e+00> : vector<64x6xf32>
      %dot_general3A_39 = tpu.matmul %concatenate3A, %get3A_38, %dot_general3A {dimension_numbers = #tpu.dot_dimension_numbers<[1], [0], [0], [1], [0, 0, 1, 1], [], []>, transpose_lhs_hint = false} : vector<64x256xf32>, vector<256x6xf32>, vector<64x6xf32> -> vector<64x6xf32>
      %get3A_40 = arith.constant 0 : index
      %get3A_41 = arith.constant 0 : index
      %get3A_42 = vector.load %arg4[%get3A_40, %get3A_41] : memref<1x6xf32, #tpu.memory_space<vmem>>, vector<1x6xf32>
      %add3A_43 = vector.broadcast %get3A_42 : vector<1x6xf32> to vector<64x6xf32>
      %add3A_44 = arith.addf %dot_general3A_39, %add3A_43 : vector<64x6xf32>
      %reduce_max3A = arith.constant dense<0xFF800000> : vector<64xf32>
      %reduce_max3A_45 = vector.multi_reduction <maximumf>, %add3A_44, %reduce_max3A [1] : vector<64x6xf32> to vector<64xf32>
      %broadcast_in_dim3A = vector.shape_cast %reduce_max3A_45 : vector<64xf32> to vector<64x1xf32>
      %sub3A = vector.broadcast %broadcast_in_dim3A : vector<64x1xf32> to vector<64x6xf32>
      %sub3A_46 = arith.subf %add3A_44, %sub3A : vector<64x6xf32>
      %exp3A = math.exp %sub3A_46 : vector<64x6xf32>
      %reduce_sum3A = arith.constant dense<0.000000e+00> : vector<64xf32>
      %reduce_sum3A_47 = vector.multi_reduction <add>, %exp3A, %reduce_sum3A [1] : vector<64x6xf32> to vector<64xf32>
      %broadcast_in_dim3A_48 = vector.shape_cast %reduce_sum3A_47 : vector<64xf32> to vector<64x1xf32>
      %log3A = math.log %broadcast_in_dim3A_48 : vector<64x1xf32>
      %sub3A_49 = vector.broadcast %log3A : vector<64x1xf32> to vector<64x6xf32>
      %sub3A_50 = arith.subf %sub3A_46, %sub3A_49 : vector<64x6xf32>
      %swap3A = arith.constant 0 : index
      %swap3A_51 = arith.constant 0 : index
      %swap3A_52 = vector.load %arg5[%swap3A, %swap3A_51] : memref<64x6xf32, #tpu.memory_space<vmem>>, vector<64x6xf32>
      tpu.vector_store %arg5[%swap3A, %swap3A_51], %sub3A_50 {strides = array<i32>} : memref<64x6xf32, #tpu.memory_space<vmem>>, vector<64x6xf32>,
    } else {
    }
    return
  }
  func.func @transform_0(%arg0: i32) -> (i32, i32) {
    %c0_i32 = arith.constant 0 : i32
    %c0_i32_0 = arith.constant 0 : i32
    return %arg0, %c0_i32 : i32, i32
  }
  func.func @transform_1(%arg0: i32) -> (i32, i32) {
    %c0_i32 = arith.constant 0 : i32
    %c0_i32_0 = arith.constant 0 : i32
    return %arg0, %c0_i32 : i32, i32
  }
  func.func @transform_2(%arg0: i32) -> (i32, i32) {
    %c0_i32 = arith.constant 0 : i32
    %c0_i32_0 = arith.constant 0 : i32
    %c0_i32_1 = arith.constant 0 : i32
    return %c0_i32, %c0_i32_0 : i32, i32
  }
  func.func @transform_3(%arg0: i32) -> (i32, i32) {
    %c0_i32 = arith.constant 0 : i32
    %c0_i32_0 = arith.constant 0 : i32
    %c0_i32_1 = arith.constant 0 : i32
    return %c0_i32, %c0_i32_0 : i32, i32
  }
  func.func @transform_4(%arg0: i32) -> (i32, i32) {
    %c0_i32 = arith.constant 0 : i32
    %c0_i32_0 = arith.constant 0 : i32
    %c0_i32_1 = arith.constant 0 : i32
    return %c0_i32, %c0_i32_0 : i32, i32
  }
}

</mosaic_0001>

<sc_bundles>
// kernel: kernel.13.cloned.1.call-start
scs
__scs_entry_jumppad:
0x0: {  	(pc) =	sbr.rel $0x88, $3  }
0x1: {  	(tag) =	ssettag $0x0;
	lr =	simm.s32 $0x1  }
0x2: {  	[smem:$0x3F94] =	sst lr;
	_ =	strace $0xD0000000  }
0x3: {  	_ = 	snop  }
0x4: {  	_ = 	snop  }
0x5: {  	_ = 	snop  }
0x6: {  	_ = 	snop  }
0x7: {  	_ = 	snop  }
__scs_overlays_trampoline_lowered:
0x8: {  	[smem:$0x3FA3] =	sst s0  }
0x9: {  	[smem:$0x3FA4] =	sst s1  }
0xa: {  	[smem:$0x3FA5] =	sst s2  }
0xb: {  	[smem:$0x3FA6] =	sst s3  }
0xc: {  	[smem:$0x3FA7] =	sst s4  }
0xd: {  	[smem:$0x3FA8] =	sst s5  }
0xe: {  	[smem:$0x3FA9] =	sst s6  }
0xf: {  	[smem:$0x3FAA] =	sst s7  }
0x10: {  	[smem:$0x3FAB] =	sst s8  }
0x11: {  	[smem:$0x3FAC] =	sst s9;
	s0 =	simm.s32 @!p0 $0x0  }
0x12: {  	s1 =	sld [smem:$0x3F92];
	s0 =	simm.s32 @p0 $0x1  }
0x13: {  	[smem:$0x3FAD] =	sst s0;
	s0 =	simm.s32 @!p1 $0x0  }
0x14: {  	s2 =	sld [smem:$0x3F91];
	s0 =	simm.s32 @p1 $0x1  }
0x15: {  	[smem:$0x3FAE] =	sst s0;
	s0 =	simm.s32 @!p2 $0x0  }
0x16: {  	s3 =	sld [smem:$0x3FDB];
	s0 =	simm.s32 @p2 $0x1  }
0x17: {  	s4 =	simm.s32 $0x1BF5;
	[smem:$0x3FB0] =	sst s0  }
0x18: {  	s0 =	sld [smem:$0x3F93];
	_ =	swait.ge [sflag:s4], $0x0  }
0x19: {  	s7 =	sld [smem:$0x3F94]  }
0x1a: {  	s8 =	sadd.s32 $0xFFFFE003, lr  }
0x1b: {  	s9 =	sadd.s32 $0xFFFFFEF7, lr;
	s5 =	simm.s32 $0xFFFFFFFF;
	p2 =	slt.u32 s8, $0xFFFFF086  }
0x1c: {  	p1 =	slt.u32 s9, $0xF7A;
	s5 =	simm.s32 @!p2 $0x0  }
0x1d: {  	s5 =	simm.s32 @p1 $0x1;
	p0 =	seq.s32 s7, s2  }
0x1e: {  	s7 =	smul.u32 @!p0 $0xF7A, s2;
	p2 =	seq.s32 @!p0 s5, $0x0  }
0x1f: {  	s9 =	smul.u32 $0xF7A, s1;
	s8 =	simm.s32 @!p0 $0x1BF5;
	p2 =	por !p2, p0  }
0x20: {  	[sflag:s8] =	ssyncset.s32 @!p0 $0xFFFFF086;
	s6 =	sadd.s32 @!p0 s3, s7;
	s7 =	simm.s32 @!p0 $0x108  }
0x21: {  	s3 =	sadd.s32 s3, s9;
	s6 =	sadd.s32 @!p0 $0x88, s6;
	s7 =	simm.s32 @p2 $0x1082  }
0x22: {  	[simem:s7], [sflag:s8] =	dma.local @!p0 [hbm:s6], $0xF7A  }
0x23: {  	s9 =	sor.u32 $0xD0000000, s2;
	s6 =	simm.s32 $0x108;
	_ =	swait.ge @!p0 [sflag:s8], $0x0  }
0x24: {  	s3 =	sadd.s32 $0x88, s3;
	s6 =	simm.s32 @!p1 $0x1082;
	[sflag:s4] =	ssyncset.s32 $0xFFFFF086  }
0x25: {  	[simem:s6], [sflag:s4] =	dma.local [hbm:s3], $0xF7A  }
0x26: {  	[smem:$0x3F94] =	sst s1;
	(tag) =	ssettag s2;
	_ =	strace s9  }
0x27: {  	s1 =	sld [smem:$0x3FA4]  }
0x28: {  	s2 =	sld [smem:$0x3FA5]  }
0x29: {  	s4 =	sld [smem:$0x3FA7]  }
0x2a: {  	p0 =	seq.s32 s5, $0x0;
	s5 =	sld [smem:$0x3FA8]  }
0x2b: {  	s6 =	sld [smem:$0x3FA9]  }
0x2c: {  	s7 =	sld [smem:$0x3FAA]  }
0x2d: {  	s3 =	simm.s32 $0x108;
	s8 =	sld [smem:$0x3FAB]  }
0x2e: {  	s3 =	simm.s32 @!p0 $0x1082;
	s9 =	sld [smem:$0x3FAC]  }
0x2f: {  	lr =	sadd.s32 s0, s3;
	s0 =	sld [smem:$0x3FA3]  }
0x30: {  	s3 =	sld [smem:$0x3FA6]  }
0x31: {  	[smem:$0x3FAF] =	sst s10  }
0x32: {  	s10 =	sld [smem:$0x3FAD];
	_ =	sdelay $0x3  }
0x33: {  	p0 =	seq.s32 s10, $0x1;
	s10 =	sld [smem:$0x3FAF];
	_ =	sdelay $0x3  }
0x34: {  	[smem:$0x3FAF] =	sst s10  }
0x35: {  	s10 =	sld [smem:$0x3FAE];
	_ =	sdelay $0x3  }
0x36: {  	p1 =	seq.s32 s10, $0x1;
	s10 =	sld [smem:$0x3FAF];
	_ =	sdelay $0x3  }
0x37: {  	[smem:$0x3FAF] =	sst s10  }
0x38: {  	s10 =	sld [smem:$0x3FB0]  }
0x39: {  	_ = 	snop;
	(pc) =	sbr.ind lr, $3  }
0x3a: {  	_ = 	snop  }
0x3b: {  	_ = 	snop  }
0x3c: {  	p2 =	seq.s32 s10, $0x1;
	s10 =	sld [smem:$0x3FAF]  }
0x3d: {  	_ =	shalt  }
0x3e: {  	_ =	shalt  }
0x3f: {  	_ =	shalt  }
0x40: {  	_ =	shalt  }
0x41: {  	_ =	shalt  }
0x42: {  	_ =	shalt  }
0x43: {  	_ =	shalt  }
0x44: {  	_ =	shalt  }
0x45: {  	_ =	shalt  }
0x46: {  	_ =	shalt  }
0x47: {  	_ =	shalt  }
0x48: {  	_ =	shalt  }
0x49: {  	_ =	shalt  }
0x4a: {  	_ =	shalt  }
0x4b: {  	_ =	shalt  }
0x4c: {  	_ =	shalt  }
0x4d: {  	_ =	shalt  }
0x4e: {  	_ =	shalt  }
0x4f: {  	_ =	shalt  }
0x50: {  	_ =	shalt  }
0x51: {  	_ =	shalt  }
0x52: {  	_ =	shalt  }
0x53: {  	_ =	shalt  }
0x54: {  	_ =	shalt  }
0x55: {  	_ =	shalt  }
0x56: {  	_ =	shalt  }
0x57: {  	_ =	shalt  }
0x58: {  	_ =	shalt  }
0x59: {  	_ =	shalt  }
0x5a: {  	_ =	shalt  }
0x5b: {  	_ =	shalt  }
0x5c: {  	_ =	shalt  }
0x5d: {  	_ =	shalt  }
0x5e: {  	_ =	shalt  }
0x5f: {  	_ =	shalt  }
0x60: {  	_ =	shalt  }
0x61: {  	_ =	shalt  }
0x62: {  	_ =	shalt  }
0x63: {  	_ =	shalt  }
0x64: {  	_ =	shalt  }
0x65: {  	_ =	shalt  }
0x66: {  	_ =	shalt  }
0x67: {  	_ =	shalt  }
0x68: {  	_ =	shalt  }
0x69: {  	_ =	shalt  }
0x6a: {  	_ =	shalt  }
0x6b: {  	_ =	shalt  }
0x6c: {  	_ =	shalt  }
0x6d: {  	_ =	shalt  }
0x6e: {  	_ =	shalt  }
0x6f: {  	_ =	shalt  }
0x70: {  	_ =	shalt  }
0x71: {  	_ =	shalt  }
0x72: {  	_ =	shalt  }
0x73: {  	_ =	shalt  }
0x74: {  	_ =	shalt  }
0x75: {  	_ =	shalt  }
0x76: {  	_ =	shalt  }
0x77: {  	_ =	shalt  }
0x78: {  	_ =	shalt  }
0x79: {  	_ =	shalt  }
0x7a: {  	_ =	shalt  }
0x7b: {  	_ =	shalt  }
0x7c: {  	_ =	shalt  }
0x7d: {  	_ =	shalt  }
0x7e: {  	_ =	shalt  }
0x7f: {  	_ =	shalt  }
0x80: {  	_ =	shalt  }
0x81: {  	_ =	shalt  }
0x82: {  	_ =	shalt  }
0x83: {  	_ =	shalt  }
0x84: {  	_ =	shalt  }
0x85: {  	_ =	shalt  }
0x86: {  	_ =	shalt  }
0x87: {  	_ =	shalt  }
.Lfunc_end0:
.L_simem_size_0:
called_computation_lowered:
.L_overlay_start_0:
0x88: {  	s2 =	sld [smem:$0x3FD9]  }
0x89: {  	s3 =	sld [smem:$0x3FFE];
	_ =	sdelay $0x1  }
0x8a: {  	s1 =	srdreg.scid  }
0x8b: {  	s0 =	sand.u32 $0x1, s1  }
0x8c: {  	s16 =	sshll.u32 s0, $0xA;
	s2 =	sadd.s32 s3, s2  }
0x8d: {  	s2 =	sadd.s32 s2, s16  }
0x8e: {  	[smem:$0x3FBB] =	sst s2  }
0x8f: {  	_ = 	snop  }
0x90: {  	(tm) =	ssettm $0x1  }
0x91: {  	s17 =	sld [smem:$0x3FFB];
	_ =	sdelay $0x3  }
0x92: {  	_ =	strace s17  }
0x93: {  	s2 =	sld [smem:$0x3FFC];
	_ =	sdelay $0x3  }
0x94: {  	_ =	strace s2  }
0x95: {  	s2 =	sld [smem:$0x3FFD];
	_ =	sdelay $0x3  }
0x96: {  	_ =	strace s2  }
0x97: {  	_ =	strace $0x8FFFFFFF  }
0x98: {  	s18 =	sld [smem:$0x3FDB];
	_ =	sdelay $0x1  }
0x99: {  	s19 =	simm.s32 $_scs_section_size  }
0x9a: {  	s4 =	simm.s32 $_size__tile_overlayer_lowered;
	s5 =	simm.s32 $_tile_overlayer_lowered  }
0x9b: {  	s22 =	simm.s32 $0x1BFF;
	s21 =	sshll.u32 s5, $0x1;
	s2 =	sadd.s32 s19, s18  }
0x9c: {  	s6 =	simm.s32 $0x0;
	s20 =	sshll.u32 s4, $0x1;
	s4 =	sadd.s32 s21, s2  }
0x9d: {  	[timem:s6], [sflag:s22] =	dma.local [hbm:s4], s20  }
0x9e: {  	_ =	swait.ge [sflag:s22], s20  }
0x9f: {  	s3 =	ssub.s32 $0x0, s20;
	[sflag:s22] =	ssyncset.done $0x0  }
0xa0: {  	[sflag:s22] =	ssyncadd.s32 s3;
	_ =	sdelay $0x1  }
0xa1: {  	s23 =	simm.s32 $0x1B8B  }
0xa2: {  	_ =	swait.ge [sflag:s23], $0x1  }
0xa3: {  	[sflag:s23] =	ssyncset.done $0x0  }
0xa4: {  	s25 =	simm.s32 $0x1B8E;
	s24 =	sld [smem:$0x3FFE];
	[sflag:s23] =	ssyncadd.s32 $0xFFFFFFFF  }
0xa5: {  	s26 =	simm.s32 $execute0_lowered;
	[smem:$0x3FD2] =	sst s25  }
0xa6: {  	s4 =	sshll.u32 s26, $0x1;
	_ =	strace $0x80000046;
	[dreg:$0x1] =	wrdreg $0xFFFFFFFF  }
0xa7: {  	s28 =	simm.s32 $_size_execute0_lowered;
	s2 =	sadd.s32 s2, s4;
	[dreg:$0x0] =	wrdreg $0x0  }
0xa8: {  	s4 =	sshll.u32 s28, $0x1;
	[dreg:$0x2] =	wrdreg s2  }
0xa9: {  	[dreg:$0x3] =	wrdreg s4  }
0xaa: {  	[dreg:$0x4] =	wrdreg $0xC0  }
0xab: {  	_ =	task [dreg:s6], $0x5FFFF  }
0xac: {  	[dreg:$0x1] =	wrdreg $0xFFFFFFFF  }
0xad: {  	[dreg:$0x0] =	wrdreg $0x60  }
0xae: {  	[dreg:$0x2] =	wrdreg s24  }
0xaf: {  	[dreg:$0x3] =	wrdreg $0x0  }
0xb0: {  	[dreg:$0x4] =	wrdreg $0x9  }
0xb1: {  	_ =	task.clear_ibuf [dreg:s6], $0x5FFFF;
	_ =	strace $0x90000046  }
0xb2: {  	s29 =	simm.s32 $0x9;
	_ =	strace $0x80000048  }
0xb3: {  	_ =	swait.ge [sflag:s29], $0x1  }
0xb4: {  	[sflag:s29] =	ssyncadd.s32 $0xFFFFFFFF  }
0xb5: {  	_ =	strace $0x90000048  }
0xb6: {  	_ =	sfence  }
0xb7: {  	s30 =	sld [smem:$0x0];
	_ =	sdelay $0x2  }
0xb8: {  	s31 =	sshll.u32 s1, $0xD;
	s1 =	sshrl.u32 s1, $0x2  }
0xb9: {  	s3 =	sand.u32 $0x4000, s31;
	s1 =	sadd.s32 s1, s30  }
0xba: {  	s0 =	sor.u32 s3, s0;
	s1 =	sshll.u32 s1, $0x11  }
0xbb: {  	s0 =	sor.u32 s1, s0  }
0xbc: {  	s0 =	sadd.s32 $0x8F2B, s0  }
0xbd: {  	[sflag:s0] =	ssyncadd.remote.s32 $0x1  }
0xbe: {  	_ =	sfence.sel $0xFFFF  }
0xbf: {  	[dreg:$0x0] =	wrdreg $0xFFFFFFFF;
	(pc) =	sbr.abs _section_cstart, $3  }
0xc0: {  	[dreg:$0x1] =	wrdreg $0xFFFFFFFF  }
0xc1: {  	_ =	task.clear_ibuf [dreg:s6], $0x2FFFF;
	_ =	strace $0x9FFFFFFF  }
0xc2: {  	(tm) =	ssettm $0x7FFFFFFF  }
0xc3: {  	_ =	shalt  }
tec
execute0_lowered:
.L_overlay_start_1:
0x0: {  	(tag) =	ssettag $0x1  }
0x1: {  	s4 =	rddreg [dreg:$0x0]  }
0x2: {  	s1 =	rddreg [dreg:$0x1]  }
0x3: {  	s2 =	srdreg.scid;
	s0 =	rddreg [dreg:$0x2];
	s3 =	simm.s32 $0x0  }
0x4: {  	s10 =	simm.s32 $0x280;
	s11 =	simm.s32 $0x80;
	s12 =	simm.s32 $0x2A80  }
0x5: {  	s15 =	simm.s32 $0x20;
	s16 =	simm.s32 $0x10;
	s17 =	simm.s32 $0x0  }
0x6: {  	s5 =	sand.u32 $0x1, s2;
	s2 =	stileid.u32;
	[smem:$0x7FF] =	sst s3  }
0x7: {  	s6 =	sshll.u32 s5, $0x4;
	s7 =	smul.u32 $0x500, s2;
	_ =	strace $0x80000047  }
0x8: {  	s8 =	sshll.u32 s5, $0x7;
	s5 =	ssub.s32 $0x2, s5;
	s30 =	smul.u32 $0xA00, s2  }
0x9: {  	s13 =	sshll.u32 s2, $0x6;
	s6 =	sor.u32 s2, s6;
	s9 =	sshrl.u32 s5, $0x1  }
0xa: {  	s13 =	sor.u32 $0x1C01, s13;
	s6 =	smul.u32 $0x500, s6;
	s7 =	sor.u32 s8, s7  }
0xb: {  	s9 =	ssub.s32 s5, s9;
	s31 =	sshrl.u32 s30, $0x2;
	s7 =	sshrl.u32 s7, $0x3  }
0xc: {  	s8 =	simm.s32 $0x2B00;
	s6 =	sadd.s32 s6, s4;
	s7 =	sadd.s32 s7, s4  }
0xd: {  	s4 =	sadd.s32 s31, s1;
	s5 =	sadd.s32 $0x4000, s6;
	s6 =	sadd.s32 $0xE000, s7  }
0xe: {  	v0 =	vimm.f32 $1.000000000e+00;
	v1 =	vimm.f32 $0.0e+00;
	s7 =	smax.u32 s9, $0x1;
	s9 =	simm.s32 $0x1;
	s14 =	sshrl.u32 s4, $0x3  }
.LBB2_1:
0xf: {  	[tilespmem:$0x2A80] =	vst v0  }
0x10: {  	[tilespmem:$0x2A90] =	vst v0  }
0x11: {  	[tilespmem:$0x2AA0] =	vst v0  }
0x12: {  	[tilespmem:$0x2AB0] =	vst v0  }
0x13: {  	[tilespmem:$0x2AC0] =	vst v0  }
0x14: {  	[tilespmem:$0x2AD0] =	vst v0  }
0x15: {  	[tilespmem:$0x2AE0] =	vst v0  }
0x16: {  	[tilespmem:$0x2AF0] =	vst v0  }
0x17: {  	[tilespmem:$0x2B00] =	vst v1  }
0x18: {  	[tilespmem:$0x2B10] =	vst v1  }
0x19: {  	[tilespmem:$0x2B20] =	vst v1  }
0x1a: {  	[tilespmem:$0x2B30] =	vst v1  }
0x1b: {  	[tilespmem:$0x2B40] =	vst v1  }
0x1c: {  	[tilespmem:$0x2B50] =	vst v1  }
0x1d: {  	[tilespmem:$0x2B60] =	vst v1  }
0x1e: {  	[tilespmem:$0x2B70] =	vst v1  }
0x1f: {  	[tilespmem:$0x2B80] =	vst v1  }
0x20: {  	[tilespmem:$0x2B90] =	vst v1  }
0x21: {  	[tilespmem:$0x2BA0] =	vst v1  }
0x22: {  	[tilespmem:$0x2BB0] =	vst v1  }
0x23: {  	[tilespmem:$0x2BC0] =	vst v1  }
0x24: {  	[tilespmem:$0x2BD0] =	vst v1  }
0x25: {  	[tilespmem:$0x2BE0] =	vst v1  }
0x26: {  	[tilespmem:$0x2BF0] =	vst v1  }
0x27: {  	[tilespmem:$0x2C00] =	vst v1  }
0x28: {  	[tilespmem:$0x2C10] =	vst v1  }
0x29: {  	[tilespmem:$0x2C20] =	vst v1  }
0x2a: {  	[tilespmem:$0x2C30] =	vst v1  }
0x2b: {  	[tilespmem:$0x2C40] =	vst v1  }
0x2c: {  	[tilespmem:$0x2C50] =	vst v1  }
0x2d: {  	[tilespmem:$0x2C60] =	vst v1  }
0x2e: {  	[tilespmem:$0x2C70] =	vst v1  }
0x2f: {  	[tilespmem:$0x2C80] =	vst v1  }
0x30: {  	[tilespmem:$0x2C90] =	vst v1  }
0x31: {  	[tilespmem:$0x2CA0] =	vst v1  }
0x32: {  	[tilespmem:$0x2CB0] =	vst v1  }
0x33: {  	[tilespmem:$0x2CC0] =	vst v1  }
0x34: {  	[tilespmem:$0x2CD0] =	vst v1  }
0x35: {  	[tilespmem:$0x2CE0] =	vst v1  }
0x36: {  	[tilespmem:$0x2CF0] =	vst v1  }
0x37: {  	[tilespmem:$0x2D00] =	vst v1  }
0x38: {  	[tilespmem:$0x2D10] =	vst v1  }
0x39: {  	[tilespmem:$0x2D20] =	vst v1  }
0x3a: {  	[tilespmem:$0x2D30] =	vst v1  }
0x3b: {  	[tilespmem:$0x2D40] =	vst v1  }
0x3c: {  	[tilespmem:$0x2D50] =	vst v1  }
0x3d: {  	[tilespmem:$0x2D60] =	vst v1  }
0x3e: {  	[tilespmem:$0x2D70] =	vst v1  }
0x3f: {  	[spmem:s4] =	stream.linear.scatter [tilespmem:s8], [sflag:$0x1], $0x280, $0x38;
	[tilespmem:$0x2D80] =	vst v63  }
0x40: {  	_ =	swait.ge [sflag:s9], $0x280  }
0x41: {  	[sflag:s9] =	ssyncset.done $0x0  }
0x42: {  	[sflag:s9] =	ssyncadd.s32 $0xFFFFFD80  }
0x43: {  	[tilespmem:s10], [sflag:$0x1] =	stream.linear.gather [hbm4b:s5+s3], $0x2800, $0x38;
	[tilespmem:$0x2D80] =	vst v63  }
0x44: {  	_ =	swait.ge [sflag:s9], $0x2800  }
0x45: {  	[sflag:s9] =	ssyncset.done $0x0  }
0x46: {  	[sflag:s9] =	ssyncadd.s32 $0xFFFFD800  }
0x47: {  	s18 =	simm.s32 $0x280;
	[bflag:$0x0] =	sbarrier.arrive $0xFFFF  }
0x48: {  	[spmem:s1] =	stream.indirect.scatter.add.f32 [tilespmem:s12], [sflag:$0x1], $0x1, s18, s11, $0xb8;
	[tilespmem:$0x2D80] =	vst v63  }
0x49: {  	s18 =	simm.s32 $0x200;
	_ =	swait.ge [sflag:s9], $0x80  }
.LBB2_2:
0x4a: {  	s19 =	sshra.s32 s18, $0x2;
	[sflag:s9] =	ssyncset.done $0x0;
	p0 =	sne.s32 s18, $0x9E00  }
.Ltmp0:
0x4b: {  	s19 =	sadd.s32 $0x280, s19;
	[sflag:s9] =	ssyncadd.s32 $0xFFFFFF80;
	(pc) =	sbr.rel @p0 .LBB2_2-.Ltmp0, $3  }
0x4c: {  	[spmem:s1] =	stream.indirect.scatter.add.f32 [tilespmem:s12], [sflag:$0x1], $0x1, s19, s11, $0xb8;
	[tilespmem:$0x2D80] =	vst v63  }
0x4d: {  	s18 =	sadd.s32 $0x200, s18;
	_ =	sdelay $0x1  }
0x4e: {  	_ =	swait.ge [sflag:s9], $0x80  }
0x4f: {  	[sflag:s9] =	ssyncset.done $0x0;
	s17 =	sadd.s32 $0x1, s17  }
0x50: {  	[sflag:s9] =	ssyncadd.s32 $0xFFFFFF80;
	p0 =	sne.s32 s17, s7  }
.Ltmp1:
0x51: {  	[bflag:$0x0] =	sbarrier.arrive $0xFFFF;
	(pc) =	sbr.rel @p0 .LBB2_1-.Ltmp1, $4  }
0x52: {  	[hbm:s6@s15], [sflag:s13] =	dma.strided [spmem:s14@s16], $0x50, s9, $0x10   }
0x53: {  	_ =	swait.ge [sflag:s9], $0x50  }
0x54: {  	[sflag:s9] =	ssyncset.done $0x0  }
0x55: {  	[sflag:s9] =	ssyncadd.s32 $0xFFFFFFB0  }
0x56: {  	_ =	sfence.sel $0x180000  }
0x57: {  	[bflag:$0x0] =	sbarrier.arrive $0xFFFF  }
0x58: {  	p0 =	sne.s32 s2, $0x0;
	_ =	strace $0x90000047  }
0x59: {  	s0 =	sadd.s32 @!p0 $0x100000, s0;
	[bflag:$0x2] =	sbarrier.arrive $0xFFFF  }
0x5a: {  	[sflag:s0] =	ssyncadd.tile.s32 @!p0 $0x1;
	_ =	shalt  }
.Lfunc_end2:
_tile_overlayer_lowered:
.L_overlay_start_2:
0x5b: {  	(tag) =	ssettag $0x2  }
0x5c: {  	s0 =	rddreg [dreg:$0x0];
	s2 =	stileid.u32  }
0x5d: {  	s1 =	rddreg [dreg:$0x1];
	p0 =	sne.s32 s2, $0x0  }
0x5e: {  	s3 =	rddreg [dreg:$0x2];
	[bflag:$0x3] =	sbarrier.arrive $0xFFFF;
	s2 =	simm.s32 @!p0 $0x1C01  }
0x5f: {  	[timem:s3], [sflag:s2] =	dma.local @!p0 [hbm:s0], s1  }
0x60: {  	s0 =	simm.s32 @!p0 $0x1  }
0x61: {  	_ =	swait.ge @!p0 [sflag:s0], s1  }
0x62: {  	s1 =	ssub.s32 @!p0 $0x0, s1;
	[sflag:s0] =	ssyncset.done @!p0 $0x0  }
0x63: {  	[sflag:s0] =	ssyncadd.s32 @!p0 s1  }
0x64: {  	[bflag:$0x3] =	sbarrier.arrive $0xFFFF  }
0x65: {  	_ =	shalt  }

// kernel: kernel.16.cloned.1.call-start
scs
__scs_entry_jumppad:
0x0: {  	(pc) =	sbr.rel $0x88, $3  }
0x1: {  	(tag) =	ssettag $0x0;
	lr =	simm.s32 $0x1  }
0x2: {  	[smem:$0x3F94] =	sst lr;
	_ =	strace $0xD0000000  }
0x3: {  	_ = 	snop  }
0x4: {  	_ = 	snop  }
0x5: {  	_ = 	snop  }
0x6: {  	_ = 	snop  }
0x7: {  	_ = 	snop  }
__scs_overlays_trampoline_lowered:
0x8: {  	[smem:$0x3FA3] =	sst s0  }
0x9: {  	[smem:$0x3FA4] =	sst s1  }
0xa: {  	[smem:$0x3FA5] =	sst s2  }
0xb: {  	[smem:$0x3FA6] =	sst s3  }
0xc: {  	[smem:$0x3FA7] =	sst s4  }
0xd: {  	[smem:$0x3FA8] =	sst s5  }
0xe: {  	[smem:$0x3FA9] =	sst s6  }
0xf: {  	[smem:$0x3FAA] =	sst s7  }
0x10: {  	[smem:$0x3FAB] =	sst s8  }
0x11: {  	[smem:$0x3FAC] =	sst s9;
	s0 =	simm.s32 @!p0 $0x0  }
0x12: {  	s1 =	sld [smem:$0x3F92];
	s0 =	simm.s32 @p0 $0x1  }
0x13: {  	[smem:$0x3FAD] =	sst s0;
	s0 =	simm.s32 @!p1 $0x0  }
0x14: {  	s2 =	sld [smem:$0x3F91];
	s0 =	simm.s32 @p1 $0x1  }
0x15: {  	[smem:$0x3FAE] =	sst s0;
	s0 =	simm.s32 @!p2 $0x0  }
0x16: {  	s3 =	sld [smem:$0x3FDB];
	s0 =	simm.s32 @p2 $0x1  }
0x17: {  	s4 =	simm.s32 $0x1BF5;
	[smem:$0x3FB0] =	sst s0  }
0x18: {  	s0 =	sld [smem:$0x3F93];
	_ =	swait.ge [sflag:s4], $0x0  }
0x19: {  	s7 =	sld [smem:$0x3F94]  }
0x1a: {  	s8 =	sadd.s32 $0xFFFFE003, lr  }
0x1b: {  	s9 =	sadd.s32 $0xFFFFFEF7, lr;
	s5 =	simm.s32 $0xFFFFFFFF;
	p2 =	slt.u32 s8, $0xFFFFF086  }
0x1c: {  	p1 =	slt.u32 s9, $0xF7A;
	s5 =	simm.s32 @!p2 $0x0  }
0x1d: {  	s5 =	simm.s32 @p1 $0x1;
	p0 =	seq.s32 s7, s2  }
0x1e: {  	s7 =	smul.u32 @!p0 $0xF7A, s2;
	p2 =	seq.s32 @!p0 s5, $0x0  }
0x1f: {  	s9 =	smul.u32 $0xF7A, s1;
	s8 =	simm.s32 @!p0 $0x1BF5;
	p2 =	por !p2, p0  }
0x20: {  	[sflag:s8] =	ssyncset.s32 @!p0 $0xFFFFF086;
	s6 =	sadd.s32 @!p0 s3, s7;
	s7 =	simm.s32 @!p0 $0x108  }
0x21: {  	s3 =	sadd.s32 s3, s9;
	s6 =	sadd.s32 @!p0 $0x88, s6;
	s7 =	simm.s32 @p2 $0x1082  }
0x22: {  	[simem:s7], [sflag:s8] =	dma.local @!p0 [hbm:s6], $0xF7A  }
0x23: {  	s9 =	sor.u32 $0xD0000000, s2;
	s6 =	simm.s32 $0x108;
	_ =	swait.ge @!p0 [sflag:s8], $0x0  }
0x24: {  	s3 =	sadd.s32 $0x88, s3;
	s6 =	simm.s32 @!p1 $0x1082;
	[sflag:s4] =	ssyncset.s32 $0xFFFFF086  }
0x25: {  	[simem:s6], [sflag:s4] =	dma.local [hbm:s3], $0xF7A  }
0x26: {  	[smem:$0x3F94] =	sst s1;
	(tag) =	ssettag s2;
	_ =	strace s9  }
0x27: {  	s1 =	sld [smem:$0x3FA4]  }
0x28: {  	s2 =	sld [smem:$0x3FA5]  }
0x29: {  	s4 =	sld [smem:$0x3FA7]  }
0x2a: {  	p0 =	seq.s32 s5, $0x0;
	s5 =	sld [smem:$0x3FA8]  }
0x2b: {  	s6 =	sld [smem:$0x3FA9]  }
0x2c: {  	s7 =	sld [smem:$0x3FAA]  }
0x2d: {  	s3 =	simm.s32 $0x108;
	s8 =	sld [smem:$0x3FAB]  }
0x2e: {  	s3 =	simm.s32 @!p0 $0x1082;
	s9 =	sld [smem:$0x3FAC]  }
0x2f: {  	lr =	sadd.s32 s0, s3;
	s0 =	sld [smem:$0x3FA3]  }
0x30: {  	s3 =	sld [smem:$0x3FA6]  }
0x31: {  	[smem:$0x3FAF] =	sst s10  }
0x32: {  	s10 =	sld [smem:$0x3FAD];
	_ =	sdelay $0x3  }
0x33: {  	p0 =	seq.s32 s10, $0x1;
	s10 =	sld [smem:$0x3FAF];
	_ =	sdelay $0x3  }
0x34: {  	[smem:$0x3FAF] =	sst s10  }
0x35: {  	s10 =	sld [smem:$0x3FAE];
	_ =	sdelay $0x3  }
0x36: {  	p1 =	seq.s32 s10, $0x1;
	s10 =	sld [smem:$0x3FAF];
	_ =	sdelay $0x3  }
0x37: {  	[smem:$0x3FAF] =	sst s10  }
0x38: {  	s10 =	sld [smem:$0x3FB0]  }
0x39: {  	_ = 	snop;
	(pc) =	sbr.ind lr, $3  }
0x3a: {  	_ = 	snop  }
0x3b: {  	_ = 	snop  }
0x3c: {  	p2 =	seq.s32 s10, $0x1;
	s10 =	sld [smem:$0x3FAF]  }
0x3d: {  	_ =	shalt  }
0x3e: {  	_ =	shalt  }
0x3f: {  	_ =	shalt  }
0x40: {  	_ =	shalt  }
0x41: {  	_ =	shalt  }
0x42: {  	_ =	shalt  }
0x43: {  	_ =	shalt  }
0x44: {  	_ =	shalt  }
0x45: {  	_ =	shalt  }
0x46: {  	_ =	shalt  }
0x47: {  	_ =	shalt  }
0x48: {  	_ =	shalt  }
0x49: {  	_ =	shalt  }
0x4a: {  	_ =	shalt  }
0x4b: {  	_ =	shalt  }
0x4c: {  	_ =	shalt  }
0x4d: {  	_ =	shalt  }
0x4e: {  	_ =	shalt  }
0x4f: {  	_ =	shalt  }
0x50: {  	_ =	shalt  }
0x51: {  	_ =	shalt  }
0x52: {  	_ =	shalt  }
0x53: {  	_ =	shalt  }
0x54: {  	_ =	shalt  }
0x55: {  	_ =	shalt  }
0x56: {  	_ =	shalt  }
0x57: {  	_ =	shalt  }
0x58: {  	_ =	shalt  }
0x59: {  	_ =	shalt  }
0x5a: {  	_ =	shalt  }
0x5b: {  	_ =	shalt  }
0x5c: {  	_ =	shalt  }
0x5d: {  	_ =	shalt  }
0x5e: {  	_ =	shalt  }
0x5f: {  	_ =	shalt  }
0x60: {  	_ =	shalt  }
0x61: {  	_ =	shalt  }
0x62: {  	_ =	shalt  }
0x63: {  	_ =	shalt  }
0x64: {  	_ =	shalt  }
0x65: {  	_ =	shalt  }
0x66: {  	_ =	shalt  }
0x67: {  	_ =	shalt  }
0x68: {  	_ =	shalt  }
0x69: {  	_ =	shalt  }
0x6a: {  	_ =	shalt  }
0x6b: {  	_ =	shalt  }
0x6c: {  	_ =	shalt  }
0x6d: {  	_ =	shalt  }
0x6e: {  	_ =	shalt  }
0x6f: {  	_ =	shalt  }
0x70: {  	_ =	shalt  }
0x71: {  	_ =	shalt  }
0x72: {  	_ =	shalt  }
0x73: {  	_ =	shalt  }
0x74: {  	_ =	shalt  }
0x75: {  	_ =	shalt  }
0x76: {  	_ =	shalt  }
0x77: {  	_ =	shalt  }
0x78: {  	_ =	shalt  }
0x79: {  	_ =	shalt  }
0x7a: {  	_ =	shalt  }
0x7b: {  	_ =	shalt  }
0x7c: {  	_ =	shalt  }
0x7d: {  	_ =	shalt  }
0x7e: {  	_ =	shalt  }
0x7f: {  	_ =	shalt  }
0x80: {  	_ =	shalt  }
0x81: {  	_ =	shalt  }
0x82: {  	_ =	shalt  }
0x83: {  	_ =	shalt  }
0x84: {  	_ =	shalt  }
0x85: {  	_ =	shalt  }
0x86: {  	_ =	shalt  }
0x87: {  	_ =	shalt  }
.Lfunc_end0:
.L_simem_size_0:
called_computation.1_lowered:
.L_overlay_start_0:
0x88: {  	s2 =	sld [smem:$0x3FD9]  }
0x89: {  	s3 =	sld [smem:$0x3FFE];
	_ =	sdelay $0x1  }
0x8a: {  	s1 =	srdreg.scid  }
0x8b: {  	s0 =	sand.u32 $0x1, s1  }
0x8c: {  	s16 =	sshll.u32 s0, $0xA;
	s2 =	sadd.s32 s3, s2  }
0x8d: {  	s2 =	sadd.s32 s2, s16  }
0x8e: {  	[smem:$0x3FBB] =	sst s2  }
0x8f: {  	_ = 	snop  }
0x90: {  	(tm) =	ssettm $0x1  }
0x91: {  	s17 =	sld [smem:$0x3FFB];
	_ =	sdelay $0x3  }
0x92: {  	_ =	strace s17  }
0x93: {  	s2 =	sld [smem:$0x3FFC];
	_ =	sdelay $0x3  }
0x94: {  	_ =	strace s2  }
0x95: {  	s2 =	sld [smem:$0x3FFD];
	_ =	sdelay $0x3  }
0x96: {  	_ =	strace s2  }
0x97: {  	_ =	strace $0x8FFFFFFF  }
0x98: {  	s18 =	sld [smem:$0x3FDB];
	_ =	sdelay $0x1  }
0x99: {  	s19 =	simm.s32 $_scs_section_size  }
0x9a: {  	s4 =	simm.s32 $_size__tile_overlayer_lowered;
	s5 =	simm.s32 $_tile_overlayer_lowered  }
0x9b: {  	s22 =	simm.s32 $0x1BFF;
	s21 =	sshll.u32 s5, $0x1;
	s2 =	sadd.s32 s19, s18  }
0x9c: {  	s6 =	simm.s32 $0x0;
	s20 =	sshll.u32 s4, $0x1;
	s4 =	sadd.s32 s21, s2  }
0x9d: {  	[timem:s6], [sflag:s22] =	dma.local [hbm:s4], s20  }
0x9e: {  	_ =	swait.ge [sflag:s22], s20  }
0x9f: {  	s3 =	ssub.s32 $0x0, s20;
	[sflag:s22] =	ssyncset.done $0x0  }
0xa0: {  	[sflag:s22] =	ssyncadd.s32 s3;
	_ =	sdelay $0x1  }
0xa1: {  	s23 =	simm.s32 $0x1B8B  }
0xa2: {  	_ =	swait.ge [sflag:s23], $0x1  }
0xa3: {  	[sflag:s23] =	ssyncset.done $0x0  }
0xa4: {  	s25 =	simm.s32 $0x1B8E;
	s24 =	sld [smem:$0x3FFE];
	[sflag:s23] =	ssyncadd.s32 $0xFFFFFFFF  }
0xa5: {  	s26 =	simm.s32 $execute0_lowered;
	[smem:$0x3FD2] =	sst s25  }
0xa6: {  	s4 =	sshll.u32 s26, $0x1;
	_ =	strace $0x80000049;
	[dreg:$0x1] =	wrdreg $0xFFFFFFFF  }
0xa7: {  	s28 =	simm.s32 $_size_execute0_lowered;
	s2 =	sadd.s32 s2, s4;
	[dreg:$0x0] =	wrdreg $0x0  }
0xa8: {  	s4 =	sshll.u32 s28, $0x1;
	[dreg:$0x2] =	wrdreg s2  }
0xa9: {  	[dreg:$0x3] =	wrdreg s4  }
0xaa: {  	[dreg:$0x4] =	wrdreg $0xC0  }
0xab: {  	_ =	task [dreg:s6], $0x5FFFF  }
0xac: {  	[dreg:$0x1] =	wrdreg $0xFFFFFFFF  }
0xad: {  	[dreg:$0x0] =	wrdreg $0x60  }
0xae: {  	[dreg:$0x2] =	wrdreg s24  }
0xaf: {  	[dreg:$0x3] =	wrdreg $0x0  }
0xb0: {  	[dreg:$0x4] =	wrdreg $0x9  }
0xb1: {  	_ =	task.clear_ibuf [dreg:s6], $0x5FFFF;
	_ =	strace $0x90000049  }
0xb2: {  	s29 =	simm.s32 $0x9;
	_ =	strace $0x8000004B  }
0xb3: {  	_ =	swait.ge [sflag:s29], $0x1  }
0xb4: {  	[sflag:s29] =	ssyncadd.s32 $0xFFFFFFFF  }
0xb5: {  	_ =	strace $0x9000004B  }
0xb6: {  	_ =	sfence  }
0xb7: {  	s30 =	sld [smem:$0x0];
	_ =	sdelay $0x2  }
0xb8: {  	s31 =	sshll.u32 s1, $0xD;
	s1 =	sshrl.u32 s1, $0x2  }
0xb9: {  	s3 =	sand.u32 $0x4000, s31;
	s1 =	sadd.s32 s1, s30  }
0xba: {  	s0 =	sor.u32 s3, s0;
	s1 =	sshll.u32 s1, $0x11  }
0xbb: {  	s0 =	sor.u32 s1, s0  }
0xbc: {  	s0 =	sadd.s32 $0x8F2B, s0  }
0xbd: {  	[sflag:s0] =	ssyncadd.remote.s32 $0x1  }
0xbe: {  	_ =	sfence.sel $0xFFFF  }
0xbf: {  	[dreg:$0x0] =	wrdreg $0xFFFFFFFF;
	(pc) =	sbr.abs _section_cstart, $3  }
0xc0: {  	[dreg:$0x1] =	wrdreg $0xFFFFFFFF  }
0xc1: {  	_ =	task.clear_ibuf [dreg:s6], $0x2FFFF;
	_ =	strace $0x9FFFFFFF  }
0xc2: {  	(tm) =	ssettm $0x7FFFFFFF  }
0xc3: {  	_ =	shalt  }
tec
execute0_lowered:
.L_overlay_start_1:
0x0: {  	(tag) =	ssettag $0x1  }
0x1: {  	s5 =	rddreg [dreg:$0x0]  }
0x2: {  	s1 =	rddreg [dreg:$0x1]  }
0x3: {  	s0 =	rddreg [dreg:$0x2];
	s3 =	simm.s32 $0x0;
	s2 =	stileid.u32  }
0x4: {  	s7 =	srdreg.scid;
	s15 =	simm.s32 $0x14000;
	s16 =	simm.s32 $0x80  }
0x5: {  	s17 =	simm.s32 $0x16800;
	s18 =	simm.s32 $0x1;
	s19 =	simm.s32 $0x14100  }
0x6: {  	s20 =	simm.s32 $0x1A800;
	s21 =	simm.s32 $0x14080;
	s22 =	simm.s32 $0x2  }
0x7: {  	s23 =	simm.s32 $0x14200;
	s24 =	simm.s32 $0x14180;
	s6 =	smul.u32 $0x2800, s2  }
0x8: {  	s25 =	simm.s32 $0x0;
	[smem:$0x7FF] =	sst s3;
	s28 =	smul.u32 $0x50000, s2  }
0x9: {  	s4 =	sadd.s32 $0x22A00, s5;
	s8 =	sadd.s32 $0xEA00, s5;
	s9 =	smul.u32 $0xA000, s2  }
0xa: {  	s12 =	sand.u32 $0x1, s7;
	s13 =	smul.u32 $0x1400, s2;
	s31 =	sshll.u32 s2, $0x6  }
0xb: {  	_ =	strace $0x8000004A;
	s29 =	ssub.s32 $0x2, s12;
	p0 =	sne.s32 s12, $0x0  }
0xc: {  	s12 =	sor.u32 $0x1C03, s31;
	s10 =	sadd.s32 s6, s5;
	s11 =	sshrl.u32 s29, $0x1  }
.Ltmp0:
0xd: {  	s7 =	sshrl.u32 s28, $0x2;
	s30 =	sshrl.u32 s9, $0x3;
	(pc) =	sbr.rel .LBB2_1-.Ltmp0, $4  }
0xe: {  	s5 =	sadd.s32 s4, s6;
	s6 =	sadd.s32 s8, s13;
	s11 =	ssub.s32 s29, s11  }
0xf: {  	s14 =	sadd.s32 s7, s1;
	s9 =	sadd.s32 s8, s30;
	s10 =	sadd.s32 $0x4AA00, s10  }
0x10: {  	s7 =	sadd.s32 $0x500, s9;
	s8 =	sadd.s32 $0xA00, s9;
	s9 =	sadd.s32 $0xF00, s9  }
0x11: {  	s11 =	smax.u32 s11, $0x1;
	s13 =	sshrl.u32 s14, $0x3;
	s14 =	simm.s32 $0x3  }
.LBB2_15:
0x12: {  	[spmem:s1] =	stream.indirect.scatter.add.f32 [tilespmem:s20], [sflag:$0x2], $0x80, s29, s16, $0xb8;
	[tilespmem:$0x1E800] =	vst v63  }
0x13: {  	_ =	swait.ge [sflag:s22], $0x4000  }
0x14: {  	[sflag:s22] =	ssyncset.done $0x0  }
0x15: {  	[sflag:s22] =	ssyncadd.s32 $0xFFFFC000  }
0x16: {  	[bflag:$0x0] =	sbarrier.arrive $0xFFFF  }
0x17: {  	[hbm:s10], [sflag:s12] =	dma.local [spmem:s13], $0x2800  }
0x18: {  	_ =	swait.ge [sflag:s14], $0x2800  }
0x19: {  	[sflag:s14] =	ssyncset.done $0x0  }
0x1a: {  	[sflag:s14] =	ssyncadd.s32 $0xFFFFD800  }
.LBB2_16:
0x1b: {  	s25 =	sadd.s32 $0x1, s25  }
0x1c: {  	p1 =	sne.s32 s25, s11  }
.Ltmp1:
0x1d: {  	_ = 	snop;
	(pc) =	sbr.rel @!p1 .LBB2_17-.Ltmp1, $1  }
0x1e: {  	_ =	sdelay $0x3  }
.LBB2_1:
.Ltmp2:
0x1f: {  	(pc) =	sbr.rel @p0 .LBB2_14-.Ltmp2, $1  }
0x20: {  	_ =	sdelay $0x3  }
0x21: {  	[spmem:s13], [sflag:s12] =	dma.local [hbm:s5], $0x2800  }
0x22: {  	_ =	swait.ge [sflag:s14], $0x2800  }
0x23: {  	[sflag:s14] =	ssyncset.done $0x0  }
0x24: {  	[sflag:s14] =	ssyncadd.s32 $0xFFFFD800  }
0x25: {  	[bflag:$0x0] =	sbarrier.arrive $0xFFFF  }
0x26: {  	[tilespmem:s15], [sflag:$0x3] =	stream.linear.gather [hbm4b:s6+s3], $0x2800, $0x38;
	[tilespmem:$0x1E800] =	vst v63  }
0x27: {  	_ =	swait.ge [sflag:s14], $0x2800  }
0x28: {  	[sflag:s14] =	ssyncset.done $0x0  }
0x29: {  	[sflag:s14] =	ssyncadd.s32 $0xFFFFD800  }
0x2a: {  	[tilespmem:s17], [sflag:$0x1] =	stream.indirect.gather [hbm4b:s4+s16], $0x80, s15, s16, $0xb8;
	[tilespmem:$0x1E800] =	vst v63  }
0x2b: {  	_ =	swait.ge [sflag:s18], $0x4000  }
0x2c: {  	[sflag:s18] =	ssyncset.done $0x0  }
0x2d: {  	[sflag:s18] =	ssyncadd.s32 $0xFFFFC000  }
0x2e: {  	[tilespmem:s20], [sflag:$0x1] =	stream.indirect.gather [hbm4b:s4+s16], $0x80, s19, s16, $0xb8;
	[tilespmem:$0x1E800] =	vst v63  }
0x2f: {  	_ = 	snop  }
0x30: {  	[spmem:s1] =	stream.indirect.scatter.add.f32 [tilespmem:s17], [sflag:$0x2], $0x80, s21, s16, $0xb8;
	[tilespmem:$0x1E800] =	vst v63  }
0x31: {  	_ =	swait.ge [sflag:s18], $0x4000  }
0x32: {  	[sflag:s18] =	ssyncset.done $0x0  }
0x33: {  	[sflag:s18] =	ssyncadd.s32 $0xFFFFC000  }
0x34: {  	_ =	swait.ge [sflag:s22], $0x4000  }
0x35: {  	[sflag:s22] =	ssyncset.done $0x0  }
0x36: {  	[sflag:s22] =	ssyncadd.s32 $0xFFFFC000  }
0x37: {  	[tilespmem:s17], [sflag:$0x1] =	stream.indirect.gather [hbm4b:s4+s16], $0x80, s23, s16, $0xb8;
	[tilespmem:$0x1E800] =	vst v63  }
0x38: {  	s26 =	simm.s32 $0xFFFF7000  }
0x39: {  	[spmem:s1] =	stream.indirect.scatter.add.f32 [tilespmem:s20], [sflag:$0x2], $0x80, s24, s16, $0xb8;
	[tilespmem:$0x1E800] =	vst v63  }
.LBB2_3:
0x3a: {  	_ =	swait.ge [sflag:s18], $0x4000  }
0x3b: {  	[sflag:s18] =	ssyncset.done $0x0  }
0x3c: {  	[sflag:s18] =	ssyncadd.s32 $0xFFFFC000  }
0x3d: {  	_ =	swait.ge [sflag:s22], $0x4000  }
0x3e: {  	s28 =	sshra.s32 s26, $0x2;
	[sflag:s22] =	ssyncset.done $0x0  }
0x3f: {  	s29 =	sadd.s32 $0x16700, s28;
	[sflag:s22] =	ssyncadd.s32 $0xFFFFC000  }
0x40: {  	[tilespmem:s20], [sflag:$0x1] =	stream.indirect.gather [hbm4b:s4+s16], $0x80, s29, s16, $0xb8;
	[tilespmem:$0x1E800] =	vst v63  }
0x41: {  	s29 =	sadd.s32 $0x16680, s28  }
0x42: {  	[spmem:s1] =	stream.indirect.scatter.add.f32 [tilespmem:s17], [sflag:$0x2], $0x80, s29, s16, $0xb8;
	[tilespmem:$0x1E800] =	vst v63  }
0x43: {  	p1 =	seq.s32 s26, $0x0;
	_ =	swait.ge [sflag:s18], $0x4000  }
.Ltmp3:
0x44: {  	[sflag:s18] =	ssyncset.done $0x0;
	(pc) =	sbr.rel @p1 .LBB2_5-.Ltmp3, $4  }
0x45: {  	[sflag:s18] =	ssyncadd.s32 $0xFFFFC000  }
0x46: {  	_ =	swait.ge [sflag:s22], $0x4000  }
0x47: {  	[sflag:s22] =	ssyncset.done $0x0  }
0x48: {  	s29 =	sadd.s32 $0x16780, s28;
	[sflag:s22] =	ssyncadd.s32 $0xFFFFC000  }
.Ltmp4:
0x49: {  	(pc) =	sbr.rel .LBB2_3-.Ltmp4, $4  }
0x4a: {  	s28 =	sadd.s32 $0x16800, s28  }
0x4b: {  	[tilespmem:s17], [sflag:$0x1] =	stream.indirect.gather [hbm4b:s4+s16], $0x80, s28, s16, $0xb8;
	[tilespmem:$0x1E800] =	vst v63  }
0x4c: {  	s26 =	sadd.s32 $0x800, s26  }
0x4d: {  	[spmem:s1] =	stream.indirect.scatter.add.f32 [tilespmem:s20], [sflag:$0x2], $0x80, s29, s16, $0xb8;
	[tilespmem:$0x1E800] =	vst v63  }
.LBB2_14:
.Ltmp5:
0x4e: {  	(pc) =	sbr.rel .LBB2_16-.Ltmp5, $3  }
0x4f: {  	_ = 	snop  }
0x50: {  	[bflag:$0x0] =	sbarrier.arrive $0xFFFF  }
0x51: {  	[bflag:$0x0] =	sbarrier.arrive $0xFFFF;
	_ =	sdelay $0x1  }
.LBB2_5:
0x52: {  	[spmem:s1] =	stream.indirect.scatter.add.f32 [tilespmem:s20], [sflag:$0x2], $0x80, s29, s16, $0xb8;
	[tilespmem:$0x1E800] =	vst v63  }
0x53: {  	_ =	swait.ge [sflag:s22], $0x4000  }
0x54: {  	[sflag:s22] =	ssyncset.done $0x0  }
0x55: {  	[sflag:s22] =	ssyncadd.s32 $0xFFFFC000  }
0x56: {  	[tilespmem:s15], [sflag:$0x3] =	stream.linear.gather [hbm4b:s7+s3], $0x2800, $0x38;
	[tilespmem:$0x1E800] =	vst v63  }
0x57: {  	_ =	swait.ge [sflag:s14], $0x2800  }
0x58: {  	[sflag:s14] =	ssyncset.done $0x0  }
0x59: {  	[sflag:s14] =	ssyncadd.s32 $0xFFFFD800  }
0x5a: {  	[tilespmem:s17], [sflag:$0x1] =	stream.indirect.gather [hbm4b:s4+s16], $0x80, s15, s16, $0xb8;
	[tilespmem:$0x1E800] =	vst v63  }
0x5b: {  	_ =	swait.ge [sflag:s18], $0x4000  }
0x5c: {  	[sflag:s18] =	ssyncset.done $0x0  }
0x5d: {  	[sflag:s18] =	ssyncadd.s32 $0xFFFFC000  }
0x5e: {  	[tilespmem:s20], [sflag:$0x1] =	stream.indirect.gather [hbm4b:s4+s16], $0x80, s19, s16, $0xb8;
	[tilespmem:$0x1E800] =	vst v63  }
0x5f: {  	_ = 	snop  }
0x60: {  	[spmem:s1] =	stream.indirect.scatter.add.f32 [tilespmem:s17], [sflag:$0x2], $0x80, s21, s16, $0xb8;
	[tilespmem:$0x1E800] =	vst v63  }
0x61: {  	_ =	swait.ge [sflag:s18], $0x4000  }
0x62: {  	[sflag:s18] =	ssyncset.done $0x0  }
0x63: {  	[sflag:s18] =	ssyncadd.s32 $0xFFFFC000  }
0x64: {  	_ =	swait.ge [sflag:s22], $0x4000  }
0x65: {  	[sflag:s22] =	ssyncset.done $0x0  }
0x66: {  	[sflag:s22] =	ssyncadd.s32 $0xFFFFC000  }
0x67: {  	[tilespmem:s17], [sflag:$0x1] =	stream.indirect.gather [hbm4b:s4+s16], $0x80, s23, s16, $0xb8;
	[tilespmem:$0x1E800] =	vst v63  }
0x68: {  	s26 =	simm.s32 $0xFFFF7000  }
0x69: {  	[spmem:s1] =	stream.indirect.scatter.add.f32 [tilespmem:s20], [sflag:$0x2], $0x80, s24, s16, $0xb8;
	[tilespmem:$0x1E800] =	vst v63  }
.LBB2_6:
0x6a: {  	_ =	swait.ge [sflag:s18], $0x4000  }
0x6b: {  	[sflag:s18] =	ssyncset.done $0x0  }
0x6c: {  	[sflag:s18] =	ssyncadd.s32 $0xFFFFC000  }
0x6d: {  	_ =	swait.ge [sflag:s22], $0x4000  }
0x6e: {  	s28 =	sshra.s32 s26, $0x2;
	[sflag:s22] =	ssyncset.done $0x0  }
0x6f: {  	s29 =	sadd.s32 $0x16700, s28;
	[sflag:s22] =	ssyncadd.s32 $0xFFFFC000  }
0x70: {  	[tilespmem:s20], [sflag:$0x1] =	stream.indirect.gather [hbm4b:s4+s16], $0x80, s29, s16, $0xb8;
	[tilespmem:$0x1E800] =	vst v63  }
0x71: {  	s29 =	sadd.s32 $0x16680, s28  }
0x72: {  	[spmem:s1] =	stream.indirect.scatter.add.f32 [tilespmem:s17], [sflag:$0x2], $0x80, s29, s16, $0xb8;
	[tilespmem:$0x1E800] =	vst v63  }
0x73: {  	p1 =	seq.s32 s26, $0x0;
	_ =	swait.ge [sflag:s18], $0x4000  }
.Ltmp6:
0x74: {  	[sflag:s18] =	ssyncset.done $0x0;
	(pc) =	sbr.rel @p1 .LBB2_8-.Ltmp6, $4  }
0x75: {  	[sflag:s18] =	ssyncadd.s32 $0xFFFFC000  }
0x76: {  	_ =	swait.ge [sflag:s22], $0x4000  }
0x77: {  	[sflag:s22] =	ssyncset.done $0x0  }
0x78: {  	s29 =	sadd.s32 $0x16780, s28;
	[sflag:s22] =	ssyncadd.s32 $0xFFFFC000  }
.Ltmp7:
0x79: {  	(pc) =	sbr.rel .LBB2_6-.Ltmp7, $4  }
0x7a: {  	s28 =	sadd.s32 $0x16800, s28  }
0x7b: {  	[tilespmem:s17], [sflag:$0x1] =	stream.indirect.gather [hbm4b:s4+s16], $0x80, s28, s16, $0xb8;
	[tilespmem:$0x1E800] =	vst v63  }
0x7c: {  	s26 =	sadd.s32 $0x800, s26  }
0x7d: {  	[spmem:s1] =	stream.indirect.scatter.add.f32 [tilespmem:s20], [sflag:$0x2], $0x80, s29, s16, $0xb8;
	[tilespmem:$0x1E800] =	vst v63  }
.LBB2_8:
0x7e: {  	[spmem:s1] =	stream.indirect.scatter.add.f32 [tilespmem:s20], [sflag:$0x2], $0x80, s29, s16, $0xb8;
	[tilespmem:$0x1E800] =	vst v63  }
0x7f: {  	_ =	swait.ge [sflag:s22], $0x4000  }
0x80: {  	[sflag:s22] =	ssyncset.done $0x0  }
0x81: {  	[sflag:s22] =	ssyncadd.s32 $0xFFFFC000  }
0x82: {  	[tilespmem:s15], [sflag:$0x3] =	stream.linear.gather [hbm4b:s8+s3], $0x2800, $0x38;
	[tilespmem:$0x1E800] =	vst v63  }
0x83: {  	_ =	swait.ge [sflag:s14], $0x2800  }
0x84: {  	[sflag:s14] =	ssyncset.done $0x0  }
0x85: {  	[sflag:s14] =	ssyncadd.s32 $0xFFFFD800  }
0x86: {  	[tilespmem:s17], [sflag:$0x1] =	stream.indirect.gather [hbm4b:s4+s16], $0x80, s15, s16, $0xb8;
	[tilespmem:$0x1E800] =	vst v63  }
0x87: {  	_ =	swait.ge [sflag:s18], $0x4000  }
0x88: {  	[sflag:s18] =	ssyncset.done $0x0  }
0x89: {  	[sflag:s18] =	ssyncadd.s32 $0xFFFFC000  }
0x8a: {  	[tilespmem:s20], [sflag:$0x1] =	stream.indirect.gather [hbm4b:s4+s16], $0x80, s19, s16, $0xb8;
	[tilespmem:$0x1E800] =	vst v63  }
0x8b: {  	_ = 	snop  }
0x8c: {  	[spmem:s1] =	stream.indirect.scatter.add.f32 [tilespmem:s17], [sflag:$0x2], $0x80, s21, s16, $0xb8;
	[tilespmem:$0x1E800] =	vst v63  }
0x8d: {  	_ =	swait.ge [sflag:s18], $0x4000  }
0x8e: {  	[sflag:s18] =	ssyncset.done $0x0  }
0x8f: {  	[sflag:s18] =	ssyncadd.s32 $0xFFFFC000  }
0x90: {  	_ =	swait.ge [sflag:s22], $0x4000  }
0x91: {  	[sflag:s22] =	ssyncset.done $0x0  }
0x92: {  	[sflag:s22] =	ssyncadd.s32 $0xFFFFC000  }
0x93: {  	[tilespmem:s17], [sflag:$0x1] =	stream.indirect.gather [hbm4b:s4+s16], $0x80, s23, s16, $0xb8;
	[tilespmem:$0x1E800] =	vst v63  }
0x94: {  	s26 =	simm.s32 $0xFFFF7000  }
0x95: {  	[spmem:s1] =	stream.indirect.scatter.add.f32 [tilespmem:s20], [sflag:$0x2], $0x80, s24, s16, $0xb8;
	[tilespmem:$0x1E800] =	vst v63  }
.LBB2_9:
0x96: {  	_ =	swait.ge [sflag:s18], $0x4000  }
0x97: {  	[sflag:s18] =	ssyncset.done $0x0  }
0x98: {  	[sflag:s18] =	ssyncadd.s32 $0xFFFFC000  }
0x99: {  	_ =	swait.ge [sflag:s22], $0x4000  }
0x9a: {  	s28 =	sshra.s32 s26, $0x2;
	[sflag:s22] =	ssyncset.done $0x0  }
0x9b: {  	s29 =	sadd.s32 $0x16700, s28;
	[sflag:s22] =	ssyncadd.s32 $0xFFFFC000  }
0x9c: {  	[tilespmem:s20], [sflag:$0x1] =	stream.indirect.gather [hbm4b:s4+s16], $0x80, s29, s16, $0xb8;
	[tilespmem:$0x1E800] =	vst v63  }
0x9d: {  	s29 =	sadd.s32 $0x16680, s28  }
0x9e: {  	[spmem:s1] =	stream.indirect.scatter.add.f32 [tilespmem:s17], [sflag:$0x2], $0x80, s29, s16, $0xb8;
	[tilespmem:$0x1E800] =	vst v63  }
0x9f: {  	p1 =	seq.s32 s26, $0x0;
	_ =	swait.ge [sflag:s18], $0x4000  }
.Ltmp8:
0xa0: {  	[sflag:s18] =	ssyncset.done $0x0;
	(pc) =	sbr.rel @p1 .LBB2_11-.Ltmp8, $4  }
0xa1: {  	[sflag:s18] =	ssyncadd.s32 $0xFFFFC000  }
0xa2: {  	_ =	swait.ge [sflag:s22], $0x4000  }
0xa3: {  	[sflag:s22] =	ssyncset.done $0x0  }
0xa4: {  	s29 =	sadd.s32 $0x16780, s28;
	[sflag:s22] =	ssyncadd.s32 $0xFFFFC000  }
.Ltmp9:
0xa5: {  	(pc) =	sbr.rel .LBB2_9-.Ltmp9, $4  }
0xa6: {  	s28 =	sadd.s32 $0x16800, s28  }
0xa7: {  	[tilespmem:s17], [sflag:$0x1] =	stream.indirect.gather [hbm4b:s4+s16], $0x80, s28, s16, $0xb8;
	[tilespmem:$0x1E800] =	vst v63  }
0xa8: {  	s26 =	sadd.s32 $0x800, s26  }
0xa9: {  	[spmem:s1] =	stream.indirect.scatter.add.f32 [tilespmem:s20], [sflag:$0x2], $0x80, s29, s16, $0xb8;
	[tilespmem:$0x1E800] =	vst v63  }
.LBB2_11:
0xaa: {  	[spmem:s1] =	stream.indirect.scatter.add.f32 [tilespmem:s20], [sflag:$0x2], $0x80, s29, s16, $0xb8;
	[tilespmem:$0x1E800] =	vst v63  }
0xab: {  	_ =	swait.ge [sflag:s22], $0x4000  }
0xac: {  	[sflag:s22] =	ssyncset.done $0x0  }
0xad: {  	[sflag:s22] =	ssyncadd.s32 $0xFFFFC000  }
0xae: {  	[tilespmem:s15], [sflag:$0x3] =	stream.linear.gather [hbm4b:s9+s3], $0x2800, $0x38;
	[tilespmem:$0x1E800] =	vst v63  }
0xaf: {  	_ =	swait.ge [sflag:s14], $0x2800  }
0xb0: {  	[sflag:s14] =	ssyncset.done $0x0  }
0xb1: {  	[sflag:s14] =	ssyncadd.s32 $0xFFFFD800  }
0xb2: {  	[tilespmem:s17], [sflag:$0x1] =	stream.indirect.gather [hbm4b:s4+s16], $0x80, s15, s16, $0xb8;
	[tilespmem:$0x1E800] =	vst v63  }
0xb3: {  	_ =	swait.ge [sflag:s18], $0x4000  }
0xb4: {  	[sflag:s18] =	ssyncset.done $0x0  }
0xb5: {  	[sflag:s18] =	ssyncadd.s32 $0xFFFFC000  }
0xb6: {  	[tilespmem:s20], [sflag:$0x1] =	stream.indirect.gather [hbm4b:s4+s16], $0x80, s19, s16, $0xb8;
	[tilespmem:$0x1E800] =	vst v63  }
0xb7: {  	_ = 	snop  }
0xb8: {  	[spmem:s1] =	stream.indirect.scatter.add.f32 [tilespmem:s17], [sflag:$0x2], $0x80, s21, s16, $0xb8;
	[tilespmem:$0x1E800] =	vst v63  }
0xb9: {  	_ =	swait.ge [sflag:s18], $0x4000  }
0xba: {  	[sflag:s18] =	ssyncset.done $0x0  }
0xbb: {  	[sflag:s18] =	ssyncadd.s32 $0xFFFFC000  }
0xbc: {  	_ =	swait.ge [sflag:s22], $0x4000  }
0xbd: {  	[sflag:s22] =	ssyncset.done $0x0  }
0xbe: {  	[sflag:s22] =	ssyncadd.s32 $0xFFFFC000  }
0xbf: {  	[tilespmem:s17], [sflag:$0x1] =	stream.indirect.gather [hbm4b:s4+s16], $0x80, s23, s16, $0xb8;
	[tilespmem:$0x1E800] =	vst v63  }
0xc0: {  	s26 =	simm.s32 $0xFFFF7000  }
0xc1: {  	[spmem:s1] =	stream.indirect.scatter.add.f32 [tilespmem:s20], [sflag:$0x2], $0x80, s24, s16, $0xb8;
	[tilespmem:$0x1E800] =	vst v63  }
.LBB2_12:
0xc2: {  	_ =	swait.ge [sflag:s18], $0x4000  }
0xc3: {  	[sflag:s18] =	ssyncset.done $0x0  }
0xc4: {  	[sflag:s18] =	ssyncadd.s32 $0xFFFFC000  }
0xc5: {  	_ =	swait.ge [sflag:s22], $0x4000  }
0xc6: {  	s28 =	sshra.s32 s26, $0x2;
	[sflag:s22] =	ssyncset.done $0x0  }
0xc7: {  	s29 =	sadd.s32 $0x16700, s28;
	[sflag:s22] =	ssyncadd.s32 $0xFFFFC000  }
0xc8: {  	[tilespmem:s20], [sflag:$0x1] =	stream.indirect.gather [hbm4b:s4+s16], $0x80, s29, s16, $0xb8;
	[tilespmem:$0x1E800] =	vst v63  }
0xc9: {  	s29 =	sadd.s32 $0x16680, s28  }
0xca: {  	[spmem:s1] =	stream.indirect.scatter.add.f32 [tilespmem:s17], [sflag:$0x2], $0x80, s29, s16, $0xb8;
	[tilespmem:$0x1E800] =	vst v63  }
0xcb: {  	p1 =	seq.s32 s26, $0x0;
	_ =	swait.ge [sflag:s18], $0x4000  }
.Ltmp10:
0xcc: {  	[sflag:s18] =	ssyncset.done $0x0;
	(pc) =	sbr.rel @p1 .LBB2_15-.Ltmp10, $4  }
0xcd: {  	[sflag:s18] =	ssyncadd.s32 $0xFFFFC000  }
0xce: {  	_ =	swait.ge [sflag:s22], $0x4000  }
0xcf: {  	[sflag:s22] =	ssyncset.done $0x0  }
0xd0: {  	s29 =	sadd.s32 $0x16780, s28;
	[sflag:s22] =	ssyncadd.s32 $0xFFFFC000  }
.Ltmp11:
0xd1: {  	(pc) =	sbr.rel .LBB2_12-.Ltmp11, $4  }
0xd2: {  	s28 =	sadd.s32 $0x16800, s28  }
0xd3: {  	[tilespmem:s17], [sflag:$0x1] =	stream.indirect.gather [hbm4b:s4+s16], $0x80, s28, s16, $0xb8;
	[tilespmem:$0x1E800] =	vst v63  }
0xd4: {  	s26 =	sadd.s32 $0x800, s26  }
0xd5: {  	[spmem:s1] =	stream.indirect.scatter.add.f32 [tilespmem:s20], [sflag:$0x2], $0x80, s29, s16, $0xb8;
	[tilespmem:$0x1E800] =	vst v63  }
.LBB2_17:
0xd6: {  	_ =	sfence.sel $0x180000  }
0xd7: {  	[bflag:$0x0] =	sbarrier.arrive $0xFFFF  }
0xd8: {  	p0 =	sne.s32 s2, $0x0;
	_ =	strace $0x9000004A  }
0xd9: {  	s0 =	sadd.s32 @!p0 $0x100000, s0;
	[bflag:$0x2] =	sbarrier.arrive $0xFFFF  }
0xda: {  	[sflag:s0] =	ssyncadd.tile.s32 @!p0 $0x1;
	_ =	shalt  }
.Lfunc_end2:
_tile_overlayer_lowered:
.L_overlay_start_2:
0xdb: {  	(tag) =	ssettag $0x2  }
0xdc: {  	s0 =	rddreg [dreg:$0x0];
	s2 =	stileid.u32  }
0xdd: {  	s1 =	rddreg [dreg:$0x1];
	p0 =	sne.s32 s2, $0x0  }
0xde: {  	s3 =	rddreg [dreg:$0x2];
	[bflag:$0x3] =	sbarrier.arrive $0xFFFF;
	s2 =	simm.s32 @!p0 $0x1C03  }
0xdf: {  	[timem:s3], [sflag:s2] =	dma.local @!p0 [hbm:s0], s1  }
0xe0: {  	s0 =	simm.s32 @!p0 $0x3  }
0xe1: {  	_ =	swait.ge @!p0 [sflag:s0], s1  }
0xe2: {  	s1 =	ssub.s32 @!p0 $0x0, s1;
	[sflag:s0] =	ssyncset.done @!p0 $0x0  }
0xe3: {  	[sflag:s0] =	ssyncadd.s32 @!p0 s1  }
0xe4: {  	[bflag:$0x3] =	sbarrier.arrive $0xFFFF  }
0xe5: {  	_ =	shalt  }

// kernel: kernel.19.cloned.1.call-start
scs
__scs_entry_jumppad:
0x0: {  	(pc) =	sbr.rel $0x88, $3  }
0x1: {  	(tag) =	ssettag $0x0;
	lr =	simm.s32 $0x1  }
0x2: {  	[smem:$0x3F94] =	sst lr;
	_ =	strace $0xD0000000  }
0x3: {  	_ = 	snop  }
0x4: {  	_ = 	snop  }
0x5: {  	_ = 	snop  }
0x6: {  	_ = 	snop  }
0x7: {  	_ = 	snop  }
__scs_overlays_trampoline_lowered:
0x8: {  	[smem:$0x3FA3] =	sst s0  }
0x9: {  	[smem:$0x3FA4] =	sst s1  }
0xa: {  	[smem:$0x3FA5] =	sst s2  }
0xb: {  	[smem:$0x3FA6] =	sst s3  }
0xc: {  	[smem:$0x3FA7] =	sst s4  }
0xd: {  	[smem:$0x3FA8] =	sst s5  }
0xe: {  	[smem:$0x3FA9] =	sst s6  }
0xf: {  	[smem:$0x3FAA] =	sst s7  }
0x10: {  	[smem:$0x3FAB] =	sst s8  }
0x11: {  	[smem:$0x3FAC] =	sst s9;
	s0 =	simm.s32 @!p0 $0x0  }
0x12: {  	s1 =	sld [smem:$0x3F92];
	s0 =	simm.s32 @p0 $0x1  }
0x13: {  	[smem:$0x3FAD] =	sst s0;
	s0 =	simm.s32 @!p1 $0x0  }
0x14: {  	s2 =	sld [smem:$0x3F91];
	s0 =	simm.s32 @p1 $0x1  }
0x15: {  	[smem:$0x3FAE] =	sst s0;
	s0 =	simm.s32 @!p2 $0x0  }
0x16: {  	s3 =	sld [smem:$0x3FDB];
	s0 =	simm.s32 @p2 $0x1  }
0x17: {  	s4 =	simm.s32 $0x1BF5;
	[smem:$0x3FB0] =	sst s0  }
0x18: {  	s0 =	sld [smem:$0x3F93];
	_ =	swait.ge [sflag:s4], $0x0  }
0x19: {  	s7 =	sld [smem:$0x3F94]  }
0x1a: {  	s8 =	sadd.s32 $0xFFFFE003, lr  }
0x1b: {  	s9 =	sadd.s32 $0xFFFFFEF7, lr;
	s5 =	simm.s32 $0xFFFFFFFF;
	p2 =	slt.u32 s8, $0xFFFFF086  }
0x1c: {  	p1 =	slt.u32 s9, $0xF7A;
	s5 =	simm.s32 @!p2 $0x0  }
0x1d: {  	s5 =	simm.s32 @p1 $0x1;
	p0 =	seq.s32 s7, s2  }
0x1e: {  	s7 =	smul.u32 @!p0 $0xF7A, s2;
	p2 =	seq.s32 @!p0 s5, $0x0  }
0x1f: {  	s9 =	smul.u32 $0xF7A, s1;
	s8 =	simm.s32 @!p0 $0x1BF5;
	p2 =	por !p2, p0  }
0x20: {  	[sflag:s8] =	ssyncset.s32 @!p0 $0xFFFFF086;
	s6 =	sadd.s32 @!p0 s3, s7;
	s7 =	simm.s32 @!p0 $0x108  }
0x21: {  	s3 =	sadd.s32 s3, s9;
	s6 =	sadd.s32 @!p0 $0x88, s6;
	s7 =	simm.s32 @p2 $0x1082  }
0x22: {  	[simem:s7], [sflag:s8] =	dma.local @!p0 [hbm:s6], $0xF7A  }
0x23: {  	s9 =	sor.u32 $0xD0000000, s2;
	s6 =	simm.s32 $0x108;
	_ =	swait.ge @!p0 [sflag:s8], $0x0  }
0x24: {  	s3 =	sadd.s32 $0x88, s3;
	s6 =	simm.s32 @!p1 $0x1082;
	[sflag:s4] =	ssyncset.s32 $0xFFFFF086  }
0x25: {  	[simem:s6], [sflag:s4] =	dma.local [hbm:s3], $0xF7A  }
0x26: {  	[smem:$0x3F94] =	sst s1;
	(tag) =	ssettag s2;
	_ =	strace s9  }
0x27: {  	s1 =	sld [smem:$0x3FA4]  }
0x28: {  	s2 =	sld [smem:$0x3FA5]  }
0x29: {  	s4 =	sld [smem:$0x3FA7]  }
0x2a: {  	p0 =	seq.s32 s5, $0x0;
	s5 =	sld [smem:$0x3FA8]  }
0x2b: {  	s6 =	sld [smem:$0x3FA9]  }
0x2c: {  	s7 =	sld [smem:$0x3FAA]  }
0x2d: {  	s3 =	simm.s32 $0x108;
	s8 =	sld [smem:$0x3FAB]  }
0x2e: {  	s3 =	simm.s32 @!p0 $0x1082;
	s9 =	sld [smem:$0x3FAC]  }
0x2f: {  	lr =	sadd.s32 s0, s3;
	s0 =	sld [smem:$0x3FA3]  }
0x30: {  	s3 =	sld [smem:$0x3FA6]  }
0x31: {  	[smem:$0x3FAF] =	sst s10  }
0x32: {  	s10 =	sld [smem:$0x3FAD];
	_ =	sdelay $0x3  }
0x33: {  	p0 =	seq.s32 s10, $0x1;
	s10 =	sld [smem:$0x3FAF];
	_ =	sdelay $0x3  }
0x34: {  	[smem:$0x3FAF] =	sst s10  }
0x35: {  	s10 =	sld [smem:$0x3FAE];
	_ =	sdelay $0x3  }
0x36: {  	p1 =	seq.s32 s10, $0x1;
	s10 =	sld [smem:$0x3FAF];
	_ =	sdelay $0x3  }
0x37: {  	[smem:$0x3FAF] =	sst s10  }
0x38: {  	s10 =	sld [smem:$0x3FB0]  }
0x39: {  	_ = 	snop;
	(pc) =	sbr.ind lr, $3  }
0x3a: {  	_ = 	snop  }
0x3b: {  	_ = 	snop  }
0x3c: {  	p2 =	seq.s32 s10, $0x1;
	s10 =	sld [smem:$0x3FAF]  }
0x3d: {  	_ =	shalt  }
0x3e: {  	_ =	shalt  }
0x3f: {  	_ =	shalt  }
0x40: {  	_ =	shalt  }
0x41: {  	_ =	shalt  }
0x42: {  	_ =	shalt  }
0x43: {  	_ =	shalt  }
0x44: {  	_ =	shalt  }
0x45: {  	_ =	shalt  }
0x46: {  	_ =	shalt  }
0x47: {  	_ =	shalt  }
0x48: {  	_ =	shalt  }
0x49: {  	_ =	shalt  }
0x4a: {  	_ =	shalt  }
0x4b: {  	_ =	shalt  }
0x4c: {  	_ =	shalt  }
0x4d: {  	_ =	shalt  }
0x4e: {  	_ =	shalt  }
0x4f: {  	_ =	shalt  }
0x50: {  	_ =	shalt  }
0x51: {  	_ =	shalt  }
0x52: {  	_ =	shalt  }
0x53: {  	_ =	shalt  }
0x54: {  	_ =	shalt  }
0x55: {  	_ =	shalt  }
0x56: {  	_ =	shalt  }
0x57: {  	_ =	shalt  }
0x58: {  	_ =	shalt  }
0x59: {  	_ =	shalt  }
0x5a: {  	_ =	shalt  }
0x5b: {  	_ =	shalt  }
0x5c: {  	_ =	shalt  }
0x5d: {  	_ =	shalt  }
0x5e: {  	_ =	shalt  }
0x5f: {  	_ =	shalt  }
0x60: {  	_ =	shalt  }
0x61: {  	_ =	shalt  }
0x62: {  	_ =	shalt  }
0x63: {  	_ =	shalt  }
0x64: {  	_ =	shalt  }
0x65: {  	_ =	shalt  }
0x66: {  	_ =	shalt  }
0x67: {  	_ =	shalt  }
0x68: {  	_ =	shalt  }
0x69: {  	_ =	shalt  }
0x6a: {  	_ =	shalt  }
0x6b: {  	_ =	shalt  }
0x6c: {  	_ =	shalt  }
0x6d: {  	_ =	shalt  }
0x6e: {  	_ =	shalt  }
0x6f: {  	_ =	shalt  }
0x70: {  	_ =	shalt  }
0x71: {  	_ =	shalt  }
0x72: {  	_ =	shalt  }
0x73: {  	_ =	shalt  }
0x74: {  	_ =	shalt  }
0x75: {  	_ =	shalt  }
0x76: {  	_ =	shalt  }
0x77: {  	_ =	shalt  }
0x78: {  	_ =	shalt  }
0x79: {  	_ =	shalt  }
0x7a: {  	_ =	shalt  }
0x7b: {  	_ =	shalt  }
0x7c: {  	_ =	shalt  }
0x7d: {  	_ =	shalt  }
0x7e: {  	_ =	shalt  }
0x7f: {  	_ =	shalt  }
0x80: {  	_ =	shalt  }
0x81: {  	_ =	shalt  }
0x82: {  	_ =	shalt  }
0x83: {  	_ =	shalt  }
0x84: {  	_ =	shalt  }
0x85: {  	_ =	shalt  }
0x86: {  	_ =	shalt  }
0x87: {  	_ =	shalt  }
.Lfunc_end0:
.L_simem_size_0:
called_computation.2_lowered:
.L_overlay_start_0:
0x88: {  	s2 =	sld [smem:$0x3FD9]  }
0x89: {  	s3 =	sld [smem:$0x3FFE];
	_ =	sdelay $0x1  }
0x8a: {  	s1 =	srdreg.scid  }
0x8b: {  	s0 =	sand.u32 $0x1, s1  }
0x8c: {  	s16 =	sshll.u32 s0, $0xA;
	s2 =	sadd.s32 s3, s2  }
0x8d: {  	s2 =	sadd.s32 s2, s16  }
0x8e: {  	[smem:$0x3FBB] =	sst s2  }
0x8f: {  	_ = 	snop  }
0x90: {  	(tm) =	ssettm $0x1  }
0x91: {  	s17 =	sld [smem:$0x3FFB];
	_ =	sdelay $0x3  }
0x92: {  	_ =	strace s17  }
0x93: {  	s2 =	sld [smem:$0x3FFC];
	_ =	sdelay $0x3  }
0x94: {  	_ =	strace s2  }
0x95: {  	s2 =	sld [smem:$0x3FFD];
	_ =	sdelay $0x3  }
0x96: {  	_ =	strace s2  }
0x97: {  	_ =	strace $0x8FFFFFFF  }
0x98: {  	s18 =	sld [smem:$0x3FDB];
	_ =	sdelay $0x1  }
0x99: {  	s19 =	simm.s32 $_scs_section_size  }
0x9a: {  	s4 =	simm.s32 $_size__tile_overlayer_lowered;
	s5 =	simm.s32 $_tile_overlayer_lowered  }
0x9b: {  	s22 =	simm.s32 $0x1BFF;
	s21 =	sshll.u32 s5, $0x1;
	s2 =	sadd.s32 s19, s18  }
0x9c: {  	s6 =	simm.s32 $0x0;
	s20 =	sshll.u32 s4, $0x1;
	s4 =	sadd.s32 s21, s2  }
0x9d: {  	[timem:s6], [sflag:s22] =	dma.local [hbm:s4], s20  }
0x9e: {  	_ =	swait.ge [sflag:s22], s20  }
0x9f: {  	s3 =	ssub.s32 $0x0, s20;
	[sflag:s22] =	ssyncset.done $0x0  }
0xa0: {  	[sflag:s22] =	ssyncadd.s32 s3;
	_ =	sdelay $0x1  }
0xa1: {  	s23 =	simm.s32 $0x1B8B  }
0xa2: {  	_ =	swait.ge [sflag:s23], $0x1  }
0xa3: {  	[sflag:s23] =	ssyncset.done $0x0  }
0xa4: {  	s25 =	simm.s32 $0x1B8E;
	s24 =	sld [smem:$0x3FFE];
	[sflag:s23] =	ssyncadd.s32 $0xFFFFFFFF  }
0xa5: {  	s26 =	simm.s32 $execute0_lowered;
	[smem:$0x3FD2] =	sst s25  }
0xa6: {  	s4 =	sshll.u32 s26, $0x1;
	_ =	strace $0x8000004C;
	[dreg:$0x1] =	wrdreg $0xFFFFFFFF  }
0xa7: {  	s28 =	simm.s32 $_size_execute0_lowered;
	s2 =	sadd.s32 s2, s4;
	[dreg:$0x0] =	wrdreg $0x0  }
0xa8: {  	s4 =	sshll.u32 s28, $0x1;
	[dreg:$0x2] =	wrdreg s2  }
0xa9: {  	[dreg:$0x3] =	wrdreg s4  }
0xaa: {  	[dreg:$0x4] =	wrdreg $0xC0  }
0xab: {  	_ =	task [dreg:s6], $0x5FFFF  }
0xac: {  	[dreg:$0x1] =	wrdreg $0xFFFFFFFF  }
0xad: {  	[dreg:$0x0] =	wrdreg $0x60  }
0xae: {  	[dreg:$0x2] =	wrdreg s24  }
0xaf: {  	[dreg:$0x3] =	wrdreg $0x0  }
0xb0: {  	[dreg:$0x4] =	wrdreg $0x9  }
0xb1: {  	_ =	task.clear_ibuf [dreg:s6], $0x5FFFF;
	_ =	strace $0x9000004C  }
0xb2: {  	s29 =	simm.s32 $0x9;
	_ =	strace $0x8000004E  }
0xb3: {  	_ =	swait.ge [sflag:s29], $0x1  }
0xb4: {  	[sflag:s29] =	ssyncadd.s32 $0xFFFFFFFF  }
0xb5: {  	_ =	strace $0x9000004E  }
0xb6: {  	_ =	sfence  }
0xb7: {  	s30 =	sld [smem:$0x0];
	_ =	sdelay $0x2  }
0xb8: {  	s31 =	sshll.u32 s1, $0xD;
	s1 =	sshrl.u32 s1, $0x2  }
0xb9: {  	s3 =	sand.u32 $0x4000, s31;
	s1 =	sadd.s32 s1, s30  }
0xba: {  	s0 =	sor.u32 s3, s0;
	s1 =	sshll.u32 s1, $0x11  }
0xbb: {  	s0 =	sor.u32 s1, s0  }
0xbc: {  	s0 =	sadd.s32 $0x8F2B, s0  }
0xbd: {  	[sflag:s0] =	ssyncadd.remote.s32 $0x1  }
0xbe: {  	_ =	sfence.sel $0xFFFF  }
0xbf: {  	[dreg:$0x0] =	wrdreg $0xFFFFFFFF;
	(pc) =	sbr.abs _section_cstart, $3  }
0xc0: {  	[dreg:$0x1] =	wrdreg $0xFFFFFFFF  }
0xc1: {  	_ =	task.clear_ibuf [dreg:s6], $0x2FFFF;
	_ =	strace $0x9FFFFFFF  }
0xc2: {  	(tm) =	ssettm $0x7FFFFFFF  }
0xc3: {  	_ =	shalt  }
tec
execute0_lowered:
.L_overlay_start_1:
0x0: {  	(tag) =	ssettag $0x1  }
0x1: {  	s5 =	rddreg [dreg:$0x0]  }
0x2: {  	s1 =	rddreg [dreg:$0x1]  }
0x3: {  	s0 =	rddreg [dreg:$0x2];
	s3 =	simm.s32 $0x0;
	s2 =	stileid.u32  }
0x4: {  	s7 =	srdreg.scid;
	s15 =	simm.s32 $0x14000;
	s16 =	simm.s32 $0x80  }
0x5: {  	s17 =	simm.s32 $0x16800;
	s18 =	simm.s32 $0x1;
	s19 =	simm.s32 $0x14100  }
0x6: {  	s20 =	simm.s32 $0x1A800;
	s21 =	simm.s32 $0x14080;
	s22 =	simm.s32 $0x2  }
0x7: {  	s23 =	simm.s32 $0x14200;
	s24 =	simm.s32 $0x14180;
	s6 =	smul.u32 $0x2800, s2  }
0x8: {  	s25 =	simm.s32 $0x0;
	[smem:$0x7FF] =	sst s3;
	s28 =	smul.u32 $0x50000, s2  }
0x9: {  	s4 =	sadd.s32 $0x22A00, s5;
	s8 =	sadd.s32 $0xEA00, s5;
	s9 =	smul.u32 $0xA000, s2  }
0xa: {  	s12 =	sand.u32 $0x1, s7;
	s13 =	smul.u32 $0x1400, s2;
	s31 =	sshll.u32 s2, $0x6  }
0xb: {  	_ =	strace $0x8000004D;
	s29 =	ssub.s32 $0x2, s12;
	p0 =	sne.s32 s12, $0x0  }
0xc: {  	s12 =	sor.u32 $0x1C03, s31;
	s10 =	sadd.s32 s6, s5;
	s11 =	sshrl.u32 s29, $0x1  }
.Ltmp0:
0xd: {  	s7 =	sshrl.u32 s28, $0x2;
	s30 =	sshrl.u32 s9, $0x3;
	(pc) =	sbr.rel .LBB2_1-.Ltmp0, $4  }
0xe: {  	s5 =	sadd.s32 s4, s6;
	s6 =	sadd.s32 s8, s13;
	s11 =	ssub.s32 s29, s11  }
0xf: {  	s14 =	sadd.s32 s7, s1;
	s9 =	sadd.s32 s8, s30;
	s10 =	sadd.s32 $0x4AA00, s10  }
0x10: {  	s7 =	sadd.s32 $0x500, s9;
	s8 =	sadd.s32 $0xA00, s9;
	s9 =	sadd.s32 $0xF00, s9  }
0x11: {  	s11 =	smax.u32 s11, $0x1;
	s13 =	sshrl.u32 s14, $0x3;
	s14 =	simm.s32 $0x3  }
.LBB2_15:
0x12: {  	[spmem:s1] =	stream.indirect.scatter.add.f32 [tilespmem:s20], [sflag:$0x2], $0x80, s29, s16, $0xb8;
	[tilespmem:$0x1E800] =	vst v63  }
0x13: {  	_ =	swait.ge [sflag:s22], $0x4000  }
0x14: {  	[sflag:s22] =	ssyncset.done $0x0  }
0x15: {  	[sflag:s22] =	ssyncadd.s32 $0xFFFFC000  }
0x16: {  	[bflag:$0x0] =	sbarrier.arrive $0xFFFF  }
0x17: {  	[hbm:s10], [sflag:s12] =	dma.local [spmem:s13], $0x2800  }
0x18: {  	_ =	swait.ge [sflag:s14], $0x2800  }
0x19: {  	[sflag:s14] =	ssyncset.done $0x0  }
0x1a: {  	[sflag:s14] =	ssyncadd.s32 $0xFFFFD800  }
.LBB2_16:
0x1b: {  	s25 =	sadd.s32 $0x1, s25  }
0x1c: {  	p1 =	sne.s32 s25, s11  }
.Ltmp1:
0x1d: {  	_ = 	snop;
	(pc) =	sbr.rel @!p1 .LBB2_17-.Ltmp1, $1  }
0x1e: {  	_ =	sdelay $0x3  }
.LBB2_1:
.Ltmp2:
0x1f: {  	(pc) =	sbr.rel @p0 .LBB2_14-.Ltmp2, $1  }
0x20: {  	_ =	sdelay $0x3  }
0x21: {  	[spmem:s13], [sflag:s12] =	dma.local [hbm:s5], $0x2800  }
0x22: {  	_ =	swait.ge [sflag:s14], $0x2800  }
0x23: {  	[sflag:s14] =	ssyncset.done $0x0  }
0x24: {  	[sflag:s14] =	ssyncadd.s32 $0xFFFFD800  }
0x25: {  	[bflag:$0x0] =	sbarrier.arrive $0xFFFF  }
0x26: {  	[tilespmem:s15], [sflag:$0x3] =	stream.linear.gather [hbm4b:s6+s3], $0x2800, $0x38;
	[tilespmem:$0x1E800] =	vst v63  }
0x27: {  	_ =	swait.ge [sflag:s14], $0x2800  }
0x28: {  	[sflag:s14] =	ssyncset.done $0x0  }
0x29: {  	[sflag:s14] =	ssyncadd.s32 $0xFFFFD800  }
0x2a: {  	[tilespmem:s17], [sflag:$0x1] =	stream.indirect.gather [hbm4b:s4+s16], $0x80, s15, s16, $0xb8;
	[tilespmem:$0x1E800] =	vst v63  }
0x2b: {  	_ =	swait.ge [sflag:s18], $0x4000  }
0x2c: {  	[sflag:s18] =	ssyncset.done $0x0  }
0x2d: {  	[sflag:s18] =	ssyncadd.s32 $0xFFFFC000  }
0x2e: {  	[tilespmem:s20], [sflag:$0x1] =	stream.indirect.gather [hbm4b:s4+s16], $0x80, s19, s16, $0xb8;
	[tilespmem:$0x1E800] =	vst v63  }
0x2f: {  	_ = 	snop  }
0x30: {  	[spmem:s1] =	stream.indirect.scatter.add.f32 [tilespmem:s17], [sflag:$0x2], $0x80, s21, s16, $0xb8;
	[tilespmem:$0x1E800] =	vst v63  }
0x31: {  	_ =	swait.ge [sflag:s18], $0x4000  }
0x32: {  	[sflag:s18] =	ssyncset.done $0x0  }
0x33: {  	[sflag:s18] =	ssyncadd.s32 $0xFFFFC000  }
0x34: {  	_ =	swait.ge [sflag:s22], $0x4000  }
0x35: {  	[sflag:s22] =	ssyncset.done $0x0  }
0x36: {  	[sflag:s22] =	ssyncadd.s32 $0xFFFFC000  }
0x37: {  	[tilespmem:s17], [sflag:$0x1] =	stream.indirect.gather [hbm4b:s4+s16], $0x80, s23, s16, $0xb8;
	[tilespmem:$0x1E800] =	vst v63  }
0x38: {  	s26 =	simm.s32 $0xFFFF7000  }
0x39: {  	[spmem:s1] =	stream.indirect.scatter.add.f32 [tilespmem:s20], [sflag:$0x2], $0x80, s24, s16, $0xb8;
	[tilespmem:$0x1E800] =	vst v63  }
.LBB2_3:
0x3a: {  	_ =	swait.ge [sflag:s18], $0x4000  }
0x3b: {  	[sflag:s18] =	ssyncset.done $0x0  }
0x3c: {  	[sflag:s18] =	ssyncadd.s32 $0xFFFFC000  }
0x3d: {  	_ =	swait.ge [sflag:s22], $0x4000  }
0x3e: {  	s28 =	sshra.s32 s26, $0x2;
	[sflag:s22] =	ssyncset.done $0x0  }
0x3f: {  	s29 =	sadd.s32 $0x16700, s28;
	[sflag:s22] =	ssyncadd.s32 $0xFFFFC000  }
0x40: {  	[tilespmem:s20], [sflag:$0x1] =	stream.indirect.gather [hbm4b:s4+s16], $0x80, s29, s16, $0xb8;
	[tilespmem:$0x1E800] =	vst v63  }
0x41: {  	s29 =	sadd.s32 $0x16680, s28  }
0x42: {  	[spmem:s1] =	stream.indirect.scatter.add.f32 [tilespmem:s17], [sflag:$0x2], $0x80, s29, s16, $0xb8;
	[tilespmem:$0x1E800] =	vst v63  }
0x43: {  	p1 =	seq.s32 s26, $0x0;
	_ =	swait.ge [sflag:s18], $0x4000  }
.Ltmp3:
0x44: {  	[sflag:s18] =	ssyncset.done $0x0;
	(pc) =	sbr.rel @p1 .LBB2_5-.Ltmp3, $4  }
0x45: {  	[sflag:s18] =	ssyncadd.s32 $0xFFFFC000  }
0x46: {  	_ =	swait.ge [sflag:s22], $0x4000  }
0x47: {  	[sflag:s22] =	ssyncset.done $0x0  }
0x48: {  	s29 =	sadd.s32 $0x16780, s28;
	[sflag:s22] =	ssyncadd.s32 $0xFFFFC000  }
.Ltmp4:
0x49: {  	(pc) =	sbr.rel .LBB2_3-.Ltmp4, $4  }
0x4a: {  	s28 =	sadd.s32 $0x16800, s28  }
0x4b: {  	[tilespmem:s17], [sflag:$0x1] =	stream.indirect.gather [hbm4b:s4+s16], $0x80, s28, s16, $0xb8;
	[tilespmem:$0x1E800] =	vst v63  }
0x4c: {  	s26 =	sadd.s32 $0x800, s26  }
0x4d: {  	[spmem:s1] =	stream.indirect.scatter.add.f32 [tilespmem:s20], [sflag:$0x2], $0x80, s29, s16, $0xb8;
	[tilespmem:$0x1E800] =	vst v63  }
.LBB2_14:
.Ltmp5:
0x4e: {  	(pc) =	sbr.rel .LBB2_16-.Ltmp5, $3  }
0x4f: {  	_ = 	snop  }
0x50: {  	[bflag:$0x0] =	sbarrier.arrive $0xFFFF  }
0x51: {  	[bflag:$0x0] =	sbarrier.arrive $0xFFFF;
	_ =	sdelay $0x1  }
.LBB2_5:
0x52: {  	[spmem:s1] =	stream.indirect.scatter.add.f32 [tilespmem:s20], [sflag:$0x2], $0x80, s29, s16, $0xb8;
	[tilespmem:$0x1E800] =	vst v63  }
0x53: {  	_ =	swait.ge [sflag:s22], $0x4000  }
0x54: {  	[sflag:s22] =	ssyncset.done $0x0  }
0x55: {  	[sflag:s22] =	ssyncadd.s32 $0xFFFFC000  }
0x56: {  	[tilespmem:s15], [sflag:$0x3] =	stream.linear.gather [hbm4b:s7+s3], $0x2800, $0x38;
	[tilespmem:$0x1E800] =	vst v63  }
0x57: {  	_ =	swait.ge [sflag:s14], $0x2800  }
0x58: {  	[sflag:s14] =	ssyncset.done $0x0  }
0x59: {  	[sflag:s14] =	ssyncadd.s32 $0xFFFFD800  }
0x5a: {  	[tilespmem:s17], [sflag:$0x1] =	stream.indirect.gather [hbm4b:s4+s16], $0x80, s15, s16, $0xb8;
	[tilespmem:$0x1E800] =	vst v63  }
0x5b: {  	_ =	swait.ge [sflag:s18], $0x4000  }
0x5c: {  	[sflag:s18] =	ssyncset.done $0x0  }
0x5d: {  	[sflag:s18] =	ssyncadd.s32 $0xFFFFC000  }
0x5e: {  	[tilespmem:s20], [sflag:$0x1] =	stream.indirect.gather [hbm4b:s4+s16], $0x80, s19, s16, $0xb8;
	[tilespmem:$0x1E800] =	vst v63  }
0x5f: {  	_ = 	snop  }
0x60: {  	[spmem:s1] =	stream.indirect.scatter.add.f32 [tilespmem:s17], [sflag:$0x2], $0x80, s21, s16, $0xb8;
	[tilespmem:$0x1E800] =	vst v63  }
0x61: {  	_ =	swait.ge [sflag:s18], $0x4000  }
0x62: {  	[sflag:s18] =	ssyncset.done $0x0  }
0x63: {  	[sflag:s18] =	ssyncadd.s32 $0xFFFFC000  }
0x64: {  	_ =	swait.ge [sflag:s22], $0x4000  }
0x65: {  	[sflag:s22] =	ssyncset.done $0x0  }
0x66: {  	[sflag:s22] =	ssyncadd.s32 $0xFFFFC000  }
0x67: {  	[tilespmem:s17], [sflag:$0x1] =	stream.indirect.gather [hbm4b:s4+s16], $0x80, s23, s16, $0xb8;
	[tilespmem:$0x1E800] =	vst v63  }
0x68: {  	s26 =	simm.s32 $0xFFFF7000  }
0x69: {  	[spmem:s1] =	stream.indirect.scatter.add.f32 [tilespmem:s20], [sflag:$0x2], $0x80, s24, s16, $0xb8;
	[tilespmem:$0x1E800] =	vst v63  }
.LBB2_6:
0x6a: {  	_ =	swait.ge [sflag:s18], $0x4000  }
0x6b: {  	[sflag:s18] =	ssyncset.done $0x0  }
0x6c: {  	[sflag:s18] =	ssyncadd.s32 $0xFFFFC000  }
0x6d: {  	_ =	swait.ge [sflag:s22], $0x4000  }
0x6e: {  	s28 =	sshra.s32 s26, $0x2;
	[sflag:s22] =	ssyncset.done $0x0  }
0x6f: {  	s29 =	sadd.s32 $0x16700, s28;
	[sflag:s22] =	ssyncadd.s32 $0xFFFFC000  }
0x70: {  	[tilespmem:s20], [sflag:$0x1] =	stream.indirect.gather [hbm4b:s4+s16], $0x80, s29, s16, $0xb8;
	[tilespmem:$0x1E800] =	vst v63  }
0x71: {  	s29 =	sadd.s32 $0x16680, s28  }
0x72: {  	[spmem:s1] =	stream.indirect.scatter.add.f32 [tilespmem:s17], [sflag:$0x2], $0x80, s29, s16, $0xb8;
	[tilespmem:$0x1E800] =	vst v63  }
0x73: {  	p1 =	seq.s32 s26, $0x0;
	_ =	swait.ge [sflag:s18], $0x4000  }
.Ltmp6:
0x74: {  	[sflag:s18] =	ssyncset.done $0x0;
	(pc) =	sbr.rel @p1 .LBB2_8-.Ltmp6, $4  }
0x75: {  	[sflag:s18] =	ssyncadd.s32 $0xFFFFC000  }
0x76: {  	_ =	swait.ge [sflag:s22], $0x4000  }
0x77: {  	[sflag:s22] =	ssyncset.done $0x0  }
0x78: {  	s29 =	sadd.s32 $0x16780, s28;
	[sflag:s22] =	ssyncadd.s32 $0xFFFFC000  }
.Ltmp7:
0x79: {  	(pc) =	sbr.rel .LBB2_6-.Ltmp7, $4  }
0x7a: {  	s28 =	sadd.s32 $0x16800, s28  }
0x7b: {  	[tilespmem:s17], [sflag:$0x1] =	stream.indirect.gather [hbm4b:s4+s16], $0x80, s28, s16, $0xb8;
	[tilespmem:$0x1E800] =	vst v63  }
0x7c: {  	s26 =	sadd.s32 $0x800, s26  }
0x7d: {  	[spmem:s1] =	stream.indirect.scatter.add.f32 [tilespmem:s20], [sflag:$0x2], $0x80, s29, s16, $0xb8;
	[tilespmem:$0x1E800] =	vst v63  }
.LBB2_8:
0x7e: {  	[spmem:s1] =	stream.indirect.scatter.add.f32 [tilespmem:s20], [sflag:$0x2], $0x80, s29, s16, $0xb8;
	[tilespmem:$0x1E800] =	vst v63  }
0x7f: {  	_ =	swait.ge [sflag:s22], $0x4000  }
0x80: {  	[sflag:s22] =	ssyncset.done $0x0  }
0x81: {  	[sflag:s22] =	ssyncadd.s32 $0xFFFFC000  }
0x82: {  	[tilespmem:s15], [sflag:$0x3] =	stream.linear.gather [hbm4b:s8+s3], $0x2800, $0x38;
	[tilespmem:$0x1E800] =	vst v63  }
0x83: {  	_ =	swait.ge [sflag:s14], $0x2800  }
0x84: {  	[sflag:s14] =	ssyncset.done $0x0  }
0x85: {  	[sflag:s14] =	ssyncadd.s32 $0xFFFFD800  }
0x86: {  	[tilespmem:s17], [sflag:$0x1] =	stream.indirect.gather [hbm4b:s4+s16], $0x80, s15, s16, $0xb8;
	[tilespmem:$0x1E800] =	vst v63  }
0x87: {  	_ =	swait.ge [sflag:s18], $0x4000  }
0x88: {  	[sflag:s18] =	ssyncset.done $0x0  }
0x89: {  	[sflag:s18] =	ssyncadd.s32 $0xFFFFC000  }
0x8a: {  	[tilespmem:s20], [sflag:$0x1] =	stream.indirect.gather [hbm4b:s4+s16], $0x80, s19, s16, $0xb8;
	[tilespmem:$0x1E800] =	vst v63  }
0x8b: {  	_ = 	snop  }
0x8c: {  	[spmem:s1] =	stream.indirect.scatter.add.f32 [tilespmem:s17], [sflag:$0x2], $0x80, s21, s16, $0xb8;
	[tilespmem:$0x1E800] =	vst v63  }
0x8d: {  	_ =	swait.ge [sflag:s18], $0x4000  }
0x8e: {  	[sflag:s18] =	ssyncset.done $0x0  }
0x8f: {  	[sflag:s18] =	ssyncadd.s32 $0xFFFFC000  }
0x90: {  	_ =	swait.ge [sflag:s22], $0x4000  }
0x91: {  	[sflag:s22] =	ssyncset.done $0x0  }
0x92: {  	[sflag:s22] =	ssyncadd.s32 $0xFFFFC000  }
0x93: {  	[tilespmem:s17], [sflag:$0x1] =	stream.indirect.gather [hbm4b:s4+s16], $0x80, s23, s16, $0xb8;
	[tilespmem:$0x1E800] =	vst v63  }
0x94: {  	s26 =	simm.s32 $0xFFFF7000  }
0x95: {  	[spmem:s1] =	stream.indirect.scatter.add.f32 [tilespmem:s20], [sflag:$0x2], $0x80, s24, s16, $0xb8;
	[tilespmem:$0x1E800] =	vst v63  }
.LBB2_9:
0x96: {  	_ =	swait.ge [sflag:s18], $0x4000  }
0x97: {  	[sflag:s18] =	ssyncset.done $0x0  }
0x98: {  	[sflag:s18] =	ssyncadd.s32 $0xFFFFC000  }
0x99: {  	_ =	swait.ge [sflag:s22], $0x4000  }
0x9a: {  	s28 =	sshra.s32 s26, $0x2;
	[sflag:s22] =	ssyncset.done $0x0  }
0x9b: {  	s29 =	sadd.s32 $0x16700, s28;
	[sflag:s22] =	ssyncadd.s32 $0xFFFFC000  }
0x9c: {  	[tilespmem:s20], [sflag:$0x1] =	stream.indirect.gather [hbm4b:s4+s16], $0x80, s29, s16, $0xb8;
	[tilespmem:$0x1E800] =	vst v63  }
0x9d: {  	s29 =	sadd.s32 $0x16680, s28  }
0x9e: {  	[spmem:s1] =	stream.indirect.scatter.add.f32 [tilespmem:s17], [sflag:$0x2], $0x80, s29, s16, $0xb8;
	[tilespmem:$0x1E800] =	vst v63  }
0x9f: {  	p1 =	seq.s32 s26, $0x0;
	_ =	swait.ge [sflag:s18], $0x4000  }
.Ltmp8:
0xa0: {  	[sflag:s18] =	ssyncset.done $0x0;
	(pc) =	sbr.rel @p1 .LBB2_11-.Ltmp8, $4  }
0xa1: {  	[sflag:s18] =	ssyncadd.s32 $0xFFFFC000  }
0xa2: {  	_ =	swait.ge [sflag:s22], $0x4000  }
0xa3: {  	[sflag:s22] =	ssyncset.done $0x0  }
0xa4: {  	s29 =	sadd.s32 $0x16780, s28;
	[sflag:s22] =	ssyncadd.s32 $0xFFFFC000  }
.Ltmp9:
0xa5: {  	(pc) =	sbr.rel .LBB2_9-.Ltmp9, $4  }
0xa6: {  	s28 =	sadd.s32 $0x16800, s28  }
0xa7: {  	[tilespmem:s17], [sflag:$0x1] =	stream.indirect.gather [hbm4b:s4+s16], $0x80, s28, s16, $0xb8;
	[tilespmem:$0x1E800] =	vst v63  }
0xa8: {  	s26 =	sadd.s32 $0x800, s26  }
0xa9: {  	[spmem:s1] =	stream.indirect.scatter.add.f32 [tilespmem:s20], [sflag:$0x2], $0x80, s29, s16, $0xb8;
	[tilespmem:$0x1E800] =	vst v63  }
.LBB2_11:
0xaa: {  	[spmem:s1] =	stream.indirect.scatter.add.f32 [tilespmem:s20], [sflag:$0x2], $0x80, s29, s16, $0xb8;
	[tilespmem:$0x1E800] =	vst v63  }
0xab: {  	_ =	swait.ge [sflag:s22], $0x4000  }
0xac: {  	[sflag:s22] =	ssyncset.done $0x0  }
0xad: {  	[sflag:s22] =	ssyncadd.s32 $0xFFFFC000  }
0xae: {  	[tilespmem:s15], [sflag:$0x3] =	stream.linear.gather [hbm4b:s9+s3], $0x2800, $0x38;
	[tilespmem:$0x1E800] =	vst v63  }
0xaf: {  	_ =	swait.ge [sflag:s14], $0x2800  }
0xb0: {  	[sflag:s14] =	ssyncset.done $0x0  }
0xb1: {  	[sflag:s14] =	ssyncadd.s32 $0xFFFFD800  }
0xb2: {  	[tilespmem:s17], [sflag:$0x1] =	stream.indirect.gather [hbm4b:s4+s16], $0x80, s15, s16, $0xb8;
	[tilespmem:$0x1E800] =	vst v63  }
0xb3: {  	_ =	swait.ge [sflag:s18], $0x4000  }
0xb4: {  	[sflag:s18] =	ssyncset.done $0x0  }
0xb5: {  	[sflag:s18] =	ssyncadd.s32 $0xFFFFC000  }
0xb6: {  	[tilespmem:s20], [sflag:$0x1] =	stream.indirect.gather [hbm4b:s4+s16], $0x80, s19, s16, $0xb8;
	[tilespmem:$0x1E800] =	vst v63  }
0xb7: {  	_ = 	snop  }
0xb8: {  	[spmem:s1] =	stream.indirect.scatter.add.f32 [tilespmem:s17], [sflag:$0x2], $0x80, s21, s16, $0xb8;
	[tilespmem:$0x1E800] =	vst v63  }
0xb9: {  	_ =	swait.ge [sflag:s18], $0x4000  }
0xba: {  	[sflag:s18] =	ssyncset.done $0x0  }
0xbb: {  	[sflag:s18] =	ssyncadd.s32 $0xFFFFC000  }
0xbc: {  	_ =	swait.ge [sflag:s22], $0x4000  }
0xbd: {  	[sflag:s22] =	ssyncset.done $0x0  }
0xbe: {  	[sflag:s22] =	ssyncadd.s32 $0xFFFFC000  }
0xbf: {  	[tilespmem:s17], [sflag:$0x1] =	stream.indirect.gather [hbm4b:s4+s16], $0x80, s23, s16, $0xb8;
	[tilespmem:$0x1E800] =	vst v63  }
0xc0: {  	s26 =	simm.s32 $0xFFFF7000  }
0xc1: {  	[spmem:s1] =	stream.indirect.scatter.add.f32 [tilespmem:s20], [sflag:$0x2], $0x80, s24, s16, $0xb8;
	[tilespmem:$0x1E800] =	vst v63  }
.LBB2_12:
0xc2: {  	_ =	swait.ge [sflag:s18], $0x4000  }
0xc3: {  	[sflag:s18] =	ssyncset.done $0x0  }
0xc4: {  	[sflag:s18] =	ssyncadd.s32 $0xFFFFC000  }
0xc5: {  	_ =	swait.ge [sflag:s22], $0x4000  }
0xc6: {  	s28 =	sshra.s32 s26, $0x2;
	[sflag:s22] =	ssyncset.done $0x0  }
0xc7: {  	s29 =	sadd.s32 $0x16700, s28;
	[sflag:s22] =	ssyncadd.s32 $0xFFFFC000  }
0xc8: {  	[tilespmem:s20], [sflag:$0x1] =	stream.indirect.gather [hbm4b:s4+s16], $0x80, s29, s16, $0xb8;
	[tilespmem:$0x1E800] =	vst v63  }
0xc9: {  	s29 =	sadd.s32 $0x16680, s28  }
0xca: {  	[spmem:s1] =	stream.indirect.scatter.add.f32 [tilespmem:s17], [sflag:$0x2], $0x80, s29, s16, $0xb8;
	[tilespmem:$0x1E800] =	vst v63  }
0xcb: {  	p1 =	seq.s32 s26, $0x0;
	_ =	swait.ge [sflag:s18], $0x4000  }
.Ltmp10:
0xcc: {  	[sflag:s18] =	ssyncset.done $0x0;
	(pc) =	sbr.rel @p1 .LBB2_15-.Ltmp10, $4  }
0xcd: {  	[sflag:s18] =	ssyncadd.s32 $0xFFFFC000  }
0xce: {  	_ =	swait.ge [sflag:s22], $0x4000  }
0xcf: {  	[sflag:s22] =	ssyncset.done $0x0  }
0xd0: {  	s29 =	sadd.s32 $0x16780, s28;
	[sflag:s22] =	ssyncadd.s32 $0xFFFFC000  }
.Ltmp11:
0xd1: {  	(pc) =	sbr.rel .LBB2_12-.Ltmp11, $4  }
0xd2: {  	s28 =	sadd.s32 $0x16800, s28  }
0xd3: {  	[tilespmem:s17], [sflag:$0x1] =	stream.indirect.gather [hbm4b:s4+s16], $0x80, s28, s16, $0xb8;
	[tilespmem:$0x1E800] =	vst v63  }
0xd4: {  	s26 =	sadd.s32 $0x800, s26  }
0xd5: {  	[spmem:s1] =	stream.indirect.scatter.add.f32 [tilespmem:s20], [sflag:$0x2], $0x80, s29, s16, $0xb8;
	[tilespmem:$0x1E800] =	vst v63  }
.LBB2_17:
0xd6: {  	_ =	sfence.sel $0x180000  }
0xd7: {  	[bflag:$0x0] =	sbarrier.arrive $0xFFFF  }
0xd8: {  	p0 =	sne.s32 s2, $0x0;
	_ =	strace $0x9000004D  }
0xd9: {  	s0 =	sadd.s32 @!p0 $0x100000, s0;
	[bflag:$0x2] =	sbarrier.arrive $0xFFFF  }
0xda: {  	[sflag:s0] =	ssyncadd.tile.s32 @!p0 $0x1;
	_ =	shalt  }
.Lfunc_end2:
_tile_overlayer_lowered:
.L_overlay_start_2:
0xdb: {  	(tag) =	ssettag $0x2  }
0xdc: {  	s0 =	rddreg [dreg:$0x0];
	s2 =	stileid.u32  }
0xdd: {  	s1 =	rddreg [dreg:$0x1];
	p0 =	sne.s32 s2, $0x0  }
0xde: {  	s3 =	rddreg [dreg:$0x2];
	[bflag:$0x3] =	sbarrier.arrive $0xFFFF;
	s2 =	simm.s32 @!p0 $0x1C03  }
0xdf: {  	[timem:s3], [sflag:s2] =	dma.local @!p0 [hbm:s0], s1  }
0xe0: {  	s0 =	simm.s32 @!p0 $0x3  }
0xe1: {  	_ =	swait.ge @!p0 [sflag:s0], s1  }
0xe2: {  	s1 =	ssub.s32 @!p0 $0x0, s1;
	[sflag:s0] =	ssyncset.done @!p0 $0x0  }
0xe3: {  	[sflag:s0] =	ssyncadd.s32 @!p0 s1  }
0xe4: {  	[bflag:$0x3] =	sbarrier.arrive $0xFFFF  }
0xe5: {  	_ =	shalt  }

// kernel: kernel.22.cloned.1.call-start
scs
__scs_entry_jumppad:
0x0: {  	(pc) =	sbr.rel $0x88, $3  }
0x1: {  	(tag) =	ssettag $0x0;
	lr =	simm.s32 $0x1  }
0x2: {  	[smem:$0x3F94] =	sst lr;
	_ =	strace $0xD0000000  }
0x3: {  	_ = 	snop  }
0x4: {  	_ = 	snop  }
0x5: {  	_ = 	snop  }
0x6: {  	_ = 	snop  }
0x7: {  	_ = 	snop  }
__scs_overlays_trampoline_lowered:
0x8: {  	[smem:$0x3FA3] =	sst s0  }
0x9: {  	[smem:$0x3FA4] =	sst s1  }
0xa: {  	[smem:$0x3FA5] =	sst s2  }
0xb: {  	[smem:$0x3FA6] =	sst s3  }
0xc: {  	[smem:$0x3FA7] =	sst s4  }
0xd: {  	[smem:$0x3FA8] =	sst s5  }
0xe: {  	[smem:$0x3FA9] =	sst s6  }
0xf: {  	[smem:$0x3FAA] =	sst s7  }
0x10: {  	[smem:$0x3FAB] =	sst s8  }
0x11: {  	[smem:$0x3FAC] =	sst s9;
	s0 =	simm.s32 @!p0 $0x0  }
0x12: {  	s1 =	sld [smem:$0x3F92];
	s0 =	simm.s32 @p0 $0x1  }
0x13: {  	[smem:$0x3FAD] =	sst s0;
	s0 =	simm.s32 @!p1 $0x0  }
0x14: {  	s2 =	sld [smem:$0x3F91];
	s0 =	simm.s32 @p1 $0x1  }
0x15: {  	[smem:$0x3FAE] =	sst s0;
	s0 =	simm.s32 @!p2 $0x0  }
0x16: {  	s3 =	sld [smem:$0x3FDB];
	s0 =	simm.s32 @p2 $0x1  }
0x17: {  	s4 =	simm.s32 $0x1BF5;
	[smem:$0x3FB0] =	sst s0  }
0x18: {  	s0 =	sld [smem:$0x3F93];
	_ =	swait.ge [sflag:s4], $0x0  }
0x19: {  	s7 =	sld [smem:$0x3F94]  }
0x1a: {  	s8 =	sadd.s32 $0xFFFFE003, lr  }
0x1b: {  	s9 =	sadd.s32 $0xFFFFFEF7, lr;
	s5 =	simm.s32 $0xFFFFFFFF;
	p2 =	slt.u32 s8, $0xFFFFF086  }
0x1c: {  	p1 =	slt.u32 s9, $0xF7A;
	s5 =	simm.s32 @!p2 $0x0  }
0x1d: {  	s5 =	simm.s32 @p1 $0x1;
	p0 =	seq.s32 s7, s2  }
0x1e: {  	s7 =	smul.u32 @!p0 $0xF7A, s2;
	p2 =	seq.s32 @!p0 s5, $0x0  }
0x1f: {  	s9 =	smul.u32 $0xF7A, s1;
	s8 =	simm.s32 @!p0 $0x1BF5;
	p2 =	por !p2, p0  }
0x20: {  	[sflag:s8] =	ssyncset.s32 @!p0 $0xFFFFF086;
	s6 =	sadd.s32 @!p0 s3, s7;
	s7 =	simm.s32 @!p0 $0x108  }
0x21: {  	s3 =	sadd.s32 s3, s9;
	s6 =	sadd.s32 @!p0 $0x88, s6;
	s7 =	simm.s32 @p2 $0x1082  }
0x22: {  	[simem:s7], [sflag:s8] =	dma.local @!p0 [hbm:s6], $0xF7A  }
0x23: {  	s9 =	sor.u32 $0xD0000000, s2;
	s6 =	simm.s32 $0x108;
	_ =	swait.ge @!p0 [sflag:s8], $0x0  }
0x24: {  	s3 =	sadd.s32 $0x88, s3;
	s6 =	simm.s32 @!p1 $0x1082;
	[sflag:s4] =	ssyncset.s32 $0xFFFFF086  }
0x25: {  	[simem:s6], [sflag:s4] =	dma.local [hbm:s3], $0xF7A  }
0x26: {  	[smem:$0x3F94] =	sst s1;
	(tag) =	ssettag s2;
	_ =	strace s9  }
0x27: {  	s1 =	sld [smem:$0x3FA4]  }
0x28: {  	s2 =	sld [smem:$0x3FA5]  }
0x29: {  	s4 =	sld [smem:$0x3FA7]  }
0x2a: {  	p0 =	seq.s32 s5, $0x0;
	s5 =	sld [smem:$0x3FA8]  }
0x2b: {  	s6 =	sld [smem:$0x3FA9]  }
0x2c: {  	s7 =	sld [smem:$0x3FAA]  }
0x2d: {  	s3 =	simm.s32 $0x108;
	s8 =	sld [smem:$0x3FAB]  }
0x2e: {  	s3 =	simm.s32 @!p0 $0x1082;
	s9 =	sld [smem:$0x3FAC]  }
0x2f: {  	lr =	sadd.s32 s0, s3;
	s0 =	sld [smem:$0x3FA3]  }
0x30: {  	s3 =	sld [smem:$0x3FA6]  }
0x31: {  	[smem:$0x3FAF] =	sst s10  }
0x32: {  	s10 =	sld [smem:$0x3FAD];
	_ =	sdelay $0x3  }
0x33: {  	p0 =	seq.s32 s10, $0x1;
	s10 =	sld [smem:$0x3FAF];
	_ =	sdelay $0x3  }
0x34: {  	[smem:$0x3FAF] =	sst s10  }
0x35: {  	s10 =	sld [smem:$0x3FAE];
	_ =	sdelay $0x3  }
0x36: {  	p1 =	seq.s32 s10, $0x1;
	s10 =	sld [smem:$0x3FAF];
	_ =	sdelay $0x3  }
0x37: {  	[smem:$0x3FAF] =	sst s10  }
0x38: {  	s10 =	sld [smem:$0x3FB0]  }
0x39: {  	_ = 	snop;
	(pc) =	sbr.ind lr, $3  }
0x3a: {  	_ = 	snop  }
0x3b: {  	_ = 	snop  }
0x3c: {  	p2 =	seq.s32 s10, $0x1;
	s10 =	sld [smem:$0x3FAF]  }
0x3d: {  	_ =	shalt  }
0x3e: {  	_ =	shalt  }
0x3f: {  	_ =	shalt  }
0x40: {  	_ =	shalt  }
0x41: {  	_ =	shalt  }
0x42: {  	_ =	shalt  }
0x43: {  	_ =	shalt  }
0x44: {  	_ =	shalt  }
0x45: {  	_ =	shalt  }
0x46: {  	_ =	shalt  }
0x47: {  	_ =	shalt  }
0x48: {  	_ =	shalt  }
0x49: {  	_ =	shalt  }
0x4a: {  	_ =	shalt  }
0x4b: {  	_ =	shalt  }
0x4c: {  	_ =	shalt  }
0x4d: {  	_ =	shalt  }
0x4e: {  	_ =	shalt  }
0x4f: {  	_ =	shalt  }
0x50: {  	_ =	shalt  }
0x51: {  	_ =	shalt  }
0x52: {  	_ =	shalt  }
0x53: {  	_ =	shalt  }
0x54: {  	_ =	shalt  }
0x55: {  	_ =	shalt  }
0x56: {  	_ =	shalt  }
0x57: {  	_ =	shalt  }
0x58: {  	_ =	shalt  }
0x59: {  	_ =	shalt  }
0x5a: {  	_ =	shalt  }
0x5b: {  	_ =	shalt  }
0x5c: {  	_ =	shalt  }
0x5d: {  	_ =	shalt  }
0x5e: {  	_ =	shalt  }
0x5f: {  	_ =	shalt  }
0x60: {  	_ =	shalt  }
0x61: {  	_ =	shalt  }
0x62: {  	_ =	shalt  }
0x63: {  	_ =	shalt  }
0x64: {  	_ =	shalt  }
0x65: {  	_ =	shalt  }
0x66: {  	_ =	shalt  }
0x67: {  	_ =	shalt  }
0x68: {  	_ =	shalt  }
0x69: {  	_ =	shalt  }
0x6a: {  	_ =	shalt  }
0x6b: {  	_ =	shalt  }
0x6c: {  	_ =	shalt  }
0x6d: {  	_ =	shalt  }
0x6e: {  	_ =	shalt  }
0x6f: {  	_ =	shalt  }
0x70: {  	_ =	shalt  }
0x71: {  	_ =	shalt  }
0x72: {  	_ =	shalt  }
0x73: {  	_ =	shalt  }
0x74: {  	_ =	shalt  }
0x75: {  	_ =	shalt  }
0x76: {  	_ =	shalt  }
0x77: {  	_ =	shalt  }
0x78: {  	_ =	shalt  }
0x79: {  	_ =	shalt  }
0x7a: {  	_ =	shalt  }
0x7b: {  	_ =	shalt  }
0x7c: {  	_ =	shalt  }
0x7d: {  	_ =	shalt  }
0x7e: {  	_ =	shalt  }
0x7f: {  	_ =	shalt  }
0x80: {  	_ =	shalt  }
0x81: {  	_ =	shalt  }
0x82: {  	_ =	shalt  }
0x83: {  	_ =	shalt  }
0x84: {  	_ =	shalt  }
0x85: {  	_ =	shalt  }
0x86: {  	_ =	shalt  }
0x87: {  	_ =	shalt  }
.Lfunc_end0:
.L_simem_size_0:
called_computation.3_lowered:
.L_overlay_start_0:
0x88: {  	s2 =	sld [smem:$0x3FD9]  }
0x89: {  	s3 =	sld [smem:$0x3FFE];
	_ =	sdelay $0x1  }
0x8a: {  	s1 =	srdreg.scid  }
0x8b: {  	s0 =	sand.u32 $0x1, s1  }
0x8c: {  	s16 =	sshll.u32 s0, $0xA;
	s2 =	sadd.s32 s3, s2  }
0x8d: {  	s2 =	sadd.s32 s2, s16  }
0x8e: {  	[smem:$0x3FBB] =	sst s2  }
0x8f: {  	_ = 	snop  }
0x90: {  	(tm) =	ssettm $0x1  }
0x91: {  	s17 =	sld [smem:$0x3FFB];
	_ =	sdelay $0x3  }
0x92: {  	_ =	strace s17  }
0x93: {  	s2 =	sld [smem:$0x3FFC];
	_ =	sdelay $0x3  }
0x94: {  	_ =	strace s2  }
0x95: {  	s2 =	sld [smem:$0x3FFD];
	_ =	sdelay $0x3  }
0x96: {  	_ =	strace s2  }
0x97: {  	_ =	strace $0x8FFFFFFF  }
0x98: {  	s18 =	sld [smem:$0x3FDB];
	_ =	sdelay $0x1  }
0x99: {  	s19 =	simm.s32 $_scs_section_size  }
0x9a: {  	s4 =	simm.s32 $_size__tile_overlayer_lowered;
	s5 =	simm.s32 $_tile_overlayer_lowered  }
0x9b: {  	s22 =	simm.s32 $0x1BFF;
	s21 =	sshll.u32 s5, $0x1;
	s2 =	sadd.s32 s19, s18  }
0x9c: {  	s6 =	simm.s32 $0x0;
	s20 =	sshll.u32 s4, $0x1;
	s4 =	sadd.s32 s21, s2  }
0x9d: {  	[timem:s6], [sflag:s22] =	dma.local [hbm:s4], s20  }
0x9e: {  	_ =	swait.ge [sflag:s22], s20  }
0x9f: {  	s3 =	ssub.s32 $0x0, s20;
	[sflag:s22] =	ssyncset.done $0x0  }
0xa0: {  	[sflag:s22] =	ssyncadd.s32 s3;
	_ =	sdelay $0x1  }
0xa1: {  	s23 =	simm.s32 $0x1B8B  }
0xa2: {  	_ =	swait.ge [sflag:s23], $0x1  }
0xa3: {  	[sflag:s23] =	ssyncset.done $0x0  }
0xa4: {  	s25 =	simm.s32 $0x1B8E;
	s24 =	sld [smem:$0x3FFE];
	[sflag:s23] =	ssyncadd.s32 $0xFFFFFFFF  }
0xa5: {  	s26 =	simm.s32 $execute0_lowered;
	[smem:$0x3FD2] =	sst s25  }
0xa6: {  	s4 =	sshll.u32 s26, $0x1;
	_ =	strace $0x8000004F;
	[dreg:$0x1] =	wrdreg $0xFFFFFFFF  }
0xa7: {  	s28 =	simm.s32 $_size_execute0_lowered;
	s2 =	sadd.s32 s2, s4;
	[dreg:$0x0] =	wrdreg $0x0  }
0xa8: {  	s4 =	sshll.u32 s28, $0x1;
	[dreg:$0x2] =	wrdreg s2  }
0xa9: {  	[dreg:$0x3] =	wrdreg s4  }
0xaa: {  	[dreg:$0x4] =	wrdreg $0xC0  }
0xab: {  	_ =	task [dreg:s6], $0x5FFFF  }
0xac: {  	[dreg:$0x1] =	wrdreg $0xFFFFFFFF  }
0xad: {  	[dreg:$0x0] =	wrdreg $0x60  }
0xae: {  	[dreg:$0x2] =	wrdreg s24  }
0xaf: {  	[dreg:$0x3] =	wrdreg $0x0  }
0xb0: {  	[dreg:$0x4] =	wrdreg $0x9  }
0xb1: {  	_ =	task.clear_ibuf [dreg:s6], $0x5FFFF;
	_ =	strace $0x9000004F  }
0xb2: {  	s29 =	simm.s32 $0x9;
	_ =	strace $0x80000051  }
0xb3: {  	_ =	swait.ge [sflag:s29], $0x1  }
0xb4: {  	[sflag:s29] =	ssyncadd.s32 $0xFFFFFFFF  }
0xb5: {  	_ =	strace $0x90000051  }
0xb6: {  	_ =	sfence  }
0xb7: {  	s30 =	sld [smem:$0x0];
	_ =	sdelay $0x2  }
0xb8: {  	s31 =	sshll.u32 s1, $0xD;
	s1 =	sshrl.u32 s1, $0x2  }
0xb9: {  	s3 =	sand.u32 $0x4000, s31;
	s1 =	sadd.s32 s1, s30  }
0xba: {  	s0 =	sor.u32 s3, s0;
	s1 =	sshll.u32 s1, $0x11  }
0xbb: {  	s0 =	sor.u32 s1, s0  }
0xbc: {  	s0 =	sadd.s32 $0x8F2B, s0  }
0xbd: {  	[sflag:s0] =	ssyncadd.remote.s32 $0x1  }
0xbe: {  	_ =	sfence.sel $0xFFFF  }
0xbf: {  	[dreg:$0x0] =	wrdreg $0xFFFFFFFF;
	(pc) =	sbr.abs _section_cstart, $3  }
0xc0: {  	[dreg:$0x1] =	wrdreg $0xFFFFFFFF  }
0xc1: {  	_ =	task.clear_ibuf [dreg:s6], $0x2FFFF;
	_ =	strace $0x9FFFFFFF  }
0xc2: {  	(tm) =	ssettm $0x7FFFFFFF  }
0xc3: {  	_ =	shalt  }
tec
execute0_lowered:
.L_overlay_start_1:
0x0: {  	(tag) =	ssettag $0x1  }
0x1: {  	s5 =	rddreg [dreg:$0x0]  }
0x2: {  	s1 =	rddreg [dreg:$0x1]  }
0x3: {  	s0 =	rddreg [dreg:$0x2];
	s3 =	simm.s32 $0x0;
	s2 =	stileid.u32  }
0x4: {  	s7 =	srdreg.scid;
	s15 =	simm.s32 $0x14000;
	s16 =	simm.s32 $0x80  }
0x5: {  	s17 =	simm.s32 $0x16800;
	s18 =	simm.s32 $0x1;
	s19 =	simm.s32 $0x14100  }
0x6: {  	s20 =	simm.s32 $0x1A800;
	s21 =	simm.s32 $0x14080;
	s22 =	simm.s32 $0x2  }
0x7: {  	s23 =	simm.s32 $0x14200;
	s24 =	simm.s32 $0x14180;
	s6 =	smul.u32 $0x2800, s2  }
0x8: {  	s25 =	simm.s32 $0x0;
	[smem:$0x7FF] =	sst s3;
	s28 =	smul.u32 $0x50000, s2  }
0x9: {  	s4 =	sadd.s32 $0x22A00, s5;
	s8 =	sadd.s32 $0xEA00, s5;
	s9 =	smul.u32 $0xA000, s2  }
0xa: {  	s12 =	sand.u32 $0x1, s7;
	s13 =	smul.u32 $0x1400, s2;
	s31 =	sshll.u32 s2, $0x6  }
0xb: {  	_ =	strace $0x80000050;
	s29 =	ssub.s32 $0x2, s12;
	p0 =	sne.s32 s12, $0x0  }
0xc: {  	s12 =	sor.u32 $0x1C03, s31;
	s10 =	sadd.s32 s6, s5;
	s11 =	sshrl.u32 s29, $0x1  }
.Ltmp0:
0xd: {  	s7 =	sshrl.u32 s28, $0x2;
	s30 =	sshrl.u32 s9, $0x3;
	(pc) =	sbr.rel .LBB2_1-.Ltmp0, $4  }
0xe: {  	s5 =	sadd.s32 s4, s6;
	s6 =	sadd.s32 s8, s13;
	s11 =	ssub.s32 s29, s11  }
0xf: {  	s14 =	sadd.s32 s7, s1;
	s9 =	sadd.s32 s8, s30;
	s10 =	sadd.s32 $0x4AA00, s10  }
0x10: {  	s7 =	sadd.s32 $0x500, s9;
	s8 =	sadd.s32 $0xA00, s9;
	s9 =	sadd.s32 $0xF00, s9  }
0x11: {  	s11 =	smax.u32 s11, $0x1;
	s13 =	sshrl.u32 s14, $0x3;
	s14 =	simm.s32 $0x3  }
.LBB2_15:
0x12: {  	[spmem:s1] =	stream.indirect.scatter.add.f32 [tilespmem:s20], [sflag:$0x2], $0x80, s29, s16, $0xb8;
	[tilespmem:$0x1E800] =	vst v63  }
0x13: {  	_ =	swait.ge [sflag:s22], $0x4000  }
0x14: {  	[sflag:s22] =	ssyncset.done $0x0  }
0x15: {  	[sflag:s22] =	ssyncadd.s32 $0xFFFFC000  }
0x16: {  	[bflag:$0x0] =	sbarrier.arrive $0xFFFF  }
0x17: {  	[hbm:s10], [sflag:s12] =	dma.local [spmem:s13], $0x2800  }
0x18: {  	_ =	swait.ge [sflag:s14], $0x2800  }
0x19: {  	[sflag:s14] =	ssyncset.done $0x0  }
0x1a: {  	[sflag:s14] =	ssyncadd.s32 $0xFFFFD800  }
.LBB2_16:
0x1b: {  	s25 =	sadd.s32 $0x1, s25  }
0x1c: {  	p1 =	sne.s32 s25, s11  }
.Ltmp1:
0x1d: {  	_ = 	snop;
	(pc) =	sbr.rel @!p1 .LBB2_17-.Ltmp1, $1  }
0x1e: {  	_ =	sdelay $0x3  }
.LBB2_1:
.Ltmp2:
0x1f: {  	(pc) =	sbr.rel @p0 .LBB2_14-.Ltmp2, $1  }
0x20: {  	_ =	sdelay $0x3  }
0x21: {  	[spmem:s13], [sflag:s12] =	dma.local [hbm:s5], $0x2800  }
0x22: {  	_ =	swait.ge [sflag:s14], $0x2800  }
0x23: {  	[sflag:s14] =	ssyncset.done $0x0  }
0x24: {  	[sflag:s14] =	ssyncadd.s32 $0xFFFFD800  }
0x25: {  	[bflag:$0x0] =	sbarrier.arrive $0xFFFF  }
0x26: {  	[tilespmem:s15], [sflag:$0x3] =	stream.linear.gather [hbm4b:s6+s3], $0x2800, $0x38;
	[tilespmem:$0x1E800] =	vst v63  }
0x27: {  	_ =	swait.ge [sflag:s14], $0x2800  }
0x28: {  	[sflag:s14] =	ssyncset.done $0x0  }
0x29: {  	[sflag:s14] =	ssyncadd.s32 $0xFFFFD800  }
0x2a: {  	[tilespmem:s17], [sflag:$0x1] =	stream.indirect.gather [hbm4b:s4+s16], $0x80, s15, s16, $0xb8;
	[tilespmem:$0x1E800] =	vst v63  }
0x2b: {  	_ =	swait.ge [sflag:s18], $0x4000  }
0x2c: {  	[sflag:s18] =	ssyncset.done $0x0  }
0x2d: {  	[sflag:s18] =	ssyncadd.s32 $0xFFFFC000  }
0x2e: {  	[tilespmem:s20], [sflag:$0x1] =	stream.indirect.gather [hbm4b:s4+s16], $0x80, s19, s16, $0xb8;
	[tilespmem:$0x1E800] =	vst v63  }
0x2f: {  	_ = 	snop  }
0x30: {  	[spmem:s1] =	stream.indirect.scatter.add.f32 [tilespmem:s17], [sflag:$0x2], $0x80, s21, s16, $0xb8;
	[tilespmem:$0x1E800] =	vst v63  }
0x31: {  	_ =	swait.ge [sflag:s18], $0x4000  }
0x32: {  	[sflag:s18] =	ssyncset.done $0x0  }
0x33: {  	[sflag:s18] =	ssyncadd.s32 $0xFFFFC000  }
0x34: {  	_ =	swait.ge [sflag:s22], $0x4000  }
0x35: {  	[sflag:s22] =	ssyncset.done $0x0  }
0x36: {  	[sflag:s22] =	ssyncadd.s32 $0xFFFFC000  }
0x37: {  	[tilespmem:s17], [sflag:$0x1] =	stream.indirect.gather [hbm4b:s4+s16], $0x80, s23, s16, $0xb8;
	[tilespmem:$0x1E800] =	vst v63  }
0x38: {  	s26 =	simm.s32 $0xFFFF7000  }
0x39: {  	[spmem:s1] =	stream.indirect.scatter.add.f32 [tilespmem:s20], [sflag:$0x2], $0x80, s24, s16, $0xb8;
	[tilespmem:$0x1E800] =	vst v63  }
.LBB2_3:
0x3a: {  	_ =	swait.ge [sflag:s18], $0x4000  }
0x3b: {  	[sflag:s18] =	ssyncset.done $0x0  }
0x3c: {  	[sflag:s18] =	ssyncadd.s32 $0xFFFFC000  }
0x3d: {  	_ =	swait.ge [sflag:s22], $0x4000  }
0x3e: {  	s28 =	sshra.s32 s26, $0x2;
	[sflag:s22] =	ssyncset.done $0x0  }
0x3f: {  	s29 =	sadd.s32 $0x16700, s28;
	[sflag:s22] =	ssyncadd.s32 $0xFFFFC000  }
0x40: {  	[tilespmem:s20], [sflag:$0x1] =	stream.indirect.gather [hbm4b:s4+s16], $0x80, s29, s16, $0xb8;
	[tilespmem:$0x1E800] =	vst v63  }
0x41: {  	s29 =	sadd.s32 $0x16680, s28  }
0x42: {  	[spmem:s1] =	stream.indirect.scatter.add.f32 [tilespmem:s17], [sflag:$0x2], $0x80, s29, s16, $0xb8;
	[tilespmem:$0x1E800] =	vst v63  }
0x43: {  	p1 =	seq.s32 s26, $0x0;
	_ =	swait.ge [sflag:s18], $0x4000  }
.Ltmp3:
0x44: {  	[sflag:s18] =	ssyncset.done $0x0;
	(pc) =	sbr.rel @p1 .LBB2_5-.Ltmp3, $4  }
0x45: {  	[sflag:s18] =	ssyncadd.s32 $0xFFFFC000  }
0x46: {  	_ =	swait.ge [sflag:s22], $0x4000  }
0x47: {  	[sflag:s22] =	ssyncset.done $0x0  }
0x48: {  	s29 =	sadd.s32 $0x16780, s28;
	[sflag:s22] =	ssyncadd.s32 $0xFFFFC000  }
.Ltmp4:
0x49: {  	(pc) =	sbr.rel .LBB2_3-.Ltmp4, $4  }
0x4a: {  	s28 =	sadd.s32 $0x16800, s28  }
0x4b: {  	[tilespmem:s17], [sflag:$0x1] =	stream.indirect.gather [hbm4b:s4+s16], $0x80, s28, s16, $0xb8;
	[tilespmem:$0x1E800] =	vst v63  }
0x4c: {  	s26 =	sadd.s32 $0x800, s26  }
0x4d: {  	[spmem:s1] =	stream.indirect.scatter.add.f32 [tilespmem:s20], [sflag:$0x2], $0x80, s29, s16, $0xb8;
	[tilespmem:$0x1E800] =	vst v63  }
.LBB2_14:
.Ltmp5:
0x4e: {  	(pc) =	sbr.rel .LBB2_16-.Ltmp5, $3  }
0x4f: {  	_ = 	snop  }
0x50: {  	[bflag:$0x0] =	sbarrier.arrive $0xFFFF  }
0x51: {  	[bflag:$0x0] =	sbarrier.arrive $0xFFFF;
	_ =	sdelay $0x1  }
.LBB2_5:
0x52: {  	[spmem:s1] =	stream.indirect.scatter.add.f32 [tilespmem:s20], [sflag:$0x2], $0x80, s29, s16, $0xb8;
	[tilespmem:$0x1E800] =	vst v63  }
0x53: {  	_ =	swait.ge [sflag:s22], $0x4000  }
0x54: {  	[sflag:s22] =	ssyncset.done $0x0  }
0x55: {  	[sflag:s22] =	ssyncadd.s32 $0xFFFFC000  }
0x56: {  	[tilespmem:s15], [sflag:$0x3] =	stream.linear.gather [hbm4b:s7+s3], $0x2800, $0x38;
	[tilespmem:$0x1E800] =	vst v63  }
0x57: {  	_ =	swait.ge [sflag:s14], $0x2800  }
0x58: {  	[sflag:s14] =	ssyncset.done $0x0  }
0x59: {  	[sflag:s14] =	ssyncadd.s32 $0xFFFFD800  }
0x5a: {  	[tilespmem:s17], [sflag:$0x1] =	stream.indirect.gather [hbm4b:s4+s16], $0x80, s15, s16, $0xb8;
	[tilespmem:$0x1E800] =	vst v63  }
0x5b: {  	_ =	swait.ge [sflag:s18], $0x4000  }
0x5c: {  	[sflag:s18] =	ssyncset.done $0x0  }
0x5d: {  	[sflag:s18] =	ssyncadd.s32 $0xFFFFC000  }
0x5e: {  	[tilespmem:s20], [sflag:$0x1] =	stream.indirect.gather [hbm4b:s4+s16], $0x80, s19, s16, $0xb8;
	[tilespmem:$0x1E800] =	vst v63  }
0x5f: {  	_ = 	snop  }
0x60: {  	[spmem:s1] =	stream.indirect.scatter.add.f32 [tilespmem:s17], [sflag:$0x2], $0x80, s21, s16, $0xb8;
	[tilespmem:$0x1E800] =	vst v63  }
0x61: {  	_ =	swait.ge [sflag:s18], $0x4000  }
0x62: {  	[sflag:s18] =	ssyncset.done $0x0  }
0x63: {  	[sflag:s18] =	ssyncadd.s32 $0xFFFFC000  }
0x64: {  	_ =	swait.ge [sflag:s22], $0x4000  }
0x65: {  	[sflag:s22] =	ssyncset.done $0x0  }
0x66: {  	[sflag:s22] =	ssyncadd.s32 $0xFFFFC000  }
0x67: {  	[tilespmem:s17], [sflag:$0x1] =	stream.indirect.gather [hbm4b:s4+s16], $0x80, s23, s16, $0xb8;
	[tilespmem:$0x1E800] =	vst v63  }
0x68: {  	s26 =	simm.s32 $0xFFFF7000  }
0x69: {  	[spmem:s1] =	stream.indirect.scatter.add.f32 [tilespmem:s20], [sflag:$0x2], $0x80, s24, s16, $0xb8;
	[tilespmem:$0x1E800] =	vst v63  }
.LBB2_6:
0x6a: {  	_ =	swait.ge [sflag:s18], $0x4000  }
0x6b: {  	[sflag:s18] =	ssyncset.done $0x0  }
0x6c: {  	[sflag:s18] =	ssyncadd.s32 $0xFFFFC000  }
0x6d: {  	_ =	swait.ge [sflag:s22], $0x4000  }
0x6e: {  	s28 =	sshra.s32 s26, $0x2;
	[sflag:s22] =	ssyncset.done $0x0  }
0x6f: {  	s29 =	sadd.s32 $0x16700, s28;
	[sflag:s22] =	ssyncadd.s32 $0xFFFFC000  }
0x70: {  	[tilespmem:s20], [sflag:$0x1] =	stream.indirect.gather [hbm4b:s4+s16], $0x80, s29, s16, $0xb8;
	[tilespmem:$0x1E800] =	vst v63  }
0x71: {  	s29 =	sadd.s32 $0x16680, s28  }
0x72: {  	[spmem:s1] =	stream.indirect.scatter.add.f32 [tilespmem:s17], [sflag:$0x2], $0x80, s29, s16, $0xb8;
	[tilespmem:$0x1E800] =	vst v63  }
0x73: {  	p1 =	seq.s32 s26, $0x0;
	_ =	swait.ge [sflag:s18], $0x4000  }
.Ltmp6:
0x74: {  	[sflag:s18] =	ssyncset.done $0x0;
	(pc) =	sbr.rel @p1 .LBB2_8-.Ltmp6, $4  }
0x75: {  	[sflag:s18] =	ssyncadd.s32 $0xFFFFC000  }
0x76: {  	_ =	swait.ge [sflag:s22], $0x4000  }
0x77: {  	[sflag:s22] =	ssyncset.done $0x0  }
0x78: {  	s29 =	sadd.s32 $0x16780, s28;
	[sflag:s22] =	ssyncadd.s32 $0xFFFFC000  }
.Ltmp7:
0x79: {  	(pc) =	sbr.rel .LBB2_6-.Ltmp7, $4  }
0x7a: {  	s28 =	sadd.s32 $0x16800, s28  }
0x7b: {  	[tilespmem:s17], [sflag:$0x1] =	stream.indirect.gather [hbm4b:s4+s16], $0x80, s28, s16, $0xb8;
	[tilespmem:$0x1E800] =	vst v63  }
0x7c: {  	s26 =	sadd.s32 $0x800, s26  }
0x7d: {  	[spmem:s1] =	stream.indirect.scatter.add.f32 [tilespmem:s20], [sflag:$0x2], $0x80, s29, s16, $0xb8;
	[tilespmem:$0x1E800] =	vst v63  }
.LBB2_8:
0x7e: {  	[spmem:s1] =	stream.indirect.scatter.add.f32 [tilespmem:s20], [sflag:$0x2], $0x80, s29, s16, $0xb8;
	[tilespmem:$0x1E800] =	vst v63  }
0x7f: {  	_ =	swait.ge [sflag:s22], $0x4000  }
0x80: {  	[sflag:s22] =	ssyncset.done $0x0  }
0x81: {  	[sflag:s22] =	ssyncadd.s32 $0xFFFFC000  }
0x82: {  	[tilespmem:s15], [sflag:$0x3] =	stream.linear.gather [hbm4b:s8+s3], $0x2800, $0x38;
	[tilespmem:$0x1E800] =	vst v63  }
0x83: {  	_ =	swait.ge [sflag:s14], $0x2800  }
0x84: {  	[sflag:s14] =	ssyncset.done $0x0  }
0x85: {  	[sflag:s14] =	ssyncadd.s32 $0xFFFFD800  }
0x86: {  	[tilespmem:s17], [sflag:$0x1] =	stream.indirect.gather [hbm4b:s4+s16], $0x80, s15, s16, $0xb8;
	[tilespmem:$0x1E800] =	vst v63  }
0x87: {  	_ =	swait.ge [sflag:s18], $0x4000  }
0x88: {  	[sflag:s18] =	ssyncset.done $0x0  }
0x89: {  	[sflag:s18] =	ssyncadd.s32 $0xFFFFC000  }
0x8a: {  	[tilespmem:s20], [sflag:$0x1] =	stream.indirect.gather [hbm4b:s4+s16], $0x80, s19, s16, $0xb8;
	[tilespmem:$0x1E800] =	vst v63  }
0x8b: {  	_ = 	snop  }
0x8c: {  	[spmem:s1] =	stream.indirect.scatter.add.f32 [tilespmem:s17], [sflag:$0x2], $0x80, s21, s16, $0xb8;
	[tilespmem:$0x1E800] =	vst v63  }
0x8d: {  	_ =	swait.ge [sflag:s18], $0x4000  }
0x8e: {  	[sflag:s18] =	ssyncset.done $0x0  }
0x8f: {  	[sflag:s18] =	ssyncadd.s32 $0xFFFFC000  }
0x90: {  	_ =	swait.ge [sflag:s22], $0x4000  }
0x91: {  	[sflag:s22] =	ssyncset.done $0x0  }
0x92: {  	[sflag:s22] =	ssyncadd.s32 $0xFFFFC000  }
0x93: {  	[tilespmem:s17], [sflag:$0x1] =	stream.indirect.gather [hbm4b:s4+s16], $0x80, s23, s16, $0xb8;
	[tilespmem:$0x1E800] =	vst v63  }
0x94: {  	s26 =	simm.s32 $0xFFFF7000  }
0x95: {  	[spmem:s1] =	stream.indirect.scatter.add.f32 [tilespmem:s20], [sflag:$0x2], $0x80, s24, s16, $0xb8;
	[tilespmem:$0x1E800] =	vst v63  }
.LBB2_9:
0x96: {  	_ =	swait.ge [sflag:s18], $0x4000  }
0x97: {  	[sflag:s18] =	ssyncset.done $0x0  }
0x98: {  	[sflag:s18] =	ssyncadd.s32 $0xFFFFC000  }
0x99: {  	_ =	swait.ge [sflag:s22], $0x4000  }
0x9a: {  	s28 =	sshra.s32 s26, $0x2;
	[sflag:s22] =	ssyncset.done $0x0  }
0x9b: {  	s29 =	sadd.s32 $0x16700, s28;
	[sflag:s22] =	ssyncadd.s32 $0xFFFFC000  }
0x9c: {  	[tilespmem:s20], [sflag:$0x1] =	stream.indirect.gather [hbm4b:s4+s16], $0x80, s29, s16, $0xb8;
	[tilespmem:$0x1E800] =	vst v63  }
0x9d: {  	s29 =	sadd.s32 $0x16680, s28  }
0x9e: {  	[spmem:s1] =	stream.indirect.scatter.add.f32 [tilespmem:s17], [sflag:$0x2], $0x80, s29, s16, $0xb8;
	[tilespmem:$0x1E800] =	vst v63  }
0x9f: {  	p1 =	seq.s32 s26, $0x0;
	_ =	swait.ge [sflag:s18], $0x4000  }
.Ltmp8:
0xa0: {  	[sflag:s18] =	ssyncset.done $0x0;
	(pc) =	sbr.rel @p1 .LBB2_11-.Ltmp8, $4  }
0xa1: {  	[sflag:s18] =	ssyncadd.s32 $0xFFFFC000  }
0xa2: {  	_ =	swait.ge [sflag:s22], $0x4000  }
0xa3: {  	[sflag:s22] =	ssyncset.done $0x0  }
0xa4: {  	s29 =	sadd.s32 $0x16780, s28;
	[sflag:s22] =	ssyncadd.s32 $0xFFFFC000  }
.Ltmp9:
0xa5: {  	(pc) =	sbr.rel .LBB2_9-.Ltmp9, $4  }
0xa6: {  	s28 =	sadd.s32 $0x16800, s28  }
0xa7: {  	[tilespmem:s17], [sflag:$0x1] =	stream.indirect.gather [hbm4b:s4+s16], $0x80, s28, s16, $0xb8;
	[tilespmem:$0x1E800] =	vst v63  }
0xa8: {  	s26 =	sadd.s32 $0x800, s26  }
0xa9: {  	[spmem:s1] =	stream.indirect.scatter.add.f32 [tilespmem:s20], [sflag:$0x2], $0x80, s29, s16, $0xb8;
	[tilespmem:$0x1E800] =	vst v63  }
.LBB2_11:
0xaa: {  	[spmem:s1] =	stream.indirect.scatter.add.f32 [tilespmem:s20], [sflag:$0x2], $0x80, s29, s16, $0xb8;
	[tilespmem:$0x1E800] =	vst v63  }
0xab: {  	_ =	swait.ge [sflag:s22], $0x4000  }
0xac: {  	[sflag:s22] =	ssyncset.done $0x0  }
0xad: {  	[sflag:s22] =	ssyncadd.s32 $0xFFFFC000  }
0xae: {  	[tilespmem:s15], [sflag:$0x3] =	stream.linear.gather [hbm4b:s9+s3], $0x2800, $0x38;
	[tilespmem:$0x1E800] =	vst v63  }
0xaf: {  	_ =	swait.ge [sflag:s14], $0x2800  }
0xb0: {  	[sflag:s14] =	ssyncset.done $0x0  }
0xb1: {  	[sflag:s14] =	ssyncadd.s32 $0xFFFFD800  }
0xb2: {  	[tilespmem:s17], [sflag:$0x1] =	stream.indirect.gather [hbm4b:s4+s16], $0x80, s15, s16, $0xb8;
	[tilespmem:$0x1E800] =	vst v63  }
0xb3: {  	_ =	swait.ge [sflag:s18], $0x4000  }
0xb4: {  	[sflag:s18] =	ssyncset.done $0x0  }
0xb5: {  	[sflag:s18] =	ssyncadd.s32 $0xFFFFC000  }
0xb6: {  	[tilespmem:s20], [sflag:$0x1] =	stream.indirect.gather [hbm4b:s4+s16], $0x80, s19, s16, $0xb8;
	[tilespmem:$0x1E800] =	vst v63  }
0xb7: {  	_ = 	snop  }
0xb8: {  	[spmem:s1] =	stream.indirect.scatter.add.f32 [tilespmem:s17], [sflag:$0x2], $0x80, s21, s16, $0xb8;
	[tilespmem:$0x1E800] =	vst v63  }
0xb9: {  	_ =	swait.ge [sflag:s18], $0x4000  }
0xba: {  	[sflag:s18] =	ssyncset.done $0x0  }
0xbb: {  	[sflag:s18] =	ssyncadd.s32 $0xFFFFC000  }
0xbc: {  	_ =	swait.ge [sflag:s22], $0x4000  }
0xbd: {  	[sflag:s22] =	ssyncset.done $0x0  }
0xbe: {  	[sflag:s22] =	ssyncadd.s32 $0xFFFFC000  }
0xbf: {  	[tilespmem:s17], [sflag:$0x1] =	stream.indirect.gather [hbm4b:s4+s16], $0x80, s23, s16, $0xb8;
	[tilespmem:$0x1E800] =	vst v63  }
0xc0: {  	s26 =	simm.s32 $0xFFFF7000  }
0xc1: {  	[spmem:s1] =	stream.indirect.scatter.add.f32 [tilespmem:s20], [sflag:$0x2], $0x80, s24, s16, $0xb8;
	[tilespmem:$0x1E800] =	vst v63  }
.LBB2_12:
0xc2: {  	_ =	swait.ge [sflag:s18], $0x4000  }
0xc3: {  	[sflag:s18] =	ssyncset.done $0x0  }
0xc4: {  	[sflag:s18] =	ssyncadd.s32 $0xFFFFC000  }
0xc5: {  	_ =	swait.ge [sflag:s22], $0x4000  }
0xc6: {  	s28 =	sshra.s32 s26, $0x2;
	[sflag:s22] =	ssyncset.done $0x0  }
0xc7: {  	s29 =	sadd.s32 $0x16700, s28;
	[sflag:s22] =	ssyncadd.s32 $0xFFFFC000  }
0xc8: {  	[tilespmem:s20], [sflag:$0x1] =	stream.indirect.gather [hbm4b:s4+s16], $0x80, s29, s16, $0xb8;
	[tilespmem:$0x1E800] =	vst v63  }
0xc9: {  	s29 =	sadd.s32 $0x16680, s28  }
0xca: {  	[spmem:s1] =	stream.indirect.scatter.add.f32 [tilespmem:s17], [sflag:$0x2], $0x80, s29, s16, $0xb8;
	[tilespmem:$0x1E800] =	vst v63  }
0xcb: {  	p1 =	seq.s32 s26, $0x0;
	_ =	swait.ge [sflag:s18], $0x4000  }
.Ltmp10:
0xcc: {  	[sflag:s18] =	ssyncset.done $0x0;
	(pc) =	sbr.rel @p1 .LBB2_15-.Ltmp10, $4  }
0xcd: {  	[sflag:s18] =	ssyncadd.s32 $0xFFFFC000  }
0xce: {  	_ =	swait.ge [sflag:s22], $0x4000  }
0xcf: {  	[sflag:s22] =	ssyncset.done $0x0  }
0xd0: {  	s29 =	sadd.s32 $0x16780, s28;
	[sflag:s22] =	ssyncadd.s32 $0xFFFFC000  }
.Ltmp11:
0xd1: {  	(pc) =	sbr.rel .LBB2_12-.Ltmp11, $4  }
0xd2: {  	s28 =	sadd.s32 $0x16800, s28  }
0xd3: {  	[tilespmem:s17], [sflag:$0x1] =	stream.indirect.gather [hbm4b:s4+s16], $0x80, s28, s16, $0xb8;
	[tilespmem:$0x1E800] =	vst v63  }
0xd4: {  	s26 =	sadd.s32 $0x800, s26  }
0xd5: {  	[spmem:s1] =	stream.indirect.scatter.add.f32 [tilespmem:s20], [sflag:$0x2], $0x80, s29, s16, $0xb8;
	[tilespmem:$0x1E800] =	vst v63  }
.LBB2_17:
0xd6: {  	_ =	sfence.sel $0x180000  }
0xd7: {  	[bflag:$0x0] =	sbarrier.arrive $0xFFFF  }
0xd8: {  	p0 =	sne.s32 s2, $0x0;
	_ =	strace $0x90000050  }
0xd9: {  	s0 =	sadd.s32 @!p0 $0x100000, s0;
	[bflag:$0x2] =	sbarrier.arrive $0xFFFF  }
0xda: {  	[sflag:s0] =	ssyncadd.tile.s32 @!p0 $0x1;
	_ =	shalt  }
.Lfunc_end2:
_tile_overlayer_lowered:
.L_overlay_start_2:
0xdb: {  	(tag) =	ssettag $0x2  }
0xdc: {  	s0 =	rddreg [dreg:$0x0];
	s2 =	stileid.u32  }
0xdd: {  	s1 =	rddreg [dreg:$0x1];
	p0 =	sne.s32 s2, $0x0  }
0xde: {  	s3 =	rddreg [dreg:$0x2];
	[bflag:$0x3] =	sbarrier.arrive $0xFFFF;
	s2 =	simm.s32 @!p0 $0x1C03  }
0xdf: {  	[timem:s3], [sflag:s2] =	dma.local @!p0 [hbm:s0], s1  }
0xe0: {  	s0 =	simm.s32 @!p0 $0x3  }
0xe1: {  	_ =	swait.ge @!p0 [sflag:s0], s1  }
0xe2: {  	s1 =	ssub.s32 @!p0 $0x0, s1;
	[sflag:s0] =	ssyncset.done @!p0 $0x0  }
0xe3: {  	[sflag:s0] =	ssyncadd.s32 @!p0 s1  }
0xe4: {  	[bflag:$0x3] =	sbarrier.arrive $0xFFFF  }
0xe5: {  	_ =	shalt  }

// kernel: kernel.25.cloned.1.call-start
scs
__scs_entry_jumppad:
0x0: {  	(pc) =	sbr.rel $0x88, $3  }
0x1: {  	(tag) =	ssettag $0x0;
	lr =	simm.s32 $0x1  }
0x2: {  	[smem:$0x3F94] =	sst lr;
	_ =	strace $0xD0000000  }
0x3: {  	_ = 	snop  }
0x4: {  	_ = 	snop  }
0x5: {  	_ = 	snop  }
0x6: {  	_ = 	snop  }
0x7: {  	_ = 	snop  }
__scs_overlays_trampoline_lowered:
0x8: {  	[smem:$0x3FA3] =	sst s0  }
0x9: {  	[smem:$0x3FA4] =	sst s1  }
0xa: {  	[smem:$0x3FA5] =	sst s2  }
0xb: {  	[smem:$0x3FA6] =	sst s3  }
0xc: {  	[smem:$0x3FA7] =	sst s4  }
0xd: {  	[smem:$0x3FA8] =	sst s5  }
0xe: {  	[smem:$0x3FA9] =	sst s6  }
0xf: {  	[smem:$0x3FAA] =	sst s7  }
0x10: {  	[smem:$0x3FAB] =	sst s8  }
0x11: {  	[smem:$0x3FAC] =	sst s9;
	s0 =	simm.s32 @!p0 $0x0  }
0x12: {  	s1 =	sld [smem:$0x3F92];
	s0 =	simm.s32 @p0 $0x1  }
0x13: {  	[smem:$0x3FAD] =	sst s0;
	s0 =	simm.s32 @!p1 $0x0  }
0x14: {  	s2 =	sld [smem:$0x3F91];
	s0 =	simm.s32 @p1 $0x1  }
0x15: {  	[smem:$0x3FAE] =	sst s0;
	s0 =	simm.s32 @!p2 $0x0  }
0x16: {  	s3 =	sld [smem:$0x3FDB];
	s0 =	simm.s32 @p2 $0x1  }
0x17: {  	s4 =	simm.s32 $0x1BF5;
	[smem:$0x3FB0] =	sst s0  }
0x18: {  	s0 =	sld [smem:$0x3F93];
	_ =	swait.ge [sflag:s4], $0x0  }
0x19: {  	s7 =	sld [smem:$0x3F94]  }
0x1a: {  	s8 =	sadd.s32 $0xFFFFE003, lr  }
0x1b: {  	s9 =	sadd.s32 $0xFFFFFEF7, lr;
	s5 =	simm.s32 $0xFFFFFFFF;
	p2 =	slt.u32 s8, $0xFFFFF086  }
0x1c: {  	p1 =	slt.u32 s9, $0xF7A;
	s5 =	simm.s32 @!p2 $0x0  }
0x1d: {  	s5 =	simm.s32 @p1 $0x1;
	p0 =	seq.s32 s7, s2  }
0x1e: {  	s7 =	smul.u32 @!p0 $0xF7A, s2;
	p2 =	seq.s32 @!p0 s5, $0x0  }
0x1f: {  	s9 =	smul.u32 $0xF7A, s1;
	s8 =	simm.s32 @!p0 $0x1BF5;
	p2 =	por !p2, p0  }
0x20: {  	[sflag:s8] =	ssyncset.s32 @!p0 $0xFFFFF086;
	s6 =	sadd.s32 @!p0 s3, s7;
	s7 =	simm.s32 @!p0 $0x108  }
0x21: {  	s3 =	sadd.s32 s3, s9;
	s6 =	sadd.s32 @!p0 $0x88, s6;
	s7 =	simm.s32 @p2 $0x1082  }
0x22: {  	[simem:s7], [sflag:s8] =	dma.local @!p0 [hbm:s6], $0xF7A  }
0x23: {  	s9 =	sor.u32 $0xD0000000, s2;
	s6 =	simm.s32 $0x108;
	_ =	swait.ge @!p0 [sflag:s8], $0x0  }
0x24: {  	s3 =	sadd.s32 $0x88, s3;
	s6 =	simm.s32 @!p1 $0x1082;
	[sflag:s4] =	ssyncset.s32 $0xFFFFF086  }
0x25: {  	[simem:s6], [sflag:s4] =	dma.local [hbm:s3], $0xF7A  }
0x26: {  	[smem:$0x3F94] =	sst s1;
	(tag) =	ssettag s2;
	_ =	strace s9  }
0x27: {  	s1 =	sld [smem:$0x3FA4]  }
0x28: {  	s2 =	sld [smem:$0x3FA5]  }
0x29: {  	s4 =	sld [smem:$0x3FA7]  }
0x2a: {  	p0 =	seq.s32 s5, $0x0;
	s5 =	sld [smem:$0x3FA8]  }
0x2b: {  	s6 =	sld [smem:$0x3FA9]  }
0x2c: {  	s7 =	sld [smem:$0x3FAA]  }
0x2d: {  	s3 =	simm.s32 $0x108;
	s8 =	sld [smem:$0x3FAB]  }
0x2e: {  	s3 =	simm.s32 @!p0 $0x1082;
	s9 =	sld [smem:$0x3FAC]  }
0x2f: {  	lr =	sadd.s32 s0, s3;
	s0 =	sld [smem:$0x3FA3]  }
0x30: {  	s3 =	sld [smem:$0x3FA6]  }
0x31: {  	[smem:$0x3FAF] =	sst s10  }
0x32: {  	s10 =	sld [smem:$0x3FAD];
	_ =	sdelay $0x3  }
0x33: {  	p0 =	seq.s32 s10, $0x1;
	s10 =	sld [smem:$0x3FAF];
	_ =	sdelay $0x3  }
0x34: {  	[smem:$0x3FAF] =	sst s10  }
0x35: {  	s10 =	sld [smem:$0x3FAE];
	_ =	sdelay $0x3  }
0x36: {  	p1 =	seq.s32 s10, $0x1;
	s10 =	sld [smem:$0x3FAF];
	_ =	sdelay $0x3  }
0x37: {  	[smem:$0x3FAF] =	sst s10  }
0x38: {  	s10 =	sld [smem:$0x3FB0]  }
0x39: {  	_ = 	snop;
	(pc) =	sbr.ind lr, $3  }
0x3a: {  	_ = 	snop  }
0x3b: {  	_ = 	snop  }
0x3c: {  	p2 =	seq.s32 s10, $0x1;
	s10 =	sld [smem:$0x3FAF]  }
0x3d: {  	_ =	shalt  }
0x3e: {  	_ =	shalt  }
0x3f: {  	_ =	shalt  }
0x40: {  	_ =	shalt  }
0x41: {  	_ =	shalt  }
0x42: {  	_ =	shalt  }
0x43: {  	_ =	shalt  }
0x44: {  	_ =	shalt  }
0x45: {  	_ =	shalt  }
0x46: {  	_ =	shalt  }
0x47: {  	_ =	shalt  }
0x48: {  	_ =	shalt  }
0x49: {  	_ =	shalt  }
0x4a: {  	_ =	shalt  }
0x4b: {  	_ =	shalt  }
0x4c: {  	_ =	shalt  }
0x4d: {  	_ =	shalt  }
0x4e: {  	_ =	shalt  }
0x4f: {  	_ =	shalt  }
0x50: {  	_ =	shalt  }
0x51: {  	_ =	shalt  }
0x52: {  	_ =	shalt  }
0x53: {  	_ =	shalt  }
0x54: {  	_ =	shalt  }
0x55: {  	_ =	shalt  }
0x56: {  	_ =	shalt  }
0x57: {  	_ =	shalt  }
0x58: {  	_ =	shalt  }
0x59: {  	_ =	shalt  }
0x5a: {  	_ =	shalt  }
0x5b: {  	_ =	shalt  }
0x5c: {  	_ =	shalt  }
0x5d: {  	_ =	shalt  }
0x5e: {  	_ =	shalt  }
0x5f: {  	_ =	shalt  }
0x60: {  	_ =	shalt  }
0x61: {  	_ =	shalt  }
0x62: {  	_ =	shalt  }
0x63: {  	_ =	shalt  }
0x64: {  	_ =	shalt  }
0x65: {  	_ =	shalt  }
0x66: {  	_ =	shalt  }
0x67: {  	_ =	shalt  }
0x68: {  	_ =	shalt  }
0x69: {  	_ =	shalt  }
0x6a: {  	_ =	shalt  }
0x6b: {  	_ =	shalt  }
0x6c: {  	_ =	shalt  }
0x6d: {  	_ =	shalt  }
0x6e: {  	_ =	shalt  }
0x6f: {  	_ =	shalt  }
0x70: {  	_ =	shalt  }
0x71: {  	_ =	shalt  }
0x72: {  	_ =	shalt  }
0x73: {  	_ =	shalt  }
0x74: {  	_ =	shalt  }
0x75: {  	_ =	shalt  }
0x76: {  	_ =	shalt  }
0x77: {  	_ =	shalt  }
0x78: {  	_ =	shalt  }
0x79: {  	_ =	shalt  }
0x7a: {  	_ =	shalt  }
0x7b: {  	_ =	shalt  }
0x7c: {  	_ =	shalt  }
0x7d: {  	_ =	shalt  }
0x7e: {  	_ =	shalt  }
0x7f: {  	_ =	shalt  }
0x80: {  	_ =	shalt  }
0x81: {  	_ =	shalt  }
0x82: {  	_ =	shalt  }
0x83: {  	_ =	shalt  }
0x84: {  	_ =	shalt  }
0x85: {  	_ =	shalt  }
0x86: {  	_ =	shalt  }
0x87: {  	_ =	shalt  }
.Lfunc_end0:
.L_simem_size_0:
called_computation.4_lowered:
.L_overlay_start_0:
0x88: {  	s2 =	sld [smem:$0x3FD9]  }
0x89: {  	s3 =	sld [smem:$0x3FFE];
	_ =	sdelay $0x1  }
0x8a: {  	s1 =	srdreg.scid  }
0x8b: {  	s0 =	sand.u32 $0x1, s1  }
0x8c: {  	s16 =	sshll.u32 s0, $0xA;
	s2 =	sadd.s32 s3, s2  }
0x8d: {  	s2 =	sadd.s32 s2, s16  }
0x8e: {  	[smem:$0x3FBB] =	sst s2  }
0x8f: {  	_ = 	snop  }
0x90: {  	(tm) =	ssettm $0x1  }
0x91: {  	s17 =	sld [smem:$0x3FFB];
	_ =	sdelay $0x3  }
0x92: {  	_ =	strace s17  }
0x93: {  	s2 =	sld [smem:$0x3FFC];
	_ =	sdelay $0x3  }
0x94: {  	_ =	strace s2  }
0x95: {  	s2 =	sld [smem:$0x3FFD];
	_ =	sdelay $0x3  }
0x96: {  	_ =	strace s2  }
0x97: {  	_ =	strace $0x8FFFFFFF  }
0x98: {  	s18 =	sld [smem:$0x3FDB];
	_ =	sdelay $0x1  }
0x99: {  	s19 =	simm.s32 $_scs_section_size  }
0x9a: {  	s4 =	simm.s32 $_size__tile_overlayer_lowered;
	s5 =	simm.s32 $_tile_overlayer_lowered  }
0x9b: {  	s22 =	simm.s32 $0x1BFF;
	s21 =	sshll.u32 s5, $0x1;
	s2 =	sadd.s32 s19, s18  }
0x9c: {  	s6 =	simm.s32 $0x0;
	s20 =	sshll.u32 s4, $0x1;
	s4 =	sadd.s32 s21, s2  }
0x9d: {  	[timem:s6], [sflag:s22] =	dma.local [hbm:s4], s20  }
0x9e: {  	_ =	swait.ge [sflag:s22], s20  }
0x9f: {  	s3 =	ssub.s32 $0x0, s20;
	[sflag:s22] =	ssyncset.done $0x0  }
0xa0: {  	[sflag:s22] =	ssyncadd.s32 s3;
	_ =	sdelay $0x1  }
0xa1: {  	s23 =	simm.s32 $0x1B8B  }
0xa2: {  	_ =	swait.ge [sflag:s23], $0x1  }
0xa3: {  	[sflag:s23] =	ssyncset.done $0x0  }
0xa4: {  	s25 =	simm.s32 $0x1B8E;
	s24 =	sld [smem:$0x3FFE];
	[sflag:s23] =	ssyncadd.s32 $0xFFFFFFFF  }
0xa5: {  	s26 =	simm.s32 $execute0_lowered;
	[smem:$0x3FD2] =	sst s25  }
0xa6: {  	s4 =	sshll.u32 s26, $0x1;
	_ =	strace $0x80000052;
	[dreg:$0x1] =	wrdreg $0xFFFFFFFF  }
0xa7: {  	s28 =	simm.s32 $_size_execute0_lowered;
	s2 =	sadd.s32 s2, s4;
	[dreg:$0x0] =	wrdreg $0x0  }
0xa8: {  	s4 =	sshll.u32 s28, $0x1;
	[dreg:$0x2] =	wrdreg s2  }
0xa9: {  	[dreg:$0x3] =	wrdreg s4  }
0xaa: {  	[dreg:$0x4] =	wrdreg $0xC0  }
0xab: {  	_ =	task [dreg:s6], $0x5FFFF  }
0xac: {  	[dreg:$0x1] =	wrdreg $0xFFFFFFFF  }
0xad: {  	[dreg:$0x0] =	wrdreg $0x60  }
0xae: {  	[dreg:$0x2] =	wrdreg s24  }
0xaf: {  	[dreg:$0x3] =	wrdreg $0x0  }
0xb0: {  	[dreg:$0x4] =	wrdreg $0x9  }
0xb1: {  	_ =	task.clear_ibuf [dreg:s6], $0x5FFFF;
	_ =	strace $0x90000052  }
0xb2: {  	s29 =	simm.s32 $0x9;
	_ =	strace $0x80000054  }
0xb3: {  	_ =	swait.ge [sflag:s29], $0x1  }
0xb4: {  	[sflag:s29] =	ssyncadd.s32 $0xFFFFFFFF  }
0xb5: {  	_ =	strace $0x90000054  }
0xb6: {  	_ =	sfence  }
0xb7: {  	s30 =	sld [smem:$0x0];
	_ =	sdelay $0x2  }
0xb8: {  	s31 =	sshll.u32 s1, $0xD;
	s1 =	sshrl.u32 s1, $0x2  }
0xb9: {  	s3 =	sand.u32 $0x4000, s31;
	s1 =	sadd.s32 s1, s30  }
0xba: {  	s0 =	sor.u32 s3, s0;
	s1 =	sshll.u32 s1, $0x11  }
0xbb: {  	s0 =	sor.u32 s1, s0  }
0xbc: {  	s0 =	sadd.s32 $0x8F2B, s0  }
0xbd: {  	[sflag:s0] =	ssyncadd.remote.s32 $0x1  }
0xbe: {  	_ =	sfence.sel $0xFFFF  }
0xbf: {  	[dreg:$0x0] =	wrdreg $0xFFFFFFFF;
	(pc) =	sbr.abs _section_cstart, $3  }
0xc0: {  	[dreg:$0x1] =	wrdreg $0xFFFFFFFF  }
0xc1: {  	_ =	task.clear_ibuf [dreg:s6], $0x2FFFF;
	_ =	strace $0x9FFFFFFF  }
0xc2: {  	(tm) =	ssettm $0x7FFFFFFF  }
0xc3: {  	_ =	shalt  }
tec
execute0_lowered:
.L_overlay_start_1:
0x0: {  	(tag) =	ssettag $0x1  }
0x1: {  	s5 =	rddreg [dreg:$0x0]  }
0x2: {  	s1 =	rddreg [dreg:$0x1]  }
0x3: {  	s0 =	rddreg [dreg:$0x2];
	s3 =	simm.s32 $0x0;
	s2 =	stileid.u32  }
0x4: {  	s7 =	srdreg.scid;
	s15 =	simm.s32 $0x14000;
	s16 =	simm.s32 $0x80  }
0x5: {  	s17 =	simm.s32 $0x16800;
	s18 =	simm.s32 $0x1;
	s19 =	simm.s32 $0x14100  }
0x6: {  	s20 =	simm.s32 $0x1A800;
	s21 =	simm.s32 $0x14080;
	s22 =	simm.s32 $0x2  }
0x7: {  	s23 =	simm.s32 $0x14200;
	s24 =	simm.s32 $0x14180;
	s6 =	smul.u32 $0x2800, s2  }
0x8: {  	s25 =	simm.s32 $0x0;
	[smem:$0x7FF] =	sst s3;
	s28 =	smul.u32 $0x50000, s2  }
0x9: {  	s4 =	sadd.s32 $0x22A00, s5;
	s8 =	sadd.s32 $0xEA00, s5;
	s9 =	smul.u32 $0xA000, s2  }
0xa: {  	s12 =	sand.u32 $0x1, s7;
	s13 =	smul.u32 $0x1400, s2;
	s31 =	sshll.u32 s2, $0x6  }
0xb: {  	_ =	strace $0x80000053;
	s29 =	ssub.s32 $0x2, s12;
	p0 =	sne.s32 s12, $0x0  }
0xc: {  	s12 =	sor.u32 $0x1C03, s31;
	s10 =	sadd.s32 s6, s5;
	s11 =	sshrl.u32 s29, $0x1  }
.Ltmp0:
0xd: {  	s7 =	sshrl.u32 s28, $0x2;
	s30 =	sshrl.u32 s9, $0x3;
	(pc) =	sbr.rel .LBB2_1-.Ltmp0, $4  }
0xe: {  	s5 =	sadd.s32 s4, s6;
	s6 =	sadd.s32 s8, s13;
	s11 =	ssub.s32 s29, s11  }
0xf: {  	s14 =	sadd.s32 s7, s1;
	s9 =	sadd.s32 s8, s30;
	s10 =	sadd.s32 $0x4AA00, s10  }
0x10: {  	s7 =	sadd.s32 $0x500, s9;
	s8 =	sadd.s32 $0xA00, s9;
	s9 =	sadd.s32 $0xF00, s9  }
0x11: {  	s11 =	smax.u32 s11, $0x1;
	s13 =	sshrl.u32 s14, $0x3;
	s14 =	simm.s32 $0x3  }
.LBB2_15:
0x12: {  	[spmem:s1] =	stream.indirect.scatter.add.f32 [tilespmem:s20], [sflag:$0x2], $0x80, s29, s16, $0xb8;
	[tilespmem:$0x1E800] =	vst v63  }
0x13: {  	_ =	swait.ge [sflag:s22], $0x4000  }
0x14: {  	[sflag:s22] =	ssyncset.done $0x0  }
0x15: {  	[sflag:s22] =	ssyncadd.s32 $0xFFFFC000  }
0x16: {  	[bflag:$0x0] =	sbarrier.arrive $0xFFFF  }
0x17: {  	[hbm:s10], [sflag:s12] =	dma.local [spmem:s13], $0x2800  }
0x18: {  	_ =	swait.ge [sflag:s14], $0x2800  }
0x19: {  	[sflag:s14] =	ssyncset.done $0x0  }
0x1a: {  	[sflag:s14] =	ssyncadd.s32 $0xFFFFD800  }
.LBB2_16:
0x1b: {  	s25 =	sadd.s32 $0x1, s25  }
0x1c: {  	p1 =	sne.s32 s25, s11  }
.Ltmp1:
0x1d: {  	_ = 	snop;
	(pc) =	sbr.rel @!p1 .LBB2_17-.Ltmp1, $1  }
0x1e: {  	_ =	sdelay $0x3  }
.LBB2_1:
.Ltmp2:
0x1f: {  	(pc) =	sbr.rel @p0 .LBB2_14-.Ltmp2, $1  }
0x20: {  	_ =	sdelay $0x3  }
0x21: {  	[spmem:s13], [sflag:s12] =	dma.local [hbm:s5], $0x2800  }
0x22: {  	_ =	swait.ge [sflag:s14], $0x2800  }
0x23: {  	[sflag:s14] =	ssyncset.done $0x0  }
0x24: {  	[sflag:s14] =	ssyncadd.s32 $0xFFFFD800  }
0x25: {  	[bflag:$0x0] =	sbarrier.arrive $0xFFFF  }
0x26: {  	[tilespmem:s15], [sflag:$0x3] =	stream.linear.gather [hbm4b:s6+s3], $0x2800, $0x38;
	[tilespmem:$0x1E800] =	vst v63  }
0x27: {  	_ =	swait.ge [sflag:s14], $0x2800  }
0x28: {  	[sflag:s14] =	ssyncset.done $0x0  }
0x29: {  	[sflag:s14] =	ssyncadd.s32 $0xFFFFD800  }
0x2a: {  	[tilespmem:s17], [sflag:$0x1] =	stream.indirect.gather [hbm4b:s4+s16], $0x80, s15, s16, $0xb8;
	[tilespmem:$0x1E800] =	vst v63  }
0x2b: {  	_ =	swait.ge [sflag:s18], $0x4000  }
0x2c: {  	[sflag:s18] =	ssyncset.done $0x0  }
0x2d: {  	[sflag:s18] =	ssyncadd.s32 $0xFFFFC000  }
0x2e: {  	[tilespmem:s20], [sflag:$0x1] =	stream.indirect.gather [hbm4b:s4+s16], $0x80, s19, s16, $0xb8;
	[tilespmem:$0x1E800] =	vst v63  }
0x2f: {  	_ = 	snop  }
0x30: {  	[spmem:s1] =	stream.indirect.scatter.add.f32 [tilespmem:s17], [sflag:$0x2], $0x80, s21, s16, $0xb8;
	[tilespmem:$0x1E800] =	vst v63  }
0x31: {  	_ =	swait.ge [sflag:s18], $0x4000  }
0x32: {  	[sflag:s18] =	ssyncset.done $0x0  }
0x33: {  	[sflag:s18] =	ssyncadd.s32 $0xFFFFC000  }
0x34: {  	_ =	swait.ge [sflag:s22], $0x4000  }
0x35: {  	[sflag:s22] =	ssyncset.done $0x0  }
0x36: {  	[sflag:s22] =	ssyncadd.s32 $0xFFFFC000  }
0x37: {  	[tilespmem:s17], [sflag:$0x1] =	stream.indirect.gather [hbm4b:s4+s16], $0x80, s23, s16, $0xb8;
	[tilespmem:$0x1E800] =	vst v63  }
0x38: {  	s26 =	simm.s32 $0xFFFF7000  }
0x39: {  	[spmem:s1] =	stream.indirect.scatter.add.f32 [tilespmem:s20], [sflag:$0x2], $0x80, s24, s16, $0xb8;
	[tilespmem:$0x1E800] =	vst v63  }
.LBB2_3:
0x3a: {  	_ =	swait.ge [sflag:s18], $0x4000  }
0x3b: {  	[sflag:s18] =	ssyncset.done $0x0  }
0x3c: {  	[sflag:s18] =	ssyncadd.s32 $0xFFFFC000  }
0x3d: {  	_ =	swait.ge [sflag:s22], $0x4000  }
0x3e: {  	s28 =	sshra.s32 s26, $0x2;
	[sflag:s22] =	ssyncset.done $0x0  }
0x3f: {  	s29 =	sadd.s32 $0x16700, s28;
	[sflag:s22] =	ssyncadd.s32 $0xFFFFC000  }
0x40: {  	[tilespmem:s20], [sflag:$0x1] =	stream.indirect.gather [hbm4b:s4+s16], $0x80, s29, s16, $0xb8;
	[tilespmem:$0x1E800] =	vst v63  }
0x41: {  	s29 =	sadd.s32 $0x16680, s28  }
0x42: {  	[spmem:s1] =	stream.indirect.scatter.add.f32 [tilespmem:s17], [sflag:$0x2], $0x80, s29, s16, $0xb8;
	[tilespmem:$0x1E800] =	vst v63  }
0x43: {  	p1 =	seq.s32 s26, $0x0;
	_ =	swait.ge [sflag:s18], $0x4000  }
.Ltmp3:
0x44: {  	[sflag:s18] =	ssyncset.done $0x0;
	(pc) =	sbr.rel @p1 .LBB2_5-.Ltmp3, $4  }
0x45: {  	[sflag:s18] =	ssyncadd.s32 $0xFFFFC000  }
0x46: {  	_ =	swait.ge [sflag:s22], $0x4000  }
0x47: {  	[sflag:s22] =	ssyncset.done $0x0  }
0x48: {  	s29 =	sadd.s32 $0x16780, s28;
	[sflag:s22] =	ssyncadd.s32 $0xFFFFC000  }
.Ltmp4:
0x49: {  	(pc) =	sbr.rel .LBB2_3-.Ltmp4, $4  }
0x4a: {  	s28 =	sadd.s32 $0x16800, s28  }
0x4b: {  	[tilespmem:s17], [sflag:$0x1] =	stream.indirect.gather [hbm4b:s4+s16], $0x80, s28, s16, $0xb8;
	[tilespmem:$0x1E800] =	vst v63  }
0x4c: {  	s26 =	sadd.s32 $0x800, s26  }
0x4d: {  	[spmem:s1] =	stream.indirect.scatter.add.f32 [tilespmem:s20], [sflag:$0x2], $0x80, s29, s16, $0xb8;
	[tilespmem:$0x1E800] =	vst v63  }
.LBB2_14:
.Ltmp5:
0x4e: {  	(pc) =	sbr.rel .LBB2_16-.Ltmp5, $3  }
0x4f: {  	_ = 	snop  }
0x50: {  	[bflag:$0x0] =	sbarrier.arrive $0xFFFF  }
0x51: {  	[bflag:$0x0] =	sbarrier.arrive $0xFFFF;
	_ =	sdelay $0x1  }
.LBB2_5:
0x52: {  	[spmem:s1] =	stream.indirect.scatter.add.f32 [tilespmem:s20], [sflag:$0x2], $0x80, s29, s16, $0xb8;
	[tilespmem:$0x1E800] =	vst v63  }
0x53: {  	_ =	swait.ge [sflag:s22], $0x4000  }
0x54: {  	[sflag:s22] =	ssyncset.done $0x0  }
0x55: {  	[sflag:s22] =	ssyncadd.s32 $0xFFFFC000  }
0x56: {  	[tilespmem:s15], [sflag:$0x3] =	stream.linear.gather [hbm4b:s7+s3], $0x2800, $0x38;
	[tilespmem:$0x1E800] =	vst v63  }
0x57: {  	_ =	swait.ge [sflag:s14], $0x2800  }
0x58: {  	[sflag:s14] =	ssyncset.done $0x0  }
0x59: {  	[sflag:s14] =	ssyncadd.s32 $0xFFFFD800  }
0x5a: {  	[tilespmem:s17], [sflag:$0x1] =	stream.indirect.gather [hbm4b:s4+s16], $0x80, s15, s16, $0xb8;
	[tilespmem:$0x1E800] =	vst v63  }
0x5b: {  	_ =	swait.ge [sflag:s18], $0x4000  }
0x5c: {  	[sflag:s18] =	ssyncset.done $0x0  }
0x5d: {  	[sflag:s18] =	ssyncadd.s32 $0xFFFFC000  }
0x5e: {  	[tilespmem:s20], [sflag:$0x1] =	stream.indirect.gather [hbm4b:s4+s16], $0x80, s19, s16, $0xb8;
	[tilespmem:$0x1E800] =	vst v63  }
0x5f: {  	_ = 	snop  }
0x60: {  	[spmem:s1] =	stream.indirect.scatter.add.f32 [tilespmem:s17], [sflag:$0x2], $0x80, s21, s16, $0xb8;
	[tilespmem:$0x1E800] =	vst v63  }
0x61: {  	_ =	swait.ge [sflag:s18], $0x4000  }
0x62: {  	[sflag:s18] =	ssyncset.done $0x0  }
0x63: {  	[sflag:s18] =	ssyncadd.s32 $0xFFFFC000  }
0x64: {  	_ =	swait.ge [sflag:s22], $0x4000  }
0x65: {  	[sflag:s22] =	ssyncset.done $0x0  }
0x66: {  	[sflag:s22] =	ssyncadd.s32 $0xFFFFC000  }
0x67: {  	[tilespmem:s17], [sflag:$0x1] =	stream.indirect.gather [hbm4b:s4+s16], $0x80, s23, s16, $0xb8;
	[tilespmem:$0x1E800] =	vst v63  }
0x68: {  	s26 =	simm.s32 $0xFFFF7000  }
0x69: {  	[spmem:s1] =	stream.indirect.scatter.add.f32 [tilespmem:s20], [sflag:$0x2], $0x80, s24, s16, $0xb8;
	[tilespmem:$0x1E800] =	vst v63  }
.LBB2_6:
0x6a: {  	_ =	swait.ge [sflag:s18], $0x4000  }
0x6b: {  	[sflag:s18] =	ssyncset.done $0x0  }
0x6c: {  	[sflag:s18] =	ssyncadd.s32 $0xFFFFC000  }
0x6d: {  	_ =	swait.ge [sflag:s22], $0x4000  }
0x6e: {  	s28 =	sshra.s32 s26, $0x2;
	[sflag:s22] =	ssyncset.done $0x0  }
0x6f: {  	s29 =	sadd.s32 $0x16700, s28;
	[sflag:s22] =	ssyncadd.s32 $0xFFFFC000  }
0x70: {  	[tilespmem:s20], [sflag:$0x1] =	stream.indirect.gather [hbm4b:s4+s16], $0x80, s29, s16, $0xb8;
	[tilespmem:$0x1E800] =	vst v63  }
0x71: {  	s29 =	sadd.s32 $0x16680, s28  }
0x72: {  	[spmem:s1] =	stream.indirect.scatter.add.f32 [tilespmem:s17], [sflag:$0x2], $0x80, s29, s16, $0xb8;
	[tilespmem:$0x1E800] =	vst v63  }
0x73: {  	p1 =	seq.s32 s26, $0x0;
	_ =	swait.ge [sflag:s18], $0x4000  }
.Ltmp6:
0x74: {  	[sflag:s18] =	ssyncset.done $0x0;
	(pc) =	sbr.rel @p1 .LBB2_8-.Ltmp6, $4  }
0x75: {  	[sflag:s18] =	ssyncadd.s32 $0xFFFFC000  }
0x76: {  	_ =	swait.ge [sflag:s22], $0x4000  }
0x77: {  	[sflag:s22] =	ssyncset.done $0x0  }
0x78: {  	s29 =	sadd.s32 $0x16780, s28;
	[sflag:s22] =	ssyncadd.s32 $0xFFFFC000  }
.Ltmp7:
0x79: {  	(pc) =	sbr.rel .LBB2_6-.Ltmp7, $4  }
0x7a: {  	s28 =	sadd.s32 $0x16800, s28  }
0x7b: {  	[tilespmem:s17], [sflag:$0x1] =	stream.indirect.gather [hbm4b:s4+s16], $0x80, s28, s16, $0xb8;
	[tilespmem:$0x1E800] =	vst v63  }
0x7c: {  	s26 =	sadd.s32 $0x800, s26  }
0x7d: {  	[spmem:s1] =	stream.indirect.scatter.add.f32 [tilespmem:s20], [sflag:$0x2], $0x80, s29, s16, $0xb8;
	[tilespmem:$0x1E800] =	vst v63  }
.LBB2_8:
0x7e: {  	[spmem:s1] =	stream.indirect.scatter.add.f32 [tilespmem:s20], [sflag:$0x2], $0x80, s29, s16, $0xb8;
	[tilespmem:$0x1E800] =	vst v63  }
0x7f: {  	_ =	swait.ge [sflag:s22], $0x4000  }
0x80: {  	[sflag:s22] =	ssyncset.done $0x0  }
0x81: {  	[sflag:s22] =	ssyncadd.s32 $0xFFFFC000  }
0x82: {  	[tilespmem:s15], [sflag:$0x3] =	stream.linear.gather [hbm4b:s8+s3], $0x2800, $0x38;
	[tilespmem:$0x1E800] =	vst v63  }
0x83: {  	_ =	swait.ge [sflag:s14], $0x2800  }
0x84: {  	[sflag:s14] =	ssyncset.done $0x0  }
0x85: {  	[sflag:s14] =	ssyncadd.s32 $0xFFFFD800  }
0x86: {  	[tilespmem:s17], [sflag:$0x1] =	stream.indirect.gather [hbm4b:s4+s16], $0x80, s15, s16, $0xb8;
	[tilespmem:$0x1E800] =	vst v63  }
0x87: {  	_ =	swait.ge [sflag:s18], $0x4000  }
0x88: {  	[sflag:s18] =	ssyncset.done $0x0  }
0x89: {  	[sflag:s18] =	ssyncadd.s32 $0xFFFFC000  }
0x8a: {  	[tilespmem:s20], [sflag:$0x1] =	stream.indirect.gather [hbm4b:s4+s16], $0x80, s19, s16, $0xb8;
	[tilespmem:$0x1E800] =	vst v63  }
0x8b: {  	_ = 	snop  }
0x8c: {  	[spmem:s1] =	stream.indirect.scatter.add.f32 [tilespmem:s17], [sflag:$0x2], $0x80, s21, s16, $0xb8;
	[tilespmem:$0x1E800] =	vst v63  }
0x8d: {  	_ =	swait.ge [sflag:s18], $0x4000  }
0x8e: {  	[sflag:s18] =	ssyncset.done $0x0  }
0x8f: {  	[sflag:s18] =	ssyncadd.s32 $0xFFFFC000  }
0x90: {  	_ =	swait.ge [sflag:s22], $0x4000  }
0x91: {  	[sflag:s22] =	ssyncset.done $0x0  }
0x92: {  	[sflag:s22] =	ssyncadd.s32 $0xFFFFC000  }
0x93: {  	[tilespmem:s17], [sflag:$0x1] =	stream.indirect.gather [hbm4b:s4+s16], $0x80, s23, s16, $0xb8;
	[tilespmem:$0x1E800] =	vst v63  }
0x94: {  	s26 =	simm.s32 $0xFFFF7000  }
0x95: {  	[spmem:s1] =	stream.indirect.scatter.add.f32 [tilespmem:s20], [sflag:$0x2], $0x80, s24, s16, $0xb8;
	[tilespmem:$0x1E800] =	vst v63  }
.LBB2_9:
0x96: {  	_ =	swait.ge [sflag:s18], $0x4000  }
0x97: {  	[sflag:s18] =	ssyncset.done $0x0  }
0x98: {  	[sflag:s18] =	ssyncadd.s32 $0xFFFFC000  }
0x99: {  	_ =	swait.ge [sflag:s22], $0x4000  }
0x9a: {  	s28 =	sshra.s32 s26, $0x2;
	[sflag:s22] =	ssyncset.done $0x0  }
0x9b: {  	s29 =	sadd.s32 $0x16700, s28;
	[sflag:s22] =	ssyncadd.s32 $0xFFFFC000  }
0x9c: {  	[tilespmem:s20], [sflag:$0x1] =	stream.indirect.gather [hbm4b:s4+s16], $0x80, s29, s16, $0xb8;
	[tilespmem:$0x1E800] =	vst v63  }
0x9d: {  	s29 =	sadd.s32 $0x16680, s28  }
0x9e: {  	[spmem:s1] =	stream.indirect.scatter.add.f32 [tilespmem:s17], [sflag:$0x2], $0x80, s29, s16, $0xb8;
	[tilespmem:$0x1E800] =	vst v63  }
0x9f: {  	p1 =	seq.s32 s26, $0x0;
	_ =	swait.ge [sflag:s18], $0x4000  }
.Ltmp8:
0xa0: {  	[sflag:s18] =	ssyncset.done $0x0;
	(pc) =	sbr.rel @p1 .LBB2_11-.Ltmp8, $4  }
0xa1: {  	[sflag:s18] =	ssyncadd.s32 $0xFFFFC000  }
0xa2: {  	_ =	swait.ge [sflag:s22], $0x4000  }
0xa3: {  	[sflag:s22] =	ssyncset.done $0x0  }
0xa4: {  	s29 =	sadd.s32 $0x16780, s28;
	[sflag:s22] =	ssyncadd.s32 $0xFFFFC000  }
.Ltmp9:
0xa5: {  	(pc) =	sbr.rel .LBB2_9-.Ltmp9, $4  }
0xa6: {  	s28 =	sadd.s32 $0x16800, s28  }
0xa7: {  	[tilespmem:s17], [sflag:$0x1] =	stream.indirect.gather [hbm4b:s4+s16], $0x80, s28, s16, $0xb8;
	[tilespmem:$0x1E800] =	vst v63  }
0xa8: {  	s26 =	sadd.s32 $0x800, s26  }
0xa9: {  	[spmem:s1] =	stream.indirect.scatter.add.f32 [tilespmem:s20], [sflag:$0x2], $0x80, s29, s16, $0xb8;
	[tilespmem:$0x1E800] =	vst v63  }
.LBB2_11:
0xaa: {  	[spmem:s1] =	stream.indirect.scatter.add.f32 [tilespmem:s20], [sflag:$0x2], $0x80, s29, s16, $0xb8;
	[tilespmem:$0x1E800] =	vst v63  }
0xab: {  	_ =	swait.ge [sflag:s22], $0x4000  }
0xac: {  	[sflag:s22] =	ssyncset.done $0x0  }
0xad: {  	[sflag:s22] =	ssyncadd.s32 $0xFFFFC000  }
0xae: {  	[tilespmem:s15], [sflag:$0x3] =	stream.linear.gather [hbm4b:s9+s3], $0x2800, $0x38;
	[tilespmem:$0x1E800] =	vst v63  }
0xaf: {  	_ =	swait.ge [sflag:s14], $0x2800  }
0xb0: {  	[sflag:s14] =	ssyncset.done $0x0  }
0xb1: {  	[sflag:s14] =	ssyncadd.s32 $0xFFFFD800  }
0xb2: {  	[tilespmem:s17], [sflag:$0x1] =	stream.indirect.gather [hbm4b:s4+s16], $0x80, s15, s16, $0xb8;
	[tilespmem:$0x1E800] =	vst v63  }
0xb3: {  	_ =	swait.ge [sflag:s18], $0x4000  }
0xb4: {  	[sflag:s18] =	ssyncset.done $0x0  }
0xb5: {  	[sflag:s18] =	ssyncadd.s32 $0xFFFFC000  }
0xb6: {  	[tilespmem:s20], [sflag:$0x1] =	stream.indirect.gather [hbm4b:s4+s16], $0x80, s19, s16, $0xb8;
	[tilespmem:$0x1E800] =	vst v63  }
0xb7: {  	_ = 	snop  }
0xb8: {  	[spmem:s1] =	stream.indirect.scatter.add.f32 [tilespmem:s17], [sflag:$0x2], $0x80, s21, s16, $0xb8;
	[tilespmem:$0x1E800] =	vst v63  }
0xb9: {  	_ =	swait.ge [sflag:s18], $0x4000  }
0xba: {  	[sflag:s18] =	ssyncset.done $0x0  }
0xbb: {  	[sflag:s18] =	ssyncadd.s32 $0xFFFFC000  }
0xbc: {  	_ =	swait.ge [sflag:s22], $0x4000  }
0xbd: {  	[sflag:s22] =	ssyncset.done $0x0  }
0xbe: {  	[sflag:s22] =	ssyncadd.s32 $0xFFFFC000  }
0xbf: {  	[tilespmem:s17], [sflag:$0x1] =	stream.indirect.gather [hbm4b:s4+s16], $0x80, s23, s16, $0xb8;
	[tilespmem:$0x1E800] =	vst v63  }
0xc0: {  	s26 =	simm.s32 $0xFFFF7000  }
0xc1: {  	[spmem:s1] =	stream.indirect.scatter.add.f32 [tilespmem:s20], [sflag:$0x2], $0x80, s24, s16, $0xb8;
	[tilespmem:$0x1E800] =	vst v63  }
.LBB2_12:
0xc2: {  	_ =	swait.ge [sflag:s18], $0x4000  }
0xc3: {  	[sflag:s18] =	ssyncset.done $0x0  }
0xc4: {  	[sflag:s18] =	ssyncadd.s32 $0xFFFFC000  }
0xc5: {  	_ =	swait.ge [sflag:s22], $0x4000  }
0xc6: {  	s28 =	sshra.s32 s26, $0x2;
	[sflag:s22] =	ssyncset.done $0x0  }
0xc7: {  	s29 =	sadd.s32 $0x16700, s28;
	[sflag:s22] =	ssyncadd.s32 $0xFFFFC000  }
0xc8: {  	[tilespmem:s20], [sflag:$0x1] =	stream.indirect.gather [hbm4b:s4+s16], $0x80, s29, s16, $0xb8;
	[tilespmem:$0x1E800] =	vst v63  }
0xc9: {  	s29 =	sadd.s32 $0x16680, s28  }
0xca: {  	[spmem:s1] =	stream.indirect.scatter.add.f32 [tilespmem:s17], [sflag:$0x2], $0x80, s29, s16, $0xb8;
	[tilespmem:$0x1E800] =	vst v63  }
0xcb: {  	p1 =	seq.s32 s26, $0x0;
	_ =	swait.ge [sflag:s18], $0x4000  }
.Ltmp10:
0xcc: {  	[sflag:s18] =	ssyncset.done $0x0;
	(pc) =	sbr.rel @p1 .LBB2_15-.Ltmp10, $4  }
0xcd: {  	[sflag:s18] =	ssyncadd.s32 $0xFFFFC000  }
0xce: {  	_ =	swait.ge [sflag:s22], $0x4000  }
0xcf: {  	[sflag:s22] =	ssyncset.done $0x0  }
0xd0: {  	s29 =	sadd.s32 $0x16780, s28;
	[sflag:s22] =	ssyncadd.s32 $0xFFFFC000  }
.Ltmp11:
0xd1: {  	(pc) =	sbr.rel .LBB2_12-.Ltmp11, $4  }
0xd2: {  	s28 =	sadd.s32 $0x16800, s28  }
0xd3: {  	[tilespmem:s17], [sflag:$0x1] =	stream.indirect.gather [hbm4b:s4+s16], $0x80, s28, s16, $0xb8;
	[tilespmem:$0x1E800] =	vst v63  }
0xd4: {  	s26 =	sadd.s32 $0x800, s26  }
0xd5: {  	[spmem:s1] =	stream.indirect.scatter.add.f32 [tilespmem:s20], [sflag:$0x2], $0x80, s29, s16, $0xb8;
	[tilespmem:$0x1E800] =	vst v63  }
.LBB2_17:
0xd6: {  	_ =	sfence.sel $0x180000  }
0xd7: {  	[bflag:$0x0] =	sbarrier.arrive $0xFFFF  }
0xd8: {  	p0 =	sne.s32 s2, $0x0;
	_ =	strace $0x90000053  }
0xd9: {  	s0 =	sadd.s32 @!p0 $0x100000, s0;
	[bflag:$0x2] =	sbarrier.arrive $0xFFFF  }
0xda: {  	[sflag:s0] =	ssyncadd.tile.s32 @!p0 $0x1;
	_ =	shalt  }
.Lfunc_end2:
_tile_overlayer_lowered:
.L_overlay_start_2:
0xdb: {  	(tag) =	ssettag $0x2  }
0xdc: {  	s0 =	rddreg [dreg:$0x0];
	s2 =	stileid.u32  }
0xdd: {  	s1 =	rddreg [dreg:$0x1];
	p0 =	sne.s32 s2, $0x0  }
0xde: {  	s3 =	rddreg [dreg:$0x2];
	[bflag:$0x3] =	sbarrier.arrive $0xFFFF;
	s2 =	simm.s32 @!p0 $0x1C03  }
0xdf: {  	[timem:s3], [sflag:s2] =	dma.local @!p0 [hbm:s0], s1  }
0xe0: {  	s0 =	simm.s32 @!p0 $0x3  }
0xe1: {  	_ =	swait.ge @!p0 [sflag:s0], s1  }
0xe2: {  	s1 =	ssub.s32 @!p0 $0x0, s1;
	[sflag:s0] =	ssyncset.done @!p0 $0x0  }
0xe3: {  	[sflag:s0] =	ssyncadd.s32 @!p0 s1  }
0xe4: {  	[bflag:$0x3] =	sbarrier.arrive $0xFFFF  }
0xe5: {  	_ =	shalt  }

</sc_bundles>
